<compile_context>
chip_gen: v7x
topology: tpu7x:2x2x1
jax: 0.10.2.dev20260603
libtpu: 0.0.44.dev20260713+nightly
codegen_flags: <defaults>
</compile_context>

<pallas_src>
import jax
import jax.numpy as jnp
from jax import lax
from jax.experimental import pallas as pl
from jax.experimental.pallas import tpu as pltpu
from jax.experimental.pallas import tpu_sc as plsc

_B, _N, _M, _S, _C = 4, 8192, 1024, 32, 128
_COUT = 3 + _C
_MS = _M * _S
_H = _MS // 2
_R2 = 0.2 * 0.2

_i32 = jnp.int32
_f32 = jnp.float32


def _bf16r(v):
    y = lax.bitcast_convert_type(v, _i32)
    r = (y + 0x7FFF + ((y >> 16) & 1)) & _i32(-65536)
    return lax.bitcast_convert_type(r, _f32)


def _sum3_exact(a, b, c):
    hi = jnp.maximum(a, b)
    lo = jnp.minimum(a, b)
    s1 = hi + lo
    e1 = lo - (s1 - hi)
    hi2 = jnp.maximum(s1, c)
    lo2 = jnp.minimum(s1, c)
    s2 = hi2 + lo2
    e2 = lo2 - (s2 - hi2)
    return s2 + (e1 + e2)


_GDN = lax.GatherDimensionNumbers(offset_dims=(), collapsed_slice_dims=(0,),
                                  start_index_map=(0,))


def _bcast(v, k):
    idx = jnp.full((16, 1), k, dtype=_i32)
    return lax.gather(v, idx, _GDN, slice_sizes=(1,),
                      mode=lax.GatherScatterMode.PROMISE_IN_BOUNDS)


def _body(xyz_t_hbm, cent_hbm, feat_hbm, out_hbm,
          px, py, pz, npn, cent_v, nbr,
          stg_idx, stg_dx, stg_dy, stg_dz,
          idxs, tbl0, tbl1, ob0, ob1, shared_idx,
          sem_t0, sem_t1, sem_o0, sem_o1):
    c_idx = lax.axis_index("c")
    s_idx = lax.axis_index("s")
    lane = jnp.arange(16, dtype=_i32)

    for b_local in range(2):
        b = 2 * c_idx + b_local
        pltpu.sync_copy(xyz_t_hbm.at[pl.ds(3 * b * _N, _N)], px)
        pltpu.sync_copy(xyz_t_hbm.at[pl.ds((3 * b + 1) * _N, _N)], py)
        pltpu.sync_copy(xyz_t_hbm.at[pl.ds((3 * b + 2) * _N, _N)], pz)
        pltpu.sync_copy(cent_hbm.at[pl.ds(8 * _M * b + 512 * s_idx, 512)],
                        cent_v.at[pl.ds(0, 512)])

        @plsc.parallel_loop(0, _N // 16)
        def _norm_body(j):
            o = 16 * j
            xv = px[pl.ds(o, 16)]
            yv = py[pl.ds(o, 16)]
            zv = pz[pl.ds(o, 16)]
            npn[pl.ds(o, 16)] = (xv * xv + yv * yv) + zv * zv

        def _center_body(i, _):
            cv = cent_v[pl.ds(8 * i, 16)]
            cx_v = _bcast(cv, 0)
            cy_v = _bcast(cv, 1)
            cz_v = _bcast(cv, 2)
            nc_v = (cx_v * cx_v + cy_v * cy_v) + cz_v * cz_v
            cxb = _bf16r(cx_v)
            cyb = _bf16r(cy_v)
            czb = _bf16r(cz_v)

            def _d2mask(base):
                pxv = px[pl.ds(base, 16)]
                pyv = py[pl.ds(base, 16)]
                pzv = pz[pl.ds(base, 16)]
                npv = npn[pl.ds(base, 16)]
                dot = _sum3_exact(_bf16r(pxv) * cxb,
                                  _bf16r(pyv) * cyb,
                                  _bf16r(pzv) * czb)
                d2 = (nc_v + npv) - 2.0 * dot
                return d2 < _R2

            def _cond(carry):
                base, count = carry
                return (count < _S) & (base < _N)

            def _chunk(carry):
                base, count = carry
                m0 = _d2mask(base)
                m1 = _d2mask(base + 16)
                pop0 = plsc.all_reduce_population_count(m0)[0]
                plsc.store_compressed(nbr.at[pl.ds(count, 16)],
                                      lane + base, mask=m0)
                c1 = count + pop0
                plsc.store_compressed(nbr.at[pl.ds(c1, 16)],
                                      lane + (base + 16), mask=m1)
                pop1 = plsc.all_reduce_population_count(m1)[0]
                return base + 32, c1 + pop1

            _, count = lax.while_loop(_cond, _chunk, (_i32(0), _i32(0)))

            v0 = nbr[pl.ds(0, 16)]
            fi_v = jnp.where(count > 0, _bcast(v0, 0), 0)
            for g in range(2):
                cur = nbr[pl.ds(16 * g, 16)]
                ivec = jnp.where(lane + 16 * g < count, cur, fi_v)
                o = 32 * i + 16 * g
                stg_idx[pl.ds(o, 16)] = ivec
                stg_dx[pl.ds(o, 16)] = plsc.load_gather(px, [ivec]) - cx_v
                stg_dy[pl.ds(o, 16)] = plsc.load_gather(py, [ivec]) - cy_v
                stg_dz[pl.ds(o, 16)] = plsc.load_gather(pz, [ivec]) - cz_v
            return _
        lax.fori_loop(0, _M // 16, _center_body, 0)

        mo = 2048 * s_idx
        pltpu.sync_copy(stg_idx, shared_idx.at[pl.ds(_MS * b_local + mo, 2048)])
        ob = _COUT * _MS * b
        pltpu.sync_copy(stg_dx, out_hbm.at[pl.ds(ob + mo, 2048)])
        pltpu.sync_copy(stg_dy, out_hbm.at[pl.ds(ob + _MS + mo, 2048)])
        pltpu.sync_copy(stg_dz, out_hbm.at[pl.ds(ob + 2 * _MS + mo, 2048)])

    plsc.subcore_barrier()

    tbls = (tbl0, tbl1)
    obs = (ob0, ob1)
    sem_t = (sem_t0, sem_t1)
    sem_o = (sem_o0, sem_o1)
    out_pend = [None, None]

    for b_local in range(2):
        b = 2 * c_idx + b_local
        pltpu.sync_copy(shared_idx.at[pl.ds(_MS * b_local, _MS)], idxs)

        def _tbl_src(cl):
            ch = 8 * s_idx + cl
            return feat_hbm.at[pl.ds(_C * b + ch, 1)]

        tbl_pend = pltpu.async_copy(_tbl_src(0), tbls[0], sem_t[0])
        for cl in range(8):
            k = cl % 2
            tbl_pend.wait()
            if cl < 7:
                tbl_pend = pltpu.async_copy(_tbl_src(cl + 1),
                                            tbls[(cl + 1) % 2],
                                            sem_t[(cl + 1) % 2])
            tbl = tbls[k]
            ch = 8 * s_idx + cl
            plane_base = (_COUT * b + 3 + ch) * _MS
            for h in range(2):
                if out_pend[h] is not None:
                    out_pend[h].wait()
                obuf = obs[h]
                ho = _H * h

                zrow = jnp.zeros((16,), _i32)

                @plsc.parallel_loop(0, _H // 16, unroll=8)
                def _gbody(j):
                    o = 16 * j
                    iv = idxs[pl.ds(ho + o, 16)]
                    obuf[pl.ds(o, 16)] = plsc.load_gather(tbl, [zrow, iv])

                out_pend[h] = pltpu.async_copy(
                    obuf, out_hbm.at[pl.ds(plane_base + ho, _H)], sem_o[h])
    for h in range(2):
        out_pend[h].wait()


@jax.jit
def _qag_sc(xyz_t, cent, features):
    mesh = plsc.VectorSubcoreMesh(core_axis_name="c", subcore_axis_name="s")
    return pl.kernel(
        _body,
        out_type=jax.ShapeDtypeStruct((_B * _COUT * _MS,), _f32),
        mesh=mesh,
        compiler_params=pltpu.CompilerParams(needs_layout_passes=False),
        scratch_types=[
            pltpu.VMEM((_N,), _f32),
            pltpu.VMEM((_N,), _f32),
            pltpu.VMEM((_N,), _f32),
            pltpu.VMEM((_N,), _f32),
            pltpu.VMEM((528,), _f32),
            pltpu.VMEM((64,), _i32),
            pltpu.VMEM((2048,), _i32),
            pltpu.VMEM((2048,), _f32),
            pltpu.VMEM((2048,), _f32),
            pltpu.VMEM((2048,), _f32),
            pltpu.VMEM((_MS,), _i32),
            pltpu.VMEM((1, _N), _f32),
            pltpu.VMEM((1, _N), _f32),
            pltpu.VMEM((_H,), _f32),
            pltpu.VMEM((_H,), _f32),
            pltpu.VMEM_SHARED((2 * _MS,), _i32),
            pltpu.SemaphoreType.DMA,
            pltpu.SemaphoreType.DMA,
            pltpu.SemaphoreType.DMA,
            pltpu.SemaphoreType.DMA,
        ],
    )(xyz_t, cent, features)


def kernel(xyz, new_xyz, features):
    xyz_t = jnp.transpose(xyz, (0, 2, 1)).reshape(-1)
    cent = jnp.pad(new_xyz, ((0, 0), (0, 0), (0, 5)))
    cent = cent.reshape(-1)
    out = _qag_sc(xyz_t, cent, features.reshape(_B * _C, _N))
    return out.reshape(_B, _COUT, _M, _S)

# --- scband reference (transcript-rebuilt; emitter-appended) ---
"""Pipeline reference for scband-query-and-group-8461085573739 (READ-ONLY COPY).

The authoritative reference and input builder live on the scoring server;
editing this copy changes nothing except your own understanding.
"""

import jax, jax.numpy as jnp
import numpy as np

RADIUS = 0.2
NSAMPLE = 32
USE_XYZ = True


def setup_inputs(seed: int = 0) -> dict:
    key = jax.random.key(seed)
    k1, k2, k3 = jax.random.split(key, 3)
    xyz = jax.random.uniform(k1, (4, 8192, 3), dtype=jnp.float32)
    new_xyz = jax.random.uniform(k2, (4, 1024, 3), dtype=jnp.float32)
    features = jax.random.normal(k3, (4, 128, 8192), dtype=jnp.float32)
    return {"xyz": xyz, "new_xyz": new_xyz, "features": features}


def _ball_query(new_xyz, xyz, radius, nsample):
    # new_xyz: (B, npoint, 3), xyz: (B, N, 3) -> idx (B, npoint, nsample) int32
    N = xyz.shape[1]
    d2 = (jnp.sum(new_xyz * new_xyz, axis=-1, keepdims=True)
          + jnp.sum(xyz * xyz, axis=-1)[:, None, :]
          - 2.0 * jnp.einsum('bmd,bnd->bmn', new_xyz, xyz))
    mask = d2 < (radius * radius)
    cand = jnp.where(mask,
                     jnp.arange(N, dtype=jnp.int32)[None, None, :],
                     jnp.int32(N))
    # smallest `nsample` candidate indices == first nsample points inside the ball
    neg_vals, _ = jax.lax.top_k(-cand, nsample)
    sel = -neg_vals
    first = sel[..., :1]
    # pad empty slots with the first found index (PointNet++ CUDA semantics)
    sel = jnp.where(sel >= N, first, sel)
    # if the ball is completely empty, fall back to index 0
    sel = jnp.where(sel >= N, 0, sel)
    return sel.astype(jnp.int32)


def _group(features, idx):
    # features: (B, C, N), idx: (B, npoint, nsample) -> (B, C, npoint, nsample)
    return jax.vmap(lambda f, i: f[:, i])(features, idx)


def reference(xyz, new_xyz, features):
    idx = _ball_query(new_xyz, xyz, RADIUS, NSAMPLE)
    xyz_t = jnp.transpose(xyz, (0, 2, 1))
    grouped_xyz = _group(xyz_t, idx)
    grouped_xyz = grouped_xyz - jnp.transpose(new_xyz, (0, 2, 1))[..., None]
    grouped_features = _group(features, idx)
    if USE_XYZ:
        new_features = jnp.concatenate([grouped_xyz, grouped_features], axis=1)
    else:
        new_features = grouped_features
    return new_features

if __name__ == "__main__":
    import jax
    _d = setup_inputs()
    print(jax.jit(kernel)(*tuple(_d.values())))

</pallas_src>

<mosaic_0001>
#map = affine_map<(d0, d1) -> (0)>
#map1 = affine_map<(d0, d1) -> (0, 0)>
module attributes {stable_mosaic.version = 14 : i64} {
  func.func @_body(%arg0: i32, %arg1: i32, %arg2: memref<98304xf32, #tpu.memory_space<hbm>>, %arg3: memref<32768xf32, #tpu.memory_space<hbm>>, %arg4: memref<512x8192xf32, #tpu.memory_space<hbm>>, %arg5: memref<17170432xf32, #tpu.memory_space<hbm>>, %arg6: memref<8192xf32, #tpu.memory_space<vmem>>, %arg7: memref<8192xf32, #tpu.memory_space<vmem>>, %arg8: memref<8192xf32, #tpu.memory_space<vmem>>, %arg9: memref<8192xf32, #tpu.memory_space<vmem>>, %arg10: memref<528xf32, #tpu.memory_space<vmem>>, %arg11: memref<64xi32, #tpu.memory_space<vmem>>, %arg12: memref<2048xi32, #tpu.memory_space<vmem>>, %arg13: memref<2048xf32, #tpu.memory_space<vmem>>, %arg14: memref<2048xf32, #tpu.memory_space<vmem>>, %arg15: memref<2048xf32, #tpu.memory_space<vmem>>, %arg16: memref<32768xi32, #tpu.memory_space<vmem>>, %arg17: memref<1x8192xf32, #tpu.memory_space<vmem>>, %arg18: memref<1x8192xf32, #tpu.memory_space<vmem>>, %arg19: memref<16384xf32, #tpu.memory_space<vmem>>, %arg20: memref<16384xf32, #tpu.memory_space<vmem>>, %arg21: memref<65536xi32, #tpu.memory_space<vmem_shared>>, %arg22: memref<!tpu.dma_semaphore, #tpu.memory_space<semaphore_mem>>, %arg23: memref<!tpu.dma_semaphore, #tpu.memory_space<semaphore_mem>>, %arg24: memref<!tpu.dma_semaphore, #tpu.memory_space<semaphore_mem>>, %arg25: memref<!tpu.dma_semaphore, #tpu.memory_space<semaphore_mem>>) attributes {dimension_semantics = [#tpu.dimension_semantics<core_parallel>, #tpu.dimension_semantics<subcore_parallel>], iteration_bounds = array<i64: 2, 16>, scalar_prefetch = 0 : i64, scratch_operands = 20 : i64, tpu.core_type = #tpu.core_type<sc_vector_subcore>, window_params = [{transform_indices = #map}, {transform_indices = #map}, {transform_indices = #map1}, {transform_indices = #map}]} {
    %iota3A = tpu.iota {dimensions = array<i32: 0>} : vector<16xi32>
    %mul3A = arith.constant 2 : i32
    %mul3A_0 = arith.muli %mul3A, %arg0 : i32
    %add3A = arith.constant 0 : i32
    %add3A_1 = arith.addi %mul3A_0, %add3A : i32
    %mul3A_2 = arith.constant 3 : i32
    %mul3A_3 = arith.muli %mul3A_2, %add3A_1 : i32
    %mul3A_4 = arith.constant 8192 : i32
    %mul3A_5 = arith.muli %mul3A_3, %mul3A_4 : i32
    "tpu.region"() ({
      %run_scoped3A = tpu.sem_alloc : memref<!tpu.dma_semaphore, #tpu.memory_space<semaphore_mem>>
      %dma_start3A_865 = tpu.memref_slice %arg2[%mul3A_5] : memref<98304xf32, #tpu.memory_space<hbm>> -> memref<8192xf32, #tpu.memory_space<hbm>>
      %dma_start3A_866 = tpu.memref_slice %arg2[%mul3A_5] : memref<98304xf32, #tpu.memory_space<hbm>> -> memref<8192xf32, #tpu.memory_space<hbm>>
      tpu.enqueue_dma source(%dma_start3A_866 : memref<8192xf32, #tpu.memory_space<hbm>>) target(%arg6 : memref<8192xf32, #tpu.memory_space<vmem>>) target_semaphore(%run_scoped3A : memref<!tpu.dma_semaphore, #tpu.memory_space<semaphore_mem>>)
      %dma_wait3A_867 = tpu.memref_slice %arg2[%mul3A_5] : memref<98304xf32, #tpu.memory_space<hbm>> -> memref<8192xf32, #tpu.memory_space<hbm>>
      %dma_wait3A_868 = tpu.memref_slice %arg2[%mul3A_5] : memref<98304xf32, #tpu.memory_space<hbm>> -> memref<8192xf32, #tpu.memory_space<hbm>>
      tpu.wait_dma2 semaphore(%run_scoped3A : memref<!tpu.dma_semaphore, #tpu.memory_space<semaphore_mem>>) src(%dma_wait3A_868 : memref<8192xf32, #tpu.memory_space<hbm>>) dst(%arg6 : memref<8192xf32, #tpu.memory_space<vmem>>)
      tpu.yield
    }) : () -> ()
    %mul3A_6 = arith.constant 3 : i32
    %mul3A_7 = arith.muli %mul3A_6, %add3A_1 : i32
    %add3A_8 = arith.constant 1 : i32
    %add3A_9 = arith.addi %mul3A_7, %add3A_8 : i32
    %mul3A_10 = arith.constant 8192 : i32
    %mul3A_11 = arith.muli %add3A_9, %mul3A_10 : i32
    "tpu.region"() ({
      %run_scoped3A = tpu.sem_alloc : memref<!tpu.dma_semaphore, #tpu.memory_space<semaphore_mem>>
      %dma_start3A_865 = tpu.memref_slice %arg2[%mul3A_11] : memref<98304xf32, #tpu.memory_space<hbm>> -> memref<8192xf32, #tpu.memory_space<hbm>>
      %dma_start3A_866 = tpu.memref_slice %arg2[%mul3A_11] : memref<98304xf32, #tpu.memory_space<hbm>> -> memref<8192xf32, #tpu.memory_space<hbm>>
      tpu.enqueue_dma source(%dma_start3A_866 : memref<8192xf32, #tpu.memory_space<hbm>>) target(%arg7 : memref<8192xf32, #tpu.memory_space<vmem>>) target_semaphore(%run_scoped3A : memref<!tpu.dma_semaphore, #tpu.memory_space<semaphore_mem>>)
      %dma_wait3A_867 = tpu.memref_slice %arg2[%mul3A_11] : memref<98304xf32, #tpu.memory_space<hbm>> -> memref<8192xf32, #tpu.memory_space<hbm>>
      %dma_wait3A_868 = tpu.memref_slice %arg2[%mul3A_11] : memref<98304xf32, #tpu.memory_space<hbm>> -> memref<8192xf32, #tpu.memory_space<hbm>>
      tpu.wait_dma2 semaphore(%run_scoped3A : memref<!tpu.dma_semaphore, #tpu.memory_space<semaphore_mem>>) src(%dma_wait3A_868 : memref<8192xf32, #tpu.memory_space<hbm>>) dst(%arg7 : memref<8192xf32, #tpu.memory_space<vmem>>)
      tpu.yield
    }) : () -> ()
    %mul3A_12 = arith.constant 3 : i32
    %mul3A_13 = arith.muli %mul3A_12, %add3A_1 : i32
    %add3A_14 = arith.constant 2 : i32
    %add3A_15 = arith.addi %mul3A_13, %add3A_14 : i32
    %mul3A_16 = arith.constant 8192 : i32
    %mul3A_17 = arith.muli %add3A_15, %mul3A_16 : i32
    "tpu.region"() ({
      %run_scoped3A = tpu.sem_alloc : memref<!tpu.dma_semaphore, #tpu.memory_space<semaphore_mem>>
      %dma_start3A_865 = tpu.memref_slice %arg2[%mul3A_17] : memref<98304xf32, #tpu.memory_space<hbm>> -> memref<8192xf32, #tpu.memory_space<hbm>>
      %dma_start3A_866 = tpu.memref_slice %arg2[%mul3A_17] : memref<98304xf32, #tpu.memory_space<hbm>> -> memref<8192xf32, #tpu.memory_space<hbm>>
      tpu.enqueue_dma source(%dma_start3A_866 : memref<8192xf32, #tpu.memory_space<hbm>>) target(%arg8 : memref<8192xf32, #tpu.memory_space<vmem>>) target_semaphore(%run_scoped3A : memref<!tpu.dma_semaphore, #tpu.memory_space<semaphore_mem>>)
      %dma_wait3A_867 = tpu.memref_slice %arg2[%mul3A_17] : memref<98304xf32, #tpu.memory_space<hbm>> -> memref<8192xf32, #tpu.memory_space<hbm>>
      %dma_wait3A_868 = tpu.memref_slice %arg2[%mul3A_17] : memref<98304xf32, #tpu.memory_space<hbm>> -> memref<8192xf32, #tpu.memory_space<hbm>>
      tpu.wait_dma2 semaphore(%run_scoped3A : memref<!tpu.dma_semaphore, #tpu.memory_space<semaphore_mem>>) src(%dma_wait3A_868 : memref<8192xf32, #tpu.memory_space<hbm>>) dst(%arg8 : memref<8192xf32, #tpu.memory_space<vmem>>)
      tpu.yield
    }) : () -> ()
    %mul3A_18 = arith.constant 8192 : i32
    %mul3A_19 = arith.muli %mul3A_18, %add3A_1 : i32
    %mul3A_20 = arith.constant 512 : i32
    %mul3A_21 = arith.muli %mul3A_20, %arg1 : i32
    %add3A_22 = arith.addi %mul3A_19, %mul3A_21 : i32
    "tpu.region"() ({
      %run_scoped3A = tpu.sem_alloc : memref<!tpu.dma_semaphore, #tpu.memory_space<semaphore_mem>>
      %dma_start3A_865 = arith.constant 0 : i32
      %dma_start3A_866 = tpu.memref_slice %arg10[%dma_start3A_865] : memref<528xf32, #tpu.memory_space<vmem>> -> memref<512xf32, #tpu.memory_space<vmem>>
      %dma_start3A_867 = tpu.memref_slice %arg3[%add3A_22] : memref<32768xf32, #tpu.memory_space<hbm>> -> memref<512xf32, #tpu.memory_space<hbm>>
      %dma_start3A_868 = arith.constant 0 : i32
      %dma_start3A_869 = tpu.memref_slice %arg10[%dma_start3A_868] : memref<528xf32, #tpu.memory_space<vmem>> -> memref<512xf32, #tpu.memory_space<vmem>>
      %dma_start3A_870 = tpu.memref_slice %arg3[%add3A_22] : memref<32768xf32, #tpu.memory_space<hbm>> -> memref<512xf32, #tpu.memory_space<hbm>>
      tpu.enqueue_dma source(%dma_start3A_870 : memref<512xf32, #tpu.memory_space<hbm>>) target(%dma_start3A_869 : memref<512xf32, #tpu.memory_space<vmem>>) target_semaphore(%run_scoped3A : memref<!tpu.dma_semaphore, #tpu.memory_space<semaphore_mem>>)
      %dma_wait3A_871 = arith.constant 0 : i32
      %dma_wait3A_872 = tpu.memref_slice %arg10[%dma_wait3A_871] : memref<528xf32, #tpu.memory_space<vmem>> -> memref<512xf32, #tpu.memory_space<vmem>>
      %dma_wait3A_873 = tpu.memref_slice %arg3[%add3A_22] : memref<32768xf32, #tpu.memory_space<hbm>> -> memref<512xf32, #tpu.memory_space<hbm>>
      %dma_wait3A_874 = arith.constant 0 : i32
      %dma_wait3A_875 = tpu.memref_slice %arg10[%dma_wait3A_874] : memref<528xf32, #tpu.memory_space<vmem>> -> memref<512xf32, #tpu.memory_space<vmem>>
      %dma_wait3A_876 = tpu.memref_slice %arg3[%add3A_22] : memref<32768xf32, #tpu.memory_space<hbm>> -> memref<512xf32, #tpu.memory_space<hbm>>
      tpu.wait_dma2 semaphore(%run_scoped3A : memref<!tpu.dma_semaphore, #tpu.memory_space<semaphore_mem>>) src(%dma_wait3A_876 : memref<512xf32, #tpu.memory_space<hbm>>) dst(%dma_wait3A_875 : memref<512xf32, #tpu.memory_space<vmem>>)
      tpu.yield
    }) : () -> ()
    %parallel_loop3A = arith.constant 0 : i32
    %parallel_loop3A_23 = arith.constant 512 : i32
    %parallel_loop3A_24 = arith.constant 1 : i32
    scf.for %parallel_loop3A_865 = %parallel_loop3A to %parallel_loop3A_23 step %parallel_loop3A_24  : i32 {
      %parallel_loop3A_866 = arith.constant 16 : i32
      %parallel_loop3A_867 = arith.muli %parallel_loop3A_866, %parallel_loop3A_865 : i32
      %parallel_loop3A_868 = arith.index_cast %parallel_loop3A_867 : i32 to index
      %parallel_loop3A_869 = tpu.vector_load %arg6[%parallel_loop3A_868] {strides = array<i32>} : memref<8192xf32, #tpu.memory_space<vmem>>, vector<16xf32>,
      %parallel_loop3A_870 = arith.index_cast %parallel_loop3A_867 : i32 to index
      %parallel_loop3A_871 = tpu.vector_load %arg7[%parallel_loop3A_870] {strides = array<i32>} : memref<8192xf32, #tpu.memory_space<vmem>>, vector<16xf32>,
      %parallel_loop3A_872 = arith.index_cast %parallel_loop3A_867 : i32 to index
      %parallel_loop3A_873 = tpu.vector_load %arg8[%parallel_loop3A_872] {strides = array<i32>} : memref<8192xf32, #tpu.memory_space<vmem>>, vector<16xf32>,
      %parallel_loop3A_874 = arith.mulf %parallel_loop3A_869, %parallel_loop3A_869 : vector<16xf32>
      %parallel_loop3A_875 = arith.mulf %parallel_loop3A_871, %parallel_loop3A_871 : vector<16xf32>
      %parallel_loop3A_876 = arith.addf %parallel_loop3A_874, %parallel_loop3A_875 : vector<16xf32>
      %parallel_loop3A_877 = arith.mulf %parallel_loop3A_873, %parallel_loop3A_873 : vector<16xf32>
      %parallel_loop3A_878 = arith.addf %parallel_loop3A_876, %parallel_loop3A_877 : vector<16xf32>
      %parallel_loop3A_879 = arith.index_cast %parallel_loop3A_867 : i32 to index
      %parallel_loop3A_880 = tpu.vector_load %arg9[%parallel_loop3A_879] {strides = array<i32>} : memref<8192xf32, #tpu.memory_space<vmem>>, vector<16xf32>,
      tpu.vector_store %arg9[%parallel_loop3A_879], %parallel_loop3A_878 {strides = array<i32>} : memref<8192xf32, #tpu.memory_space<vmem>>, vector<16xf32>,
    } {sc.loop_unroll_factor = 1 : i64, sc.parallel_access}
    %scan3A = arith.constant 0 : i32
    %scan3A_25 = arith.constant 0 : i32
    %scan3A_26 = arith.constant 64 : i32
    %scan3A_27 = arith.addi %scan3A_25, %scan3A_26 : i32
    %scan3A_28 = arith.constant 1 : i32
    %scan3A_29 = scf.for %scan3A_865 = %scan3A_25 to %scan3A_27 step %scan3A_28 iter_args(%scan3A_866 = %scan3A) -> (i32)  : i32 {
      %mul3A_867 = arith.constant 8 : i32
      %mul3A_868 = arith.muli %mul3A_867, %scan3A_865 : i32
      %get3A = arith.index_cast %mul3A_868 : i32 to index
      %get3A_869 = tpu.vector_load %arg10[%get3A] {strides = array<i32>} : memref<528xf32, #tpu.memory_space<vmem>>, vector<16xf32>,
      %broadcast_in_dim3A_870 = arith.constant 0 : i32
      %broadcast_in_dim3A_871 = vector.broadcast %broadcast_in_dim3A_870 : i32 to vector<16x1xi32>
      %gather3A = vector.shape_cast %broadcast_in_dim3A_871 : vector<16x1xi32> to vector<16xi32>
      %gather3A_872 = tpu.dynamic_gather %get3A_869[%gather3A] in [0] : vector<16xf32>, vector<16xi32> -> vector<16xf32>
      %broadcast_in_dim3A_873 = arith.constant 1 : i32
      %broadcast_in_dim3A_874 = vector.broadcast %broadcast_in_dim3A_873 : i32 to vector<16x1xi32>
      %gather3A_875 = vector.shape_cast %broadcast_in_dim3A_874 : vector<16x1xi32> to vector<16xi32>
      %gather3A_876 = tpu.dynamic_gather %get3A_869[%gather3A_875] in [0] : vector<16xf32>, vector<16xi32> -> vector<16xf32>
      %broadcast_in_dim3A_877 = arith.constant 2 : i32
      %broadcast_in_dim3A_878 = vector.broadcast %broadcast_in_dim3A_877 : i32 to vector<16x1xi32>
      %gather3A_879 = vector.shape_cast %broadcast_in_dim3A_878 : vector<16x1xi32> to vector<16xi32>
      %gather3A_880 = tpu.dynamic_gather %get3A_869[%gather3A_879] in [0] : vector<16xf32>, vector<16xi32> -> vector<16xf32>
      %mul3A_881 = arith.mulf %gather3A_872, %gather3A_872 : vector<16xf32>
      %mul3A_882 = arith.mulf %gather3A_876, %gather3A_876 : vector<16xf32>
      %add3A_883 = arith.addf %mul3A_881, %mul3A_882 : vector<16xf32>
      %mul3A_884 = arith.mulf %gather3A_880, %gather3A_880 : vector<16xf32>
      %add3A_885 = arith.addf %add3A_883, %mul3A_884 : vector<16xf32>
      %bitcast_convert_type3A = tpu.bitcast %gather3A_872 : vector<16xf32> -> vector<16xi32>
      %add3A_886 = arith.constant 32767 : i32
      %add3A_887 = vector.broadcast %add3A_886 : i32 to vector<16xi32>
      %add3A_888 = arith.addi %bitcast_convert_type3A, %add3A_887 : vector<16xi32>
      %shift_right_arithmetic3A = arith.constant 16 : i32
      %shift_right_arithmetic3A_889 = vector.broadcast %shift_right_arithmetic3A : i32 to vector<16xi32>
      %shift_right_arithmetic3A_890 = arith.shrsi %bitcast_convert_type3A, %shift_right_arithmetic3A_889 : vector<16xi32>
      %and3A = arith.constant 1 : i32
      %and3A_891 = vector.broadcast %and3A : i32 to vector<16xi32>
      %and3A_892 = arith.andi %shift_right_arithmetic3A_890, %and3A_891 : vector<16xi32>
      %add3A_893 = arith.addi %add3A_888, %and3A_892 : vector<16xi32>
      %and3A_894 = arith.constant -65536 : i32
      %and3A_895 = vector.broadcast %and3A_894 : i32 to vector<16xi32>
      %and3A_896 = arith.andi %add3A_893, %and3A_895 : vector<16xi32>
      %bitcast_convert_type3A_897 = tpu.bitcast %and3A_896 : vector<16xi32> -> vector<16xf32>
      %bitcast_convert_type3A_898 = tpu.bitcast %gather3A_876 : vector<16xf32> -> vector<16xi32>
      %add3A_899 = arith.constant 32767 : i32
      %add3A_900 = vector.broadcast %add3A_899 : i32 to vector<16xi32>
      %add3A_901 = arith.addi %bitcast_convert_type3A_898, %add3A_900 : vector<16xi32>
      %shift_right_arithmetic3A_902 = arith.constant 16 : i32
      %shift_right_arithmetic3A_903 = vector.broadcast %shift_right_arithmetic3A_902 : i32 to vector<16xi32>
      %shift_right_arithmetic3A_904 = arith.shrsi %bitcast_convert_type3A_898, %shift_right_arithmetic3A_903 : vector<16xi32>
      %and3A_905 = arith.constant 1 : i32
      %and3A_906 = vector.broadcast %and3A_905 : i32 to vector<16xi32>
      %and3A_907 = arith.andi %shift_right_arithmetic3A_904, %and3A_906 : vector<16xi32>
      %add3A_908 = arith.addi %add3A_901, %and3A_907 : vector<16xi32>
      %and3A_909 = arith.constant -65536 : i32
      %and3A_910 = vector.broadcast %and3A_909 : i32 to vector<16xi32>
      %and3A_911 = arith.andi %add3A_908, %and3A_910 : vector<16xi32>
      %bitcast_convert_type3A_912 = tpu.bitcast %and3A_911 : vector<16xi32> -> vector<16xf32>
      %bitcast_convert_type3A_913 = tpu.bitcast %gather3A_880 : vector<16xf32> -> vector<16xi32>
      %add3A_914 = arith.constant 32767 : i32
      %add3A_915 = vector.broadcast %add3A_914 : i32 to vector<16xi32>
      %add3A_916 = arith.addi %bitcast_convert_type3A_913, %add3A_915 : vector<16xi32>
      %shift_right_arithmetic3A_917 = arith.constant 16 : i32
      %shift_right_arithmetic3A_918 = vector.broadcast %shift_right_arithmetic3A_917 : i32 to vector<16xi32>
      %shift_right_arithmetic3A_919 = arith.shrsi %bitcast_convert_type3A_913, %shift_right_arithmetic3A_918 : vector<16xi32>
      %and3A_920 = arith.constant 1 : i32
      %and3A_921 = vector.broadcast %and3A_920 : i32 to vector<16xi32>
      %and3A_922 = arith.andi %shift_right_arithmetic3A_919, %and3A_921 : vector<16xi32>
      %add3A_923 = arith.addi %add3A_916, %and3A_922 : vector<16xi32>
      %and3A_924 = arith.constant -65536 : i32
      %and3A_925 = vector.broadcast %and3A_924 : i32 to vector<16xi32>
      %and3A_926 = arith.andi %add3A_923, %and3A_925 : vector<16xi32>
      %bitcast_convert_type3A_927 = tpu.bitcast %and3A_926 : vector<16xi32> -> vector<16xf32>
      %while3A = arith.constant 0 : i32
      %while3A_928 = arith.constant 0 : i32
      %while3A_929:2 = scf.while (%while3A_987 = %while3A, %while3A_988 = %while3A_928) : (i32, i32) -> (i32, i32) {
        %lt3A_989 = arith.constant 32 : i32
        %lt3A_990 = arith.cmpi slt, %while3A_988, %lt3A_989 : i32
        %lt3A_991 = arith.constant 8192 : i32
        %lt3A_992 = arith.cmpi slt, %while3A_987, %lt3A_991 : i32
        %and3A_993 = arith.andi %lt3A_990, %lt3A_992 : i1
        scf.condition(%and3A_993) %while3A_987, %while3A_988 : i32, i32
      } do {
      ^bb0(%while3A_987: i32, %while3A_988: i32):
        %get3A_989 = arith.index_cast %while3A_987 : i32 to index
        %get3A_990 = tpu.vector_load %arg6[%get3A_989] {strides = array<i32>} : memref<8192xf32, #tpu.memory_space<vmem>>, vector<16xf32>,
        %get3A_991 = arith.index_cast %while3A_987 : i32 to index
        %get3A_992 = tpu.vector_load %arg7[%get3A_991] {strides = array<i32>} : memref<8192xf32, #tpu.memory_space<vmem>>, vector<16xf32>,
        %get3A_993 = arith.index_cast %while3A_987 : i32 to index
        %get3A_994 = tpu.vector_load %arg8[%get3A_993] {strides = array<i32>} : memref<8192xf32, #tpu.memory_space<vmem>>, vector<16xf32>,
        %get3A_995 = arith.index_cast %while3A_987 : i32 to index
        %get3A_996 = tpu.vector_load %arg9[%get3A_995] {strides = array<i32>} : memref<8192xf32, #tpu.memory_space<vmem>>, vector<16xf32>,
        %bitcast_convert_type3A_997 = tpu.bitcast %get3A_990 : vector<16xf32> -> vector<16xi32>
        %add3A_998 = arith.constant 32767 : i32
        %add3A_999 = vector.broadcast %add3A_998 : i32 to vector<16xi32>
        %add3A_1000 = arith.addi %bitcast_convert_type3A_997, %add3A_999 : vector<16xi32>
        %shift_right_arithmetic3A_1001 = arith.constant 16 : i32
        %shift_right_arithmetic3A_1002 = vector.broadcast %shift_right_arithmetic3A_1001 : i32 to vector<16xi32>
        %shift_right_arithmetic3A_1003 = arith.shrsi %bitcast_convert_type3A_997, %shift_right_arithmetic3A_1002 : vector<16xi32>
        %and3A_1004 = arith.constant 1 : i32
        %and3A_1005 = vector.broadcast %and3A_1004 : i32 to vector<16xi32>
        %and3A_1006 = arith.andi %shift_right_arithmetic3A_1003, %and3A_1005 : vector<16xi32>
        %add3A_1007 = arith.addi %add3A_1000, %and3A_1006 : vector<16xi32>
        %and3A_1008 = arith.constant -65536 : i32
        %and3A_1009 = vector.broadcast %and3A_1008 : i32 to vector<16xi32>
        %and3A_1010 = arith.andi %add3A_1007, %and3A_1009 : vector<16xi32>
        %bitcast_convert_type3A_1011 = tpu.bitcast %and3A_1010 : vector<16xi32> -> vector<16xf32>
        %mul3A_1012 = arith.mulf %bitcast_convert_type3A_1011, %bitcast_convert_type3A_897 : vector<16xf32>
        %bitcast_convert_type3A_1013 = tpu.bitcast %get3A_992 : vector<16xf32> -> vector<16xi32>
        %add3A_1014 = arith.constant 32767 : i32
        %add3A_1015 = vector.broadcast %add3A_1014 : i32 to vector<16xi32>
        %add3A_1016 = arith.addi %bitcast_convert_type3A_1013, %add3A_1015 : vector<16xi32>
        %shift_right_arithmetic3A_1017 = arith.constant 16 : i32
        %shift_right_arithmetic3A_1018 = vector.broadcast %shift_right_arithmetic3A_1017 : i32 to vector<16xi32>
        %shift_right_arithmetic3A_1019 = arith.shrsi %bitcast_convert_type3A_1013, %shift_right_arithmetic3A_1018 : vector<16xi32>
        %and3A_1020 = arith.constant 1 : i32
        %and3A_1021 = vector.broadcast %and3A_1020 : i32 to vector<16xi32>
        %and3A_1022 = arith.andi %shift_right_arithmetic3A_1019, %and3A_1021 : vector<16xi32>
        %add3A_1023 = arith.addi %add3A_1016, %and3A_1022 : vector<16xi32>
        %and3A_1024 = arith.constant -65536 : i32
        %and3A_1025 = vector.broadcast %and3A_1024 : i32 to vector<16xi32>
        %and3A_1026 = arith.andi %add3A_1023, %and3A_1025 : vector<16xi32>
        %bitcast_convert_type3A_1027 = tpu.bitcast %and3A_1026 : vector<16xi32> -> vector<16xf32>
        %mul3A_1028 = arith.mulf %bitcast_convert_type3A_1027, %bitcast_convert_type3A_912 : vector<16xf32>
        %bitcast_convert_type3A_1029 = tpu.bitcast %get3A_994 : vector<16xf32> -> vector<16xi32>
        %add3A_1030 = arith.constant 32767 : i32
        %add3A_1031 = vector.broadcast %add3A_1030 : i32 to vector<16xi32>
        %add3A_1032 = arith.addi %bitcast_convert_type3A_1029, %add3A_1031 : vector<16xi32>
        %shift_right_arithmetic3A_1033 = arith.constant 16 : i32
        %shift_right_arithmetic3A_1034 = vector.broadcast %shift_right_arithmetic3A_1033 : i32 to vector<16xi32>
        %shift_right_arithmetic3A_1035 = arith.shrsi %bitcast_convert_type3A_1029, %shift_right_arithmetic3A_1034 : vector<16xi32>
        %and3A_1036 = arith.constant 1 : i32
        %and3A_1037 = vector.broadcast %and3A_1036 : i32 to vector<16xi32>
        %and3A_1038 = arith.andi %shift_right_arithmetic3A_1035, %and3A_1037 : vector<16xi32>
        %add3A_1039 = arith.addi %add3A_1032, %and3A_1038 : vector<16xi32>
        %and3A_1040 = arith.constant -65536 : i32
        %and3A_1041 = vector.broadcast %and3A_1040 : i32 to vector<16xi32>
        %and3A_1042 = arith.andi %add3A_1039, %and3A_1041 : vector<16xi32>
        %bitcast_convert_type3A_1043 = tpu.bitcast %and3A_1042 : vector<16xi32> -> vector<16xf32>
        %mul3A_1044 = arith.mulf %bitcast_convert_type3A_1043, %bitcast_convert_type3A_927 : vector<16xf32>
        %max3A = arith.maximumf %mul3A_1012, %mul3A_1028 : vector<16xf32>
        %min3A = arith.minimumf %mul3A_1012, %mul3A_1028 : vector<16xf32>
        %add3A_1045 = arith.addf %max3A, %min3A : vector<16xf32>
        %sub3A_1046 = arith.subf %add3A_1045, %max3A : vector<16xf32>
        %sub3A_1047 = arith.subf %min3A, %sub3A_1046 : vector<16xf32>
        %max3A_1048 = arith.maximumf %add3A_1045, %mul3A_1044 : vector<16xf32>
        %min3A_1049 = arith.minimumf %add3A_1045, %mul3A_1044 : vector<16xf32>
        %add3A_1050 = arith.addf %max3A_1048, %min3A_1049 : vector<16xf32>
        %sub3A_1051 = arith.subf %add3A_1050, %max3A_1048 : vector<16xf32>
        %sub3A_1052 = arith.subf %min3A_1049, %sub3A_1051 : vector<16xf32>
        %add3A_1053 = arith.addf %sub3A_1047, %sub3A_1052 : vector<16xf32>
        %add3A_1054 = arith.addf %add3A_1050, %add3A_1053 : vector<16xf32>
        %add3A_1055 = arith.addf %add3A_885, %get3A_996 : vector<16xf32>
        %mul3A_1056 = arith.constant 2.000000e+00 : f32
        %mul3A_1057 = vector.broadcast %mul3A_1056 : f32 to vector<16xf32>
        %mul3A_1058 = arith.mulf %mul3A_1057, %add3A_1054 : vector<16xf32>
        %sub3A_1059 = arith.subf %add3A_1055, %mul3A_1058 : vector<16xf32>
        %lt3A_1060 = arith.constant 4.000000e-02 : f32
        %lt3A_1061 = vector.broadcast %lt3A_1060 : f32 to vector<16xf32>
        %lt3A_1062 = arith.cmpf olt, %sub3A_1059, %lt3A_1061 : vector<16xf32>
        %add3A_1063 = arith.constant 16 : i32
        %add3A_1064 = arith.addi %while3A_987, %add3A_1063 : i32
        %get3A_1065 = arith.index_cast %add3A_1064 : i32 to index
        %get3A_1066 = tpu.vector_load %arg6[%get3A_1065] {strides = array<i32>} : memref<8192xf32, #tpu.memory_space<vmem>>, vector<16xf32>,
        %get3A_1067 = arith.index_cast %add3A_1064 : i32 to index
        %get3A_1068 = tpu.vector_load %arg7[%get3A_1067] {strides = array<i32>} : memref<8192xf32, #tpu.memory_space<vmem>>, vector<16xf32>,
        %get3A_1069 = arith.index_cast %add3A_1064 : i32 to index
        %get3A_1070 = tpu.vector_load %arg8[%get3A_1069] {strides = array<i32>} : memref<8192xf32, #tpu.memory_space<vmem>>, vector<16xf32>,
        %get3A_1071 = arith.index_cast %add3A_1064 : i32 to index
        %get3A_1072 = tpu.vector_load %arg9[%get3A_1071] {strides = array<i32>} : memref<8192xf32, #tpu.memory_space<vmem>>, vector<16xf32>,
        %bitcast_convert_type3A_1073 = tpu.bitcast %get3A_1066 : vector<16xf32> -> vector<16xi32>
        %add3A_1074 = arith.constant 32767 : i32
        %add3A_1075 = vector.broadcast %add3A_1074 : i32 to vector<16xi32>
        %add3A_1076 = arith.addi %bitcast_convert_type3A_1073, %add3A_1075 : vector<16xi32>
        %shift_right_arithmetic3A_1077 = arith.constant 16 : i32
        %shift_right_arithmetic3A_1078 = vector.broadcast %shift_right_arithmetic3A_1077 : i32 to vector<16xi32>
        %shift_right_arithmetic3A_1079 = arith.shrsi %bitcast_convert_type3A_1073, %shift_right_arithmetic3A_1078 : vector<16xi32>
        %and3A_1080 = arith.constant 1 : i32
        %and3A_1081 = vector.broadcast %and3A_1080 : i32 to vector<16xi32>
        %and3A_1082 = arith.andi %shift_right_arithmetic3A_1079, %and3A_1081 : vector<16xi32>
        %add3A_1083 = arith.addi %add3A_1076, %and3A_1082 : vector<16xi32>
        %and3A_1084 = arith.constant -65536 : i32
        %and3A_1085 = vector.broadcast %and3A_1084 : i32 to vector<16xi32>
        %and3A_1086 = arith.andi %add3A_1083, %and3A_1085 : vector<16xi32>
        %bitcast_convert_type3A_1087 = tpu.bitcast %and3A_1086 : vector<16xi32> -> vector<16xf32>
        %mul3A_1088 = arith.mulf %bitcast_convert_type3A_1087, %bitcast_convert_type3A_897 : vector<16xf32>
        %bitcast_convert_type3A_1089 = tpu.bitcast %get3A_1068 : vector<16xf32> -> vector<16xi32>
        %add3A_1090 = arith.constant 32767 : i32
        %add3A_1091 = vector.broadcast %add3A_1090 : i32 to vector<16xi32>
        %add3A_1092 = arith.addi %bitcast_convert_type3A_1089, %add3A_1091 : vector<16xi32>
        %shift_right_arithmetic3A_1093 = arith.constant 16 : i32
        %shift_right_arithmetic3A_1094 = vector.broadcast %shift_right_arithmetic3A_1093 : i32 to vector<16xi32>
        %shift_right_arithmetic3A_1095 = arith.shrsi %bitcast_convert_type3A_1089, %shift_right_arithmetic3A_1094 : vector<16xi32>
        %and3A_1096 = arith.constant 1 : i32
        %and3A_1097 = vector.broadcast %and3A_1096 : i32 to vector<16xi32>
        %and3A_1098 = arith.andi %shift_right_arithmetic3A_1095, %and3A_1097 : vector<16xi32>
        %add3A_1099 = arith.addi %add3A_1092, %and3A_1098 : vector<16xi32>
        %and3A_1100 = arith.constant -65536 : i32
        %and3A_1101 = vector.broadcast %and3A_1100 : i32 to vector<16xi32>
        %and3A_1102 = arith.andi %add3A_1099, %and3A_1101 : vector<16xi32>
        %bitcast_convert_type3A_1103 = tpu.bitcast %and3A_1102 : vector<16xi32> -> vector<16xf32>
        %mul3A_1104 = arith.mulf %bitcast_convert_type3A_1103, %bitcast_convert_type3A_912 : vector<16xf32>
        %bitcast_convert_type3A_1105 = tpu.bitcast %get3A_1070 : vector<16xf32> -> vector<16xi32>
        %add3A_1106 = arith.constant 32767 : i32
        %add3A_1107 = vector.broadcast %add3A_1106 : i32 to vector<16xi32>
        %add3A_1108 = arith.addi %bitcast_convert_type3A_1105, %add3A_1107 : vector<16xi32>
        %shift_right_arithmetic3A_1109 = arith.constant 16 : i32
        %shift_right_arithmetic3A_1110 = vector.broadcast %shift_right_arithmetic3A_1109 : i32 to vector<16xi32>
        %shift_right_arithmetic3A_1111 = arith.shrsi %bitcast_convert_type3A_1105, %shift_right_arithmetic3A_1110 : vector<16xi32>
        %and3A_1112 = arith.constant 1 : i32
        %and3A_1113 = vector.broadcast %and3A_1112 : i32 to vector<16xi32>
        %and3A_1114 = arith.andi %shift_right_arithmetic3A_1111, %and3A_1113 : vector<16xi32>
        %add3A_1115 = arith.addi %add3A_1108, %and3A_1114 : vector<16xi32>
        %and3A_1116 = arith.constant -65536 : i32
        %and3A_1117 = vector.broadcast %and3A_1116 : i32 to vector<16xi32>
        %and3A_1118 = arith.andi %add3A_1115, %and3A_1117 : vector<16xi32>
        %bitcast_convert_type3A_1119 = tpu.bitcast %and3A_1118 : vector<16xi32> -> vector<16xf32>
        %mul3A_1120 = arith.mulf %bitcast_convert_type3A_1119, %bitcast_convert_type3A_927 : vector<16xf32>
        %max3A_1121 = arith.maximumf %mul3A_1088, %mul3A_1104 : vector<16xf32>
        %min3A_1122 = arith.minimumf %mul3A_1088, %mul3A_1104 : vector<16xf32>
        %add3A_1123 = arith.addf %max3A_1121, %min3A_1122 : vector<16xf32>
        %sub3A_1124 = arith.subf %add3A_1123, %max3A_1121 : vector<16xf32>
        %sub3A_1125 = arith.subf %min3A_1122, %sub3A_1124 : vector<16xf32>
        %max3A_1126 = arith.maximumf %add3A_1123, %mul3A_1120 : vector<16xf32>
        %min3A_1127 = arith.minimumf %add3A_1123, %mul3A_1120 : vector<16xf32>
        %add3A_1128 = arith.addf %max3A_1126, %min3A_1127 : vector<16xf32>
        %sub3A_1129 = arith.subf %add3A_1128, %max3A_1126 : vector<16xf32>
        %sub3A_1130 = arith.subf %min3A_1127, %sub3A_1129 : vector<16xf32>
        %add3A_1131 = arith.addf %sub3A_1125, %sub3A_1130 : vector<16xf32>
        %add3A_1132 = arith.addf %add3A_1128, %add3A_1131 : vector<16xf32>
        %add3A_1133 = arith.addf %add3A_885, %get3A_1072 : vector<16xf32>
        %mul3A_1134 = arith.constant 2.000000e+00 : f32
        %mul3A_1135 = vector.broadcast %mul3A_1134 : f32 to vector<16xf32>
        %mul3A_1136 = arith.mulf %mul3A_1135, %add3A_1132 : vector<16xf32>
        %sub3A_1137 = arith.subf %add3A_1133, %mul3A_1136 : vector<16xf32>
        %lt3A_1138 = arith.constant 4.000000e-02 : f32
        %lt3A_1139 = vector.broadcast %lt3A_1138 : f32 to vector<16xf32>
        %lt3A_1140 = arith.cmpf olt, %sub3A_1137, %lt3A_1139 : vector<16xf32>
        %all_reduce_population_count3A = tpu.all_reduce %lt3A_1062 {dim = 0 : i64, kind = #tpu.reduction_kind<sum>} : vector<16xi1> -> vector<16xi32>
        %slice3A = vector.extract_strided_slice %all_reduce_population_count3A {offsets = [0], sizes = [1], strides = [1]} : vector<16xi32> to vector<1xi32>
        %squeeze3A = vector.extract %slice3A[0] : i32 from vector<1xi32>
        %add3A_1141 = vector.broadcast %while3A_987 : i32 to vector<16xi32>
        %add3A_1142 = arith.addi %iota3A, %add3A_1141 : vector<16xi32>
        %swap3A_1143 = arith.index_cast %while3A_988 : i32 to index
        %swap3A_1144 = tpu.vector_load %arg11[%swap3A_1143] masked %lt3A_1062 {strides = array<i32>} : memref<64xi32, #tpu.memory_space<vmem>>, vector<16xi32>, vector<16xi1>
        tpu.vector_store %arg11[%swap3A_1143], %add3A_1142 masked %lt3A_1062 {strides = array<i32>} : memref<64xi32, #tpu.memory_space<vmem>>, vector<16xi32>, vector<16xi1>
        %add3A_1145 = arith.addi %while3A_988, %squeeze3A : i32
        %add3A_1146 = arith.constant 16 : i32
        %add3A_1147 = arith.addi %while3A_987, %add3A_1146 : i32
        %add3A_1148 = vector.broadcast %add3A_1147 : i32 to vector<16xi32>
        %add3A_1149 = arith.addi %iota3A, %add3A_1148 : vector<16xi32>
        %swap3A_1150 = arith.index_cast %add3A_1145 : i32 to index
        %swap3A_1151 = tpu.vector_load %arg11[%swap3A_1150] masked %lt3A_1140 {strides = array<i32>} : memref<64xi32, #tpu.memory_space<vmem>>, vector<16xi32>, vector<16xi1>
        tpu.vector_store %arg11[%swap3A_1150], %add3A_1149 masked %lt3A_1140 {strides = array<i32>} : memref<64xi32, #tpu.memory_space<vmem>>, vector<16xi32>, vector<16xi1>
        %all_reduce_population_count3A_1152 = tpu.all_reduce %lt3A_1140 {dim = 0 : i64, kind = #tpu.reduction_kind<sum>} : vector<16xi1> -> vector<16xi32>
        %slice3A_1153 = vector.extract_strided_slice %all_reduce_population_count3A_1152 {offsets = [0], sizes = [1], strides = [1]} : vector<16xi32> to vector<1xi32>
        %squeeze3A_1154 = vector.extract %slice3A_1153[0] : i32 from vector<1xi32>
        %add3A_1155 = arith.constant 32 : i32
        %add3A_1156 = arith.addi %while3A_987, %add3A_1155 : i32
        %add3A_1157 = arith.addi %add3A_1145, %squeeze3A_1154 : i32
        scf.yield %add3A_1156, %add3A_1157 : i32, i32
      }
      %get3A_930 = arith.constant 0 : index
      %get3A_931 = tpu.vector_load %arg11[%get3A_930] {strides = array<i32>} : memref<64xi32, #tpu.memory_space<vmem>>, vector<16xi32>,
      %gt3A = arith.constant 0 : i32
      %gt3A_932 = arith.cmpi sgt, %while3A_929#1, %gt3A : i32
      %broadcast_in_dim3A_933 = arith.constant 0 : i32
      %broadcast_in_dim3A_934 = vector.broadcast %broadcast_in_dim3A_933 : i32 to vector<16x1xi32>
      %gather3A_935 = vector.shape_cast %broadcast_in_dim3A_934 : vector<16x1xi32> to vector<16xi32>
      %gather3A_936 = tpu.dynamic_gather %get3A_931[%gather3A_935] in [0] : vector<16xi32>, vector<16xi32> -> vector<16xi32>
      %jit3A = arith.constant 0 : i32
      %broadcast_in_dim3A_937 = vector.broadcast %jit3A : i32 to vector<16xi32>
      %select_n3A = arith.select %gt3A_932, %gather3A_936, %broadcast_in_dim3A_937 : vector<16xi32>
      %get3A_938 = arith.constant 0 : index
      %get3A_939 = tpu.vector_load %arg11[%get3A_938] {strides = array<i32>} : memref<64xi32, #tpu.memory_space<vmem>>, vector<16xi32>,
      %add3A_940 = arith.constant 0 : i32
      %add3A_941 = vector.broadcast %add3A_940 : i32 to vector<16xi32>
      %add3A_942 = arith.addi %iota3A, %add3A_941 : vector<16xi32>
      %lt3A = vector.broadcast %while3A_929#1 : i32 to vector<16xi32>
      %lt3A_943 = arith.cmpi slt, %add3A_942, %lt3A : vector<16xi32>
      %select_n3A_944 = arith.select %lt3A_943, %get3A_939, %select_n3A : vector<16xi1>, vector<16xi32>
      %mul3A_945 = arith.constant 32 : i32
      %mul3A_946 = arith.muli %mul3A_945, %scan3A_865 : i32
      %add3A_947 = arith.constant 0 : i32
      %add3A_948 = arith.addi %mul3A_946, %add3A_947 : i32
      %swap3A = arith.index_cast %add3A_948 : i32 to index
      %swap3A_949 = tpu.vector_load %arg12[%swap3A] {strides = array<i32>} : memref<2048xi32, #tpu.memory_space<vmem>>, vector<16xi32>,
      tpu.vector_store %arg12[%swap3A], %select_n3A_944 {strides = array<i32>} : memref<2048xi32, #tpu.memory_space<vmem>>, vector<16xi32>,
      %gather3A_950 = tpu.vector_load_idx %arg6[%select_n3A_944] : memref<8192xf32, #tpu.memory_space<vmem>>[vector<16xi32>], vector<16xf32>,
      %sub3A = arith.subf %gather3A_950, %gather3A_872 : vector<16xf32>
      %swap3A_951 = arith.index_cast %add3A_948 : i32 to index
      %swap3A_952 = tpu.vector_load %arg13[%swap3A_951] {strides = array<i32>} : memref<2048xf32, #tpu.memory_space<vmem>>, vector<16xf32>,
      tpu.vector_store %arg13[%swap3A_951], %sub3A {strides = array<i32>} : memref<2048xf32, #tpu.memory_space<vmem>>, vector<16xf32>,
      %gather3A_953 = tpu.vector_load_idx %arg7[%select_n3A_944] : memref<8192xf32, #tpu.memory_space<vmem>>[vector<16xi32>], vector<16xf32>,
      %sub3A_954 = arith.subf %gather3A_953, %gather3A_876 : vector<16xf32>
      %swap3A_955 = arith.index_cast %add3A_948 : i32 to index
      %swap3A_956 = tpu.vector_load %arg14[%swap3A_955] {strides = array<i32>} : memref<2048xf32, #tpu.memory_space<vmem>>, vector<16xf32>,
      tpu.vector_store %arg14[%swap3A_955], %sub3A_954 {strides = array<i32>} : memref<2048xf32, #tpu.memory_space<vmem>>, vector<16xf32>,
      %gather3A_957 = tpu.vector_load_idx %arg8[%select_n3A_944] : memref<8192xf32, #tpu.memory_space<vmem>>[vector<16xi32>], vector<16xf32>,
      %sub3A_958 = arith.subf %gather3A_957, %gather3A_880 : vector<16xf32>
      %swap3A_959 = arith.index_cast %add3A_948 : i32 to index
      %swap3A_960 = tpu.vector_load %arg15[%swap3A_959] {strides = array<i32>} : memref<2048xf32, #tpu.memory_space<vmem>>, vector<16xf32>,
      tpu.vector_store %arg15[%swap3A_959], %sub3A_958 {strides = array<i32>} : memref<2048xf32, #tpu.memory_space<vmem>>, vector<16xf32>,
      %get3A_961 = arith.constant 16 : index
      %get3A_962 = tpu.vector_load %arg11[%get3A_961] {strides = array<i32>} : memref<64xi32, #tpu.memory_space<vmem>>, vector<16xi32>,
      %add3A_963 = arith.constant 16 : i32
      %add3A_964 = vector.broadcast %add3A_963 : i32 to vector<16xi32>
      %add3A_965 = arith.addi %iota3A, %add3A_964 : vector<16xi32>
      %lt3A_966 = vector.broadcast %while3A_929#1 : i32 to vector<16xi32>
      %lt3A_967 = arith.cmpi slt, %add3A_965, %lt3A_966 : vector<16xi32>
      %select_n3A_968 = arith.select %lt3A_967, %get3A_962, %select_n3A : vector<16xi1>, vector<16xi32>
      %mul3A_969 = arith.constant 32 : i32
      %mul3A_970 = arith.muli %mul3A_969, %scan3A_865 : i32
      %add3A_971 = arith.constant 16 : i32
      %add3A_972 = arith.addi %mul3A_970, %add3A_971 : i32
      %swap3A_973 = arith.index_cast %add3A_972 : i32 to index
      %swap3A_974 = tpu.vector_load %arg12[%swap3A_973] {strides = array<i32>} : memref<2048xi32, #tpu.memory_space<vmem>>, vector<16xi32>,
      tpu.vector_store %arg12[%swap3A_973], %select_n3A_968 {strides = array<i32>} : memref<2048xi32, #tpu.memory_space<vmem>>, vector<16xi32>,
      %gather3A_975 = tpu.vector_load_idx %arg6[%select_n3A_968] : memref<8192xf32, #tpu.memory_space<vmem>>[vector<16xi32>], vector<16xf32>,
      %sub3A_976 = arith.subf %gather3A_975, %gather3A_872 : vector<16xf32>
      %swap3A_977 = arith.index_cast %add3A_972 : i32 to index
      %swap3A_978 = tpu.vector_load %arg13[%swap3A_977] {strides = array<i32>} : memref<2048xf32, #tpu.memory_space<vmem>>, vector<16xf32>,
      tpu.vector_store %arg13[%swap3A_977], %sub3A_976 {strides = array<i32>} : memref<2048xf32, #tpu.memory_space<vmem>>, vector<16xf32>,
      %gather3A_979 = tpu.vector_load_idx %arg7[%select_n3A_968] : memref<8192xf32, #tpu.memory_space<vmem>>[vector<16xi32>], vector<16xf32>,
      %sub3A_980 = arith.subf %gather3A_979, %gather3A_876 : vector<16xf32>
      %swap3A_981 = arith.index_cast %add3A_972 : i32 to index
      %swap3A_982 = tpu.vector_load %arg14[%swap3A_981] {strides = array<i32>} : memref<2048xf32, #tpu.memory_space<vmem>>, vector<16xf32>,
      tpu.vector_store %arg14[%swap3A_981], %sub3A_980 {strides = array<i32>} : memref<2048xf32, #tpu.memory_space<vmem>>, vector<16xf32>,
      %gather3A_983 = tpu.vector_load_idx %arg8[%select_n3A_968] : memref<8192xf32, #tpu.memory_space<vmem>>[vector<16xi32>], vector<16xf32>,
      %sub3A_984 = arith.subf %gather3A_983, %gather3A_880 : vector<16xf32>
      %swap3A_985 = arith.index_cast %add3A_972 : i32 to index
      %swap3A_986 = tpu.vector_load %arg15[%swap3A_985] {strides = array<i32>} : memref<2048xf32, #tpu.memory_space<vmem>>, vector<16xf32>,
      tpu.vector_store %arg15[%swap3A_985], %sub3A_984 {strides = array<i32>} : memref<2048xf32, #tpu.memory_space<vmem>>, vector<16xf32>,
      scf.yield %while3A_929#0 : i32
    }
    %scan3A_30 = arith.constant 64 : i32
    %mul3A_31 = arith.constant 2048 : i32
    %mul3A_32 = arith.muli %mul3A_31, %arg1 : i32
    %add3A_33 = arith.constant 0 : i32
    %add3A_34 = arith.addi %add3A_33, %mul3A_32 : i32
    "tpu.region"() ({
      %run_scoped3A = tpu.sem_alloc : memref<!tpu.dma_semaphore, #tpu.memory_space<semaphore_mem>>
      %dma_start3A_865 = tpu.memref_slice %arg21[%add3A_34] : memref<65536xi32, #tpu.memory_space<vmem_shared>> -> memref<2048xi32, #tpu.memory_space<vmem_shared>>
      %dma_start3A_866 = tpu.memref_slice %arg21[%add3A_34] : memref<65536xi32, #tpu.memory_space<vmem_shared>> -> memref<2048xi32, #tpu.memory_space<vmem_shared>>
      tpu.enqueue_dma source(%arg12 : memref<2048xi32, #tpu.memory_space<vmem>>) target(%dma_start3A_866 : memref<2048xi32, #tpu.memory_space<vmem_shared>>) target_semaphore(%run_scoped3A : memref<!tpu.dma_semaphore, #tpu.memory_space<semaphore_mem>>)
      %dma_wait3A_867 = tpu.memref_slice %arg21[%add3A_34] : memref<65536xi32, #tpu.memory_space<vmem_shared>> -> memref<2048xi32, #tpu.memory_space<vmem_shared>>
      %dma_wait3A_868 = tpu.memref_slice %arg21[%add3A_34] : memref<65536xi32, #tpu.memory_space<vmem_shared>> -> memref<2048xi32, #tpu.memory_space<vmem_shared>>
      tpu.wait_dma2 semaphore(%run_scoped3A : memref<!tpu.dma_semaphore, #tpu.memory_space<semaphore_mem>>) src(%arg12 : memref<2048xi32, #tpu.memory_space<vmem>>) dst(%dma_wait3A_868 : memref<2048xi32, #tpu.memory_space<vmem_shared>>)
      tpu.yield
    }) : () -> ()
    %mul3A_35 = arith.constant 4292608 : i32
    %mul3A_36 = arith.muli %mul3A_35, %add3A_1 : i32
    %add3A_37 = arith.addi %mul3A_36, %mul3A_32 : i32
    "tpu.region"() ({
      %run_scoped3A = tpu.sem_alloc : memref<!tpu.dma_semaphore, #tpu.memory_space<semaphore_mem>>
      %dma_start3A_865 = tpu.memref_slice %arg5[%add3A_37] : memref<17170432xf32, #tpu.memory_space<hbm>> -> memref<2048xf32, #tpu.memory_space<hbm>>
      %dma_start3A_866 = tpu.memref_slice %arg5[%add3A_37] : memref<17170432xf32, #tpu.memory_space<hbm>> -> memref<2048xf32, #tpu.memory_space<hbm>>
      tpu.enqueue_dma source(%arg13 : memref<2048xf32, #tpu.memory_space<vmem>>) target(%dma_start3A_866 : memref<2048xf32, #tpu.memory_space<hbm>>) target_semaphore(%run_scoped3A : memref<!tpu.dma_semaphore, #tpu.memory_space<semaphore_mem>>)
      %dma_wait3A_867 = tpu.memref_slice %arg5[%add3A_37] : memref<17170432xf32, #tpu.memory_space<hbm>> -> memref<2048xf32, #tpu.memory_space<hbm>>
      %dma_wait3A_868 = tpu.memref_slice %arg5[%add3A_37] : memref<17170432xf32, #tpu.memory_space<hbm>> -> memref<2048xf32, #tpu.memory_space<hbm>>
      tpu.wait_dma2 semaphore(%run_scoped3A : memref<!tpu.dma_semaphore, #tpu.memory_space<semaphore_mem>>) src(%arg13 : memref<2048xf32, #tpu.memory_space<vmem>>) dst(%dma_wait3A_868 : memref<2048xf32, #tpu.memory_space<hbm>>)
      tpu.yield
    }) : () -> ()
    %add3A_38 = arith.constant 32768 : i32
    %add3A_39 = arith.addi %mul3A_36, %add3A_38 : i32
    %add3A_40 = arith.addi %add3A_39, %mul3A_32 : i32
    "tpu.region"() ({
      %run_scoped3A = tpu.sem_alloc : memref<!tpu.dma_semaphore, #tpu.memory_space<semaphore_mem>>
      %dma_start3A_865 = tpu.memref_slice %arg5[%add3A_40] : memref<17170432xf32, #tpu.memory_space<hbm>> -> memref<2048xf32, #tpu.memory_space<hbm>>
      %dma_start3A_866 = tpu.memref_slice %arg5[%add3A_40] : memref<17170432xf32, #tpu.memory_space<hbm>> -> memref<2048xf32, #tpu.memory_space<hbm>>
      tpu.enqueue_dma source(%arg14 : memref<2048xf32, #tpu.memory_space<vmem>>) target(%dma_start3A_866 : memref<2048xf32, #tpu.memory_space<hbm>>) target_semaphore(%run_scoped3A : memref<!tpu.dma_semaphore, #tpu.memory_space<semaphore_mem>>)
      %dma_wait3A_867 = tpu.memref_slice %arg5[%add3A_40] : memref<17170432xf32, #tpu.memory_space<hbm>> -> memref<2048xf32, #tpu.memory_space<hbm>>
      %dma_wait3A_868 = tpu.memref_slice %arg5[%add3A_40] : memref<17170432xf32, #tpu.memory_space<hbm>> -> memref<2048xf32, #tpu.memory_space<hbm>>
      tpu.wait_dma2 semaphore(%run_scoped3A : memref<!tpu.dma_semaphore, #tpu.memory_space<semaphore_mem>>) src(%arg14 : memref<2048xf32, #tpu.memory_space<vmem>>) dst(%dma_wait3A_868 : memref<2048xf32, #tpu.memory_space<hbm>>)
      tpu.yield
    }) : () -> ()
    %add3A_41 = arith.constant 65536 : i32
    %add3A_42 = arith.addi %mul3A_36, %add3A_41 : i32
    %add3A_43 = arith.addi %add3A_42, %mul3A_32 : i32
    "tpu.region"() ({
      %run_scoped3A = tpu.sem_alloc : memref<!tpu.dma_semaphore, #tpu.memory_space<semaphore_mem>>
      %dma_start3A_865 = tpu.memref_slice %arg5[%add3A_43] : memref<17170432xf32, #tpu.memory_space<hbm>> -> memref<2048xf32, #tpu.memory_space<hbm>>
      %dma_start3A_866 = tpu.memref_slice %arg5[%add3A_43] : memref<17170432xf32, #tpu.memory_space<hbm>> -> memref<2048xf32, #tpu.memory_space<hbm>>
      tpu.enqueue_dma source(%arg15 : memref<2048xf32, #tpu.memory_space<vmem>>) target(%dma_start3A_866 : memref<2048xf32, #tpu.memory_space<hbm>>) target_semaphore(%run_scoped3A : memref<!tpu.dma_semaphore, #tpu.memory_space<semaphore_mem>>)
      %dma_wait3A_867 = tpu.memref_slice %arg5[%add3A_43] : memref<17170432xf32, #tpu.memory_space<hbm>> -> memref<2048xf32, #tpu.memory_space<hbm>>
      %dma_wait3A_868 = tpu.memref_slice %arg5[%add3A_43] : memref<17170432xf32, #tpu.memory_space<hbm>> -> memref<2048xf32, #tpu.memory_space<hbm>>
      tpu.wait_dma2 semaphore(%run_scoped3A : memref<!tpu.dma_semaphore, #tpu.memory_space<semaphore_mem>>) src(%arg15 : memref<2048xf32, #tpu.memory_space<vmem>>) dst(%dma_wait3A_868 : memref<2048xf32, #tpu.memory_space<hbm>>)
      tpu.yield
    }) : () -> ()
    %mul3A_44 = arith.constant 2 : i32
    %mul3A_45 = arith.muli %mul3A_44, %arg0 : i32
    %add3A_46 = arith.constant 1 : i32
    %add3A_47 = arith.addi %mul3A_45, %add3A_46 : i32
    %mul3A_48 = arith.constant 3 : i32
    %mul3A_49 = arith.muli %mul3A_48, %add3A_47 : i32
    %mul3A_50 = arith.constant 8192 : i32
    %mul3A_51 = arith.muli %mul3A_49, %mul3A_50 : i32
    "tpu.region"() ({
      %run_scoped3A = tpu.sem_alloc : memref<!tpu.dma_semaphore, #tpu.memory_space<semaphore_mem>>
      %dma_start3A_865 = tpu.memref_slice %arg2[%mul3A_51] : memref<98304xf32, #tpu.memory_space<hbm>> -> memref<8192xf32, #tpu.memory_space<hbm>>
      %dma_start3A_866 = tpu.memref_slice %arg2[%mul3A_51] : memref<98304xf32, #tpu.memory_space<hbm>> -> memref<8192xf32, #tpu.memory_space<hbm>>
      tpu.enqueue_dma source(%dma_start3A_866 : memref<8192xf32, #tpu.memory_space<hbm>>) target(%arg6 : memref<8192xf32, #tpu.memory_space<vmem>>) target_semaphore(%run_scoped3A : memref<!tpu.dma_semaphore, #tpu.memory_space<semaphore_mem>>)
      %dma_wait3A_867 = tpu.memref_slice %arg2[%mul3A_51] : memref<98304xf32, #tpu.memory_space<hbm>> -> memref<8192xf32, #tpu.memory_space<hbm>>
      %dma_wait3A_868 = tpu.memref_slice %arg2[%mul3A_51] : memref<98304xf32, #tpu.memory_space<hbm>> -> memref<8192xf32, #tpu.memory_space<hbm>>
      tpu.wait_dma2 semaphore(%run_scoped3A : memref<!tpu.dma_semaphore, #tpu.memory_space<semaphore_mem>>) src(%dma_wait3A_868 : memref<8192xf32, #tpu.memory_space<hbm>>) dst(%arg6 : memref<8192xf32, #tpu.memory_space<vmem>>)
      tpu.yield
    }) : () -> ()
    %mul3A_52 = arith.constant 3 : i32
    %mul3A_53 = arith.muli %mul3A_52, %add3A_47 : i32
    %add3A_54 = arith.constant 1 : i32
    %add3A_55 = arith.addi %mul3A_53, %add3A_54 : i32
    %mul3A_56 = arith.constant 8192 : i32
    %mul3A_57 = arith.muli %add3A_55, %mul3A_56 : i32
    "tpu.region"() ({
      %run_scoped3A = tpu.sem_alloc : memref<!tpu.dma_semaphore, #tpu.memory_space<semaphore_mem>>
      %dma_start3A_865 = tpu.memref_slice %arg2[%mul3A_57] : memref<98304xf32, #tpu.memory_space<hbm>> -> memref<8192xf32, #tpu.memory_space<hbm>>
      %dma_start3A_866 = tpu.memref_slice %arg2[%mul3A_57] : memref<98304xf32, #tpu.memory_space<hbm>> -> memref<8192xf32, #tpu.memory_space<hbm>>
      tpu.enqueue_dma source(%dma_start3A_866 : memref<8192xf32, #tpu.memory_space<hbm>>) target(%arg7 : memref<8192xf32, #tpu.memory_space<vmem>>) target_semaphore(%run_scoped3A : memref<!tpu.dma_semaphore, #tpu.memory_space<semaphore_mem>>)
      %dma_wait3A_867 = tpu.memref_slice %arg2[%mul3A_57] : memref<98304xf32, #tpu.memory_space<hbm>> -> memref<8192xf32, #tpu.memory_space<hbm>>
      %dma_wait3A_868 = tpu.memref_slice %arg2[%mul3A_57] : memref<98304xf32, #tpu.memory_space<hbm>> -> memref<8192xf32, #tpu.memory_space<hbm>>
      tpu.wait_dma2 semaphore(%run_scoped3A : memref<!tpu.dma_semaphore, #tpu.memory_space<semaphore_mem>>) src(%dma_wait3A_868 : memref<8192xf32, #tpu.memory_space<hbm>>) dst(%arg7 : memref<8192xf32, #tpu.memory_space<vmem>>)
      tpu.yield
    }) : () -> ()
    %mul3A_58 = arith.constant 3 : i32
    %mul3A_59 = arith.muli %mul3A_58, %add3A_47 : i32
    %add3A_60 = arith.constant 2 : i32
    %add3A_61 = arith.addi %mul3A_59, %add3A_60 : i32
    %mul3A_62 = arith.constant 8192 : i32
    %mul3A_63 = arith.muli %add3A_61, %mul3A_62 : i32
    "tpu.region"() ({
      %run_scoped3A = tpu.sem_alloc : memref<!tpu.dma_semaphore, #tpu.memory_space<semaphore_mem>>
      %dma_start3A_865 = tpu.memref_slice %arg2[%mul3A_63] : memref<98304xf32, #tpu.memory_space<hbm>> -> memref<8192xf32, #tpu.memory_space<hbm>>
      %dma_start3A_866 = tpu.memref_slice %arg2[%mul3A_63] : memref<98304xf32, #tpu.memory_space<hbm>> -> memref<8192xf32, #tpu.memory_space<hbm>>
      tpu.enqueue_dma source(%dma_start3A_866 : memref<8192xf32, #tpu.memory_space<hbm>>) target(%arg8 : memref<8192xf32, #tpu.memory_space<vmem>>) target_semaphore(%run_scoped3A : memref<!tpu.dma_semaphore, #tpu.memory_space<semaphore_mem>>)
      %dma_wait3A_867 = tpu.memref_slice %arg2[%mul3A_63] : memref<98304xf32, #tpu.memory_space<hbm>> -> memref<8192xf32, #tpu.memory_space<hbm>>
      %dma_wait3A_868 = tpu.memref_slice %arg2[%mul3A_63] : memref<98304xf32, #tpu.memory_space<hbm>> -> memref<8192xf32, #tpu.memory_space<hbm>>
      tpu.wait_dma2 semaphore(%run_scoped3A : memref<!tpu.dma_semaphore, #tpu.memory_space<semaphore_mem>>) src(%dma_wait3A_868 : memref<8192xf32, #tpu.memory_space<hbm>>) dst(%arg8 : memref<8192xf32, #tpu.memory_space<vmem>>)
      tpu.yield
    }) : () -> ()
    %mul3A_64 = arith.constant 8192 : i32
    %mul3A_65 = arith.muli %mul3A_64, %add3A_47 : i32
    %mul3A_66 = arith.constant 512 : i32
    %mul3A_67 = arith.muli %mul3A_66, %arg1 : i32
    %add3A_68 = arith.addi %mul3A_65, %mul3A_67 : i32
    "tpu.region"() ({
      %run_scoped3A = tpu.sem_alloc : memref<!tpu.dma_semaphore, #tpu.memory_space<semaphore_mem>>
      %dma_start3A_865 = arith.constant 0 : i32
      %dma_start3A_866 = tpu.memref_slice %arg10[%dma_start3A_865] : memref<528xf32, #tpu.memory_space<vmem>> -> memref<512xf32, #tpu.memory_space<vmem>>
      %dma_start3A_867 = tpu.memref_slice %arg3[%add3A_68] : memref<32768xf32, #tpu.memory_space<hbm>> -> memref<512xf32, #tpu.memory_space<hbm>>
      %dma_start3A_868 = arith.constant 0 : i32
      %dma_start3A_869 = tpu.memref_slice %arg10[%dma_start3A_868] : memref<528xf32, #tpu.memory_space<vmem>> -> memref<512xf32, #tpu.memory_space<vmem>>
      %dma_start3A_870 = tpu.memref_slice %arg3[%add3A_68] : memref<32768xf32, #tpu.memory_space<hbm>> -> memref<512xf32, #tpu.memory_space<hbm>>
      tpu.enqueue_dma source(%dma_start3A_870 : memref<512xf32, #tpu.memory_space<hbm>>) target(%dma_start3A_869 : memref<512xf32, #tpu.memory_space<vmem>>) target_semaphore(%run_scoped3A : memref<!tpu.dma_semaphore, #tpu.memory_space<semaphore_mem>>)
      %dma_wait3A_871 = arith.constant 0 : i32
      %dma_wait3A_872 = tpu.memref_slice %arg10[%dma_wait3A_871] : memref<528xf32, #tpu.memory_space<vmem>> -> memref<512xf32, #tpu.memory_space<vmem>>
      %dma_wait3A_873 = tpu.memref_slice %arg3[%add3A_68] : memref<32768xf32, #tpu.memory_space<hbm>> -> memref<512xf32, #tpu.memory_space<hbm>>
      %dma_wait3A_874 = arith.constant 0 : i32
      %dma_wait3A_875 = tpu.memref_slice %arg10[%dma_wait3A_874] : memref<528xf32, #tpu.memory_space<vmem>> -> memref<512xf32, #tpu.memory_space<vmem>>
      %dma_wait3A_876 = tpu.memref_slice %arg3[%add3A_68] : memref<32768xf32, #tpu.memory_space<hbm>> -> memref<512xf32, #tpu.memory_space<hbm>>
      tpu.wait_dma2 semaphore(%run_scoped3A : memref<!tpu.dma_semaphore, #tpu.memory_space<semaphore_mem>>) src(%dma_wait3A_876 : memref<512xf32, #tpu.memory_space<hbm>>) dst(%dma_wait3A_875 : memref<512xf32, #tpu.memory_space<vmem>>)
      tpu.yield
    }) : () -> ()
    %parallel_loop3A_69 = arith.constant 0 : i32
    %parallel_loop3A_70 = arith.constant 512 : i32
    %parallel_loop3A_71 = arith.constant 1 : i32
    scf.for %parallel_loop3A_865 = %parallel_loop3A_69 to %parallel_loop3A_70 step %parallel_loop3A_71  : i32 {
      %parallel_loop3A_866 = arith.constant 16 : i32
      %parallel_loop3A_867 = arith.muli %parallel_loop3A_866, %parallel_loop3A_865 : i32
      %parallel_loop3A_868 = arith.index_cast %parallel_loop3A_867 : i32 to index
      %parallel_loop3A_869 = tpu.vector_load %arg6[%parallel_loop3A_868] {strides = array<i32>} : memref<8192xf32, #tpu.memory_space<vmem>>, vector<16xf32>,
      %parallel_loop3A_870 = arith.index_cast %parallel_loop3A_867 : i32 to index
      %parallel_loop3A_871 = tpu.vector_load %arg7[%parallel_loop3A_870] {strides = array<i32>} : memref<8192xf32, #tpu.memory_space<vmem>>, vector<16xf32>,
      %parallel_loop3A_872 = arith.index_cast %parallel_loop3A_867 : i32 to index
      %parallel_loop3A_873 = tpu.vector_load %arg8[%parallel_loop3A_872] {strides = array<i32>} : memref<8192xf32, #tpu.memory_space<vmem>>, vector<16xf32>,
      %parallel_loop3A_874 = arith.mulf %parallel_loop3A_869, %parallel_loop3A_869 : vector<16xf32>
      %parallel_loop3A_875 = arith.mulf %parallel_loop3A_871, %parallel_loop3A_871 : vector<16xf32>
      %parallel_loop3A_876 = arith.addf %parallel_loop3A_874, %parallel_loop3A_875 : vector<16xf32>
      %parallel_loop3A_877 = arith.mulf %parallel_loop3A_873, %parallel_loop3A_873 : vector<16xf32>
      %parallel_loop3A_878 = arith.addf %parallel_loop3A_876, %parallel_loop3A_877 : vector<16xf32>
      %parallel_loop3A_879 = arith.index_cast %parallel_loop3A_867 : i32 to index
      %parallel_loop3A_880 = tpu.vector_load %arg9[%parallel_loop3A_879] {strides = array<i32>} : memref<8192xf32, #tpu.memory_space<vmem>>, vector<16xf32>,
      tpu.vector_store %arg9[%parallel_loop3A_879], %parallel_loop3A_878 {strides = array<i32>} : memref<8192xf32, #tpu.memory_space<vmem>>, vector<16xf32>,
    } {sc.loop_unroll_factor = 1 : i64, sc.parallel_access}
    %scan3A_72 = arith.constant 0 : i32
    %scan3A_73 = arith.constant 0 : i32
    %scan3A_74 = arith.constant 64 : i32
    %scan3A_75 = arith.addi %scan3A_73, %scan3A_74 : i32
    %scan3A_76 = arith.constant 1 : i32
    %scan3A_77 = scf.for %scan3A_865 = %scan3A_73 to %scan3A_75 step %scan3A_76 iter_args(%scan3A_866 = %scan3A_72) -> (i32)  : i32 {
      %mul3A_867 = arith.constant 8 : i32
      %mul3A_868 = arith.muli %mul3A_867, %scan3A_865 : i32
      %get3A = arith.index_cast %mul3A_868 : i32 to index
      %get3A_869 = tpu.vector_load %arg10[%get3A] {strides = array<i32>} : memref<528xf32, #tpu.memory_space<vmem>>, vector<16xf32>,
      %broadcast_in_dim3A_870 = arith.constant 0 : i32
      %broadcast_in_dim3A_871 = vector.broadcast %broadcast_in_dim3A_870 : i32 to vector<16x1xi32>
      %gather3A = vector.shape_cast %broadcast_in_dim3A_871 : vector<16x1xi32> to vector<16xi32>
      %gather3A_872 = tpu.dynamic_gather %get3A_869[%gather3A] in [0] : vector<16xf32>, vector<16xi32> -> vector<16xf32>
      %broadcast_in_dim3A_873 = arith.constant 1 : i32
      %broadcast_in_dim3A_874 = vector.broadcast %broadcast_in_dim3A_873 : i32 to vector<16x1xi32>
      %gather3A_875 = vector.shape_cast %broadcast_in_dim3A_874 : vector<16x1xi32> to vector<16xi32>
      %gather3A_876 = tpu.dynamic_gather %get3A_869[%gather3A_875] in [0] : vector<16xf32>, vector<16xi32> -> vector<16xf32>
      %broadcast_in_dim3A_877 = arith.constant 2 : i32
      %broadcast_in_dim3A_878 = vector.broadcast %broadcast_in_dim3A_877 : i32 to vector<16x1xi32>
      %gather3A_879 = vector.shape_cast %broadcast_in_dim3A_878 : vector<16x1xi32> to vector<16xi32>
      %gather3A_880 = tpu.dynamic_gather %get3A_869[%gather3A_879] in [0] : vector<16xf32>, vector<16xi32> -> vector<16xf32>
      %mul3A_881 = arith.mulf %gather3A_872, %gather3A_872 : vector<16xf32>
      %mul3A_882 = arith.mulf %gather3A_876, %gather3A_876 : vector<16xf32>
      %add3A_883 = arith.addf %mul3A_881, %mul3A_882 : vector<16xf32>
      %mul3A_884 = arith.mulf %gather3A_880, %gather3A_880 : vector<16xf32>
      %add3A_885 = arith.addf %add3A_883, %mul3A_884 : vector<16xf32>
      %bitcast_convert_type3A = tpu.bitcast %gather3A_872 : vector<16xf32> -> vector<16xi32>
      %add3A_886 = arith.constant 32767 : i32
      %add3A_887 = vector.broadcast %add3A_886 : i32 to vector<16xi32>
      %add3A_888 = arith.addi %bitcast_convert_type3A, %add3A_887 : vector<16xi32>
      %shift_right_arithmetic3A = arith.constant 16 : i32
      %shift_right_arithmetic3A_889 = vector.broadcast %shift_right_arithmetic3A : i32 to vector<16xi32>
      %shift_right_arithmetic3A_890 = arith.shrsi %bitcast_convert_type3A, %shift_right_arithmetic3A_889 : vector<16xi32>
      %and3A = arith.constant 1 : i32
      %and3A_891 = vector.broadcast %and3A : i32 to vector<16xi32>
      %and3A_892 = arith.andi %shift_right_arithmetic3A_890, %and3A_891 : vector<16xi32>
      %add3A_893 = arith.addi %add3A_888, %and3A_892 : vector<16xi32>
      %and3A_894 = arith.constant -65536 : i32
      %and3A_895 = vector.broadcast %and3A_894 : i32 to vector<16xi32>
      %and3A_896 = arith.andi %add3A_893, %and3A_895 : vector<16xi32>
      %bitcast_convert_type3A_897 = tpu.bitcast %and3A_896 : vector<16xi32> -> vector<16xf32>
      %bitcast_convert_type3A_898 = tpu.bitcast %gather3A_876 : vector<16xf32> -> vector<16xi32>
      %add3A_899 = arith.constant 32767 : i32
      %add3A_900 = vector.broadcast %add3A_899 : i32 to vector<16xi32>
      %add3A_901 = arith.addi %bitcast_convert_type3A_898, %add3A_900 : vector<16xi32>
      %shift_right_arithmetic3A_902 = arith.constant 16 : i32
      %shift_right_arithmetic3A_903 = vector.broadcast %shift_right_arithmetic3A_902 : i32 to vector<16xi32>
      %shift_right_arithmetic3A_904 = arith.shrsi %bitcast_convert_type3A_898, %shift_right_arithmetic3A_903 : vector<16xi32>
      %and3A_905 = arith.constant 1 : i32
      %and3A_906 = vector.broadcast %and3A_905 : i32 to vector<16xi32>
      %and3A_907 = arith.andi %shift_right_arithmetic3A_904, %and3A_906 : vector<16xi32>
      %add3A_908 = arith.addi %add3A_901, %and3A_907 : vector<16xi32>
      %and3A_909 = arith.constant -65536 : i32
      %and3A_910 = vector.broadcast %and3A_909 : i32 to vector<16xi32>
      %and3A_911 = arith.andi %add3A_908, %and3A_910 : vector<16xi32>
      %bitcast_convert_type3A_912 = tpu.bitcast %and3A_911 : vector<16xi32> -> vector<16xf32>
      %bitcast_convert_type3A_913 = tpu.bitcast %gather3A_880 : vector<16xf32> -> vector<16xi32>
      %add3A_914 = arith.constant 32767 : i32
      %add3A_915 = vector.broadcast %add3A_914 : i32 to vector<16xi32>
      %add3A_916 = arith.addi %bitcast_convert_type3A_913, %add3A_915 : vector<16xi32>
      %shift_right_arithmetic3A_917 = arith.constant 16 : i32
      %shift_right_arithmetic3A_918 = vector.broadcast %shift_right_arithmetic3A_917 : i32 to vector<16xi32>
      %shift_right_arithmetic3A_919 = arith.shrsi %bitcast_convert_type3A_913, %shift_right_arithmetic3A_918 : vector<16xi32>
      %and3A_920 = arith.constant 1 : i32
      %and3A_921 = vector.broadcast %and3A_920 : i32 to vector<16xi32>
      %and3A_922 = arith.andi %shift_right_arithmetic3A_919, %and3A_921 : vector<16xi32>
      %add3A_923 = arith.addi %add3A_916, %and3A_922 : vector<16xi32>
      %and3A_924 = arith.constant -65536 : i32
      %and3A_925 = vector.broadcast %and3A_924 : i32 to vector<16xi32>
      %and3A_926 = arith.andi %add3A_923, %and3A_925 : vector<16xi32>
      %bitcast_convert_type3A_927 = tpu.bitcast %and3A_926 : vector<16xi32> -> vector<16xf32>
      %while3A = arith.constant 0 : i32
      %while3A_928 = arith.constant 0 : i32
      %while3A_929:2 = scf.while (%while3A_987 = %while3A, %while3A_988 = %while3A_928) : (i32, i32) -> (i32, i32) {
        %lt3A_989 = arith.constant 32 : i32
        %lt3A_990 = arith.cmpi slt, %while3A_988, %lt3A_989 : i32
        %lt3A_991 = arith.constant 8192 : i32
        %lt3A_992 = arith.cmpi slt, %while3A_987, %lt3A_991 : i32
        %and3A_993 = arith.andi %lt3A_990, %lt3A_992 : i1
        scf.condition(%and3A_993) %while3A_987, %while3A_988 : i32, i32
      } do {
      ^bb0(%while3A_987: i32, %while3A_988: i32):
        %get3A_989 = arith.index_cast %while3A_987 : i32 to index
        %get3A_990 = tpu.vector_load %arg6[%get3A_989] {strides = array<i32>} : memref<8192xf32, #tpu.memory_space<vmem>>, vector<16xf32>,
        %get3A_991 = arith.index_cast %while3A_987 : i32 to index
        %get3A_992 = tpu.vector_load %arg7[%get3A_991] {strides = array<i32>} : memref<8192xf32, #tpu.memory_space<vmem>>, vector<16xf32>,
        %get3A_993 = arith.index_cast %while3A_987 : i32 to index
        %get3A_994 = tpu.vector_load %arg8[%get3A_993] {strides = array<i32>} : memref<8192xf32, #tpu.memory_space<vmem>>, vector<16xf32>,
        %get3A_995 = arith.index_cast %while3A_987 : i32 to index
        %get3A_996 = tpu.vector_load %arg9[%get3A_995] {strides = array<i32>} : memref<8192xf32, #tpu.memory_space<vmem>>, vector<16xf32>,
        %bitcast_convert_type3A_997 = tpu.bitcast %get3A_990 : vector<16xf32> -> vector<16xi32>
        %add3A_998 = arith.constant 32767 : i32
        %add3A_999 = vector.broadcast %add3A_998 : i32 to vector<16xi32>
        %add3A_1000 = arith.addi %bitcast_convert_type3A_997, %add3A_999 : vector<16xi32>
        %shift_right_arithmetic3A_1001 = arith.constant 16 : i32
        %shift_right_arithmetic3A_1002 = vector.broadcast %shift_right_arithmetic3A_1001 : i32 to vector<16xi32>
        %shift_right_arithmetic3A_1003 = arith.shrsi %bitcast_convert_type3A_997, %shift_right_arithmetic3A_1002 : vector<16xi32>
        %and3A_1004 = arith.constant 1 : i32
        %and3A_1005 = vector.broadcast %and3A_1004 : i32 to vector<16xi32>
        %and3A_1006 = arith.andi %shift_right_arithmetic3A_1003, %and3A_1005 : vector<16xi32>
        %add3A_1007 = arith.addi %add3A_1000, %and3A_1006 : vector<16xi32>
        %and3A_1008 = arith.constant -65536 : i32
        %and3A_1009 = vector.broadcast %and3A_1008 : i32 to vector<16xi32>
        %and3A_1010 = arith.andi %add3A_1007, %and3A_1009 : vector<16xi32>
        %bitcast_convert_type3A_1011 = tpu.bitcast %and3A_1010 : vector<16xi32> -> vector<16xf32>
        %mul3A_1012 = arith.mulf %bitcast_convert_type3A_1011, %bitcast_convert_type3A_897 : vector<16xf32>
        %bitcast_convert_type3A_1013 = tpu.bitcast %get3A_992 : vector<16xf32> -> vector<16xi32>
        %add3A_1014 = arith.constant 32767 : i32
        %add3A_1015 = vector.broadcast %add3A_1014 : i32 to vector<16xi32>
        %add3A_1016 = arith.addi %bitcast_convert_type3A_1013, %add3A_1015 : vector<16xi32>
        %shift_right_arithmetic3A_1017 = arith.constant 16 : i32
        %shift_right_arithmetic3A_1018 = vector.broadcast %shift_right_arithmetic3A_1017 : i32 to vector<16xi32>
        %shift_right_arithmetic3A_1019 = arith.shrsi %bitcast_convert_type3A_1013, %shift_right_arithmetic3A_1018 : vector<16xi32>
        %and3A_1020 = arith.constant 1 : i32
        %and3A_1021 = vector.broadcast %and3A_1020 : i32 to vector<16xi32>
        %and3A_1022 = arith.andi %shift_right_arithmetic3A_1019, %and3A_1021 : vector<16xi32>
        %add3A_1023 = arith.addi %add3A_1016, %and3A_1022 : vector<16xi32>
        %and3A_1024 = arith.constant -65536 : i32
        %and3A_1025 = vector.broadcast %and3A_1024 : i32 to vector<16xi32>
        %and3A_1026 = arith.andi %add3A_1023, %and3A_1025 : vector<16xi32>
        %bitcast_convert_type3A_1027 = tpu.bitcast %and3A_1026 : vector<16xi32> -> vector<16xf32>
        %mul3A_1028 = arith.mulf %bitcast_convert_type3A_1027, %bitcast_convert_type3A_912 : vector<16xf32>
        %bitcast_convert_type3A_1029 = tpu.bitcast %get3A_994 : vector<16xf32> -> vector<16xi32>
        %add3A_1030 = arith.constant 32767 : i32
        %add3A_1031 = vector.broadcast %add3A_1030 : i32 to vector<16xi32>
        %add3A_1032 = arith.addi %bitcast_convert_type3A_1029, %add3A_1031 : vector<16xi32>
        %shift_right_arithmetic3A_1033 = arith.constant 16 : i32
        %shift_right_arithmetic3A_1034 = vector.broadcast %shift_right_arithmetic3A_1033 : i32 to vector<16xi32>
        %shift_right_arithmetic3A_1035 = arith.shrsi %bitcast_convert_type3A_1029, %shift_right_arithmetic3A_1034 : vector<16xi32>
        %and3A_1036 = arith.constant 1 : i32
        %and3A_1037 = vector.broadcast %and3A_1036 : i32 to vector<16xi32>
        %and3A_1038 = arith.andi %shift_right_arithmetic3A_1035, %and3A_1037 : vector<16xi32>
        %add3A_1039 = arith.addi %add3A_1032, %and3A_1038 : vector<16xi32>
        %and3A_1040 = arith.constant -65536 : i32
        %and3A_1041 = vector.broadcast %and3A_1040 : i32 to vector<16xi32>
        %and3A_1042 = arith.andi %add3A_1039, %and3A_1041 : vector<16xi32>
        %bitcast_convert_type3A_1043 = tpu.bitcast %and3A_1042 : vector<16xi32> -> vector<16xf32>
        %mul3A_1044 = arith.mulf %bitcast_convert_type3A_1043, %bitcast_convert_type3A_927 : vector<16xf32>
        %max3A = arith.maximumf %mul3A_1012, %mul3A_1028 : vector<16xf32>
        %min3A = arith.minimumf %mul3A_1012, %mul3A_1028 : vector<16xf32>
        %add3A_1045 = arith.addf %max3A, %min3A : vector<16xf32>
        %sub3A_1046 = arith.subf %add3A_1045, %max3A : vector<16xf32>
        %sub3A_1047 = arith.subf %min3A, %sub3A_1046 : vector<16xf32>
        %max3A_1048 = arith.maximumf %add3A_1045, %mul3A_1044 : vector<16xf32>
        %min3A_1049 = arith.minimumf %add3A_1045, %mul3A_1044 : vector<16xf32>
        %add3A_1050 = arith.addf %max3A_1048, %min3A_1049 : vector<16xf32>
        %sub3A_1051 = arith.subf %add3A_1050, %max3A_1048 : vector<16xf32>
        %sub3A_1052 = arith.subf %min3A_1049, %sub3A_1051 : vector<16xf32>
        %add3A_1053 = arith.addf %sub3A_1047, %sub3A_1052 : vector<16xf32>
        %add3A_1054 = arith.addf %add3A_1050, %add3A_1053 : vector<16xf32>
        %add3A_1055 = arith.addf %add3A_885, %get3A_996 : vector<16xf32>
        %mul3A_1056 = arith.constant 2.000000e+00 : f32
        %mul3A_1057 = vector.broadcast %mul3A_1056 : f32 to vector<16xf32>
        %mul3A_1058 = arith.mulf %mul3A_1057, %add3A_1054 : vector<16xf32>
        %sub3A_1059 = arith.subf %add3A_1055, %mul3A_1058 : vector<16xf32>
        %lt3A_1060 = arith.constant 4.000000e-02 : f32
        %lt3A_1061 = vector.broadcast %lt3A_1060 : f32 to vector<16xf32>
        %lt3A_1062 = arith.cmpf olt, %sub3A_1059, %lt3A_1061 : vector<16xf32>
        %add3A_1063 = arith.constant 16 : i32
        %add3A_1064 = arith.addi %while3A_987, %add3A_1063 : i32
        %get3A_1065 = arith.index_cast %add3A_1064 : i32 to index
        %get3A_1066 = tpu.vector_load %arg6[%get3A_1065] {strides = array<i32>} : memref<8192xf32, #tpu.memory_space<vmem>>, vector<16xf32>,
        %get3A_1067 = arith.index_cast %add3A_1064 : i32 to index
        %get3A_1068 = tpu.vector_load %arg7[%get3A_1067] {strides = array<i32>} : memref<8192xf32, #tpu.memory_space<vmem>>, vector<16xf32>,
        %get3A_1069 = arith.index_cast %add3A_1064 : i32 to index
        %get3A_1070 = tpu.vector_load %arg8[%get3A_1069] {strides = array<i32>} : memref<8192xf32, #tpu.memory_space<vmem>>, vector<16xf32>,
        %get3A_1071 = arith.index_cast %add3A_1064 : i32 to index
        %get3A_1072 = tpu.vector_load %arg9[%get3A_1071] {strides = array<i32>} : memref<8192xf32, #tpu.memory_space<vmem>>, vector<16xf32>,
        %bitcast_convert_type3A_1073 = tpu.bitcast %get3A_1066 : vector<16xf32> -> vector<16xi32>
        %add3A_1074 = arith.constant 32767 : i32
        %add3A_1075 = vector.broadcast %add3A_1074 : i32 to vector<16xi32>
        %add3A_1076 = arith.addi %bitcast_convert_type3A_1073, %add3A_1075 : vector<16xi32>
        %shift_right_arithmetic3A_1077 = arith.constant 16 : i32
        %shift_right_arithmetic3A_1078 = vector.broadcast %shift_right_arithmetic3A_1077 : i32 to vector<16xi32>
        %shift_right_arithmetic3A_1079 = arith.shrsi %bitcast_convert_type3A_1073, %shift_right_arithmetic3A_1078 : vector<16xi32>
        %and3A_1080 = arith.constant 1 : i32
        %and3A_1081 = vector.broadcast %and3A_1080 : i32 to vector<16xi32>
        %and3A_1082 = arith.andi %shift_right_arithmetic3A_1079, %and3A_1081 : vector<16xi32>
        %add3A_1083 = arith.addi %add3A_1076, %and3A_1082 : vector<16xi32>
        %and3A_1084 = arith.constant -65536 : i32
        %and3A_1085 = vector.broadcast %and3A_1084 : i32 to vector<16xi32>
        %and3A_1086 = arith.andi %add3A_1083, %and3A_1085 : vector<16xi32>
        %bitcast_convert_type3A_1087 = tpu.bitcast %and3A_1086 : vector<16xi32> -> vector<16xf32>
        %mul3A_1088 = arith.mulf %bitcast_convert_type3A_1087, %bitcast_convert_type3A_897 : vector<16xf32>
        %bitcast_convert_type3A_1089 = tpu.bitcast %get3A_1068 : vector<16xf32> -> vector<16xi32>
        %add3A_1090 = arith.constant 32767 : i32
        %add3A_1091 = vector.broadcast %add3A_1090 : i32 to vector<16xi32>
        %add3A_1092 = arith.addi %bitcast_convert_type3A_1089, %add3A_1091 : vector<16xi32>
        %shift_right_arithmetic3A_1093 = arith.constant 16 : i32
        %shift_right_arithmetic3A_1094 = vector.broadcast %shift_right_arithmetic3A_1093 : i32 to vector<16xi32>
        %shift_right_arithmetic3A_1095 = arith.shrsi %bitcast_convert_type3A_1089, %shift_right_arithmetic3A_1094 : vector<16xi32>
        %and3A_1096 = arith.constant 1 : i32
        %and3A_1097 = vector.broadcast %and3A_1096 : i32 to vector<16xi32>
        %and3A_1098 = arith.andi %shift_right_arithmetic3A_1095, %and3A_1097 : vector<16xi32>
        %add3A_1099 = arith.addi %add3A_1092, %and3A_1098 : vector<16xi32>
        %and3A_1100 = arith.constant -65536 : i32
        %and3A_1101 = vector.broadcast %and3A_1100 : i32 to vector<16xi32>
        %and3A_1102 = arith.andi %add3A_1099, %and3A_1101 : vector<16xi32>
        %bitcast_convert_type3A_1103 = tpu.bitcast %and3A_1102 : vector<16xi32> -> vector<16xf32>
        %mul3A_1104 = arith.mulf %bitcast_convert_type3A_1103, %bitcast_convert_type3A_912 : vector<16xf32>
        %bitcast_convert_type3A_1105 = tpu.bitcast %get3A_1070 : vector<16xf32> -> vector<16xi32>
        %add3A_1106 = arith.constant 32767 : i32
        %add3A_1107 = vector.broadcast %add3A_1106 : i32 to vector<16xi32>
        %add3A_1108 = arith.addi %bitcast_convert_type3A_1105, %add3A_1107 : vector<16xi32>
        %shift_right_arithmetic3A_1109 = arith.constant 16 : i32
        %shift_right_arithmetic3A_1110 = vector.broadcast %shift_right_arithmetic3A_1109 : i32 to vector<16xi32>
        %shift_right_arithmetic3A_1111 = arith.shrsi %bitcast_convert_type3A_1105, %shift_right_arithmetic3A_1110 : vector<16xi32>
        %and3A_1112 = arith.constant 1 : i32
        %and3A_1113 = vector.broadcast %and3A_1112 : i32 to vector<16xi32>
        %and3A_1114 = arith.andi %shift_right_arithmetic3A_1111, %and3A_1113 : vector<16xi32>
        %add3A_1115 = arith.addi %add3A_1108, %and3A_1114 : vector<16xi32>
        %and3A_1116 = arith.constant -65536 : i32
        %and3A_1117 = vector.broadcast %and3A_1116 : i32 to vector<16xi32>
        %and3A_1118 = arith.andi %add3A_1115, %and3A_1117 : vector<16xi32>
        %bitcast_convert_type3A_1119 = tpu.bitcast %and3A_1118 : vector<16xi32> -> vector<16xf32>
        %mul3A_1120 = arith.mulf %bitcast_convert_type3A_1119, %bitcast_convert_type3A_927 : vector<16xf32>
        %max3A_1121 = arith.maximumf %mul3A_1088, %mul3A_1104 : vector<16xf32>
        %min3A_1122 = arith.minimumf %mul3A_1088, %mul3A_1104 : vector<16xf32>
        %add3A_1123 = arith.addf %max3A_1121, %min3A_1122 : vector<16xf32>
        %sub3A_1124 = arith.subf %add3A_1123, %max3A_1121 : vector<16xf32>
        %sub3A_1125 = arith.subf %min3A_1122, %sub3A_1124 : vector<16xf32>
        %max3A_1126 = arith.maximumf %add3A_1123, %mul3A_1120 : vector<16xf32>
        %min3A_1127 = arith.minimumf %add3A_1123, %mul3A_1120 : vector<16xf32>
        %add3A_1128 = arith.addf %max3A_1126, %min3A_1127 : vector<16xf32>
        %sub3A_1129 = arith.subf %add3A_1128, %max3A_1126 : vector<16xf32>
        %sub3A_1130 = arith.subf %min3A_1127, %sub3A_1129 : vector<16xf32>
        %add3A_1131 = arith.addf %sub3A_1125, %sub3A_1130 : vector<16xf32>
        %add3A_1132 = arith.addf %add3A_1128, %add3A_1131 : vector<16xf32>
        %add3A_1133 = arith.addf %add3A_885, %get3A_1072 : vector<16xf32>
        %mul3A_1134 = arith.constant 2.000000e+00 : f32
        %mul3A_1135 = vector.broadcast %mul3A_1134 : f32 to vector<16xf32>
        %mul3A_1136 = arith.mulf %mul3A_1135, %add3A_1132 : vector<16xf32>
        %sub3A_1137 = arith.subf %add3A_1133, %mul3A_1136 : vector<16xf32>
        %lt3A_1138 = arith.constant 4.000000e-02 : f32
        %lt3A_1139 = vector.broadcast %lt3A_1138 : f32 to vector<16xf32>
        %lt3A_1140 = arith.cmpf olt, %sub3A_1137, %lt3A_1139 : vector<16xf32>
        %all_reduce_population_count3A = tpu.all_reduce %lt3A_1062 {dim = 0 : i64, kind = #tpu.reduction_kind<sum>} : vector<16xi1> -> vector<16xi32>
        %slice3A = vector.extract_strided_slice %all_reduce_population_count3A {offsets = [0], sizes = [1], strides = [1]} : vector<16xi32> to vector<1xi32>
        %squeeze3A = vector.extract %slice3A[0] : i32 from vector<1xi32>
        %add3A_1141 = vector.broadcast %while3A_987 : i32 to vector<16xi32>
        %add3A_1142 = arith.addi %iota3A, %add3A_1141 : vector<16xi32>
        %swap3A_1143 = arith.index_cast %while3A_988 : i32 to index
        %swap3A_1144 = tpu.vector_load %arg11[%swap3A_1143] masked %lt3A_1062 {strides = array<i32>} : memref<64xi32, #tpu.memory_space<vmem>>, vector<16xi32>, vector<16xi1>
        tpu.vector_store %arg11[%swap3A_1143], %add3A_1142 masked %lt3A_1062 {strides = array<i32>} : memref<64xi32, #tpu.memory_space<vmem>>, vector<16xi32>, vector<16xi1>
        %add3A_1145 = arith.addi %while3A_988, %squeeze3A : i32
        %add3A_1146 = arith.constant 16 : i32
        %add3A_1147 = arith.addi %while3A_987, %add3A_1146 : i32
        %add3A_1148 = vector.broadcast %add3A_1147 : i32 to vector<16xi32>
        %add3A_1149 = arith.addi %iota3A, %add3A_1148 : vector<16xi32>
        %swap3A_1150 = arith.index_cast %add3A_1145 : i32 to index
        %swap3A_1151 = tpu.vector_load %arg11[%swap3A_1150] masked %lt3A_1140 {strides = array<i32>} : memref<64xi32, #tpu.memory_space<vmem>>, vector<16xi32>, vector<16xi1>
        tpu.vector_store %arg11[%swap3A_1150], %add3A_1149 masked %lt3A_1140 {strides = array<i32>} : memref<64xi32, #tpu.memory_space<vmem>>, vector<16xi32>, vector<16xi1>
        %all_reduce_population_count3A_1152 = tpu.all_reduce %lt3A_1140 {dim = 0 : i64, kind = #tpu.reduction_kind<sum>} : vector<16xi1> -> vector<16xi32>
        %slice3A_1153 = vector.extract_strided_slice %all_reduce_population_count3A_1152 {offsets = [0], sizes = [1], strides = [1]} : vector<16xi32> to vector<1xi32>
        %squeeze3A_1154 = vector.extract %slice3A_1153[0] : i32 from vector<1xi32>
        %add3A_1155 = arith.constant 32 : i32
        %add3A_1156 = arith.addi %while3A_987, %add3A_1155 : i32
        %add3A_1157 = arith.addi %add3A_1145, %squeeze3A_1154 : i32
        scf.yield %add3A_1156, %add3A_1157 : i32, i32
      }
      %get3A_930 = arith.constant 0 : index
      %get3A_931 = tpu.vector_load %arg11[%get3A_930] {strides = array<i32>} : memref<64xi32, #tpu.memory_space<vmem>>, vector<16xi32>,
      %gt3A = arith.constant 0 : i32
      %gt3A_932 = arith.cmpi sgt, %while3A_929#1, %gt3A : i32
      %broadcast_in_dim3A_933 = arith.constant 0 : i32
      %broadcast_in_dim3A_934 = vector.broadcast %broadcast_in_dim3A_933 : i32 to vector<16x1xi32>
      %gather3A_935 = vector.shape_cast %broadcast_in_dim3A_934 : vector<16x1xi32> to vector<16xi32>
      %gather3A_936 = tpu.dynamic_gather %get3A_931[%gather3A_935] in [0] : vector<16xi32>, vector<16xi32> -> vector<16xi32>
      %jit3A = arith.constant 0 : i32
      %broadcast_in_dim3A_937 = vector.broadcast %jit3A : i32 to vector<16xi32>
      %select_n3A = arith.select %gt3A_932, %gather3A_936, %broadcast_in_dim3A_937 : vector<16xi32>
      %get3A_938 = arith.constant 0 : index
      %get3A_939 = tpu.vector_load %arg11[%get3A_938] {strides = array<i32>} : memref<64xi32, #tpu.memory_space<vmem>>, vector<16xi32>,
      %add3A_940 = arith.constant 0 : i32
      %add3A_941 = vector.broadcast %add3A_940 : i32 to vector<16xi32>
      %add3A_942 = arith.addi %iota3A, %add3A_941 : vector<16xi32>
      %lt3A = vector.broadcast %while3A_929#1 : i32 to vector<16xi32>
      %lt3A_943 = arith.cmpi slt, %add3A_942, %lt3A : vector<16xi32>
      %select_n3A_944 = arith.select %lt3A_943, %get3A_939, %select_n3A : vector<16xi1>, vector<16xi32>
      %mul3A_945 = arith.constant 32 : i32
      %mul3A_946 = arith.muli %mul3A_945, %scan3A_865 : i32
      %add3A_947 = arith.constant 0 : i32
      %add3A_948 = arith.addi %mul3A_946, %add3A_947 : i32
      %swap3A = arith.index_cast %add3A_948 : i32 to index
      %swap3A_949 = tpu.vector_load %arg12[%swap3A] {strides = array<i32>} : memref<2048xi32, #tpu.memory_space<vmem>>, vector<16xi32>,
      tpu.vector_store %arg12[%swap3A], %select_n3A_944 {strides = array<i32>} : memref<2048xi32, #tpu.memory_space<vmem>>, vector<16xi32>,
      %gather3A_950 = tpu.vector_load_idx %arg6[%select_n3A_944] : memref<8192xf32, #tpu.memory_space<vmem>>[vector<16xi32>], vector<16xf32>,
      %sub3A = arith.subf %gather3A_950, %gather3A_872 : vector<16xf32>
      %swap3A_951 = arith.index_cast %add3A_948 : i32 to index
      %swap3A_952 = tpu.vector_load %arg13[%swap3A_951] {strides = array<i32>} : memref<2048xf32, #tpu.memory_space<vmem>>, vector<16xf32>,
      tpu.vector_store %arg13[%swap3A_951], %sub3A {strides = array<i32>} : memref<2048xf32, #tpu.memory_space<vmem>>, vector<16xf32>,
      %gather3A_953 = tpu.vector_load_idx %arg7[%select_n3A_944] : memref<8192xf32, #tpu.memory_space<vmem>>[vector<16xi32>], vector<16xf32>,
      %sub3A_954 = arith.subf %gather3A_953, %gather3A_876 : vector<16xf32>
      %swap3A_955 = arith.index_cast %add3A_948 : i32 to index
      %swap3A_956 = tpu.vector_load %arg14[%swap3A_955] {strides = array<i32>} : memref<2048xf32, #tpu.memory_space<vmem>>, vector<16xf32>,
      tpu.vector_store %arg14[%swap3A_955], %sub3A_954 {strides = array<i32>} : memref<2048xf32, #tpu.memory_space<vmem>>, vector<16xf32>,
      %gather3A_957 = tpu.vector_load_idx %arg8[%select_n3A_944] : memref<8192xf32, #tpu.memory_space<vmem>>[vector<16xi32>], vector<16xf32>,
      %sub3A_958 = arith.subf %gather3A_957, %gather3A_880 : vector<16xf32>
      %swap3A_959 = arith.index_cast %add3A_948 : i32 to index
      %swap3A_960 = tpu.vector_load %arg15[%swap3A_959] {strides = array<i32>} : memref<2048xf32, #tpu.memory_space<vmem>>, vector<16xf32>,
      tpu.vector_store %arg15[%swap3A_959], %sub3A_958 {strides = array<i32>} : memref<2048xf32, #tpu.memory_space<vmem>>, vector<16xf32>,
      %get3A_961 = arith.constant 16 : index
      %get3A_962 = tpu.vector_load %arg11[%get3A_961] {strides = array<i32>} : memref<64xi32, #tpu.memory_space<vmem>>, vector<16xi32>,
      %add3A_963 = arith.constant 16 : i32
      %add3A_964 = vector.broadcast %add3A_963 : i32 to vector<16xi32>
      %add3A_965 = arith.addi %iota3A, %add3A_964 : vector<16xi32>
      %lt3A_966 = vector.broadcast %while3A_929#1 : i32 to vector<16xi32>
      %lt3A_967 = arith.cmpi slt, %add3A_965, %lt3A_966 : vector<16xi32>
      %select_n3A_968 = arith.select %lt3A_967, %get3A_962, %select_n3A : vector<16xi1>, vector<16xi32>
      %mul3A_969 = arith.constant 32 : i32
      %mul3A_970 = arith.muli %mul3A_969, %scan3A_865 : i32
      %add3A_971 = arith.constant 16 : i32
      %add3A_972 = arith.addi %mul3A_970, %add3A_971 : i32
      %swap3A_973 = arith.index_cast %add3A_972 : i32 to index
      %swap3A_974 = tpu.vector_load %arg12[%swap3A_973] {strides = array<i32>} : memref<2048xi32, #tpu.memory_space<vmem>>, vector<16xi32>,
      tpu.vector_store %arg12[%swap3A_973], %select_n3A_968 {strides = array<i32>} : memref<2048xi32, #tpu.memory_space<vmem>>, vector<16xi32>,
      %gather3A_975 = tpu.vector_load_idx %arg6[%select_n3A_968] : memref<8192xf32, #tpu.memory_space<vmem>>[vector<16xi32>], vector<16xf32>,
      %sub3A_976 = arith.subf %gather3A_975, %gather3A_872 : vector<16xf32>
      %swap3A_977 = arith.index_cast %add3A_972 : i32 to index
      %swap3A_978 = tpu.vector_load %arg13[%swap3A_977] {strides = array<i32>} : memref<2048xf32, #tpu.memory_space<vmem>>, vector<16xf32>,
      tpu.vector_store %arg13[%swap3A_977], %sub3A_976 {strides = array<i32>} : memref<2048xf32, #tpu.memory_space<vmem>>, vector<16xf32>,
      %gather3A_979 = tpu.vector_load_idx %arg7[%select_n3A_968] : memref<8192xf32, #tpu.memory_space<vmem>>[vector<16xi32>], vector<16xf32>,
      %sub3A_980 = arith.subf %gather3A_979, %gather3A_876 : vector<16xf32>
      %swap3A_981 = arith.index_cast %add3A_972 : i32 to index
      %swap3A_982 = tpu.vector_load %arg14[%swap3A_981] {strides = array<i32>} : memref<2048xf32, #tpu.memory_space<vmem>>, vector<16xf32>,
      tpu.vector_store %arg14[%swap3A_981], %sub3A_980 {strides = array<i32>} : memref<2048xf32, #tpu.memory_space<vmem>>, vector<16xf32>,
      %gather3A_983 = tpu.vector_load_idx %arg8[%select_n3A_968] : memref<8192xf32, #tpu.memory_space<vmem>>[vector<16xi32>], vector<16xf32>,
      %sub3A_984 = arith.subf %gather3A_983, %gather3A_880 : vector<16xf32>
      %swap3A_985 = arith.index_cast %add3A_972 : i32 to index
      %swap3A_986 = tpu.vector_load %arg15[%swap3A_985] {strides = array<i32>} : memref<2048xf32, #tpu.memory_space<vmem>>, vector<16xf32>,
      tpu.vector_store %arg15[%swap3A_985], %sub3A_984 {strides = array<i32>} : memref<2048xf32, #tpu.memory_space<vmem>>, vector<16xf32>,
      scf.yield %while3A_929#0 : i32
    }
    %scan3A_78 = arith.constant 64 : i32
    %mul3A_79 = arith.constant 2048 : i32
    %mul3A_80 = arith.muli %mul3A_79, %arg1 : i32
    %add3A_81 = arith.constant 32768 : i32
    %add3A_82 = arith.addi %add3A_81, %mul3A_80 : i32
    "tpu.region"() ({
      %run_scoped3A = tpu.sem_alloc : memref<!tpu.dma_semaphore, #tpu.memory_space<semaphore_mem>>
      %dma_start3A_865 = tpu.memref_slice %arg21[%add3A_82] : memref<65536xi32, #tpu.memory_space<vmem_shared>> -> memref<2048xi32, #tpu.memory_space<vmem_shared>>
      %dma_start3A_866 = tpu.memref_slice %arg21[%add3A_82] : memref<65536xi32, #tpu.memory_space<vmem_shared>> -> memref<2048xi32, #tpu.memory_space<vmem_shared>>
      tpu.enqueue_dma source(%arg12 : memref<2048xi32, #tpu.memory_space<vmem>>) target(%dma_start3A_866 : memref<2048xi32, #tpu.memory_space<vmem_shared>>) target_semaphore(%run_scoped3A : memref<!tpu.dma_semaphore, #tpu.memory_space<semaphore_mem>>)
      %dma_wait3A_867 = tpu.memref_slice %arg21[%add3A_82] : memref<65536xi32, #tpu.memory_space<vmem_shared>> -> memref<2048xi32, #tpu.memory_space<vmem_shared>>
      %dma_wait3A_868 = tpu.memref_slice %arg21[%add3A_82] : memref<65536xi32, #tpu.memory_space<vmem_shared>> -> memref<2048xi32, #tpu.memory_space<vmem_shared>>
      tpu.wait_dma2 semaphore(%run_scoped3A : memref<!tpu.dma_semaphore, #tpu.memory_space<semaphore_mem>>) src(%arg12 : memref<2048xi32, #tpu.memory_space<vmem>>) dst(%dma_wait3A_868 : memref<2048xi32, #tpu.memory_space<vmem_shared>>)
      tpu.yield
    }) : () -> ()
    %mul3A_83 = arith.constant 4292608 : i32
    %mul3A_84 = arith.muli %mul3A_83, %add3A_47 : i32
    %add3A_85 = arith.addi %mul3A_84, %mul3A_80 : i32
    "tpu.region"() ({
      %run_scoped3A = tpu.sem_alloc : memref<!tpu.dma_semaphore, #tpu.memory_space<semaphore_mem>>
      %dma_start3A_865 = tpu.memref_slice %arg5[%add3A_85] : memref<17170432xf32, #tpu.memory_space<hbm>> -> memref<2048xf32, #tpu.memory_space<hbm>>
      %dma_start3A_866 = tpu.memref_slice %arg5[%add3A_85] : memref<17170432xf32, #tpu.memory_space<hbm>> -> memref<2048xf32, #tpu.memory_space<hbm>>
      tpu.enqueue_dma source(%arg13 : memref<2048xf32, #tpu.memory_space<vmem>>) target(%dma_start3A_866 : memref<2048xf32, #tpu.memory_space<hbm>>) target_semaphore(%run_scoped3A : memref<!tpu.dma_semaphore, #tpu.memory_space<semaphore_mem>>)
      %dma_wait3A_867 = tpu.memref_slice %arg5[%add3A_85] : memref<17170432xf32, #tpu.memory_space<hbm>> -> memref<2048xf32, #tpu.memory_space<hbm>>
      %dma_wait3A_868 = tpu.memref_slice %arg5[%add3A_85] : memref<17170432xf32, #tpu.memory_space<hbm>> -> memref<2048xf32, #tpu.memory_space<hbm>>
      tpu.wait_dma2 semaphore(%run_scoped3A : memref<!tpu.dma_semaphore, #tpu.memory_space<semaphore_mem>>) src(%arg13 : memref<2048xf32, #tpu.memory_space<vmem>>) dst(%dma_wait3A_868 : memref<2048xf32, #tpu.memory_space<hbm>>)
      tpu.yield
    }) : () -> ()
    %add3A_86 = arith.constant 32768 : i32
    %add3A_87 = arith.addi %mul3A_84, %add3A_86 : i32
    %add3A_88 = arith.addi %add3A_87, %mul3A_80 : i32
    "tpu.region"() ({
      %run_scoped3A = tpu.sem_alloc : memref<!tpu.dma_semaphore, #tpu.memory_space<semaphore_mem>>
      %dma_start3A_865 = tpu.memref_slice %arg5[%add3A_88] : memref<17170432xf32, #tpu.memory_space<hbm>> -> memref<2048xf32, #tpu.memory_space<hbm>>
      %dma_start3A_866 = tpu.memref_slice %arg5[%add3A_88] : memref<17170432xf32, #tpu.memory_space<hbm>> -> memref<2048xf32, #tpu.memory_space<hbm>>
      tpu.enqueue_dma source(%arg14 : memref<2048xf32, #tpu.memory_space<vmem>>) target(%dma_start3A_866 : memref<2048xf32, #tpu.memory_space<hbm>>) target_semaphore(%run_scoped3A : memref<!tpu.dma_semaphore, #tpu.memory_space<semaphore_mem>>)
      %dma_wait3A_867 = tpu.memref_slice %arg5[%add3A_88] : memref<17170432xf32, #tpu.memory_space<hbm>> -> memref<2048xf32, #tpu.memory_space<hbm>>
      %dma_wait3A_868 = tpu.memref_slice %arg5[%add3A_88] : memref<17170432xf32, #tpu.memory_space<hbm>> -> memref<2048xf32, #tpu.memory_space<hbm>>
      tpu.wait_dma2 semaphore(%run_scoped3A : memref<!tpu.dma_semaphore, #tpu.memory_space<semaphore_mem>>) src(%arg14 : memref<2048xf32, #tpu.memory_space<vmem>>) dst(%dma_wait3A_868 : memref<2048xf32, #tpu.memory_space<hbm>>)
      tpu.yield
    }) : () -> ()
    %add3A_89 = arith.constant 65536 : i32
    %add3A_90 = arith.addi %mul3A_84, %add3A_89 : i32
    %add3A_91 = arith.addi %add3A_90, %mul3A_80 : i32
    "tpu.region"() ({
      %run_scoped3A = tpu.sem_alloc : memref<!tpu.dma_semaphore, #tpu.memory_space<semaphore_mem>>
      %dma_start3A_865 = tpu.memref_slice %arg5[%add3A_91] : memref<17170432xf32, #tpu.memory_space<hbm>> -> memref<2048xf32, #tpu.memory_space<hbm>>
      %dma_start3A_866 = tpu.memref_slice %arg5[%add3A_91] : memref<17170432xf32, #tpu.memory_space<hbm>> -> memref<2048xf32, #tpu.memory_space<hbm>>
      tpu.enqueue_dma source(%arg15 : memref<2048xf32, #tpu.memory_space<vmem>>) target(%dma_start3A_866 : memref<2048xf32, #tpu.memory_space<hbm>>) target_semaphore(%run_scoped3A : memref<!tpu.dma_semaphore, #tpu.memory_space<semaphore_mem>>)
      %dma_wait3A_867 = tpu.memref_slice %arg5[%add3A_91] : memref<17170432xf32, #tpu.memory_space<hbm>> -> memref<2048xf32, #tpu.memory_space<hbm>>
      %dma_wait3A_868 = tpu.memref_slice %arg5[%add3A_91] : memref<17170432xf32, #tpu.memory_space<hbm>> -> memref<2048xf32, #tpu.memory_space<hbm>>
      tpu.wait_dma2 semaphore(%run_scoped3A : memref<!tpu.dma_semaphore, #tpu.memory_space<semaphore_mem>>) src(%arg15 : memref<2048xf32, #tpu.memory_space<vmem>>) dst(%dma_wait3A_868 : memref<2048xf32, #tpu.memory_space<hbm>>)
      tpu.yield
    }) : () -> ()
    %barrier3A = arith.constant 0 : index
    tpu.barrier barrier_id(%barrier3A)
    %mul3A_92 = arith.constant 2 : i32
    %mul3A_93 = arith.muli %mul3A_92, %arg0 : i32
    %add3A_94 = arith.constant 0 : i32
    %add3A_95 = arith.addi %mul3A_93, %add3A_94 : i32
    "tpu.region"() ({
      %run_scoped3A = tpu.sem_alloc : memref<!tpu.dma_semaphore, #tpu.memory_space<semaphore_mem>>
      %dma_start3A_865 = arith.constant 0 : i32
      %dma_start3A_866 = tpu.memref_slice %arg21[%dma_start3A_865] : memref<65536xi32, #tpu.memory_space<vmem_shared>> -> memref<32768xi32, #tpu.memory_space<vmem_shared>>
      %dma_start3A_867 = arith.constant 0 : i32
      %dma_start3A_868 = tpu.memref_slice %arg21[%dma_start3A_867] : memref<65536xi32, #tpu.memory_space<vmem_shared>> -> memref<32768xi32, #tpu.memory_space<vmem_shared>>
      tpu.enqueue_dma source(%dma_start3A_868 : memref<32768xi32, #tpu.memory_space<vmem_shared>>) target(%arg16 : memref<32768xi32, #tpu.memory_space<vmem>>) target_semaphore(%run_scoped3A : memref<!tpu.dma_semaphore, #tpu.memory_space<semaphore_mem>>)
      %dma_wait3A_869 = arith.constant 0 : i32
      %dma_wait3A_870 = tpu.memref_slice %arg21[%dma_wait3A_869] : memref<65536xi32, #tpu.memory_space<vmem_shared>> -> memref<32768xi32, #tpu.memory_space<vmem_shared>>
      %dma_wait3A_871 = arith.constant 0 : i32
      %dma_wait3A_872 = tpu.memref_slice %arg21[%dma_wait3A_871] : memref<65536xi32, #tpu.memory_space<vmem_shared>> -> memref<32768xi32, #tpu.memory_space<vmem_shared>>
      tpu.wait_dma2 semaphore(%run_scoped3A : memref<!tpu.dma_semaphore, #tpu.memory_space<semaphore_mem>>) src(%dma_wait3A_872 : memref<32768xi32, #tpu.memory_space<vmem_shared>>) dst(%arg16 : memref<32768xi32, #tpu.memory_space<vmem>>)
      tpu.yield
    }) : () -> ()
    %mul3A_96 = arith.constant 8 : i32
    %mul3A_97 = arith.muli %mul3A_96, %arg1 : i32
    %add3A_98 = arith.constant 0 : i32
    %add3A_99 = arith.addi %mul3A_97, %add3A_98 : i32
    %mul3A_100 = arith.constant 128 : i32
    %mul3A_101 = arith.muli %mul3A_100, %add3A_95 : i32
    %add3A_102 = arith.addi %mul3A_101, %add3A_99 : i32
    %dma_start3A = arith.constant 0 : i32
    %dma_start3A_103 = tpu.memref_slice %arg4[%add3A_102, %dma_start3A] : memref<512x8192xf32, #tpu.memory_space<hbm>> -> memref<1x8192xf32, #tpu.memory_space<hbm>>
    %dma_start3A_104 = arith.constant 0 : i32
    %dma_start3A_105 = tpu.memref_slice %arg4[%add3A_102, %dma_start3A_104] : memref<512x8192xf32, #tpu.memory_space<hbm>> -> memref<1x8192xf32, #tpu.memory_space<hbm>>
    tpu.enqueue_dma source(%dma_start3A_105 : memref<1x8192xf32, #tpu.memory_space<hbm>>) target(%arg17 : memref<1x8192xf32, #tpu.memory_space<vmem>>) target_semaphore(%arg22 : memref<!tpu.dma_semaphore, #tpu.memory_space<semaphore_mem>>)
    %dma_wait3A = arith.constant 0 : i32
    %dma_wait3A_106 = tpu.memref_slice %arg4[%add3A_102, %dma_wait3A] : memref<512x8192xf32, #tpu.memory_space<hbm>> -> memref<1x8192xf32, #tpu.memory_space<hbm>>
    %dma_wait3A_107 = arith.constant 0 : i32
    %dma_wait3A_108 = tpu.memref_slice %arg4[%add3A_102, %dma_wait3A_107] : memref<512x8192xf32, #tpu.memory_space<hbm>> -> memref<1x8192xf32, #tpu.memory_space<hbm>>
    tpu.wait_dma2 semaphore(%arg22 : memref<!tpu.dma_semaphore, #tpu.memory_space<semaphore_mem>>) src(%dma_wait3A_108 : memref<1x8192xf32, #tpu.memory_space<hbm>>) dst(%arg17 : memref<1x8192xf32, #tpu.memory_space<vmem>>)
    %mul3A_109 = arith.constant 8 : i32
    %mul3A_110 = arith.muli %mul3A_109, %arg1 : i32
    %add3A_111 = arith.constant 1 : i32
    %add3A_112 = arith.addi %mul3A_110, %add3A_111 : i32
    %mul3A_113 = arith.constant 128 : i32
    %mul3A_114 = arith.muli %mul3A_113, %add3A_95 : i32
    %add3A_115 = arith.addi %mul3A_114, %add3A_112 : i32
    %dma_start3A_116 = arith.constant 0 : i32
    %dma_start3A_117 = tpu.memref_slice %arg4[%add3A_115, %dma_start3A_116] : memref<512x8192xf32, #tpu.memory_space<hbm>> -> memref<1x8192xf32, #tpu.memory_space<hbm>>
    %dma_start3A_118 = arith.constant 0 : i32
    %dma_start3A_119 = tpu.memref_slice %arg4[%add3A_115, %dma_start3A_118] : memref<512x8192xf32, #tpu.memory_space<hbm>> -> memref<1x8192xf32, #tpu.memory_space<hbm>>
    tpu.enqueue_dma source(%dma_start3A_119 : memref<1x8192xf32, #tpu.memory_space<hbm>>) target(%arg18 : memref<1x8192xf32, #tpu.memory_space<vmem>>) target_semaphore(%arg23 : memref<!tpu.dma_semaphore, #tpu.memory_space<semaphore_mem>>)
    %mul3A_120 = arith.constant 8 : i32
    %mul3A_121 = arith.muli %mul3A_120, %arg1 : i32
    %add3A_122 = arith.constant 0 : i32
    %add3A_123 = arith.addi %mul3A_121, %add3A_122 : i32
    %mul3A_124 = arith.constant 131 : i32
    %mul3A_125 = arith.muli %mul3A_124, %add3A_95 : i32
    %add3A_126 = arith.constant 3 : i32
    %add3A_127 = arith.addi %mul3A_125, %add3A_126 : i32
    %add3A_128 = arith.addi %add3A_127, %add3A_123 : i32
    %mul3A_129 = arith.constant 32768 : i32
    %mul3A_130 = arith.muli %add3A_128, %mul3A_129 : i32
    %broadcast_in_dim3A = arith.constant 0 : i32
    %broadcast_in_dim3A_131 = vector.broadcast %broadcast_in_dim3A : i32 to vector<16xi32>
    %parallel_loop3A_132 = arith.constant 0 : i32
    %parallel_loop3A_133 = arith.constant 1024 : i32
    %parallel_loop3A_134 = arith.constant 1 : i32
    scf.for %parallel_loop3A_865 = %parallel_loop3A_132 to %parallel_loop3A_133 step %parallel_loop3A_134  : i32 {
      %parallel_loop3A_866 = arith.constant 16 : i32
      %parallel_loop3A_867 = arith.muli %parallel_loop3A_866, %parallel_loop3A_865 : i32
      %parallel_loop3A_868 = arith.constant 0 : i32
      %parallel_loop3A_869 = arith.addi %parallel_loop3A_868, %parallel_loop3A_867 : i32
      %parallel_loop3A_870 = arith.index_cast %parallel_loop3A_869 : i32 to index
      %parallel_loop3A_871 = tpu.vector_load %arg16[%parallel_loop3A_870] {strides = array<i32>} : memref<32768xi32, #tpu.memory_space<vmem>>, vector<16xi32>,
      %parallel_loop3A_872 = tpu.vector_load_idx %arg17[%broadcast_in_dim3A_131, %parallel_loop3A_871] : memref<1x8192xf32, #tpu.memory_space<vmem>>[vector<16xi32>, vector<16xi32>], vector<16xf32>,
      %parallel_loop3A_873 = arith.index_cast %parallel_loop3A_867 : i32 to index
      %parallel_loop3A_874 = tpu.vector_load %arg19[%parallel_loop3A_873] {strides = array<i32>} : memref<16384xf32, #tpu.memory_space<vmem>>, vector<16xf32>,
      tpu.vector_store %arg19[%parallel_loop3A_873], %parallel_loop3A_872 {strides = array<i32>} : memref<16384xf32, #tpu.memory_space<vmem>>, vector<16xf32>,
    } {sc.loop_unroll_factor = 8 : i64, sc.parallel_access}
    %add3A_135 = arith.constant 0 : i32
    %add3A_136 = arith.addi %mul3A_130, %add3A_135 : i32
    %dma_start3A_137 = tpu.memref_slice %arg5[%add3A_136] : memref<17170432xf32, #tpu.memory_space<hbm>> -> memref<16384xf32, #tpu.memory_space<hbm>>
    %dma_start3A_138 = tpu.memref_slice %arg5[%add3A_136] : memref<17170432xf32, #tpu.memory_space<hbm>> -> memref<16384xf32, #tpu.memory_space<hbm>>
    tpu.enqueue_dma source(%arg19 : memref<16384xf32, #tpu.memory_space<vmem>>) target(%dma_start3A_138 : memref<16384xf32, #tpu.memory_space<hbm>>) target_semaphore(%arg24 : memref<!tpu.dma_semaphore, #tpu.memory_space<semaphore_mem>>)
    %broadcast_in_dim3A_139 = arith.constant 0 : i32
    %broadcast_in_dim3A_140 = vector.broadcast %broadcast_in_dim3A_139 : i32 to vector<16xi32>
    %parallel_loop3A_141 = arith.constant 0 : i32
    %parallel_loop3A_142 = arith.constant 1024 : i32
    %parallel_loop3A_143 = arith.constant 1 : i32
    scf.for %parallel_loop3A_865 = %parallel_loop3A_141 to %parallel_loop3A_142 step %parallel_loop3A_143  : i32 {
      %parallel_loop3A_866 = arith.constant 16 : i32
      %parallel_loop3A_867 = arith.muli %parallel_loop3A_866, %parallel_loop3A_865 : i32
      %parallel_loop3A_868 = arith.constant 16384 : i32
      %parallel_loop3A_869 = arith.addi %parallel_loop3A_868, %parallel_loop3A_867 : i32
      %parallel_loop3A_870 = arith.index_cast %parallel_loop3A_869 : i32 to index
      %parallel_loop3A_871 = tpu.vector_load %arg16[%parallel_loop3A_870] {strides = array<i32>} : memref<32768xi32, #tpu.memory_space<vmem>>, vector<16xi32>,
      %parallel_loop3A_872 = tpu.vector_load_idx %arg17[%broadcast_in_dim3A_140, %parallel_loop3A_871] : memref<1x8192xf32, #tpu.memory_space<vmem>>[vector<16xi32>, vector<16xi32>], vector<16xf32>,
      %parallel_loop3A_873 = arith.index_cast %parallel_loop3A_867 : i32 to index
      %parallel_loop3A_874 = tpu.vector_load %arg20[%parallel_loop3A_873] {strides = array<i32>} : memref<16384xf32, #tpu.memory_space<vmem>>, vector<16xf32>,
      tpu.vector_store %arg20[%parallel_loop3A_873], %parallel_loop3A_872 {strides = array<i32>} : memref<16384xf32, #tpu.memory_space<vmem>>, vector<16xf32>,
    } {sc.loop_unroll_factor = 8 : i64, sc.parallel_access}
    %add3A_144 = arith.constant 16384 : i32
    %add3A_145 = arith.addi %mul3A_130, %add3A_144 : i32
    %dma_start3A_146 = tpu.memref_slice %arg5[%add3A_145] : memref<17170432xf32, #tpu.memory_space<hbm>> -> memref<16384xf32, #tpu.memory_space<hbm>>
    %dma_start3A_147 = tpu.memref_slice %arg5[%add3A_145] : memref<17170432xf32, #tpu.memory_space<hbm>> -> memref<16384xf32, #tpu.memory_space<hbm>>
    tpu.enqueue_dma source(%arg20 : memref<16384xf32, #tpu.memory_space<vmem>>) target(%dma_start3A_147 : memref<16384xf32, #tpu.memory_space<hbm>>) target_semaphore(%arg25 : memref<!tpu.dma_semaphore, #tpu.memory_space<semaphore_mem>>)
    %dma_wait3A_148 = arith.constant 0 : i32
    %dma_wait3A_149 = tpu.memref_slice %arg4[%add3A_115, %dma_wait3A_148] : memref<512x8192xf32, #tpu.memory_space<hbm>> -> memref<1x8192xf32, #tpu.memory_space<hbm>>
    %dma_wait3A_150 = arith.constant 0 : i32
    %dma_wait3A_151 = tpu.memref_slice %arg4[%add3A_115, %dma_wait3A_150] : memref<512x8192xf32, #tpu.memory_space<hbm>> -> memref<1x8192xf32, #tpu.memory_space<hbm>>
    tpu.wait_dma2 semaphore(%arg23 : memref<!tpu.dma_semaphore, #tpu.memory_space<semaphore_mem>>) src(%dma_wait3A_151 : memref<1x8192xf32, #tpu.memory_space<hbm>>) dst(%arg18 : memref<1x8192xf32, #tpu.memory_space<vmem>>)
    %mul3A_152 = arith.constant 8 : i32
    %mul3A_153 = arith.muli %mul3A_152, %arg1 : i32
    %add3A_154 = arith.constant 2 : i32
    %add3A_155 = arith.addi %mul3A_153, %add3A_154 : i32
    %mul3A_156 = arith.constant 128 : i32
    %mul3A_157 = arith.muli %mul3A_156, %add3A_95 : i32
    %add3A_158 = arith.addi %mul3A_157, %add3A_155 : i32
    %dma_start3A_159 = arith.constant 0 : i32
    %dma_start3A_160 = tpu.memref_slice %arg4[%add3A_158, %dma_start3A_159] : memref<512x8192xf32, #tpu.memory_space<hbm>> -> memref<1x8192xf32, #tpu.memory_space<hbm>>
    %dma_start3A_161 = arith.constant 0 : i32
    %dma_start3A_162 = tpu.memref_slice %arg4[%add3A_158, %dma_start3A_161] : memref<512x8192xf32, #tpu.memory_space<hbm>> -> memref<1x8192xf32, #tpu.memory_space<hbm>>
    tpu.enqueue_dma source(%dma_start3A_162 : memref<1x8192xf32, #tpu.memory_space<hbm>>) target(%arg17 : memref<1x8192xf32, #tpu.memory_space<vmem>>) target_semaphore(%arg22 : memref<!tpu.dma_semaphore, #tpu.memory_space<semaphore_mem>>)
    %mul3A_163 = arith.constant 8 : i32
    %mul3A_164 = arith.muli %mul3A_163, %arg1 : i32
    %add3A_165 = arith.constant 1 : i32
    %add3A_166 = arith.addi %mul3A_164, %add3A_165 : i32
    %mul3A_167 = arith.constant 131 : i32
    %mul3A_168 = arith.muli %mul3A_167, %add3A_95 : i32
    %add3A_169 = arith.constant 3 : i32
    %add3A_170 = arith.addi %mul3A_168, %add3A_169 : i32
    %add3A_171 = arith.addi %add3A_170, %add3A_166 : i32
    %mul3A_172 = arith.constant 32768 : i32
    %mul3A_173 = arith.muli %add3A_171, %mul3A_172 : i32
    %dma_wait3A_174 = tpu.memref_slice %arg5[%add3A_136] : memref<17170432xf32, #tpu.memory_space<hbm>> -> memref<16384xf32, #tpu.memory_space<hbm>>
    %dma_wait3A_175 = tpu.memref_slice %arg5[%add3A_136] : memref<17170432xf32, #tpu.memory_space<hbm>> -> memref<16384xf32, #tpu.memory_space<hbm>>
    tpu.wait_dma2 semaphore(%arg24 : memref<!tpu.dma_semaphore, #tpu.memory_space<semaphore_mem>>) src(%arg19 : memref<16384xf32, #tpu.memory_space<vmem>>) dst(%dma_wait3A_175 : memref<16384xf32, #tpu.memory_space<hbm>>)
    %broadcast_in_dim3A_176 = arith.constant 0 : i32
    %broadcast_in_dim3A_177 = vector.broadcast %broadcast_in_dim3A_176 : i32 to vector<16xi32>
    %parallel_loop3A_178 = arith.constant 0 : i32
    %parallel_loop3A_179 = arith.constant 1024 : i32
    %parallel_loop3A_180 = arith.constant 1 : i32
    scf.for %parallel_loop3A_865 = %parallel_loop3A_178 to %parallel_loop3A_179 step %parallel_loop3A_180  : i32 {
      %parallel_loop3A_866 = arith.constant 16 : i32
      %parallel_loop3A_867 = arith.muli %parallel_loop3A_866, %parallel_loop3A_865 : i32
      %parallel_loop3A_868 = arith.constant 0 : i32
      %parallel_loop3A_869 = arith.addi %parallel_loop3A_868, %parallel_loop3A_867 : i32
      %parallel_loop3A_870 = arith.index_cast %parallel_loop3A_869 : i32 to index
      %parallel_loop3A_871 = tpu.vector_load %arg16[%parallel_loop3A_870] {strides = array<i32>} : memref<32768xi32, #tpu.memory_space<vmem>>, vector<16xi32>,
      %parallel_loop3A_872 = tpu.vector_load_idx %arg18[%broadcast_in_dim3A_177, %parallel_loop3A_871] : memref<1x8192xf32, #tpu.memory_space<vmem>>[vector<16xi32>, vector<16xi32>], vector<16xf32>,
      %parallel_loop3A_873 = arith.index_cast %parallel_loop3A_867 : i32 to index
      %parallel_loop3A_874 = tpu.vector_load %arg19[%parallel_loop3A_873] {strides = array<i32>} : memref<16384xf32, #tpu.memory_space<vmem>>, vector<16xf32>,
      tpu.vector_store %arg19[%parallel_loop3A_873], %parallel_loop3A_872 {strides = array<i32>} : memref<16384xf32, #tpu.memory_space<vmem>>, vector<16xf32>,
    } {sc.loop_unroll_factor = 8 : i64, sc.parallel_access}
    %add3A_181 = arith.constant 0 : i32
    %add3A_182 = arith.addi %mul3A_173, %add3A_181 : i32
    %dma_start3A_183 = tpu.memref_slice %arg5[%add3A_182] : memref<17170432xf32, #tpu.memory_space<hbm>> -> memref<16384xf32, #tpu.memory_space<hbm>>
    %dma_start3A_184 = tpu.memref_slice %arg5[%add3A_182] : memref<17170432xf32, #tpu.memory_space<hbm>> -> memref<16384xf32, #tpu.memory_space<hbm>>
    tpu.enqueue_dma source(%arg19 : memref<16384xf32, #tpu.memory_space<vmem>>) target(%dma_start3A_184 : memref<16384xf32, #tpu.memory_space<hbm>>) target_semaphore(%arg24 : memref<!tpu.dma_semaphore, #tpu.memory_space<semaphore_mem>>)
    %dma_wait3A_185 = tpu.memref_slice %arg5[%add3A_145] : memref<17170432xf32, #tpu.memory_space<hbm>> -> memref<16384xf32, #tpu.memory_space<hbm>>
    %dma_wait3A_186 = tpu.memref_slice %arg5[%add3A_145] : memref<17170432xf32, #tpu.memory_space<hbm>> -> memref<16384xf32, #tpu.memory_space<hbm>>
    tpu.wait_dma2 semaphore(%arg25 : memref<!tpu.dma_semaphore, #tpu.memory_space<semaphore_mem>>) src(%arg20 : memref<16384xf32, #tpu.memory_space<vmem>>) dst(%dma_wait3A_186 : memref<16384xf32, #tpu.memory_space<hbm>>)
    %broadcast_in_dim3A_187 = arith.constant 0 : i32
    %broadcast_in_dim3A_188 = vector.broadcast %broadcast_in_dim3A_187 : i32 to vector<16xi32>
    %parallel_loop3A_189 = arith.constant 0 : i32
    %parallel_loop3A_190 = arith.constant 1024 : i32
    %parallel_loop3A_191 = arith.constant 1 : i32
    scf.for %parallel_loop3A_865 = %parallel_loop3A_189 to %parallel_loop3A_190 step %parallel_loop3A_191  : i32 {
      %parallel_loop3A_866 = arith.constant 16 : i32
      %parallel_loop3A_867 = arith.muli %parallel_loop3A_866, %parallel_loop3A_865 : i32
      %parallel_loop3A_868 = arith.constant 16384 : i32
      %parallel_loop3A_869 = arith.addi %parallel_loop3A_868, %parallel_loop3A_867 : i32
      %parallel_loop3A_870 = arith.index_cast %parallel_loop3A_869 : i32 to index
      %parallel_loop3A_871 = tpu.vector_load %arg16[%parallel_loop3A_870] {strides = array<i32>} : memref<32768xi32, #tpu.memory_space<vmem>>, vector<16xi32>,
      %parallel_loop3A_872 = tpu.vector_load_idx %arg18[%broadcast_in_dim3A_188, %parallel_loop3A_871] : memref<1x8192xf32, #tpu.memory_space<vmem>>[vector<16xi32>, vector<16xi32>], vector<16xf32>,
      %parallel_loop3A_873 = arith.index_cast %parallel_loop3A_867 : i32 to index
      %parallel_loop3A_874 = tpu.vector_load %arg20[%parallel_loop3A_873] {strides = array<i32>} : memref<16384xf32, #tpu.memory_space<vmem>>, vector<16xf32>,
      tpu.vector_store %arg20[%parallel_loop3A_873], %parallel_loop3A_872 {strides = array<i32>} : memref<16384xf32, #tpu.memory_space<vmem>>, vector<16xf32>,
    } {sc.loop_unroll_factor = 8 : i64, sc.parallel_access}
    %add3A_192 = arith.constant 16384 : i32
    %add3A_193 = arith.addi %mul3A_173, %add3A_192 : i32
    %dma_start3A_194 = tpu.memref_slice %arg5[%add3A_193] : memref<17170432xf32, #tpu.memory_space<hbm>> -> memref<16384xf32, #tpu.memory_space<hbm>>
    %dma_start3A_195 = tpu.memref_slice %arg5[%add3A_193] : memref<17170432xf32, #tpu.memory_space<hbm>> -> memref<16384xf32, #tpu.memory_space<hbm>>
    tpu.enqueue_dma source(%arg20 : memref<16384xf32, #tpu.memory_space<vmem>>) target(%dma_start3A_195 : memref<16384xf32, #tpu.memory_space<hbm>>) target_semaphore(%arg25 : memref<!tpu.dma_semaphore, #tpu.memory_space<semaphore_mem>>)
    %dma_wait3A_196 = arith.constant 0 : i32
    %dma_wait3A_197 = tpu.memref_slice %arg4[%add3A_158, %dma_wait3A_196] : memref<512x8192xf32, #tpu.memory_space<hbm>> -> memref<1x8192xf32, #tpu.memory_space<hbm>>
    %dma_wait3A_198 = arith.constant 0 : i32
    %dma_wait3A_199 = tpu.memref_slice %arg4[%add3A_158, %dma_wait3A_198] : memref<512x8192xf32, #tpu.memory_space<hbm>> -> memref<1x8192xf32, #tpu.memory_space<hbm>>
    tpu.wait_dma2 semaphore(%arg22 : memref<!tpu.dma_semaphore, #tpu.memory_space<semaphore_mem>>) src(%dma_wait3A_199 : memref<1x8192xf32, #tpu.memory_space<hbm>>) dst(%arg17 : memref<1x8192xf32, #tpu.memory_space<vmem>>)
    %mul3A_200 = arith.constant 8 : i32
    %mul3A_201 = arith.muli %mul3A_200, %arg1 : i32
    %add3A_202 = arith.constant 3 : i32
    %add3A_203 = arith.addi %mul3A_201, %add3A_202 : i32
    %mul3A_204 = arith.constant 128 : i32
    %mul3A_205 = arith.muli %mul3A_204, %add3A_95 : i32
    %add3A_206 = arith.addi %mul3A_205, %add3A_203 : i32
    %dma_start3A_207 = arith.constant 0 : i32
    %dma_start3A_208 = tpu.memref_slice %arg4[%add3A_206, %dma_start3A_207] : memref<512x8192xf32, #tpu.memory_space<hbm>> -> memref<1x8192xf32, #tpu.memory_space<hbm>>
    %dma_start3A_209 = arith.constant 0 : i32
    %dma_start3A_210 = tpu.memref_slice %arg4[%add3A_206, %dma_start3A_209] : memref<512x8192xf32, #tpu.memory_space<hbm>> -> memref<1x8192xf32, #tpu.memory_space<hbm>>
    tpu.enqueue_dma source(%dma_start3A_210 : memref<1x8192xf32, #tpu.memory_space<hbm>>) target(%arg18 : memref<1x8192xf32, #tpu.memory_space<vmem>>) target_semaphore(%arg23 : memref<!tpu.dma_semaphore, #tpu.memory_space<semaphore_mem>>)
    %mul3A_211 = arith.constant 8 : i32
    %mul3A_212 = arith.muli %mul3A_211, %arg1 : i32
    %add3A_213 = arith.constant 2 : i32
    %add3A_214 = arith.addi %mul3A_212, %add3A_213 : i32
    %mul3A_215 = arith.constant 131 : i32
    %mul3A_216 = arith.muli %mul3A_215, %add3A_95 : i32
    %add3A_217 = arith.constant 3 : i32
    %add3A_218 = arith.addi %mul3A_216, %add3A_217 : i32
    %add3A_219 = arith.addi %add3A_218, %add3A_214 : i32
    %mul3A_220 = arith.constant 32768 : i32
    %mul3A_221 = arith.muli %add3A_219, %mul3A_220 : i32
    %dma_wait3A_222 = tpu.memref_slice %arg5[%add3A_182] : memref<17170432xf32, #tpu.memory_space<hbm>> -> memref<16384xf32, #tpu.memory_space<hbm>>
    %dma_wait3A_223 = tpu.memref_slice %arg5[%add3A_182] : memref<17170432xf32, #tpu.memory_space<hbm>> -> memref<16384xf32, #tpu.memory_space<hbm>>
    tpu.wait_dma2 semaphore(%arg24 : memref<!tpu.dma_semaphore, #tpu.memory_space<semaphore_mem>>) src(%arg19 : memref<16384xf32, #tpu.memory_space<vmem>>) dst(%dma_wait3A_223 : memref<16384xf32, #tpu.memory_space<hbm>>)
    %broadcast_in_dim3A_224 = arith.constant 0 : i32
    %broadcast_in_dim3A_225 = vector.broadcast %broadcast_in_dim3A_224 : i32 to vector<16xi32>
    %parallel_loop3A_226 = arith.constant 0 : i32
    %parallel_loop3A_227 = arith.constant 1024 : i32
    %parallel_loop3A_228 = arith.constant 1 : i32
    scf.for %parallel_loop3A_865 = %parallel_loop3A_226 to %parallel_loop3A_227 step %parallel_loop3A_228  : i32 {
      %parallel_loop3A_866 = arith.constant 16 : i32
      %parallel_loop3A_867 = arith.muli %parallel_loop3A_866, %parallel_loop3A_865 : i32
      %parallel_loop3A_868 = arith.constant 0 : i32
      %parallel_loop3A_869 = arith.addi %parallel_loop3A_868, %parallel_loop3A_867 : i32
      %parallel_loop3A_870 = arith.index_cast %parallel_loop3A_869 : i32 to index
      %parallel_loop3A_871 = tpu.vector_load %arg16[%parallel_loop3A_870] {strides = array<i32>} : memref<32768xi32, #tpu.memory_space<vmem>>, vector<16xi32>,
      %parallel_loop3A_872 = tpu.vector_load_idx %arg17[%broadcast_in_dim3A_225, %parallel_loop3A_871] : memref<1x8192xf32, #tpu.memory_space<vmem>>[vector<16xi32>, vector<16xi32>], vector<16xf32>,
      %parallel_loop3A_873 = arith.index_cast %parallel_loop3A_867 : i32 to index
      %parallel_loop3A_874 = tpu.vector_load %arg19[%parallel_loop3A_873] {strides = array<i32>} : memref<16384xf32, #tpu.memory_space<vmem>>, vector<16xf32>,
      tpu.vector_store %arg19[%parallel_loop3A_873], %parallel_loop3A_872 {strides = array<i32>} : memref<16384xf32, #tpu.memory_space<vmem>>, vector<16xf32>,
    } {sc.loop_unroll_factor = 8 : i64, sc.parallel_access}
    %add3A_229 = arith.constant 0 : i32
    %add3A_230 = arith.addi %mul3A_221, %add3A_229 : i32
    %dma_start3A_231 = tpu.memref_slice %arg5[%add3A_230] : memref<17170432xf32, #tpu.memory_space<hbm>> -> memref<16384xf32, #tpu.memory_space<hbm>>
    %dma_start3A_232 = tpu.memref_slice %arg5[%add3A_230] : memref<17170432xf32, #tpu.memory_space<hbm>> -> memref<16384xf32, #tpu.memory_space<hbm>>
    tpu.enqueue_dma source(%arg19 : memref<16384xf32, #tpu.memory_space<vmem>>) target(%dma_start3A_232 : memref<16384xf32, #tpu.memory_space<hbm>>) target_semaphore(%arg24 : memref<!tpu.dma_semaphore, #tpu.memory_space<semaphore_mem>>)
    %dma_wait3A_233 = tpu.memref_slice %arg5[%add3A_193] : memref<17170432xf32, #tpu.memory_space<hbm>> -> memref<16384xf32, #tpu.memory_space<hbm>>
    %dma_wait3A_234 = tpu.memref_slice %arg5[%add3A_193] : memref<17170432xf32, #tpu.memory_space<hbm>> -> memref<16384xf32, #tpu.memory_space<hbm>>
    tpu.wait_dma2 semaphore(%arg25 : memref<!tpu.dma_semaphore, #tpu.memory_space<semaphore_mem>>) src(%arg20 : memref<16384xf32, #tpu.memory_space<vmem>>) dst(%dma_wait3A_234 : memref<16384xf32, #tpu.memory_space<hbm>>)
    %broadcast_in_dim3A_235 = arith.constant 0 : i32
    %broadcast_in_dim3A_236 = vector.broadcast %broadcast_in_dim3A_235 : i32 to vector<16xi32>
    %parallel_loop3A_237 = arith.constant 0 : i32
    %parallel_loop3A_238 = arith.constant 1024 : i32
    %parallel_loop3A_239 = arith.constant 1 : i32
    scf.for %parallel_loop3A_865 = %parallel_loop3A_237 to %parallel_loop3A_238 step %parallel_loop3A_239  : i32 {
      %parallel_loop3A_866 = arith.constant 16 : i32
      %parallel_loop3A_867 = arith.muli %parallel_loop3A_866, %parallel_loop3A_865 : i32
      %parallel_loop3A_868 = arith.constant 16384 : i32
      %parallel_loop3A_869 = arith.addi %parallel_loop3A_868, %parallel_loop3A_867 : i32
      %parallel_loop3A_870 = arith.index_cast %parallel_loop3A_869 : i32 to index
      %parallel_loop3A_871 = tpu.vector_load %arg16[%parallel_loop3A_870] {strides = array<i32>} : memref<32768xi32, #tpu.memory_space<vmem>>, vector<16xi32>,
      %parallel_loop3A_872 = tpu.vector_load_idx %arg17[%broadcast_in_dim3A_236, %parallel_loop3A_871] : memref<1x8192xf32, #tpu.memory_space<vmem>>[vector<16xi32>, vector<16xi32>], vector<16xf32>,
      %parallel_loop3A_873 = arith.index_cast %parallel_loop3A_867 : i32 to index
      %parallel_loop3A_874 = tpu.vector_load %arg20[%parallel_loop3A_873] {strides = array<i32>} : memref<16384xf32, #tpu.memory_space<vmem>>, vector<16xf32>,
      tpu.vector_store %arg20[%parallel_loop3A_873], %parallel_loop3A_872 {strides = array<i32>} : memref<16384xf32, #tpu.memory_space<vmem>>, vector<16xf32>,
    } {sc.loop_unroll_factor = 8 : i64, sc.parallel_access}
    %add3A_240 = arith.constant 16384 : i32
    %add3A_241 = arith.addi %mul3A_221, %add3A_240 : i32
    %dma_start3A_242 = tpu.memref_slice %arg5[%add3A_241] : memref<17170432xf32, #tpu.memory_space<hbm>> -> memref<16384xf32, #tpu.memory_space<hbm>>
    %dma_start3A_243 = tpu.memref_slice %arg5[%add3A_241] : memref<17170432xf32, #tpu.memory_space<hbm>> -> memref<16384xf32, #tpu.memory_space<hbm>>
    tpu.enqueue_dma source(%arg20 : memref<16384xf32, #tpu.memory_space<vmem>>) target(%dma_start3A_243 : memref<16384xf32, #tpu.memory_space<hbm>>) target_semaphore(%arg25 : memref<!tpu.dma_semaphore, #tpu.memory_space<semaphore_mem>>)
    %dma_wait3A_244 = arith.constant 0 : i32
    %dma_wait3A_245 = tpu.memref_slice %arg4[%add3A_206, %dma_wait3A_244] : memref<512x8192xf32, #tpu.memory_space<hbm>> -> memref<1x8192xf32, #tpu.memory_space<hbm>>
    %dma_wait3A_246 = arith.constant 0 : i32
    %dma_wait3A_247 = tpu.memref_slice %arg4[%add3A_206, %dma_wait3A_246] : memref<512x8192xf32, #tpu.memory_space<hbm>> -> memref<1x8192xf32, #tpu.memory_space<hbm>>
    tpu.wait_dma2 semaphore(%arg23 : memref<!tpu.dma_semaphore, #tpu.memory_space<semaphore_mem>>) src(%dma_wait3A_247 : memref<1x8192xf32, #tpu.memory_space<hbm>>) dst(%arg18 : memref<1x8192xf32, #tpu.memory_space<vmem>>)
    %mul3A_248 = arith.constant 8 : i32
    %mul3A_249 = arith.muli %mul3A_248, %arg1 : i32
    %add3A_250 = arith.constant 4 : i32
    %add3A_251 = arith.addi %mul3A_249, %add3A_250 : i32
    %mul3A_252 = arith.constant 128 : i32
    %mul3A_253 = arith.muli %mul3A_252, %add3A_95 : i32
    %add3A_254 = arith.addi %mul3A_253, %add3A_251 : i32
    %dma_start3A_255 = arith.constant 0 : i32
    %dma_start3A_256 = tpu.memref_slice %arg4[%add3A_254, %dma_start3A_255] : memref<512x8192xf32, #tpu.memory_space<hbm>> -> memref<1x8192xf32, #tpu.memory_space<hbm>>
    %dma_start3A_257 = arith.constant 0 : i32
    %dma_start3A_258 = tpu.memref_slice %arg4[%add3A_254, %dma_start3A_257] : memref<512x8192xf32, #tpu.memory_space<hbm>> -> memref<1x8192xf32, #tpu.memory_space<hbm>>
    tpu.enqueue_dma source(%dma_start3A_258 : memref<1x8192xf32, #tpu.memory_space<hbm>>) target(%arg17 : memref<1x8192xf32, #tpu.memory_space<vmem>>) target_semaphore(%arg22 : memref<!tpu.dma_semaphore, #tpu.memory_space<semaphore_mem>>)
    %mul3A_259 = arith.constant 8 : i32
    %mul3A_260 = arith.muli %mul3A_259, %arg1 : i32
    %add3A_261 = arith.constant 3 : i32
    %add3A_262 = arith.addi %mul3A_260, %add3A_261 : i32
    %mul3A_263 = arith.constant 131 : i32
    %mul3A_264 = arith.muli %mul3A_263, %add3A_95 : i32
    %add3A_265 = arith.constant 3 : i32
    %add3A_266 = arith.addi %mul3A_264, %add3A_265 : i32
    %add3A_267 = arith.addi %add3A_266, %add3A_262 : i32
    %mul3A_268 = arith.constant 32768 : i32
    %mul3A_269 = arith.muli %add3A_267, %mul3A_268 : i32
    %dma_wait3A_270 = tpu.memref_slice %arg5[%add3A_230] : memref<17170432xf32, #tpu.memory_space<hbm>> -> memref<16384xf32, #tpu.memory_space<hbm>>
    %dma_wait3A_271 = tpu.memref_slice %arg5[%add3A_230] : memref<17170432xf32, #tpu.memory_space<hbm>> -> memref<16384xf32, #tpu.memory_space<hbm>>
    tpu.wait_dma2 semaphore(%arg24 : memref<!tpu.dma_semaphore, #tpu.memory_space<semaphore_mem>>) src(%arg19 : memref<16384xf32, #tpu.memory_space<vmem>>) dst(%dma_wait3A_271 : memref<16384xf32, #tpu.memory_space<hbm>>)
    %broadcast_in_dim3A_272 = arith.constant 0 : i32
    %broadcast_in_dim3A_273 = vector.broadcast %broadcast_in_dim3A_272 : i32 to vector<16xi32>
    %parallel_loop3A_274 = arith.constant 0 : i32
    %parallel_loop3A_275 = arith.constant 1024 : i32
    %parallel_loop3A_276 = arith.constant 1 : i32
    scf.for %parallel_loop3A_865 = %parallel_loop3A_274 to %parallel_loop3A_275 step %parallel_loop3A_276  : i32 {
      %parallel_loop3A_866 = arith.constant 16 : i32
      %parallel_loop3A_867 = arith.muli %parallel_loop3A_866, %parallel_loop3A_865 : i32
      %parallel_loop3A_868 = arith.constant 0 : i32
      %parallel_loop3A_869 = arith.addi %parallel_loop3A_868, %parallel_loop3A_867 : i32
      %parallel_loop3A_870 = arith.index_cast %parallel_loop3A_869 : i32 to index
      %parallel_loop3A_871 = tpu.vector_load %arg16[%parallel_loop3A_870] {strides = array<i32>} : memref<32768xi32, #tpu.memory_space<vmem>>, vector<16xi32>,
      %parallel_loop3A_872 = tpu.vector_load_idx %arg18[%broadcast_in_dim3A_273, %parallel_loop3A_871] : memref<1x8192xf32, #tpu.memory_space<vmem>>[vector<16xi32>, vector<16xi32>], vector<16xf32>,
      %parallel_loop3A_873 = arith.index_cast %parallel_loop3A_867 : i32 to index
      %parallel_loop3A_874 = tpu.vector_load %arg19[%parallel_loop3A_873] {strides = array<i32>} : memref<16384xf32, #tpu.memory_space<vmem>>, vector<16xf32>,
      tpu.vector_store %arg19[%parallel_loop3A_873], %parallel_loop3A_872 {strides = array<i32>} : memref<16384xf32, #tpu.memory_space<vmem>>, vector<16xf32>,
    } {sc.loop_unroll_factor = 8 : i64, sc.parallel_access}
    %add3A_277 = arith.constant 0 : i32
    %add3A_278 = arith.addi %mul3A_269, %add3A_277 : i32
    %dma_start3A_279 = tpu.memref_slice %arg5[%add3A_278] : memref<17170432xf32, #tpu.memory_space<hbm>> -> memref<16384xf32, #tpu.memory_space<hbm>>
    %dma_start3A_280 = tpu.memref_slice %arg5[%add3A_278] : memref<17170432xf32, #tpu.memory_space<hbm>> -> memref<16384xf32, #tpu.memory_space<hbm>>
    tpu.enqueue_dma source(%arg19 : memref<16384xf32, #tpu.memory_space<vmem>>) target(%dma_start3A_280 : memref<16384xf32, #tpu.memory_space<hbm>>) target_semaphore(%arg24 : memref<!tpu.dma_semaphore, #tpu.memory_space<semaphore_mem>>)
    %dma_wait3A_281 = tpu.memref_slice %arg5[%add3A_241] : memref<17170432xf32, #tpu.memory_space<hbm>> -> memref<16384xf32, #tpu.memory_space<hbm>>
    %dma_wait3A_282 = tpu.memref_slice %arg5[%add3A_241] : memref<17170432xf32, #tpu.memory_space<hbm>> -> memref<16384xf32, #tpu.memory_space<hbm>>
    tpu.wait_dma2 semaphore(%arg25 : memref<!tpu.dma_semaphore, #tpu.memory_space<semaphore_mem>>) src(%arg20 : memref<16384xf32, #tpu.memory_space<vmem>>) dst(%dma_wait3A_282 : memref<16384xf32, #tpu.memory_space<hbm>>)
    %broadcast_in_dim3A_283 = arith.constant 0 : i32
    %broadcast_in_dim3A_284 = vector.broadcast %broadcast_in_dim3A_283 : i32 to vector<16xi32>
    %parallel_loop3A_285 = arith.constant 0 : i32
    %parallel_loop3A_286 = arith.constant 1024 : i32
    %parallel_loop3A_287 = arith.constant 1 : i32
    scf.for %parallel_loop3A_865 = %parallel_loop3A_285 to %parallel_loop3A_286 step %parallel_loop3A_287  : i32 {
      %parallel_loop3A_866 = arith.constant 16 : i32
      %parallel_loop3A_867 = arith.muli %parallel_loop3A_866, %parallel_loop3A_865 : i32
      %parallel_loop3A_868 = arith.constant 16384 : i32
      %parallel_loop3A_869 = arith.addi %parallel_loop3A_868, %parallel_loop3A_867 : i32
      %parallel_loop3A_870 = arith.index_cast %parallel_loop3A_869 : i32 to index
      %parallel_loop3A_871 = tpu.vector_load %arg16[%parallel_loop3A_870] {strides = array<i32>} : memref<32768xi32, #tpu.memory_space<vmem>>, vector<16xi32>,
      %parallel_loop3A_872 = tpu.vector_load_idx %arg18[%broadcast_in_dim3A_284, %parallel_loop3A_871] : memref<1x8192xf32, #tpu.memory_space<vmem>>[vector<16xi32>, vector<16xi32>], vector<16xf32>,
      %parallel_loop3A_873 = arith.index_cast %parallel_loop3A_867 : i32 to index
      %parallel_loop3A_874 = tpu.vector_load %arg20[%parallel_loop3A_873] {strides = array<i32>} : memref<16384xf32, #tpu.memory_space<vmem>>, vector<16xf32>,
      tpu.vector_store %arg20[%parallel_loop3A_873], %parallel_loop3A_872 {strides = array<i32>} : memref<16384xf32, #tpu.memory_space<vmem>>, vector<16xf32>,
    } {sc.loop_unroll_factor = 8 : i64, sc.parallel_access}
    %add3A_288 = arith.constant 16384 : i32
    %add3A_289 = arith.addi %mul3A_269, %add3A_288 : i32
    %dma_start3A_290 = tpu.memref_slice %arg5[%add3A_289] : memref<17170432xf32, #tpu.memory_space<hbm>> -> memref<16384xf32, #tpu.memory_space<hbm>>
    %dma_start3A_291 = tpu.memref_slice %arg5[%add3A_289] : memref<17170432xf32, #tpu.memory_space<hbm>> -> memref<16384xf32, #tpu.memory_space<hbm>>
    tpu.enqueue_dma source(%arg20 : memref<16384xf32, #tpu.memory_space<vmem>>) target(%dma_start3A_291 : memref<16384xf32, #tpu.memory_space<hbm>>) target_semaphore(%arg25 : memref<!tpu.dma_semaphore, #tpu.memory_space<semaphore_mem>>)
    %dma_wait3A_292 = arith.constant 0 : i32
    %dma_wait3A_293 = tpu.memref_slice %arg4[%add3A_254, %dma_wait3A_292] : memref<512x8192xf32, #tpu.memory_space<hbm>> -> memref<1x8192xf32, #tpu.memory_space<hbm>>
    %dma_wait3A_294 = arith.constant 0 : i32
    %dma_wait3A_295 = tpu.memref_slice %arg4[%add3A_254, %dma_wait3A_294] : memref<512x8192xf32, #tpu.memory_space<hbm>> -> memref<1x8192xf32, #tpu.memory_space<hbm>>
    tpu.wait_dma2 semaphore(%arg22 : memref<!tpu.dma_semaphore, #tpu.memory_space<semaphore_mem>>) src(%dma_wait3A_295 : memref<1x8192xf32, #tpu.memory_space<hbm>>) dst(%arg17 : memref<1x8192xf32, #tpu.memory_space<vmem>>)
    %mul3A_296 = arith.constant 8 : i32
    %mul3A_297 = arith.muli %mul3A_296, %arg1 : i32
    %add3A_298 = arith.constant 5 : i32
    %add3A_299 = arith.addi %mul3A_297, %add3A_298 : i32
    %mul3A_300 = arith.constant 128 : i32
    %mul3A_301 = arith.muli %mul3A_300, %add3A_95 : i32
    %add3A_302 = arith.addi %mul3A_301, %add3A_299 : i32
    %dma_start3A_303 = arith.constant 0 : i32
    %dma_start3A_304 = tpu.memref_slice %arg4[%add3A_302, %dma_start3A_303] : memref<512x8192xf32, #tpu.memory_space<hbm>> -> memref<1x8192xf32, #tpu.memory_space<hbm>>
    %dma_start3A_305 = arith.constant 0 : i32
    %dma_start3A_306 = tpu.memref_slice %arg4[%add3A_302, %dma_start3A_305] : memref<512x8192xf32, #tpu.memory_space<hbm>> -> memref<1x8192xf32, #tpu.memory_space<hbm>>
    tpu.enqueue_dma source(%dma_start3A_306 : memref<1x8192xf32, #tpu.memory_space<hbm>>) target(%arg18 : memref<1x8192xf32, #tpu.memory_space<vmem>>) target_semaphore(%arg23 : memref<!tpu.dma_semaphore, #tpu.memory_space<semaphore_mem>>)
    %mul3A_307 = arith.constant 8 : i32
    %mul3A_308 = arith.muli %mul3A_307, %arg1 : i32
    %add3A_309 = arith.constant 4 : i32
    %add3A_310 = arith.addi %mul3A_308, %add3A_309 : i32
    %mul3A_311 = arith.constant 131 : i32
    %mul3A_312 = arith.muli %mul3A_311, %add3A_95 : i32
    %add3A_313 = arith.constant 3 : i32
    %add3A_314 = arith.addi %mul3A_312, %add3A_313 : i32
    %add3A_315 = arith.addi %add3A_314, %add3A_310 : i32
    %mul3A_316 = arith.constant 32768 : i32
    %mul3A_317 = arith.muli %add3A_315, %mul3A_316 : i32
    %dma_wait3A_318 = tpu.memref_slice %arg5[%add3A_278] : memref<17170432xf32, #tpu.memory_space<hbm>> -> memref<16384xf32, #tpu.memory_space<hbm>>
    %dma_wait3A_319 = tpu.memref_slice %arg5[%add3A_278] : memref<17170432xf32, #tpu.memory_space<hbm>> -> memref<16384xf32, #tpu.memory_space<hbm>>
    tpu.wait_dma2 semaphore(%arg24 : memref<!tpu.dma_semaphore, #tpu.memory_space<semaphore_mem>>) src(%arg19 : memref<16384xf32, #tpu.memory_space<vmem>>) dst(%dma_wait3A_319 : memref<16384xf32, #tpu.memory_space<hbm>>)
    %broadcast_in_dim3A_320 = arith.constant 0 : i32
    %broadcast_in_dim3A_321 = vector.broadcast %broadcast_in_dim3A_320 : i32 to vector<16xi32>
    %parallel_loop3A_322 = arith.constant 0 : i32
    %parallel_loop3A_323 = arith.constant 1024 : i32
    %parallel_loop3A_324 = arith.constant 1 : i32
    scf.for %parallel_loop3A_865 = %parallel_loop3A_322 to %parallel_loop3A_323 step %parallel_loop3A_324  : i32 {
      %parallel_loop3A_866 = arith.constant 16 : i32
      %parallel_loop3A_867 = arith.muli %parallel_loop3A_866, %parallel_loop3A_865 : i32
      %parallel_loop3A_868 = arith.constant 0 : i32
      %parallel_loop3A_869 = arith.addi %parallel_loop3A_868, %parallel_loop3A_867 : i32
      %parallel_loop3A_870 = arith.index_cast %parallel_loop3A_869 : i32 to index
      %parallel_loop3A_871 = tpu.vector_load %arg16[%parallel_loop3A_870] {strides = array<i32>} : memref<32768xi32, #tpu.memory_space<vmem>>, vector<16xi32>,
      %parallel_loop3A_872 = tpu.vector_load_idx %arg17[%broadcast_in_dim3A_321, %parallel_loop3A_871] : memref<1x8192xf32, #tpu.memory_space<vmem>>[vector<16xi32>, vector<16xi32>], vector<16xf32>,
      %parallel_loop3A_873 = arith.index_cast %parallel_loop3A_867 : i32 to index
      %parallel_loop3A_874 = tpu.vector_load %arg19[%parallel_loop3A_873] {strides = array<i32>} : memref<16384xf32, #tpu.memory_space<vmem>>, vector<16xf32>,
      tpu.vector_store %arg19[%parallel_loop3A_873], %parallel_loop3A_872 {strides = array<i32>} : memref<16384xf32, #tpu.memory_space<vmem>>, vector<16xf32>,
    } {sc.loop_unroll_factor = 8 : i64, sc.parallel_access}
    %add3A_325 = arith.constant 0 : i32
    %add3A_326 = arith.addi %mul3A_317, %add3A_325 : i32
    %dma_start3A_327 = tpu.memref_slice %arg5[%add3A_326] : memref<17170432xf32, #tpu.memory_space<hbm>> -> memref<16384xf32, #tpu.memory_space<hbm>>
    %dma_start3A_328 = tpu.memref_slice %arg5[%add3A_326] : memref<17170432xf32, #tpu.memory_space<hbm>> -> memref<16384xf32, #tpu.memory_space<hbm>>
    tpu.enqueue_dma source(%arg19 : memref<16384xf32, #tpu.memory_space<vmem>>) target(%dma_start3A_328 : memref<16384xf32, #tpu.memory_space<hbm>>) target_semaphore(%arg24 : memref<!tpu.dma_semaphore, #tpu.memory_space<semaphore_mem>>)
    %dma_wait3A_329 = tpu.memref_slice %arg5[%add3A_289] : memref<17170432xf32, #tpu.memory_space<hbm>> -> memref<16384xf32, #tpu.memory_space<hbm>>
    %dma_wait3A_330 = tpu.memref_slice %arg5[%add3A_289] : memref<17170432xf32, #tpu.memory_space<hbm>> -> memref<16384xf32, #tpu.memory_space<hbm>>
    tpu.wait_dma2 semaphore(%arg25 : memref<!tpu.dma_semaphore, #tpu.memory_space<semaphore_mem>>) src(%arg20 : memref<16384xf32, #tpu.memory_space<vmem>>) dst(%dma_wait3A_330 : memref<16384xf32, #tpu.memory_space<hbm>>)
    %broadcast_in_dim3A_331 = arith.constant 0 : i32
    %broadcast_in_dim3A_332 = vector.broadcast %broadcast_in_dim3A_331 : i32 to vector<16xi32>
    %parallel_loop3A_333 = arith.constant 0 : i32
    %parallel_loop3A_334 = arith.constant 1024 : i32
    %parallel_loop3A_335 = arith.constant 1 : i32
    scf.for %parallel_loop3A_865 = %parallel_loop3A_333 to %parallel_loop3A_334 step %parallel_loop3A_335  : i32 {
      %parallel_loop3A_866 = arith.constant 16 : i32
      %parallel_loop3A_867 = arith.muli %parallel_loop3A_866, %parallel_loop3A_865 : i32
      %parallel_loop3A_868 = arith.constant 16384 : i32
      %parallel_loop3A_869 = arith.addi %parallel_loop3A_868, %parallel_loop3A_867 : i32
      %parallel_loop3A_870 = arith.index_cast %parallel_loop3A_869 : i32 to index
      %parallel_loop3A_871 = tpu.vector_load %arg16[%parallel_loop3A_870] {strides = array<i32>} : memref<32768xi32, #tpu.memory_space<vmem>>, vector<16xi32>,
      %parallel_loop3A_872 = tpu.vector_load_idx %arg17[%broadcast_in_dim3A_332, %parallel_loop3A_871] : memref<1x8192xf32, #tpu.memory_space<vmem>>[vector<16xi32>, vector<16xi32>], vector<16xf32>,
      %parallel_loop3A_873 = arith.index_cast %parallel_loop3A_867 : i32 to index
      %parallel_loop3A_874 = tpu.vector_load %arg20[%parallel_loop3A_873] {strides = array<i32>} : memref<16384xf32, #tpu.memory_space<vmem>>, vector<16xf32>,
      tpu.vector_store %arg20[%parallel_loop3A_873], %parallel_loop3A_872 {strides = array<i32>} : memref<16384xf32, #tpu.memory_space<vmem>>, vector<16xf32>,
    } {sc.loop_unroll_factor = 8 : i64, sc.parallel_access}
    %add3A_336 = arith.constant 16384 : i32
    %add3A_337 = arith.addi %mul3A_317, %add3A_336 : i32
    %dma_start3A_338 = tpu.memref_slice %arg5[%add3A_337] : memref<17170432xf32, #tpu.memory_space<hbm>> -> memref<16384xf32, #tpu.memory_space<hbm>>
    %dma_start3A_339 = tpu.memref_slice %arg5[%add3A_337] : memref<17170432xf32, #tpu.memory_space<hbm>> -> memref<16384xf32, #tpu.memory_space<hbm>>
    tpu.enqueue_dma source(%arg20 : memref<16384xf32, #tpu.memory_space<vmem>>) target(%dma_start3A_339 : memref<16384xf32, #tpu.memory_space<hbm>>) target_semaphore(%arg25 : memref<!tpu.dma_semaphore, #tpu.memory_space<semaphore_mem>>)
    %dma_wait3A_340 = arith.constant 0 : i32
    %dma_wait3A_341 = tpu.memref_slice %arg4[%add3A_302, %dma_wait3A_340] : memref<512x8192xf32, #tpu.memory_space<hbm>> -> memref<1x8192xf32, #tpu.memory_space<hbm>>
    %dma_wait3A_342 = arith.constant 0 : i32
    %dma_wait3A_343 = tpu.memref_slice %arg4[%add3A_302, %dma_wait3A_342] : memref<512x8192xf32, #tpu.memory_space<hbm>> -> memref<1x8192xf32, #tpu.memory_space<hbm>>
    tpu.wait_dma2 semaphore(%arg23 : memref<!tpu.dma_semaphore, #tpu.memory_space<semaphore_mem>>) src(%dma_wait3A_343 : memref<1x8192xf32, #tpu.memory_space<hbm>>) dst(%arg18 : memref<1x8192xf32, #tpu.memory_space<vmem>>)
    %mul3A_344 = arith.constant 8 : i32
    %mul3A_345 = arith.muli %mul3A_344, %arg1 : i32
    %add3A_346 = arith.constant 6 : i32
    %add3A_347 = arith.addi %mul3A_345, %add3A_346 : i32
    %mul3A_348 = arith.constant 128 : i32
    %mul3A_349 = arith.muli %mul3A_348, %add3A_95 : i32
    %add3A_350 = arith.addi %mul3A_349, %add3A_347 : i32
    %dma_start3A_351 = arith.constant 0 : i32
    %dma_start3A_352 = tpu.memref_slice %arg4[%add3A_350, %dma_start3A_351] : memref<512x8192xf32, #tpu.memory_space<hbm>> -> memref<1x8192xf32, #tpu.memory_space<hbm>>
    %dma_start3A_353 = arith.constant 0 : i32
    %dma_start3A_354 = tpu.memref_slice %arg4[%add3A_350, %dma_start3A_353] : memref<512x8192xf32, #tpu.memory_space<hbm>> -> memref<1x8192xf32, #tpu.memory_space<hbm>>
    tpu.enqueue_dma source(%dma_start3A_354 : memref<1x8192xf32, #tpu.memory_space<hbm>>) target(%arg17 : memref<1x8192xf32, #tpu.memory_space<vmem>>) target_semaphore(%arg22 : memref<!tpu.dma_semaphore, #tpu.memory_space<semaphore_mem>>)
    %mul3A_355 = arith.constant 8 : i32
    %mul3A_356 = arith.muli %mul3A_355, %arg1 : i32
    %add3A_357 = arith.constant 5 : i32
    %add3A_358 = arith.addi %mul3A_356, %add3A_357 : i32
    %mul3A_359 = arith.constant 131 : i32
    %mul3A_360 = arith.muli %mul3A_359, %add3A_95 : i32
    %add3A_361 = arith.constant 3 : i32
    %add3A_362 = arith.addi %mul3A_360, %add3A_361 : i32
    %add3A_363 = arith.addi %add3A_362, %add3A_358 : i32
    %mul3A_364 = arith.constant 32768 : i32
    %mul3A_365 = arith.muli %add3A_363, %mul3A_364 : i32
    %dma_wait3A_366 = tpu.memref_slice %arg5[%add3A_326] : memref<17170432xf32, #tpu.memory_space<hbm>> -> memref<16384xf32, #tpu.memory_space<hbm>>
    %dma_wait3A_367 = tpu.memref_slice %arg5[%add3A_326] : memref<17170432xf32, #tpu.memory_space<hbm>> -> memref<16384xf32, #tpu.memory_space<hbm>>
    tpu.wait_dma2 semaphore(%arg24 : memref<!tpu.dma_semaphore, #tpu.memory_space<semaphore_mem>>) src(%arg19 : memref<16384xf32, #tpu.memory_space<vmem>>) dst(%dma_wait3A_367 : memref<16384xf32, #tpu.memory_space<hbm>>)
    %broadcast_in_dim3A_368 = arith.constant 0 : i32
    %broadcast_in_dim3A_369 = vector.broadcast %broadcast_in_dim3A_368 : i32 to vector<16xi32>
    %parallel_loop3A_370 = arith.constant 0 : i32
    %parallel_loop3A_371 = arith.constant 1024 : i32
    %parallel_loop3A_372 = arith.constant 1 : i32
    scf.for %parallel_loop3A_865 = %parallel_loop3A_370 to %parallel_loop3A_371 step %parallel_loop3A_372  : i32 {
      %parallel_loop3A_866 = arith.constant 16 : i32
      %parallel_loop3A_867 = arith.muli %parallel_loop3A_866, %parallel_loop3A_865 : i32
      %parallel_loop3A_868 = arith.constant 0 : i32
      %parallel_loop3A_869 = arith.addi %parallel_loop3A_868, %parallel_loop3A_867 : i32
      %parallel_loop3A_870 = arith.index_cast %parallel_loop3A_869 : i32 to index
      %parallel_loop3A_871 = tpu.vector_load %arg16[%parallel_loop3A_870] {strides = array<i32>} : memref<32768xi32, #tpu.memory_space<vmem>>, vector<16xi32>,
      %parallel_loop3A_872 = tpu.vector_load_idx %arg18[%broadcast_in_dim3A_369, %parallel_loop3A_871] : memref<1x8192xf32, #tpu.memory_space<vmem>>[vector<16xi32>, vector<16xi32>], vector<16xf32>,
      %parallel_loop3A_873 = arith.index_cast %parallel_loop3A_867 : i32 to index
      %parallel_loop3A_874 = tpu.vector_load %arg19[%parallel_loop3A_873] {strides = array<i32>} : memref<16384xf32, #tpu.memory_space<vmem>>, vector<16xf32>,
      tpu.vector_store %arg19[%parallel_loop3A_873], %parallel_loop3A_872 {strides = array<i32>} : memref<16384xf32, #tpu.memory_space<vmem>>, vector<16xf32>,
    } {sc.loop_unroll_factor = 8 : i64, sc.parallel_access}
    %add3A_373 = arith.constant 0 : i32
    %add3A_374 = arith.addi %mul3A_365, %add3A_373 : i32
    %dma_start3A_375 = tpu.memref_slice %arg5[%add3A_374] : memref<17170432xf32, #tpu.memory_space<hbm>> -> memref<16384xf32, #tpu.memory_space<hbm>>
    %dma_start3A_376 = tpu.memref_slice %arg5[%add3A_374] : memref<17170432xf32, #tpu.memory_space<hbm>> -> memref<16384xf32, #tpu.memory_space<hbm>>
    tpu.enqueue_dma source(%arg19 : memref<16384xf32, #tpu.memory_space<vmem>>) target(%dma_start3A_376 : memref<16384xf32, #tpu.memory_space<hbm>>) target_semaphore(%arg24 : memref<!tpu.dma_semaphore, #tpu.memory_space<semaphore_mem>>)
    %dma_wait3A_377 = tpu.memref_slice %arg5[%add3A_337] : memref<17170432xf32, #tpu.memory_space<hbm>> -> memref<16384xf32, #tpu.memory_space<hbm>>
    %dma_wait3A_378 = tpu.memref_slice %arg5[%add3A_337] : memref<17170432xf32, #tpu.memory_space<hbm>> -> memref<16384xf32, #tpu.memory_space<hbm>>
    tpu.wait_dma2 semaphore(%arg25 : memref<!tpu.dma_semaphore, #tpu.memory_space<semaphore_mem>>) src(%arg20 : memref<16384xf32, #tpu.memory_space<vmem>>) dst(%dma_wait3A_378 : memref<16384xf32, #tpu.memory_space<hbm>>)
    %broadcast_in_dim3A_379 = arith.constant 0 : i32
    %broadcast_in_dim3A_380 = vector.broadcast %broadcast_in_dim3A_379 : i32 to vector<16xi32>
    %parallel_loop3A_381 = arith.constant 0 : i32
    %parallel_loop3A_382 = arith.constant 1024 : i32
    %parallel_loop3A_383 = arith.constant 1 : i32
    scf.for %parallel_loop3A_865 = %parallel_loop3A_381 to %parallel_loop3A_382 step %parallel_loop3A_383  : i32 {
      %parallel_loop3A_866 = arith.constant 16 : i32
      %parallel_loop3A_867 = arith.muli %parallel_loop3A_866, %parallel_loop3A_865 : i32
      %parallel_loop3A_868 = arith.constant 16384 : i32
      %parallel_loop3A_869 = arith.addi %parallel_loop3A_868, %parallel_loop3A_867 : i32
      %parallel_loop3A_870 = arith.index_cast %parallel_loop3A_869 : i32 to index
      %parallel_loop3A_871 = tpu.vector_load %arg16[%parallel_loop3A_870] {strides = array<i32>} : memref<32768xi32, #tpu.memory_space<vmem>>, vector<16xi32>,
      %parallel_loop3A_872 = tpu.vector_load_idx %arg18[%broadcast_in_dim3A_380, %parallel_loop3A_871] : memref<1x8192xf32, #tpu.memory_space<vmem>>[vector<16xi32>, vector<16xi32>], vector<16xf32>,
      %parallel_loop3A_873 = arith.index_cast %parallel_loop3A_867 : i32 to index
      %parallel_loop3A_874 = tpu.vector_load %arg20[%parallel_loop3A_873] {strides = array<i32>} : memref<16384xf32, #tpu.memory_space<vmem>>, vector<16xf32>,
      tpu.vector_store %arg20[%parallel_loop3A_873], %parallel_loop3A_872 {strides = array<i32>} : memref<16384xf32, #tpu.memory_space<vmem>>, vector<16xf32>,
    } {sc.loop_unroll_factor = 8 : i64, sc.parallel_access}
    %add3A_384 = arith.constant 16384 : i32
    %add3A_385 = arith.addi %mul3A_365, %add3A_384 : i32
    %dma_start3A_386 = tpu.memref_slice %arg5[%add3A_385] : memref<17170432xf32, #tpu.memory_space<hbm>> -> memref<16384xf32, #tpu.memory_space<hbm>>
    %dma_start3A_387 = tpu.memref_slice %arg5[%add3A_385] : memref<17170432xf32, #tpu.memory_space<hbm>> -> memref<16384xf32, #tpu.memory_space<hbm>>
    tpu.enqueue_dma source(%arg20 : memref<16384xf32, #tpu.memory_space<vmem>>) target(%dma_start3A_387 : memref<16384xf32, #tpu.memory_space<hbm>>) target_semaphore(%arg25 : memref<!tpu.dma_semaphore, #tpu.memory_space<semaphore_mem>>)
    %dma_wait3A_388 = arith.constant 0 : i32
    %dma_wait3A_389 = tpu.memref_slice %arg4[%add3A_350, %dma_wait3A_388] : memref<512x8192xf32, #tpu.memory_space<hbm>> -> memref<1x8192xf32, #tpu.memory_space<hbm>>
    %dma_wait3A_390 = arith.constant 0 : i32
    %dma_wait3A_391 = tpu.memref_slice %arg4[%add3A_350, %dma_wait3A_390] : memref<512x8192xf32, #tpu.memory_space<hbm>> -> memref<1x8192xf32, #tpu.memory_space<hbm>>
    tpu.wait_dma2 semaphore(%arg22 : memref<!tpu.dma_semaphore, #tpu.memory_space<semaphore_mem>>) src(%dma_wait3A_391 : memref<1x8192xf32, #tpu.memory_space<hbm>>) dst(%arg17 : memref<1x8192xf32, #tpu.memory_space<vmem>>)
    %mul3A_392 = arith.constant 8 : i32
    %mul3A_393 = arith.muli %mul3A_392, %arg1 : i32
    %add3A_394 = arith.constant 7 : i32
    %add3A_395 = arith.addi %mul3A_393, %add3A_394 : i32
    %mul3A_396 = arith.constant 128 : i32
    %mul3A_397 = arith.muli %mul3A_396, %add3A_95 : i32
    %add3A_398 = arith.addi %mul3A_397, %add3A_395 : i32
    %dma_start3A_399 = arith.constant 0 : i32
    %dma_start3A_400 = tpu.memref_slice %arg4[%add3A_398, %dma_start3A_399] : memref<512x8192xf32, #tpu.memory_space<hbm>> -> memref<1x8192xf32, #tpu.memory_space<hbm>>
    %dma_start3A_401 = arith.constant 0 : i32
    %dma_start3A_402 = tpu.memref_slice %arg4[%add3A_398, %dma_start3A_401] : memref<512x8192xf32, #tpu.memory_space<hbm>> -> memref<1x8192xf32, #tpu.memory_space<hbm>>
    tpu.enqueue_dma source(%dma_start3A_402 : memref<1x8192xf32, #tpu.memory_space<hbm>>) target(%arg18 : memref<1x8192xf32, #tpu.memory_space<vmem>>) target_semaphore(%arg23 : memref<!tpu.dma_semaphore, #tpu.memory_space<semaphore_mem>>)
    %mul3A_403 = arith.constant 8 : i32
    %mul3A_404 = arith.muli %mul3A_403, %arg1 : i32
    %add3A_405 = arith.constant 6 : i32
    %add3A_406 = arith.addi %mul3A_404, %add3A_405 : i32
    %mul3A_407 = arith.constant 131 : i32
    %mul3A_408 = arith.muli %mul3A_407, %add3A_95 : i32
    %add3A_409 = arith.constant 3 : i32
    %add3A_410 = arith.addi %mul3A_408, %add3A_409 : i32
    %add3A_411 = arith.addi %add3A_410, %add3A_406 : i32
    %mul3A_412 = arith.constant 32768 : i32
    %mul3A_413 = arith.muli %add3A_411, %mul3A_412 : i32
    %dma_wait3A_414 = tpu.memref_slice %arg5[%add3A_374] : memref<17170432xf32, #tpu.memory_space<hbm>> -> memref<16384xf32, #tpu.memory_space<hbm>>
    %dma_wait3A_415 = tpu.memref_slice %arg5[%add3A_374] : memref<17170432xf32, #tpu.memory_space<hbm>> -> memref<16384xf32, #tpu.memory_space<hbm>>
    tpu.wait_dma2 semaphore(%arg24 : memref<!tpu.dma_semaphore, #tpu.memory_space<semaphore_mem>>) src(%arg19 : memref<16384xf32, #tpu.memory_space<vmem>>) dst(%dma_wait3A_415 : memref<16384xf32, #tpu.memory_space<hbm>>)
    %broadcast_in_dim3A_416 = arith.constant 0 : i32
    %broadcast_in_dim3A_417 = vector.broadcast %broadcast_in_dim3A_416 : i32 to vector<16xi32>
    %parallel_loop3A_418 = arith.constant 0 : i32
    %parallel_loop3A_419 = arith.constant 1024 : i32
    %parallel_loop3A_420 = arith.constant 1 : i32
    scf.for %parallel_loop3A_865 = %parallel_loop3A_418 to %parallel_loop3A_419 step %parallel_loop3A_420  : i32 {
      %parallel_loop3A_866 = arith.constant 16 : i32
      %parallel_loop3A_867 = arith.muli %parallel_loop3A_866, %parallel_loop3A_865 : i32
      %parallel_loop3A_868 = arith.constant 0 : i32
      %parallel_loop3A_869 = arith.addi %parallel_loop3A_868, %parallel_loop3A_867 : i32
      %parallel_loop3A_870 = arith.index_cast %parallel_loop3A_869 : i32 to index
      %parallel_loop3A_871 = tpu.vector_load %arg16[%parallel_loop3A_870] {strides = array<i32>} : memref<32768xi32, #tpu.memory_space<vmem>>, vector<16xi32>,
      %parallel_loop3A_872 = tpu.vector_load_idx %arg17[%broadcast_in_dim3A_417, %parallel_loop3A_871] : memref<1x8192xf32, #tpu.memory_space<vmem>>[vector<16xi32>, vector<16xi32>], vector<16xf32>,
      %parallel_loop3A_873 = arith.index_cast %parallel_loop3A_867 : i32 to index
      %parallel_loop3A_874 = tpu.vector_load %arg19[%parallel_loop3A_873] {strides = array<i32>} : memref<16384xf32, #tpu.memory_space<vmem>>, vector<16xf32>,
      tpu.vector_store %arg19[%parallel_loop3A_873], %parallel_loop3A_872 {strides = array<i32>} : memref<16384xf32, #tpu.memory_space<vmem>>, vector<16xf32>,
    } {sc.loop_unroll_factor = 8 : i64, sc.parallel_access}
    %add3A_421 = arith.constant 0 : i32
    %add3A_422 = arith.addi %mul3A_413, %add3A_421 : i32
    %dma_start3A_423 = tpu.memref_slice %arg5[%add3A_422] : memref<17170432xf32, #tpu.memory_space<hbm>> -> memref<16384xf32, #tpu.memory_space<hbm>>
    %dma_start3A_424 = tpu.memref_slice %arg5[%add3A_422] : memref<17170432xf32, #tpu.memory_space<hbm>> -> memref<16384xf32, #tpu.memory_space<hbm>>
    tpu.enqueue_dma source(%arg19 : memref<16384xf32, #tpu.memory_space<vmem>>) target(%dma_start3A_424 : memref<16384xf32, #tpu.memory_space<hbm>>) target_semaphore(%arg24 : memref<!tpu.dma_semaphore, #tpu.memory_space<semaphore_mem>>)
    %dma_wait3A_425 = tpu.memref_slice %arg5[%add3A_385] : memref<17170432xf32, #tpu.memory_space<hbm>> -> memref<16384xf32, #tpu.memory_space<hbm>>
    %dma_wait3A_426 = tpu.memref_slice %arg5[%add3A_385] : memref<17170432xf32, #tpu.memory_space<hbm>> -> memref<16384xf32, #tpu.memory_space<hbm>>
    tpu.wait_dma2 semaphore(%arg25 : memref<!tpu.dma_semaphore, #tpu.memory_space<semaphore_mem>>) src(%arg20 : memref<16384xf32, #tpu.memory_space<vmem>>) dst(%dma_wait3A_426 : memref<16384xf32, #tpu.memory_space<hbm>>)
    %broadcast_in_dim3A_427 = arith.constant 0 : i32
    %broadcast_in_dim3A_428 = vector.broadcast %broadcast_in_dim3A_427 : i32 to vector<16xi32>
    %parallel_loop3A_429 = arith.constant 0 : i32
    %parallel_loop3A_430 = arith.constant 1024 : i32
    %parallel_loop3A_431 = arith.constant 1 : i32
    scf.for %parallel_loop3A_865 = %parallel_loop3A_429 to %parallel_loop3A_430 step %parallel_loop3A_431  : i32 {
      %parallel_loop3A_866 = arith.constant 16 : i32
      %parallel_loop3A_867 = arith.muli %parallel_loop3A_866, %parallel_loop3A_865 : i32
      %parallel_loop3A_868 = arith.constant 16384 : i32
      %parallel_loop3A_869 = arith.addi %parallel_loop3A_868, %parallel_loop3A_867 : i32
      %parallel_loop3A_870 = arith.index_cast %parallel_loop3A_869 : i32 to index
      %parallel_loop3A_871 = tpu.vector_load %arg16[%parallel_loop3A_870] {strides = array<i32>} : memref<32768xi32, #tpu.memory_space<vmem>>, vector<16xi32>,
      %parallel_loop3A_872 = tpu.vector_load_idx %arg17[%broadcast_in_dim3A_428, %parallel_loop3A_871] : memref<1x8192xf32, #tpu.memory_space<vmem>>[vector<16xi32>, vector<16xi32>], vector<16xf32>,
      %parallel_loop3A_873 = arith.index_cast %parallel_loop3A_867 : i32 to index
      %parallel_loop3A_874 = tpu.vector_load %arg20[%parallel_loop3A_873] {strides = array<i32>} : memref<16384xf32, #tpu.memory_space<vmem>>, vector<16xf32>,
      tpu.vector_store %arg20[%parallel_loop3A_873], %parallel_loop3A_872 {strides = array<i32>} : memref<16384xf32, #tpu.memory_space<vmem>>, vector<16xf32>,
    } {sc.loop_unroll_factor = 8 : i64, sc.parallel_access}
    %add3A_432 = arith.constant 16384 : i32
    %add3A_433 = arith.addi %mul3A_413, %add3A_432 : i32
    %dma_start3A_434 = tpu.memref_slice %arg5[%add3A_433] : memref<17170432xf32, #tpu.memory_space<hbm>> -> memref<16384xf32, #tpu.memory_space<hbm>>
    %dma_start3A_435 = tpu.memref_slice %arg5[%add3A_433] : memref<17170432xf32, #tpu.memory_space<hbm>> -> memref<16384xf32, #tpu.memory_space<hbm>>
    tpu.enqueue_dma source(%arg20 : memref<16384xf32, #tpu.memory_space<vmem>>) target(%dma_start3A_435 : memref<16384xf32, #tpu.memory_space<hbm>>) target_semaphore(%arg25 : memref<!tpu.dma_semaphore, #tpu.memory_space<semaphore_mem>>)
    %dma_wait3A_436 = arith.constant 0 : i32
    %dma_wait3A_437 = tpu.memref_slice %arg4[%add3A_398, %dma_wait3A_436] : memref<512x8192xf32, #tpu.memory_space<hbm>> -> memref<1x8192xf32, #tpu.memory_space<hbm>>
    %dma_wait3A_438 = arith.constant 0 : i32
    %dma_wait3A_439 = tpu.memref_slice %arg4[%add3A_398, %dma_wait3A_438] : memref<512x8192xf32, #tpu.memory_space<hbm>> -> memref<1x8192xf32, #tpu.memory_space<hbm>>
    tpu.wait_dma2 semaphore(%arg23 : memref<!tpu.dma_semaphore, #tpu.memory_space<semaphore_mem>>) src(%dma_wait3A_439 : memref<1x8192xf32, #tpu.memory_space<hbm>>) dst(%arg18 : memref<1x8192xf32, #tpu.memory_space<vmem>>)
    %mul3A_440 = arith.constant 8 : i32
    %mul3A_441 = arith.muli %mul3A_440, %arg1 : i32
    %add3A_442 = arith.constant 7 : i32
    %add3A_443 = arith.addi %mul3A_441, %add3A_442 : i32
    %mul3A_444 = arith.constant 131 : i32
    %mul3A_445 = arith.muli %mul3A_444, %add3A_95 : i32
    %add3A_446 = arith.constant 3 : i32
    %add3A_447 = arith.addi %mul3A_445, %add3A_446 : i32
    %add3A_448 = arith.addi %add3A_447, %add3A_443 : i32
    %mul3A_449 = arith.constant 32768 : i32
    %mul3A_450 = arith.muli %add3A_448, %mul3A_449 : i32
    %dma_wait3A_451 = tpu.memref_slice %arg5[%add3A_422] : memref<17170432xf32, #tpu.memory_space<hbm>> -> memref<16384xf32, #tpu.memory_space<hbm>>
    %dma_wait3A_452 = tpu.memref_slice %arg5[%add3A_422] : memref<17170432xf32, #tpu.memory_space<hbm>> -> memref<16384xf32, #tpu.memory_space<hbm>>
    tpu.wait_dma2 semaphore(%arg24 : memref<!tpu.dma_semaphore, #tpu.memory_space<semaphore_mem>>) src(%arg19 : memref<16384xf32, #tpu.memory_space<vmem>>) dst(%dma_wait3A_452 : memref<16384xf32, #tpu.memory_space<hbm>>)
    %broadcast_in_dim3A_453 = arith.constant 0 : i32
    %broadcast_in_dim3A_454 = vector.broadcast %broadcast_in_dim3A_453 : i32 to vector<16xi32>
    %parallel_loop3A_455 = arith.constant 0 : i32
    %parallel_loop3A_456 = arith.constant 1024 : i32
    %parallel_loop3A_457 = arith.constant 1 : i32
    scf.for %parallel_loop3A_865 = %parallel_loop3A_455 to %parallel_loop3A_456 step %parallel_loop3A_457  : i32 {
      %parallel_loop3A_866 = arith.constant 16 : i32
      %parallel_loop3A_867 = arith.muli %parallel_loop3A_866, %parallel_loop3A_865 : i32
      %parallel_loop3A_868 = arith.constant 0 : i32
      %parallel_loop3A_869 = arith.addi %parallel_loop3A_868, %parallel_loop3A_867 : i32
      %parallel_loop3A_870 = arith.index_cast %parallel_loop3A_869 : i32 to index
      %parallel_loop3A_871 = tpu.vector_load %arg16[%parallel_loop3A_870] {strides = array<i32>} : memref<32768xi32, #tpu.memory_space<vmem>>, vector<16xi32>,
      %parallel_loop3A_872 = tpu.vector_load_idx %arg18[%broadcast_in_dim3A_454, %parallel_loop3A_871] : memref<1x8192xf32, #tpu.memory_space<vmem>>[vector<16xi32>, vector<16xi32>], vector<16xf32>,
      %parallel_loop3A_873 = arith.index_cast %parallel_loop3A_867 : i32 to index
      %parallel_loop3A_874 = tpu.vector_load %arg19[%parallel_loop3A_873] {strides = array<i32>} : memref<16384xf32, #tpu.memory_space<vmem>>, vector<16xf32>,
      tpu.vector_store %arg19[%parallel_loop3A_873], %parallel_loop3A_872 {strides = array<i32>} : memref<16384xf32, #tpu.memory_space<vmem>>, vector<16xf32>,
    } {sc.loop_unroll_factor = 8 : i64, sc.parallel_access}
    %add3A_458 = arith.constant 0 : i32
    %add3A_459 = arith.addi %mul3A_450, %add3A_458 : i32
    %dma_start3A_460 = tpu.memref_slice %arg5[%add3A_459] : memref<17170432xf32, #tpu.memory_space<hbm>> -> memref<16384xf32, #tpu.memory_space<hbm>>
    %dma_start3A_461 = tpu.memref_slice %arg5[%add3A_459] : memref<17170432xf32, #tpu.memory_space<hbm>> -> memref<16384xf32, #tpu.memory_space<hbm>>
    tpu.enqueue_dma source(%arg19 : memref<16384xf32, #tpu.memory_space<vmem>>) target(%dma_start3A_461 : memref<16384xf32, #tpu.memory_space<hbm>>) target_semaphore(%arg24 : memref<!tpu.dma_semaphore, #tpu.memory_space<semaphore_mem>>)
    %dma_wait3A_462 = tpu.memref_slice %arg5[%add3A_433] : memref<17170432xf32, #tpu.memory_space<hbm>> -> memref<16384xf32, #tpu.memory_space<hbm>>
    %dma_wait3A_463 = tpu.memref_slice %arg5[%add3A_433] : memref<17170432xf32, #tpu.memory_space<hbm>> -> memref<16384xf32, #tpu.memory_space<hbm>>
    tpu.wait_dma2 semaphore(%arg25 : memref<!tpu.dma_semaphore, #tpu.memory_space<semaphore_mem>>) src(%arg20 : memref<16384xf32, #tpu.memory_space<vmem>>) dst(%dma_wait3A_463 : memref<16384xf32, #tpu.memory_space<hbm>>)
    %broadcast_in_dim3A_464 = arith.constant 0 : i32
    %broadcast_in_dim3A_465 = vector.broadcast %broadcast_in_dim3A_464 : i32 to vector<16xi32>
    %parallel_loop3A_466 = arith.constant 0 : i32
    %parallel_loop3A_467 = arith.constant 1024 : i32
    %parallel_loop3A_468 = arith.constant 1 : i32
    scf.for %parallel_loop3A_865 = %parallel_loop3A_466 to %parallel_loop3A_467 step %parallel_loop3A_468  : i32 {
      %parallel_loop3A_866 = arith.constant 16 : i32
      %parallel_loop3A_867 = arith.muli %parallel_loop3A_866, %parallel_loop3A_865 : i32
      %parallel_loop3A_868 = arith.constant 16384 : i32
      %parallel_loop3A_869 = arith.addi %parallel_loop3A_868, %parallel_loop3A_867 : i32
      %parallel_loop3A_870 = arith.index_cast %parallel_loop3A_869 : i32 to index
      %parallel_loop3A_871 = tpu.vector_load %arg16[%parallel_loop3A_870] {strides = array<i32>} : memref<32768xi32, #tpu.memory_space<vmem>>, vector<16xi32>,
      %parallel_loop3A_872 = tpu.vector_load_idx %arg18[%broadcast_in_dim3A_465, %parallel_loop3A_871] : memref<1x8192xf32, #tpu.memory_space<vmem>>[vector<16xi32>, vector<16xi32>], vector<16xf32>,
      %parallel_loop3A_873 = arith.index_cast %parallel_loop3A_867 : i32 to index
      %parallel_loop3A_874 = tpu.vector_load %arg20[%parallel_loop3A_873] {strides = array<i32>} : memref<16384xf32, #tpu.memory_space<vmem>>, vector<16xf32>,
      tpu.vector_store %arg20[%parallel_loop3A_873], %parallel_loop3A_872 {strides = array<i32>} : memref<16384xf32, #tpu.memory_space<vmem>>, vector<16xf32>,
    } {sc.loop_unroll_factor = 8 : i64, sc.parallel_access}
    %add3A_469 = arith.constant 16384 : i32
    %add3A_470 = arith.addi %mul3A_450, %add3A_469 : i32
    %dma_start3A_471 = tpu.memref_slice %arg5[%add3A_470] : memref<17170432xf32, #tpu.memory_space<hbm>> -> memref<16384xf32, #tpu.memory_space<hbm>>
    %dma_start3A_472 = tpu.memref_slice %arg5[%add3A_470] : memref<17170432xf32, #tpu.memory_space<hbm>> -> memref<16384xf32, #tpu.memory_space<hbm>>
    tpu.enqueue_dma source(%arg20 : memref<16384xf32, #tpu.memory_space<vmem>>) target(%dma_start3A_472 : memref<16384xf32, #tpu.memory_space<hbm>>) target_semaphore(%arg25 : memref<!tpu.dma_semaphore, #tpu.memory_space<semaphore_mem>>)
    %mul3A_473 = arith.constant 2 : i32
    %mul3A_474 = arith.muli %mul3A_473, %arg0 : i32
    %add3A_475 = arith.constant 1 : i32
    %add3A_476 = arith.addi %mul3A_474, %add3A_475 : i32
    "tpu.region"() ({
      %run_scoped3A = tpu.sem_alloc : memref<!tpu.dma_semaphore, #tpu.memory_space<semaphore_mem>>
      %dma_start3A_865 = arith.constant 32768 : i32
      %dma_start3A_866 = tpu.memref_slice %arg21[%dma_start3A_865] : memref<65536xi32, #tpu.memory_space<vmem_shared>> -> memref<32768xi32, #tpu.memory_space<vmem_shared>>
      %dma_start3A_867 = arith.constant 32768 : i32
      %dma_start3A_868 = tpu.memref_slice %arg21[%dma_start3A_867] : memref<65536xi32, #tpu.memory_space<vmem_shared>> -> memref<32768xi32, #tpu.memory_space<vmem_shared>>
      tpu.enqueue_dma source(%dma_start3A_868 : memref<32768xi32, #tpu.memory_space<vmem_shared>>) target(%arg16 : memref<32768xi32, #tpu.memory_space<vmem>>) target_semaphore(%run_scoped3A : memref<!tpu.dma_semaphore, #tpu.memory_space<semaphore_mem>>)
      %dma_wait3A_869 = arith.constant 32768 : i32
      %dma_wait3A_870 = tpu.memref_slice %arg21[%dma_wait3A_869] : memref<65536xi32, #tpu.memory_space<vmem_shared>> -> memref<32768xi32, #tpu.memory_space<vmem_shared>>
      %dma_wait3A_871 = arith.constant 32768 : i32
      %dma_wait3A_872 = tpu.memref_slice %arg21[%dma_wait3A_871] : memref<65536xi32, #tpu.memory_space<vmem_shared>> -> memref<32768xi32, #tpu.memory_space<vmem_shared>>
      tpu.wait_dma2 semaphore(%run_scoped3A : memref<!tpu.dma_semaphore, #tpu.memory_space<semaphore_mem>>) src(%dma_wait3A_872 : memref<32768xi32, #tpu.memory_space<vmem_shared>>) dst(%arg16 : memref<32768xi32, #tpu.memory_space<vmem>>)
      tpu.yield
    }) : () -> ()
    %mul3A_477 = arith.constant 8 : i32
    %mul3A_478 = arith.muli %mul3A_477, %arg1 : i32
    %add3A_479 = arith.constant 0 : i32
    %add3A_480 = arith.addi %mul3A_478, %add3A_479 : i32
    %mul3A_481 = arith.constant 128 : i32
    %mul3A_482 = arith.muli %mul3A_481, %add3A_476 : i32
    %add3A_483 = arith.addi %mul3A_482, %add3A_480 : i32
    %dma_start3A_484 = arith.constant 0 : i32
    %dma_start3A_485 = tpu.memref_slice %arg4[%add3A_483, %dma_start3A_484] : memref<512x8192xf32, #tpu.memory_space<hbm>> -> memref<1x8192xf32, #tpu.memory_space<hbm>>
    %dma_start3A_486 = arith.constant 0 : i32
    %dma_start3A_487 = tpu.memref_slice %arg4[%add3A_483, %dma_start3A_486] : memref<512x8192xf32, #tpu.memory_space<hbm>> -> memref<1x8192xf32, #tpu.memory_space<hbm>>
    tpu.enqueue_dma source(%dma_start3A_487 : memref<1x8192xf32, #tpu.memory_space<hbm>>) target(%arg17 : memref<1x8192xf32, #tpu.memory_space<vmem>>) target_semaphore(%arg22 : memref<!tpu.dma_semaphore, #tpu.memory_space<semaphore_mem>>)
    %dma_wait3A_488 = arith.constant 0 : i32
    %dma_wait3A_489 = tpu.memref_slice %arg4[%add3A_483, %dma_wait3A_488] : memref<512x8192xf32, #tpu.memory_space<hbm>> -> memref<1x8192xf32, #tpu.memory_space<hbm>>
    %dma_wait3A_490 = arith.constant 0 : i32
    %dma_wait3A_491 = tpu.memref_slice %arg4[%add3A_483, %dma_wait3A_490] : memref<512x8192xf32, #tpu.memory_space<hbm>> -> memref<1x8192xf32, #tpu.memory_space<hbm>>
    tpu.wait_dma2 semaphore(%arg22 : memref<!tpu.dma_semaphore, #tpu.memory_space<semaphore_mem>>) src(%dma_wait3A_491 : memref<1x8192xf32, #tpu.memory_space<hbm>>) dst(%arg17 : memref<1x8192xf32, #tpu.memory_space<vmem>>)
    %mul3A_492 = arith.constant 8 : i32
    %mul3A_493 = arith.muli %mul3A_492, %arg1 : i32
    %add3A_494 = arith.constant 1 : i32
    %add3A_495 = arith.addi %mul3A_493, %add3A_494 : i32
    %mul3A_496 = arith.constant 128 : i32
    %mul3A_497 = arith.muli %mul3A_496, %add3A_476 : i32
    %add3A_498 = arith.addi %mul3A_497, %add3A_495 : i32
    %dma_start3A_499 = arith.constant 0 : i32
    %dma_start3A_500 = tpu.memref_slice %arg4[%add3A_498, %dma_start3A_499] : memref<512x8192xf32, #tpu.memory_space<hbm>> -> memref<1x8192xf32, #tpu.memory_space<hbm>>
    %dma_start3A_501 = arith.constant 0 : i32
    %dma_start3A_502 = tpu.memref_slice %arg4[%add3A_498, %dma_start3A_501] : memref<512x8192xf32, #tpu.memory_space<hbm>> -> memref<1x8192xf32, #tpu.memory_space<hbm>>
    tpu.enqueue_dma source(%dma_start3A_502 : memref<1x8192xf32, #tpu.memory_space<hbm>>) target(%arg18 : memref<1x8192xf32, #tpu.memory_space<vmem>>) target_semaphore(%arg23 : memref<!tpu.dma_semaphore, #tpu.memory_space<semaphore_mem>>)
    %mul3A_503 = arith.constant 8 : i32
    %mul3A_504 = arith.muli %mul3A_503, %arg1 : i32
    %add3A_505 = arith.constant 0 : i32
    %add3A_506 = arith.addi %mul3A_504, %add3A_505 : i32
    %mul3A_507 = arith.constant 131 : i32
    %mul3A_508 = arith.muli %mul3A_507, %add3A_476 : i32
    %add3A_509 = arith.constant 3 : i32
    %add3A_510 = arith.addi %mul3A_508, %add3A_509 : i32
    %add3A_511 = arith.addi %add3A_510, %add3A_506 : i32
    %mul3A_512 = arith.constant 32768 : i32
    %mul3A_513 = arith.muli %add3A_511, %mul3A_512 : i32
    %dma_wait3A_514 = tpu.memref_slice %arg5[%add3A_459] : memref<17170432xf32, #tpu.memory_space<hbm>> -> memref<16384xf32, #tpu.memory_space<hbm>>
    %dma_wait3A_515 = tpu.memref_slice %arg5[%add3A_459] : memref<17170432xf32, #tpu.memory_space<hbm>> -> memref<16384xf32, #tpu.memory_space<hbm>>
    tpu.wait_dma2 semaphore(%arg24 : memref<!tpu.dma_semaphore, #tpu.memory_space<semaphore_mem>>) src(%arg19 : memref<16384xf32, #tpu.memory_space<vmem>>) dst(%dma_wait3A_515 : memref<16384xf32, #tpu.memory_space<hbm>>)
    %broadcast_in_dim3A_516 = arith.constant 0 : i32
    %broadcast_in_dim3A_517 = vector.broadcast %broadcast_in_dim3A_516 : i32 to vector<16xi32>
    %parallel_loop3A_518 = arith.constant 0 : i32
    %parallel_loop3A_519 = arith.constant 1024 : i32
    %parallel_loop3A_520 = arith.constant 1 : i32
    scf.for %parallel_loop3A_865 = %parallel_loop3A_518 to %parallel_loop3A_519 step %parallel_loop3A_520  : i32 {
      %parallel_loop3A_866 = arith.constant 16 : i32
      %parallel_loop3A_867 = arith.muli %parallel_loop3A_866, %parallel_loop3A_865 : i32
      %parallel_loop3A_868 = arith.constant 0 : i32
      %parallel_loop3A_869 = arith.addi %parallel_loop3A_868, %parallel_loop3A_867 : i32
      %parallel_loop3A_870 = arith.index_cast %parallel_loop3A_869 : i32 to index
      %parallel_loop3A_871 = tpu.vector_load %arg16[%parallel_loop3A_870] {strides = array<i32>} : memref<32768xi32, #tpu.memory_space<vmem>>, vector<16xi32>,
      %parallel_loop3A_872 = tpu.vector_load_idx %arg17[%broadcast_in_dim3A_517, %parallel_loop3A_871] : memref<1x8192xf32, #tpu.memory_space<vmem>>[vector<16xi32>, vector<16xi32>], vector<16xf32>,
      %parallel_loop3A_873 = arith.index_cast %parallel_loop3A_867 : i32 to index
      %parallel_loop3A_874 = tpu.vector_load %arg19[%parallel_loop3A_873] {strides = array<i32>} : memref<16384xf32, #tpu.memory_space<vmem>>, vector<16xf32>,
      tpu.vector_store %arg19[%parallel_loop3A_873], %parallel_loop3A_872 {strides = array<i32>} : memref<16384xf32, #tpu.memory_space<vmem>>, vector<16xf32>,
    } {sc.loop_unroll_factor = 8 : i64, sc.parallel_access}
    %add3A_521 = arith.constant 0 : i32
    %add3A_522 = arith.addi %mul3A_513, %add3A_521 : i32
    %dma_start3A_523 = tpu.memref_slice %arg5[%add3A_522] : memref<17170432xf32, #tpu.memory_space<hbm>> -> memref<16384xf32, #tpu.memory_space<hbm>>
    %dma_start3A_524 = tpu.memref_slice %arg5[%add3A_522] : memref<17170432xf32, #tpu.memory_space<hbm>> -> memref<16384xf32, #tpu.memory_space<hbm>>
    tpu.enqueue_dma source(%arg19 : memref<16384xf32, #tpu.memory_space<vmem>>) target(%dma_start3A_524 : memref<16384xf32, #tpu.memory_space<hbm>>) target_semaphore(%arg24 : memref<!tpu.dma_semaphore, #tpu.memory_space<semaphore_mem>>)
    %dma_wait3A_525 = tpu.memref_slice %arg5[%add3A_470] : memref<17170432xf32, #tpu.memory_space<hbm>> -> memref<16384xf32, #tpu.memory_space<hbm>>
    %dma_wait3A_526 = tpu.memref_slice %arg5[%add3A_470] : memref<17170432xf32, #tpu.memory_space<hbm>> -> memref<16384xf32, #tpu.memory_space<hbm>>
    tpu.wait_dma2 semaphore(%arg25 : memref<!tpu.dma_semaphore, #tpu.memory_space<semaphore_mem>>) src(%arg20 : memref<16384xf32, #tpu.memory_space<vmem>>) dst(%dma_wait3A_526 : memref<16384xf32, #tpu.memory_space<hbm>>)
    %broadcast_in_dim3A_527 = arith.constant 0 : i32
    %broadcast_in_dim3A_528 = vector.broadcast %broadcast_in_dim3A_527 : i32 to vector<16xi32>
    %parallel_loop3A_529 = arith.constant 0 : i32
    %parallel_loop3A_530 = arith.constant 1024 : i32
    %parallel_loop3A_531 = arith.constant 1 : i32
    scf.for %parallel_loop3A_865 = %parallel_loop3A_529 to %parallel_loop3A_530 step %parallel_loop3A_531  : i32 {
      %parallel_loop3A_866 = arith.constant 16 : i32
      %parallel_loop3A_867 = arith.muli %parallel_loop3A_866, %parallel_loop3A_865 : i32
      %parallel_loop3A_868 = arith.constant 16384 : i32
      %parallel_loop3A_869 = arith.addi %parallel_loop3A_868, %parallel_loop3A_867 : i32
      %parallel_loop3A_870 = arith.index_cast %parallel_loop3A_869 : i32 to index
      %parallel_loop3A_871 = tpu.vector_load %arg16[%parallel_loop3A_870] {strides = array<i32>} : memref<32768xi32, #tpu.memory_space<vmem>>, vector<16xi32>,
      %parallel_loop3A_872 = tpu.vector_load_idx %arg17[%broadcast_in_dim3A_528, %parallel_loop3A_871] : memref<1x8192xf32, #tpu.memory_space<vmem>>[vector<16xi32>, vector<16xi32>], vector<16xf32>,
      %parallel_loop3A_873 = arith.index_cast %parallel_loop3A_867 : i32 to index
      %parallel_loop3A_874 = tpu.vector_load %arg20[%parallel_loop3A_873] {strides = array<i32>} : memref<16384xf32, #tpu.memory_space<vmem>>, vector<16xf32>,
      tpu.vector_store %arg20[%parallel_loop3A_873], %parallel_loop3A_872 {strides = array<i32>} : memref<16384xf32, #tpu.memory_space<vmem>>, vector<16xf32>,
    } {sc.loop_unroll_factor = 8 : i64, sc.parallel_access}
    %add3A_532 = arith.constant 16384 : i32
    %add3A_533 = arith.addi %mul3A_513, %add3A_532 : i32
    %dma_start3A_534 = tpu.memref_slice %arg5[%add3A_533] : memref<17170432xf32, #tpu.memory_space<hbm>> -> memref<16384xf32, #tpu.memory_space<hbm>>
    %dma_start3A_535 = tpu.memref_slice %arg5[%add3A_533] : memref<17170432xf32, #tpu.memory_space<hbm>> -> memref<16384xf32, #tpu.memory_space<hbm>>
    tpu.enqueue_dma source(%arg20 : memref<16384xf32, #tpu.memory_space<vmem>>) target(%dma_start3A_535 : memref<16384xf32, #tpu.memory_space<hbm>>) target_semaphore(%arg25 : memref<!tpu.dma_semaphore, #tpu.memory_space<semaphore_mem>>)
    %dma_wait3A_536 = arith.constant 0 : i32
    %dma_wait3A_537 = tpu.memref_slice %arg4[%add3A_498, %dma_wait3A_536] : memref<512x8192xf32, #tpu.memory_space<hbm>> -> memref<1x8192xf32, #tpu.memory_space<hbm>>
    %dma_wait3A_538 = arith.constant 0 : i32
    %dma_wait3A_539 = tpu.memref_slice %arg4[%add3A_498, %dma_wait3A_538] : memref<512x8192xf32, #tpu.memory_space<hbm>> -> memref<1x8192xf32, #tpu.memory_space<hbm>>
    tpu.wait_dma2 semaphore(%arg23 : memref<!tpu.dma_semaphore, #tpu.memory_space<semaphore_mem>>) src(%dma_wait3A_539 : memref<1x8192xf32, #tpu.memory_space<hbm>>) dst(%arg18 : memref<1x8192xf32, #tpu.memory_space<vmem>>)
    %mul3A_540 = arith.constant 8 : i32
    %mul3A_541 = arith.muli %mul3A_540, %arg1 : i32
    %add3A_542 = arith.constant 2 : i32
    %add3A_543 = arith.addi %mul3A_541, %add3A_542 : i32
    %mul3A_544 = arith.constant 128 : i32
    %mul3A_545 = arith.muli %mul3A_544, %add3A_476 : i32
    %add3A_546 = arith.addi %mul3A_545, %add3A_543 : i32
    %dma_start3A_547 = arith.constant 0 : i32
    %dma_start3A_548 = tpu.memref_slice %arg4[%add3A_546, %dma_start3A_547] : memref<512x8192xf32, #tpu.memory_space<hbm>> -> memref<1x8192xf32, #tpu.memory_space<hbm>>
    %dma_start3A_549 = arith.constant 0 : i32
    %dma_start3A_550 = tpu.memref_slice %arg4[%add3A_546, %dma_start3A_549] : memref<512x8192xf32, #tpu.memory_space<hbm>> -> memref<1x8192xf32, #tpu.memory_space<hbm>>
    tpu.enqueue_dma source(%dma_start3A_550 : memref<1x8192xf32, #tpu.memory_space<hbm>>) target(%arg17 : memref<1x8192xf32, #tpu.memory_space<vmem>>) target_semaphore(%arg22 : memref<!tpu.dma_semaphore, #tpu.memory_space<semaphore_mem>>)
    %mul3A_551 = arith.constant 8 : i32
    %mul3A_552 = arith.muli %mul3A_551, %arg1 : i32
    %add3A_553 = arith.constant 1 : i32
    %add3A_554 = arith.addi %mul3A_552, %add3A_553 : i32
    %mul3A_555 = arith.constant 131 : i32
    %mul3A_556 = arith.muli %mul3A_555, %add3A_476 : i32
    %add3A_557 = arith.constant 3 : i32
    %add3A_558 = arith.addi %mul3A_556, %add3A_557 : i32
    %add3A_559 = arith.addi %add3A_558, %add3A_554 : i32
    %mul3A_560 = arith.constant 32768 : i32
    %mul3A_561 = arith.muli %add3A_559, %mul3A_560 : i32
    %dma_wait3A_562 = tpu.memref_slice %arg5[%add3A_522] : memref<17170432xf32, #tpu.memory_space<hbm>> -> memref<16384xf32, #tpu.memory_space<hbm>>
    %dma_wait3A_563 = tpu.memref_slice %arg5[%add3A_522] : memref<17170432xf32, #tpu.memory_space<hbm>> -> memref<16384xf32, #tpu.memory_space<hbm>>
    tpu.wait_dma2 semaphore(%arg24 : memref<!tpu.dma_semaphore, #tpu.memory_space<semaphore_mem>>) src(%arg19 : memref<16384xf32, #tpu.memory_space<vmem>>) dst(%dma_wait3A_563 : memref<16384xf32, #tpu.memory_space<hbm>>)
    %broadcast_in_dim3A_564 = arith.constant 0 : i32
    %broadcast_in_dim3A_565 = vector.broadcast %broadcast_in_dim3A_564 : i32 to vector<16xi32>
    %parallel_loop3A_566 = arith.constant 0 : i32
    %parallel_loop3A_567 = arith.constant 1024 : i32
    %parallel_loop3A_568 = arith.constant 1 : i32
    scf.for %parallel_loop3A_865 = %parallel_loop3A_566 to %parallel_loop3A_567 step %parallel_loop3A_568  : i32 {
      %parallel_loop3A_866 = arith.constant 16 : i32
      %parallel_loop3A_867 = arith.muli %parallel_loop3A_866, %parallel_loop3A_865 : i32
      %parallel_loop3A_868 = arith.constant 0 : i32
      %parallel_loop3A_869 = arith.addi %parallel_loop3A_868, %parallel_loop3A_867 : i32
      %parallel_loop3A_870 = arith.index_cast %parallel_loop3A_869 : i32 to index
      %parallel_loop3A_871 = tpu.vector_load %arg16[%parallel_loop3A_870] {strides = array<i32>} : memref<32768xi32, #tpu.memory_space<vmem>>, vector<16xi32>,
      %parallel_loop3A_872 = tpu.vector_load_idx %arg18[%broadcast_in_dim3A_565, %parallel_loop3A_871] : memref<1x8192xf32, #tpu.memory_space<vmem>>[vector<16xi32>, vector<16xi32>], vector<16xf32>,
      %parallel_loop3A_873 = arith.index_cast %parallel_loop3A_867 : i32 to index
      %parallel_loop3A_874 = tpu.vector_load %arg19[%parallel_loop3A_873] {strides = array<i32>} : memref<16384xf32, #tpu.memory_space<vmem>>, vector<16xf32>,
      tpu.vector_store %arg19[%parallel_loop3A_873], %parallel_loop3A_872 {strides = array<i32>} : memref<16384xf32, #tpu.memory_space<vmem>>, vector<16xf32>,
    } {sc.loop_unroll_factor = 8 : i64, sc.parallel_access}
    %add3A_569 = arith.constant 0 : i32
    %add3A_570 = arith.addi %mul3A_561, %add3A_569 : i32
    %dma_start3A_571 = tpu.memref_slice %arg5[%add3A_570] : memref<17170432xf32, #tpu.memory_space<hbm>> -> memref<16384xf32, #tpu.memory_space<hbm>>
    %dma_start3A_572 = tpu.memref_slice %arg5[%add3A_570] : memref<17170432xf32, #tpu.memory_space<hbm>> -> memref<16384xf32, #tpu.memory_space<hbm>>
    tpu.enqueue_dma source(%arg19 : memref<16384xf32, #tpu.memory_space<vmem>>) target(%dma_start3A_572 : memref<16384xf32, #tpu.memory_space<hbm>>) target_semaphore(%arg24 : memref<!tpu.dma_semaphore, #tpu.memory_space<semaphore_mem>>)
    %dma_wait3A_573 = tpu.memref_slice %arg5[%add3A_533] : memref<17170432xf32, #tpu.memory_space<hbm>> -> memref<16384xf32, #tpu.memory_space<hbm>>
    %dma_wait3A_574 = tpu.memref_slice %arg5[%add3A_533] : memref<17170432xf32, #tpu.memory_space<hbm>> -> memref<16384xf32, #tpu.memory_space<hbm>>
    tpu.wait_dma2 semaphore(%arg25 : memref<!tpu.dma_semaphore, #tpu.memory_space<semaphore_mem>>) src(%arg20 : memref<16384xf32, #tpu.memory_space<vmem>>) dst(%dma_wait3A_574 : memref<16384xf32, #tpu.memory_space<hbm>>)
    %broadcast_in_dim3A_575 = arith.constant 0 : i32
    %broadcast_in_dim3A_576 = vector.broadcast %broadcast_in_dim3A_575 : i32 to vector<16xi32>
    %parallel_loop3A_577 = arith.constant 0 : i32
    %parallel_loop3A_578 = arith.constant 1024 : i32
    %parallel_loop3A_579 = arith.constant 1 : i32
    scf.for %parallel_loop3A_865 = %parallel_loop3A_577 to %parallel_loop3A_578 step %parallel_loop3A_579  : i32 {
      %parallel_loop3A_866 = arith.constant 16 : i32
      %parallel_loop3A_867 = arith.muli %parallel_loop3A_866, %parallel_loop3A_865 : i32
      %parallel_loop3A_868 = arith.constant 16384 : i32
      %parallel_loop3A_869 = arith.addi %parallel_loop3A_868, %parallel_loop3A_867 : i32
      %parallel_loop3A_870 = arith.index_cast %parallel_loop3A_869 : i32 to index
      %parallel_loop3A_871 = tpu.vector_load %arg16[%parallel_loop3A_870] {strides = array<i32>} : memref<32768xi32, #tpu.memory_space<vmem>>, vector<16xi32>,
      %parallel_loop3A_872 = tpu.vector_load_idx %arg18[%broadcast_in_dim3A_576, %parallel_loop3A_871] : memref<1x8192xf32, #tpu.memory_space<vmem>>[vector<16xi32>, vector<16xi32>], vector<16xf32>,
      %parallel_loop3A_873 = arith.index_cast %parallel_loop3A_867 : i32 to index
      %parallel_loop3A_874 = tpu.vector_load %arg20[%parallel_loop3A_873] {strides = array<i32>} : memref<16384xf32, #tpu.memory_space<vmem>>, vector<16xf32>,
      tpu.vector_store %arg20[%parallel_loop3A_873], %parallel_loop3A_872 {strides = array<i32>} : memref<16384xf32, #tpu.memory_space<vmem>>, vector<16xf32>,
    } {sc.loop_unroll_factor = 8 : i64, sc.parallel_access}
    %add3A_580 = arith.constant 16384 : i32
    %add3A_581 = arith.addi %mul3A_561, %add3A_580 : i32
    %dma_start3A_582 = tpu.memref_slice %arg5[%add3A_581] : memref<17170432xf32, #tpu.memory_space<hbm>> -> memref<16384xf32, #tpu.memory_space<hbm>>
    %dma_start3A_583 = tpu.memref_slice %arg5[%add3A_581] : memref<17170432xf32, #tpu.memory_space<hbm>> -> memref<16384xf32, #tpu.memory_space<hbm>>
    tpu.enqueue_dma source(%arg20 : memref<16384xf32, #tpu.memory_space<vmem>>) target(%dma_start3A_583 : memref<16384xf32, #tpu.memory_space<hbm>>) target_semaphore(%arg25 : memref<!tpu.dma_semaphore, #tpu.memory_space<semaphore_mem>>)
    %dma_wait3A_584 = arith.constant 0 : i32
    %dma_wait3A_585 = tpu.memref_slice %arg4[%add3A_546, %dma_wait3A_584] : memref<512x8192xf32, #tpu.memory_space<hbm>> -> memref<1x8192xf32, #tpu.memory_space<hbm>>
    %dma_wait3A_586 = arith.constant 0 : i32
    %dma_wait3A_587 = tpu.memref_slice %arg4[%add3A_546, %dma_wait3A_586] : memref<512x8192xf32, #tpu.memory_space<hbm>> -> memref<1x8192xf32, #tpu.memory_space<hbm>>
    tpu.wait_dma2 semaphore(%arg22 : memref<!tpu.dma_semaphore, #tpu.memory_space<semaphore_mem>>) src(%dma_wait3A_587 : memref<1x8192xf32, #tpu.memory_space<hbm>>) dst(%arg17 : memref<1x8192xf32, #tpu.memory_space<vmem>>)
    %mul3A_588 = arith.constant 8 : i32
    %mul3A_589 = arith.muli %mul3A_588, %arg1 : i32
    %add3A_590 = arith.constant 3 : i32
    %add3A_591 = arith.addi %mul3A_589, %add3A_590 : i32
    %mul3A_592 = arith.constant 128 : i32
    %mul3A_593 = arith.muli %mul3A_592, %add3A_476 : i32
    %add3A_594 = arith.addi %mul3A_593, %add3A_591 : i32
    %dma_start3A_595 = arith.constant 0 : i32
    %dma_start3A_596 = tpu.memref_slice %arg4[%add3A_594, %dma_start3A_595] : memref<512x8192xf32, #tpu.memory_space<hbm>> -> memref<1x8192xf32, #tpu.memory_space<hbm>>
    %dma_start3A_597 = arith.constant 0 : i32
    %dma_start3A_598 = tpu.memref_slice %arg4[%add3A_594, %dma_start3A_597] : memref<512x8192xf32, #tpu.memory_space<hbm>> -> memref<1x8192xf32, #tpu.memory_space<hbm>>
    tpu.enqueue_dma source(%dma_start3A_598 : memref<1x8192xf32, #tpu.memory_space<hbm>>) target(%arg18 : memref<1x8192xf32, #tpu.memory_space<vmem>>) target_semaphore(%arg23 : memref<!tpu.dma_semaphore, #tpu.memory_space<semaphore_mem>>)
    %mul3A_599 = arith.constant 8 : i32
    %mul3A_600 = arith.muli %mul3A_599, %arg1 : i32
    %add3A_601 = arith.constant 2 : i32
    %add3A_602 = arith.addi %mul3A_600, %add3A_601 : i32
    %mul3A_603 = arith.constant 131 : i32
    %mul3A_604 = arith.muli %mul3A_603, %add3A_476 : i32
    %add3A_605 = arith.constant 3 : i32
    %add3A_606 = arith.addi %mul3A_604, %add3A_605 : i32
    %add3A_607 = arith.addi %add3A_606, %add3A_602 : i32
    %mul3A_608 = arith.constant 32768 : i32
    %mul3A_609 = arith.muli %add3A_607, %mul3A_608 : i32
    %dma_wait3A_610 = tpu.memref_slice %arg5[%add3A_570] : memref<17170432xf32, #tpu.memory_space<hbm>> -> memref<16384xf32, #tpu.memory_space<hbm>>
    %dma_wait3A_611 = tpu.memref_slice %arg5[%add3A_570] : memref<17170432xf32, #tpu.memory_space<hbm>> -> memref<16384xf32, #tpu.memory_space<hbm>>
    tpu.wait_dma2 semaphore(%arg24 : memref<!tpu.dma_semaphore, #tpu.memory_space<semaphore_mem>>) src(%arg19 : memref<16384xf32, #tpu.memory_space<vmem>>) dst(%dma_wait3A_611 : memref<16384xf32, #tpu.memory_space<hbm>>)
    %broadcast_in_dim3A_612 = arith.constant 0 : i32
    %broadcast_in_dim3A_613 = vector.broadcast %broadcast_in_dim3A_612 : i32 to vector<16xi32>
    %parallel_loop3A_614 = arith.constant 0 : i32
    %parallel_loop3A_615 = arith.constant 1024 : i32
    %parallel_loop3A_616 = arith.constant 1 : i32
    scf.for %parallel_loop3A_865 = %parallel_loop3A_614 to %parallel_loop3A_615 step %parallel_loop3A_616  : i32 {
      %parallel_loop3A_866 = arith.constant 16 : i32
      %parallel_loop3A_867 = arith.muli %parallel_loop3A_866, %parallel_loop3A_865 : i32
      %parallel_loop3A_868 = arith.constant 0 : i32
      %parallel_loop3A_869 = arith.addi %parallel_loop3A_868, %parallel_loop3A_867 : i32
      %parallel_loop3A_870 = arith.index_cast %parallel_loop3A_869 : i32 to index
      %parallel_loop3A_871 = tpu.vector_load %arg16[%parallel_loop3A_870] {strides = array<i32>} : memref<32768xi32, #tpu.memory_space<vmem>>, vector<16xi32>,
      %parallel_loop3A_872 = tpu.vector_load_idx %arg17[%broadcast_in_dim3A_613, %parallel_loop3A_871] : memref<1x8192xf32, #tpu.memory_space<vmem>>[vector<16xi32>, vector<16xi32>], vector<16xf32>,
      %parallel_loop3A_873 = arith.index_cast %parallel_loop3A_867 : i32 to index
      %parallel_loop3A_874 = tpu.vector_load %arg19[%parallel_loop3A_873] {strides = array<i32>} : memref<16384xf32, #tpu.memory_space<vmem>>, vector<16xf32>,
      tpu.vector_store %arg19[%parallel_loop3A_873], %parallel_loop3A_872 {strides = array<i32>} : memref<16384xf32, #tpu.memory_space<vmem>>, vector<16xf32>,
    } {sc.loop_unroll_factor = 8 : i64, sc.parallel_access}
    %add3A_617 = arith.constant 0 : i32
    %add3A_618 = arith.addi %mul3A_609, %add3A_617 : i32
    %dma_start3A_619 = tpu.memref_slice %arg5[%add3A_618] : memref<17170432xf32, #tpu.memory_space<hbm>> -> memref<16384xf32, #tpu.memory_space<hbm>>
    %dma_start3A_620 = tpu.memref_slice %arg5[%add3A_618] : memref<17170432xf32, #tpu.memory_space<hbm>> -> memref<16384xf32, #tpu.memory_space<hbm>>
    tpu.enqueue_dma source(%arg19 : memref<16384xf32, #tpu.memory_space<vmem>>) target(%dma_start3A_620 : memref<16384xf32, #tpu.memory_space<hbm>>) target_semaphore(%arg24 : memref<!tpu.dma_semaphore, #tpu.memory_space<semaphore_mem>>)
    %dma_wait3A_621 = tpu.memref_slice %arg5[%add3A_581] : memref<17170432xf32, #tpu.memory_space<hbm>> -> memref<16384xf32, #tpu.memory_space<hbm>>
    %dma_wait3A_622 = tpu.memref_slice %arg5[%add3A_581] : memref<17170432xf32, #tpu.memory_space<hbm>> -> memref<16384xf32, #tpu.memory_space<hbm>>
    tpu.wait_dma2 semaphore(%arg25 : memref<!tpu.dma_semaphore, #tpu.memory_space<semaphore_mem>>) src(%arg20 : memref<16384xf32, #tpu.memory_space<vmem>>) dst(%dma_wait3A_622 : memref<16384xf32, #tpu.memory_space<hbm>>)
    %broadcast_in_dim3A_623 = arith.constant 0 : i32
    %broadcast_in_dim3A_624 = vector.broadcast %broadcast_in_dim3A_623 : i32 to vector<16xi32>
    %parallel_loop3A_625 = arith.constant 0 : i32
    %parallel_loop3A_626 = arith.constant 1024 : i32
    %parallel_loop3A_627 = arith.constant 1 : i32
    scf.for %parallel_loop3A_865 = %parallel_loop3A_625 to %parallel_loop3A_626 step %parallel_loop3A_627  : i32 {
      %parallel_loop3A_866 = arith.constant 16 : i32
      %parallel_loop3A_867 = arith.muli %parallel_loop3A_866, %parallel_loop3A_865 : i32
      %parallel_loop3A_868 = arith.constant 16384 : i32
      %parallel_loop3A_869 = arith.addi %parallel_loop3A_868, %parallel_loop3A_867 : i32
      %parallel_loop3A_870 = arith.index_cast %parallel_loop3A_869 : i32 to index
      %parallel_loop3A_871 = tpu.vector_load %arg16[%parallel_loop3A_870] {strides = array<i32>} : memref<32768xi32, #tpu.memory_space<vmem>>, vector<16xi32>,
      %parallel_loop3A_872 = tpu.vector_load_idx %arg17[%broadcast_in_dim3A_624, %parallel_loop3A_871] : memref<1x8192xf32, #tpu.memory_space<vmem>>[vector<16xi32>, vector<16xi32>], vector<16xf32>,
      %parallel_loop3A_873 = arith.index_cast %parallel_loop3A_867 : i32 to index
      %parallel_loop3A_874 = tpu.vector_load %arg20[%parallel_loop3A_873] {strides = array<i32>} : memref<16384xf32, #tpu.memory_space<vmem>>, vector<16xf32>,
      tpu.vector_store %arg20[%parallel_loop3A_873], %parallel_loop3A_872 {strides = array<i32>} : memref<16384xf32, #tpu.memory_space<vmem>>, vector<16xf32>,
    } {sc.loop_unroll_factor = 8 : i64, sc.parallel_access}
    %add3A_628 = arith.constant 16384 : i32
    %add3A_629 = arith.addi %mul3A_609, %add3A_628 : i32
    %dma_start3A_630 = tpu.memref_slice %arg5[%add3A_629] : memref<17170432xf32, #tpu.memory_space<hbm>> -> memref<16384xf32, #tpu.memory_space<hbm>>
    %dma_start3A_631 = tpu.memref_slice %arg5[%add3A_629] : memref<17170432xf32, #tpu.memory_space<hbm>> -> memref<16384xf32, #tpu.memory_space<hbm>>
    tpu.enqueue_dma source(%arg20 : memref<16384xf32, #tpu.memory_space<vmem>>) target(%dma_start3A_631 : memref<16384xf32, #tpu.memory_space<hbm>>) target_semaphore(%arg25 : memref<!tpu.dma_semaphore, #tpu.memory_space<semaphore_mem>>)
    %dma_wait3A_632 = arith.constant 0 : i32
    %dma_wait3A_633 = tpu.memref_slice %arg4[%add3A_594, %dma_wait3A_632] : memref<512x8192xf32, #tpu.memory_space<hbm>> -> memref<1x8192xf32, #tpu.memory_space<hbm>>
    %dma_wait3A_634 = arith.constant 0 : i32
    %dma_wait3A_635 = tpu.memref_slice %arg4[%add3A_594, %dma_wait3A_634] : memref<512x8192xf32, #tpu.memory_space<hbm>> -> memref<1x8192xf32, #tpu.memory_space<hbm>>
    tpu.wait_dma2 semaphore(%arg23 : memref<!tpu.dma_semaphore, #tpu.memory_space<semaphore_mem>>) src(%dma_wait3A_635 : memref<1x8192xf32, #tpu.memory_space<hbm>>) dst(%arg18 : memref<1x8192xf32, #tpu.memory_space<vmem>>)
    %mul3A_636 = arith.constant 8 : i32
    %mul3A_637 = arith.muli %mul3A_636, %arg1 : i32
    %add3A_638 = arith.constant 4 : i32
    %add3A_639 = arith.addi %mul3A_637, %add3A_638 : i32
    %mul3A_640 = arith.constant 128 : i32
    %mul3A_641 = arith.muli %mul3A_640, %add3A_476 : i32
    %add3A_642 = arith.addi %mul3A_641, %add3A_639 : i32
    %dma_start3A_643 = arith.constant 0 : i32
    %dma_start3A_644 = tpu.memref_slice %arg4[%add3A_642, %dma_start3A_643] : memref<512x8192xf32, #tpu.memory_space<hbm>> -> memref<1x8192xf32, #tpu.memory_space<hbm>>
    %dma_start3A_645 = arith.constant 0 : i32
    %dma_start3A_646 = tpu.memref_slice %arg4[%add3A_642, %dma_start3A_645] : memref<512x8192xf32, #tpu.memory_space<hbm>> -> memref<1x8192xf32, #tpu.memory_space<hbm>>
    tpu.enqueue_dma source(%dma_start3A_646 : memref<1x8192xf32, #tpu.memory_space<hbm>>) target(%arg17 : memref<1x8192xf32, #tpu.memory_space<vmem>>) target_semaphore(%arg22 : memref<!tpu.dma_semaphore, #tpu.memory_space<semaphore_mem>>)
    %mul3A_647 = arith.constant 8 : i32
    %mul3A_648 = arith.muli %mul3A_647, %arg1 : i32
    %add3A_649 = arith.constant 3 : i32
    %add3A_650 = arith.addi %mul3A_648, %add3A_649 : i32
    %mul3A_651 = arith.constant 131 : i32
    %mul3A_652 = arith.muli %mul3A_651, %add3A_476 : i32
    %add3A_653 = arith.constant 3 : i32
    %add3A_654 = arith.addi %mul3A_652, %add3A_653 : i32
    %add3A_655 = arith.addi %add3A_654, %add3A_650 : i32
    %mul3A_656 = arith.constant 32768 : i32
    %mul3A_657 = arith.muli %add3A_655, %mul3A_656 : i32
    %dma_wait3A_658 = tpu.memref_slice %arg5[%add3A_618] : memref<17170432xf32, #tpu.memory_space<hbm>> -> memref<16384xf32, #tpu.memory_space<hbm>>
    %dma_wait3A_659 = tpu.memref_slice %arg5[%add3A_618] : memref<17170432xf32, #tpu.memory_space<hbm>> -> memref<16384xf32, #tpu.memory_space<hbm>>
    tpu.wait_dma2 semaphore(%arg24 : memref<!tpu.dma_semaphore, #tpu.memory_space<semaphore_mem>>) src(%arg19 : memref<16384xf32, #tpu.memory_space<vmem>>) dst(%dma_wait3A_659 : memref<16384xf32, #tpu.memory_space<hbm>>)
    %broadcast_in_dim3A_660 = arith.constant 0 : i32
    %broadcast_in_dim3A_661 = vector.broadcast %broadcast_in_dim3A_660 : i32 to vector<16xi32>
    %parallel_loop3A_662 = arith.constant 0 : i32
    %parallel_loop3A_663 = arith.constant 1024 : i32
    %parallel_loop3A_664 = arith.constant 1 : i32
    scf.for %parallel_loop3A_865 = %parallel_loop3A_662 to %parallel_loop3A_663 step %parallel_loop3A_664  : i32 {
      %parallel_loop3A_866 = arith.constant 16 : i32
      %parallel_loop3A_867 = arith.muli %parallel_loop3A_866, %parallel_loop3A_865 : i32
      %parallel_loop3A_868 = arith.constant 0 : i32
      %parallel_loop3A_869 = arith.addi %parallel_loop3A_868, %parallel_loop3A_867 : i32
      %parallel_loop3A_870 = arith.index_cast %parallel_loop3A_869 : i32 to index
      %parallel_loop3A_871 = tpu.vector_load %arg16[%parallel_loop3A_870] {strides = array<i32>} : memref<32768xi32, #tpu.memory_space<vmem>>, vector<16xi32>,
      %parallel_loop3A_872 = tpu.vector_load_idx %arg18[%broadcast_in_dim3A_661, %parallel_loop3A_871] : memref<1x8192xf32, #tpu.memory_space<vmem>>[vector<16xi32>, vector<16xi32>], vector<16xf32>,
      %parallel_loop3A_873 = arith.index_cast %parallel_loop3A_867 : i32 to index
      %parallel_loop3A_874 = tpu.vector_load %arg19[%parallel_loop3A_873] {strides = array<i32>} : memref<16384xf32, #tpu.memory_space<vmem>>, vector<16xf32>,
      tpu.vector_store %arg19[%parallel_loop3A_873], %parallel_loop3A_872 {strides = array<i32>} : memref<16384xf32, #tpu.memory_space<vmem>>, vector<16xf32>,
    } {sc.loop_unroll_factor = 8 : i64, sc.parallel_access}
    %add3A_665 = arith.constant 0 : i32
    %add3A_666 = arith.addi %mul3A_657, %add3A_665 : i32
    %dma_start3A_667 = tpu.memref_slice %arg5[%add3A_666] : memref<17170432xf32, #tpu.memory_space<hbm>> -> memref<16384xf32, #tpu.memory_space<hbm>>
    %dma_start3A_668 = tpu.memref_slice %arg5[%add3A_666] : memref<17170432xf32, #tpu.memory_space<hbm>> -> memref<16384xf32, #tpu.memory_space<hbm>>
    tpu.enqueue_dma source(%arg19 : memref<16384xf32, #tpu.memory_space<vmem>>) target(%dma_start3A_668 : memref<16384xf32, #tpu.memory_space<hbm>>) target_semaphore(%arg24 : memref<!tpu.dma_semaphore, #tpu.memory_space<semaphore_mem>>)
    %dma_wait3A_669 = tpu.memref_slice %arg5[%add3A_629] : memref<17170432xf32, #tpu.memory_space<hbm>> -> memref<16384xf32, #tpu.memory_space<hbm>>
    %dma_wait3A_670 = tpu.memref_slice %arg5[%add3A_629] : memref<17170432xf32, #tpu.memory_space<hbm>> -> memref<16384xf32, #tpu.memory_space<hbm>>
    tpu.wait_dma2 semaphore(%arg25 : memref<!tpu.dma_semaphore, #tpu.memory_space<semaphore_mem>>) src(%arg20 : memref<16384xf32, #tpu.memory_space<vmem>>) dst(%dma_wait3A_670 : memref<16384xf32, #tpu.memory_space<hbm>>)
    %broadcast_in_dim3A_671 = arith.constant 0 : i32
    %broadcast_in_dim3A_672 = vector.broadcast %broadcast_in_dim3A_671 : i32 to vector<16xi32>
    %parallel_loop3A_673 = arith.constant 0 : i32
    %parallel_loop3A_674 = arith.constant 1024 : i32
    %parallel_loop3A_675 = arith.constant 1 : i32
    scf.for %parallel_loop3A_865 = %parallel_loop3A_673 to %parallel_loop3A_674 step %parallel_loop3A_675  : i32 {
      %parallel_loop3A_866 = arith.constant 16 : i32
      %parallel_loop3A_867 = arith.muli %parallel_loop3A_866, %parallel_loop3A_865 : i32
      %parallel_loop3A_868 = arith.constant 16384 : i32
      %parallel_loop3A_869 = arith.addi %parallel_loop3A_868, %parallel_loop3A_867 : i32
      %parallel_loop3A_870 = arith.index_cast %parallel_loop3A_869 : i32 to index
      %parallel_loop3A_871 = tpu.vector_load %arg16[%parallel_loop3A_870] {strides = array<i32>} : memref<32768xi32, #tpu.memory_space<vmem>>, vector<16xi32>,
      %parallel_loop3A_872 = tpu.vector_load_idx %arg18[%broadcast_in_dim3A_672, %parallel_loop3A_871] : memref<1x8192xf32, #tpu.memory_space<vmem>>[vector<16xi32>, vector<16xi32>], vector<16xf32>,
      %parallel_loop3A_873 = arith.index_cast %parallel_loop3A_867 : i32 to index
      %parallel_loop3A_874 = tpu.vector_load %arg20[%parallel_loop3A_873] {strides = array<i32>} : memref<16384xf32, #tpu.memory_space<vmem>>, vector<16xf32>,
      tpu.vector_store %arg20[%parallel_loop3A_873], %parallel_loop3A_872 {strides = array<i32>} : memref<16384xf32, #tpu.memory_space<vmem>>, vector<16xf32>,
    } {sc.loop_unroll_factor = 8 : i64, sc.parallel_access}
    %add3A_676 = arith.constant 16384 : i32
    %add3A_677 = arith.addi %mul3A_657, %add3A_676 : i32
    %dma_start3A_678 = tpu.memref_slice %arg5[%add3A_677] : memref<17170432xf32, #tpu.memory_space<hbm>> -> memref<16384xf32, #tpu.memory_space<hbm>>
    %dma_start3A_679 = tpu.memref_slice %arg5[%add3A_677] : memref<17170432xf32, #tpu.memory_space<hbm>> -> memref<16384xf32, #tpu.memory_space<hbm>>
    tpu.enqueue_dma source(%arg20 : memref<16384xf32, #tpu.memory_space<vmem>>) target(%dma_start3A_679 : memref<16384xf32, #tpu.memory_space<hbm>>) target_semaphore(%arg25 : memref<!tpu.dma_semaphore, #tpu.memory_space<semaphore_mem>>)
    %dma_wait3A_680 = arith.constant 0 : i32
    %dma_wait3A_681 = tpu.memref_slice %arg4[%add3A_642, %dma_wait3A_680] : memref<512x8192xf32, #tpu.memory_space<hbm>> -> memref<1x8192xf32, #tpu.memory_space<hbm>>
    %dma_wait3A_682 = arith.constant 0 : i32
    %dma_wait3A_683 = tpu.memref_slice %arg4[%add3A_642, %dma_wait3A_682] : memref<512x8192xf32, #tpu.memory_space<hbm>> -> memref<1x8192xf32, #tpu.memory_space<hbm>>
    tpu.wait_dma2 semaphore(%arg22 : memref<!tpu.dma_semaphore, #tpu.memory_space<semaphore_mem>>) src(%dma_wait3A_683 : memref<1x8192xf32, #tpu.memory_space<hbm>>) dst(%arg17 : memref<1x8192xf32, #tpu.memory_space<vmem>>)
    %mul3A_684 = arith.constant 8 : i32
    %mul3A_685 = arith.muli %mul3A_684, %arg1 : i32
    %add3A_686 = arith.constant 5 : i32
    %add3A_687 = arith.addi %mul3A_685, %add3A_686 : i32
    %mul3A_688 = arith.constant 128 : i32
    %mul3A_689 = arith.muli %mul3A_688, %add3A_476 : i32
    %add3A_690 = arith.addi %mul3A_689, %add3A_687 : i32
    %dma_start3A_691 = arith.constant 0 : i32
    %dma_start3A_692 = tpu.memref_slice %arg4[%add3A_690, %dma_start3A_691] : memref<512x8192xf32, #tpu.memory_space<hbm>> -> memref<1x8192xf32, #tpu.memory_space<hbm>>
    %dma_start3A_693 = arith.constant 0 : i32
    %dma_start3A_694 = tpu.memref_slice %arg4[%add3A_690, %dma_start3A_693] : memref<512x8192xf32, #tpu.memory_space<hbm>> -> memref<1x8192xf32, #tpu.memory_space<hbm>>
    tpu.enqueue_dma source(%dma_start3A_694 : memref<1x8192xf32, #tpu.memory_space<hbm>>) target(%arg18 : memref<1x8192xf32, #tpu.memory_space<vmem>>) target_semaphore(%arg23 : memref<!tpu.dma_semaphore, #tpu.memory_space<semaphore_mem>>)
    %mul3A_695 = arith.constant 8 : i32
    %mul3A_696 = arith.muli %mul3A_695, %arg1 : i32
    %add3A_697 = arith.constant 4 : i32
    %add3A_698 = arith.addi %mul3A_696, %add3A_697 : i32
    %mul3A_699 = arith.constant 131 : i32
    %mul3A_700 = arith.muli %mul3A_699, %add3A_476 : i32
    %add3A_701 = arith.constant 3 : i32
    %add3A_702 = arith.addi %mul3A_700, %add3A_701 : i32
    %add3A_703 = arith.addi %add3A_702, %add3A_698 : i32
    %mul3A_704 = arith.constant 32768 : i32
    %mul3A_705 = arith.muli %add3A_703, %mul3A_704 : i32
    %dma_wait3A_706 = tpu.memref_slice %arg5[%add3A_666] : memref<17170432xf32, #tpu.memory_space<hbm>> -> memref<16384xf32, #tpu.memory_space<hbm>>
    %dma_wait3A_707 = tpu.memref_slice %arg5[%add3A_666] : memref<17170432xf32, #tpu.memory_space<hbm>> -> memref<16384xf32, #tpu.memory_space<hbm>>
    tpu.wait_dma2 semaphore(%arg24 : memref<!tpu.dma_semaphore, #tpu.memory_space<semaphore_mem>>) src(%arg19 : memref<16384xf32, #tpu.memory_space<vmem>>) dst(%dma_wait3A_707 : memref<16384xf32, #tpu.memory_space<hbm>>)
    %broadcast_in_dim3A_708 = arith.constant 0 : i32
    %broadcast_in_dim3A_709 = vector.broadcast %broadcast_in_dim3A_708 : i32 to vector<16xi32>
    %parallel_loop3A_710 = arith.constant 0 : i32
    %parallel_loop3A_711 = arith.constant 1024 : i32
    %parallel_loop3A_712 = arith.constant 1 : i32
    scf.for %parallel_loop3A_865 = %parallel_loop3A_710 to %parallel_loop3A_711 step %parallel_loop3A_712  : i32 {
      %parallel_loop3A_866 = arith.constant 16 : i32
      %parallel_loop3A_867 = arith.muli %parallel_loop3A_866, %parallel_loop3A_865 : i32
      %parallel_loop3A_868 = arith.constant 0 : i32
      %parallel_loop3A_869 = arith.addi %parallel_loop3A_868, %parallel_loop3A_867 : i32
      %parallel_loop3A_870 = arith.index_cast %parallel_loop3A_869 : i32 to index
      %parallel_loop3A_871 = tpu.vector_load %arg16[%parallel_loop3A_870] {strides = array<i32>} : memref<32768xi32, #tpu.memory_space<vmem>>, vector<16xi32>,
      %parallel_loop3A_872 = tpu.vector_load_idx %arg17[%broadcast_in_dim3A_709, %parallel_loop3A_871] : memref<1x8192xf32, #tpu.memory_space<vmem>>[vector<16xi32>, vector<16xi32>], vector<16xf32>,
      %parallel_loop3A_873 = arith.index_cast %parallel_loop3A_867 : i32 to index
      %parallel_loop3A_874 = tpu.vector_load %arg19[%parallel_loop3A_873] {strides = array<i32>} : memref<16384xf32, #tpu.memory_space<vmem>>, vector<16xf32>,
      tpu.vector_store %arg19[%parallel_loop3A_873], %parallel_loop3A_872 {strides = array<i32>} : memref<16384xf32, #tpu.memory_space<vmem>>, vector<16xf32>,
    } {sc.loop_unroll_factor = 8 : i64, sc.parallel_access}
    %add3A_713 = arith.constant 0 : i32
    %add3A_714 = arith.addi %mul3A_705, %add3A_713 : i32
    %dma_start3A_715 = tpu.memref_slice %arg5[%add3A_714] : memref<17170432xf32, #tpu.memory_space<hbm>> -> memref<16384xf32, #tpu.memory_space<hbm>>
    %dma_start3A_716 = tpu.memref_slice %arg5[%add3A_714] : memref<17170432xf32, #tpu.memory_space<hbm>> -> memref<16384xf32, #tpu.memory_space<hbm>>
    tpu.enqueue_dma source(%arg19 : memref<16384xf32, #tpu.memory_space<vmem>>) target(%dma_start3A_716 : memref<16384xf32, #tpu.memory_space<hbm>>) target_semaphore(%arg24 : memref<!tpu.dma_semaphore, #tpu.memory_space<semaphore_mem>>)
    %dma_wait3A_717 = tpu.memref_slice %arg5[%add3A_677] : memref<17170432xf32, #tpu.memory_space<hbm>> -> memref<16384xf32, #tpu.memory_space<hbm>>
    %dma_wait3A_718 = tpu.memref_slice %arg5[%add3A_677] : memref<17170432xf32, #tpu.memory_space<hbm>> -> memref<16384xf32, #tpu.memory_space<hbm>>
    tpu.wait_dma2 semaphore(%arg25 : memref<!tpu.dma_semaphore, #tpu.memory_space<semaphore_mem>>) src(%arg20 : memref<16384xf32, #tpu.memory_space<vmem>>) dst(%dma_wait3A_718 : memref<16384xf32, #tpu.memory_space<hbm>>)
    %broadcast_in_dim3A_719 = arith.constant 0 : i32
    %broadcast_in_dim3A_720 = vector.broadcast %broadcast_in_dim3A_719 : i32 to vector<16xi32>
    %parallel_loop3A_721 = arith.constant 0 : i32
    %parallel_loop3A_722 = arith.constant 1024 : i32
    %parallel_loop3A_723 = arith.constant 1 : i32
    scf.for %parallel_loop3A_865 = %parallel_loop3A_721 to %parallel_loop3A_722 step %parallel_loop3A_723  : i32 {
      %parallel_loop3A_866 = arith.constant 16 : i32
      %parallel_loop3A_867 = arith.muli %parallel_loop3A_866, %parallel_loop3A_865 : i32
      %parallel_loop3A_868 = arith.constant 16384 : i32
      %parallel_loop3A_869 = arith.addi %parallel_loop3A_868, %parallel_loop3A_867 : i32
      %parallel_loop3A_870 = arith.index_cast %parallel_loop3A_869 : i32 to index
      %parallel_loop3A_871 = tpu.vector_load %arg16[%parallel_loop3A_870] {strides = array<i32>} : memref<32768xi32, #tpu.memory_space<vmem>>, vector<16xi32>,
      %parallel_loop3A_872 = tpu.vector_load_idx %arg17[%broadcast_in_dim3A_720, %parallel_loop3A_871] : memref<1x8192xf32, #tpu.memory_space<vmem>>[vector<16xi32>, vector<16xi32>], vector<16xf32>,
      %parallel_loop3A_873 = arith.index_cast %parallel_loop3A_867 : i32 to index
      %parallel_loop3A_874 = tpu.vector_load %arg20[%parallel_loop3A_873] {strides = array<i32>} : memref<16384xf32, #tpu.memory_space<vmem>>, vector<16xf32>,
      tpu.vector_store %arg20[%parallel_loop3A_873], %parallel_loop3A_872 {strides = array<i32>} : memref<16384xf32, #tpu.memory_space<vmem>>, vector<16xf32>,
    } {sc.loop_unroll_factor = 8 : i64, sc.parallel_access}
    %add3A_724 = arith.constant 16384 : i32
    %add3A_725 = arith.addi %mul3A_705, %add3A_724 : i32
    %dma_start3A_726 = tpu.memref_slice %arg5[%add3A_725] : memref<17170432xf32, #tpu.memory_space<hbm>> -> memref<16384xf32, #tpu.memory_space<hbm>>
    %dma_start3A_727 = tpu.memref_slice %arg5[%add3A_725] : memref<17170432xf32, #tpu.memory_space<hbm>> -> memref<16384xf32, #tpu.memory_space<hbm>>
    tpu.enqueue_dma source(%arg20 : memref<16384xf32, #tpu.memory_space<vmem>>) target(%dma_start3A_727 : memref<16384xf32, #tpu.memory_space<hbm>>) target_semaphore(%arg25 : memref<!tpu.dma_semaphore, #tpu.memory_space<semaphore_mem>>)
    %dma_wait3A_728 = arith.constant 0 : i32
    %dma_wait3A_729 = tpu.memref_slice %arg4[%add3A_690, %dma_wait3A_728] : memref<512x8192xf32, #tpu.memory_space<hbm>> -> memref<1x8192xf32, #tpu.memory_space<hbm>>
    %dma_wait3A_730 = arith.constant 0 : i32
    %dma_wait3A_731 = tpu.memref_slice %arg4[%add3A_690, %dma_wait3A_730] : memref<512x8192xf32, #tpu.memory_space<hbm>> -> memref<1x8192xf32, #tpu.memory_space<hbm>>
    tpu.wait_dma2 semaphore(%arg23 : memref<!tpu.dma_semaphore, #tpu.memory_space<semaphore_mem>>) src(%dma_wait3A_731 : memref<1x8192xf32, #tpu.memory_space<hbm>>) dst(%arg18 : memref<1x8192xf32, #tpu.memory_space<vmem>>)
    %mul3A_732 = arith.constant 8 : i32
    %mul3A_733 = arith.muli %mul3A_732, %arg1 : i32
    %add3A_734 = arith.constant 6 : i32
    %add3A_735 = arith.addi %mul3A_733, %add3A_734 : i32
    %mul3A_736 = arith.constant 128 : i32
    %mul3A_737 = arith.muli %mul3A_736, %add3A_476 : i32
    %add3A_738 = arith.addi %mul3A_737, %add3A_735 : i32
    %dma_start3A_739 = arith.constant 0 : i32
    %dma_start3A_740 = tpu.memref_slice %arg4[%add3A_738, %dma_start3A_739] : memref<512x8192xf32, #tpu.memory_space<hbm>> -> memref<1x8192xf32, #tpu.memory_space<hbm>>
    %dma_start3A_741 = arith.constant 0 : i32
    %dma_start3A_742 = tpu.memref_slice %arg4[%add3A_738, %dma_start3A_741] : memref<512x8192xf32, #tpu.memory_space<hbm>> -> memref<1x8192xf32, #tpu.memory_space<hbm>>
    tpu.enqueue_dma source(%dma_start3A_742 : memref<1x8192xf32, #tpu.memory_space<hbm>>) target(%arg17 : memref<1x8192xf32, #tpu.memory_space<vmem>>) target_semaphore(%arg22 : memref<!tpu.dma_semaphore, #tpu.memory_space<semaphore_mem>>)
    %mul3A_743 = arith.constant 8 : i32
    %mul3A_744 = arith.muli %mul3A_743, %arg1 : i32
    %add3A_745 = arith.constant 5 : i32
    %add3A_746 = arith.addi %mul3A_744, %add3A_745 : i32
    %mul3A_747 = arith.constant 131 : i32
    %mul3A_748 = arith.muli %mul3A_747, %add3A_476 : i32
    %add3A_749 = arith.constant 3 : i32
    %add3A_750 = arith.addi %mul3A_748, %add3A_749 : i32
    %add3A_751 = arith.addi %add3A_750, %add3A_746 : i32
    %mul3A_752 = arith.constant 32768 : i32
    %mul3A_753 = arith.muli %add3A_751, %mul3A_752 : i32
    %dma_wait3A_754 = tpu.memref_slice %arg5[%add3A_714] : memref<17170432xf32, #tpu.memory_space<hbm>> -> memref<16384xf32, #tpu.memory_space<hbm>>
    %dma_wait3A_755 = tpu.memref_slice %arg5[%add3A_714] : memref<17170432xf32, #tpu.memory_space<hbm>> -> memref<16384xf32, #tpu.memory_space<hbm>>
    tpu.wait_dma2 semaphore(%arg24 : memref<!tpu.dma_semaphore, #tpu.memory_space<semaphore_mem>>) src(%arg19 : memref<16384xf32, #tpu.memory_space<vmem>>) dst(%dma_wait3A_755 : memref<16384xf32, #tpu.memory_space<hbm>>)
    %broadcast_in_dim3A_756 = arith.constant 0 : i32
    %broadcast_in_dim3A_757 = vector.broadcast %broadcast_in_dim3A_756 : i32 to vector<16xi32>
    %parallel_loop3A_758 = arith.constant 0 : i32
    %parallel_loop3A_759 = arith.constant 1024 : i32
    %parallel_loop3A_760 = arith.constant 1 : i32
    scf.for %parallel_loop3A_865 = %parallel_loop3A_758 to %parallel_loop3A_759 step %parallel_loop3A_760  : i32 {
      %parallel_loop3A_866 = arith.constant 16 : i32
      %parallel_loop3A_867 = arith.muli %parallel_loop3A_866, %parallel_loop3A_865 : i32
      %parallel_loop3A_868 = arith.constant 0 : i32
      %parallel_loop3A_869 = arith.addi %parallel_loop3A_868, %parallel_loop3A_867 : i32
      %parallel_loop3A_870 = arith.index_cast %parallel_loop3A_869 : i32 to index
      %parallel_loop3A_871 = tpu.vector_load %arg16[%parallel_loop3A_870] {strides = array<i32>} : memref<32768xi32, #tpu.memory_space<vmem>>, vector<16xi32>,
      %parallel_loop3A_872 = tpu.vector_load_idx %arg18[%broadcast_in_dim3A_757, %parallel_loop3A_871] : memref<1x8192xf32, #tpu.memory_space<vmem>>[vector<16xi32>, vector<16xi32>], vector<16xf32>,
      %parallel_loop3A_873 = arith.index_cast %parallel_loop3A_867 : i32 to index
      %parallel_loop3A_874 = tpu.vector_load %arg19[%parallel_loop3A_873] {strides = array<i32>} : memref<16384xf32, #tpu.memory_space<vmem>>, vector<16xf32>,
      tpu.vector_store %arg19[%parallel_loop3A_873], %parallel_loop3A_872 {strides = array<i32>} : memref<16384xf32, #tpu.memory_space<vmem>>, vector<16xf32>,
    } {sc.loop_unroll_factor = 8 : i64, sc.parallel_access}
    %add3A_761 = arith.constant 0 : i32
    %add3A_762 = arith.addi %mul3A_753, %add3A_761 : i32
    %dma_start3A_763 = tpu.memref_slice %arg5[%add3A_762] : memref<17170432xf32, #tpu.memory_space<hbm>> -> memref<16384xf32, #tpu.memory_space<hbm>>
    %dma_start3A_764 = tpu.memref_slice %arg5[%add3A_762] : memref<17170432xf32, #tpu.memory_space<hbm>> -> memref<16384xf32, #tpu.memory_space<hbm>>
    tpu.enqueue_dma source(%arg19 : memref<16384xf32, #tpu.memory_space<vmem>>) target(%dma_start3A_764 : memref<16384xf32, #tpu.memory_space<hbm>>) target_semaphore(%arg24 : memref<!tpu.dma_semaphore, #tpu.memory_space<semaphore_mem>>)
    %dma_wait3A_765 = tpu.memref_slice %arg5[%add3A_725] : memref<17170432xf32, #tpu.memory_space<hbm>> -> memref<16384xf32, #tpu.memory_space<hbm>>
    %dma_wait3A_766 = tpu.memref_slice %arg5[%add3A_725] : memref<17170432xf32, #tpu.memory_space<hbm>> -> memref<16384xf32, #tpu.memory_space<hbm>>
    tpu.wait_dma2 semaphore(%arg25 : memref<!tpu.dma_semaphore, #tpu.memory_space<semaphore_mem>>) src(%arg20 : memref<16384xf32, #tpu.memory_space<vmem>>) dst(%dma_wait3A_766 : memref<16384xf32, #tpu.memory_space<hbm>>)
    %broadcast_in_dim3A_767 = arith.constant 0 : i32
    %broadcast_in_dim3A_768 = vector.broadcast %broadcast_in_dim3A_767 : i32 to vector<16xi32>
    %parallel_loop3A_769 = arith.constant 0 : i32
    %parallel_loop3A_770 = arith.constant 1024 : i32
    %parallel_loop3A_771 = arith.constant 1 : i32
    scf.for %parallel_loop3A_865 = %parallel_loop3A_769 to %parallel_loop3A_770 step %parallel_loop3A_771  : i32 {
      %parallel_loop3A_866 = arith.constant 16 : i32
      %parallel_loop3A_867 = arith.muli %parallel_loop3A_866, %parallel_loop3A_865 : i32
      %parallel_loop3A_868 = arith.constant 16384 : i32
      %parallel_loop3A_869 = arith.addi %parallel_loop3A_868, %parallel_loop3A_867 : i32
      %parallel_loop3A_870 = arith.index_cast %parallel_loop3A_869 : i32 to index
      %parallel_loop3A_871 = tpu.vector_load %arg16[%parallel_loop3A_870] {strides = array<i32>} : memref<32768xi32, #tpu.memory_space<vmem>>, vector<16xi32>,
      %parallel_loop3A_872 = tpu.vector_load_idx %arg18[%broadcast_in_dim3A_768, %parallel_loop3A_871] : memref<1x8192xf32, #tpu.memory_space<vmem>>[vector<16xi32>, vector<16xi32>], vector<16xf32>,
      %parallel_loop3A_873 = arith.index_cast %parallel_loop3A_867 : i32 to index
      %parallel_loop3A_874 = tpu.vector_load %arg20[%parallel_loop3A_873] {strides = array<i32>} : memref<16384xf32, #tpu.memory_space<vmem>>, vector<16xf32>,
      tpu.vector_store %arg20[%parallel_loop3A_873], %parallel_loop3A_872 {strides = array<i32>} : memref<16384xf32, #tpu.memory_space<vmem>>, vector<16xf32>,
    } {sc.loop_unroll_factor = 8 : i64, sc.parallel_access}
    %add3A_772 = arith.constant 16384 : i32
    %add3A_773 = arith.addi %mul3A_753, %add3A_772 : i32
    %dma_start3A_774 = tpu.memref_slice %arg5[%add3A_773] : memref<17170432xf32, #tpu.memory_space<hbm>> -> memref<16384xf32, #tpu.memory_space<hbm>>
    %dma_start3A_775 = tpu.memref_slice %arg5[%add3A_773] : memref<17170432xf32, #tpu.memory_space<hbm>> -> memref<16384xf32, #tpu.memory_space<hbm>>
    tpu.enqueue_dma source(%arg20 : memref<16384xf32, #tpu.memory_space<vmem>>) target(%dma_start3A_775 : memref<16384xf32, #tpu.memory_space<hbm>>) target_semaphore(%arg25 : memref<!tpu.dma_semaphore, #tpu.memory_space<semaphore_mem>>)
    %dma_wait3A_776 = arith.constant 0 : i32
    %dma_wait3A_777 = tpu.memref_slice %arg4[%add3A_738, %dma_wait3A_776] : memref<512x8192xf32, #tpu.memory_space<hbm>> -> memref<1x8192xf32, #tpu.memory_space<hbm>>
    %dma_wait3A_778 = arith.constant 0 : i32
    %dma_wait3A_779 = tpu.memref_slice %arg4[%add3A_738, %dma_wait3A_778] : memref<512x8192xf32, #tpu.memory_space<hbm>> -> memref<1x8192xf32, #tpu.memory_space<hbm>>
    tpu.wait_dma2 semaphore(%arg22 : memref<!tpu.dma_semaphore, #tpu.memory_space<semaphore_mem>>) src(%dma_wait3A_779 : memref<1x8192xf32, #tpu.memory_space<hbm>>) dst(%arg17 : memref<1x8192xf32, #tpu.memory_space<vmem>>)
    %mul3A_780 = arith.constant 8 : i32
    %mul3A_781 = arith.muli %mul3A_780, %arg1 : i32
    %add3A_782 = arith.constant 7 : i32
    %add3A_783 = arith.addi %mul3A_781, %add3A_782 : i32
    %mul3A_784 = arith.constant 128 : i32
    %mul3A_785 = arith.muli %mul3A_784, %add3A_476 : i32
    %add3A_786 = arith.addi %mul3A_785, %add3A_783 : i32
    %dma_start3A_787 = arith.constant 0 : i32
    %dma_start3A_788 = tpu.memref_slice %arg4[%add3A_786, %dma_start3A_787] : memref<512x8192xf32, #tpu.memory_space<hbm>> -> memref<1x8192xf32, #tpu.memory_space<hbm>>
    %dma_start3A_789 = arith.constant 0 : i32
    %dma_start3A_790 = tpu.memref_slice %arg4[%add3A_786, %dma_start3A_789] : memref<512x8192xf32, #tpu.memory_space<hbm>> -> memref<1x8192xf32, #tpu.memory_space<hbm>>
    tpu.enqueue_dma source(%dma_start3A_790 : memref<1x8192xf32, #tpu.memory_space<hbm>>) target(%arg18 : memref<1x8192xf32, #tpu.memory_space<vmem>>) target_semaphore(%arg23 : memref<!tpu.dma_semaphore, #tpu.memory_space<semaphore_mem>>)
    %mul3A_791 = arith.constant 8 : i32
    %mul3A_792 = arith.muli %mul3A_791, %arg1 : i32
    %add3A_793 = arith.constant 6 : i32
    %add3A_794 = arith.addi %mul3A_792, %add3A_793 : i32
    %mul3A_795 = arith.constant 131 : i32
    %mul3A_796 = arith.muli %mul3A_795, %add3A_476 : i32
    %add3A_797 = arith.constant 3 : i32
    %add3A_798 = arith.addi %mul3A_796, %add3A_797 : i32
    %add3A_799 = arith.addi %add3A_798, %add3A_794 : i32
    %mul3A_800 = arith.constant 32768 : i32
    %mul3A_801 = arith.muli %add3A_799, %mul3A_800 : i32
    %dma_wait3A_802 = tpu.memref_slice %arg5[%add3A_762] : memref<17170432xf32, #tpu.memory_space<hbm>> -> memref<16384xf32, #tpu.memory_space<hbm>>
    %dma_wait3A_803 = tpu.memref_slice %arg5[%add3A_762] : memref<17170432xf32, #tpu.memory_space<hbm>> -> memref<16384xf32, #tpu.memory_space<hbm>>
    tpu.wait_dma2 semaphore(%arg24 : memref<!tpu.dma_semaphore, #tpu.memory_space<semaphore_mem>>) src(%arg19 : memref<16384xf32, #tpu.memory_space<vmem>>) dst(%dma_wait3A_803 : memref<16384xf32, #tpu.memory_space<hbm>>)
    %broadcast_in_dim3A_804 = arith.constant 0 : i32
    %broadcast_in_dim3A_805 = vector.broadcast %broadcast_in_dim3A_804 : i32 to vector<16xi32>
    %parallel_loop3A_806 = arith.constant 0 : i32
    %parallel_loop3A_807 = arith.constant 1024 : i32
    %parallel_loop3A_808 = arith.constant 1 : i32
    scf.for %parallel_loop3A_865 = %parallel_loop3A_806 to %parallel_loop3A_807 step %parallel_loop3A_808  : i32 {
      %parallel_loop3A_866 = arith.constant 16 : i32
      %parallel_loop3A_867 = arith.muli %parallel_loop3A_866, %parallel_loop3A_865 : i32
      %parallel_loop3A_868 = arith.constant 0 : i32
      %parallel_loop3A_869 = arith.addi %parallel_loop3A_868, %parallel_loop3A_867 : i32
      %parallel_loop3A_870 = arith.index_cast %parallel_loop3A_869 : i32 to index
      %parallel_loop3A_871 = tpu.vector_load %arg16[%parallel_loop3A_870] {strides = array<i32>} : memref<32768xi32, #tpu.memory_space<vmem>>, vector<16xi32>,
      %parallel_loop3A_872 = tpu.vector_load_idx %arg17[%broadcast_in_dim3A_805, %parallel_loop3A_871] : memref<1x8192xf32, #tpu.memory_space<vmem>>[vector<16xi32>, vector<16xi32>], vector<16xf32>,
      %parallel_loop3A_873 = arith.index_cast %parallel_loop3A_867 : i32 to index
      %parallel_loop3A_874 = tpu.vector_load %arg19[%parallel_loop3A_873] {strides = array<i32>} : memref<16384xf32, #tpu.memory_space<vmem>>, vector<16xf32>,
      tpu.vector_store %arg19[%parallel_loop3A_873], %parallel_loop3A_872 {strides = array<i32>} : memref<16384xf32, #tpu.memory_space<vmem>>, vector<16xf32>,
    } {sc.loop_unroll_factor = 8 : i64, sc.parallel_access}
    %add3A_809 = arith.constant 0 : i32
    %add3A_810 = arith.addi %mul3A_801, %add3A_809 : i32
    %dma_start3A_811 = tpu.memref_slice %arg5[%add3A_810] : memref<17170432xf32, #tpu.memory_space<hbm>> -> memref<16384xf32, #tpu.memory_space<hbm>>
    %dma_start3A_812 = tpu.memref_slice %arg5[%add3A_810] : memref<17170432xf32, #tpu.memory_space<hbm>> -> memref<16384xf32, #tpu.memory_space<hbm>>
    tpu.enqueue_dma source(%arg19 : memref<16384xf32, #tpu.memory_space<vmem>>) target(%dma_start3A_812 : memref<16384xf32, #tpu.memory_space<hbm>>) target_semaphore(%arg24 : memref<!tpu.dma_semaphore, #tpu.memory_space<semaphore_mem>>)
    %dma_wait3A_813 = tpu.memref_slice %arg5[%add3A_773] : memref<17170432xf32, #tpu.memory_space<hbm>> -> memref<16384xf32, #tpu.memory_space<hbm>>
    %dma_wait3A_814 = tpu.memref_slice %arg5[%add3A_773] : memref<17170432xf32, #tpu.memory_space<hbm>> -> memref<16384xf32, #tpu.memory_space<hbm>>
    tpu.wait_dma2 semaphore(%arg25 : memref<!tpu.dma_semaphore, #tpu.memory_space<semaphore_mem>>) src(%arg20 : memref<16384xf32, #tpu.memory_space<vmem>>) dst(%dma_wait3A_814 : memref<16384xf32, #tpu.memory_space<hbm>>)
    %broadcast_in_dim3A_815 = arith.constant 0 : i32
    %broadcast_in_dim3A_816 = vector.broadcast %broadcast_in_dim3A_815 : i32 to vector<16xi32>
    %parallel_loop3A_817 = arith.constant 0 : i32
    %parallel_loop3A_818 = arith.constant 1024 : i32
    %parallel_loop3A_819 = arith.constant 1 : i32
    scf.for %parallel_loop3A_865 = %parallel_loop3A_817 to %parallel_loop3A_818 step %parallel_loop3A_819  : i32 {
      %parallel_loop3A_866 = arith.constant 16 : i32
      %parallel_loop3A_867 = arith.muli %parallel_loop3A_866, %parallel_loop3A_865 : i32
      %parallel_loop3A_868 = arith.constant 16384 : i32
      %parallel_loop3A_869 = arith.addi %parallel_loop3A_868, %parallel_loop3A_867 : i32
      %parallel_loop3A_870 = arith.index_cast %parallel_loop3A_869 : i32 to index
      %parallel_loop3A_871 = tpu.vector_load %arg16[%parallel_loop3A_870] {strides = array<i32>} : memref<32768xi32, #tpu.memory_space<vmem>>, vector<16xi32>,
      %parallel_loop3A_872 = tpu.vector_load_idx %arg17[%broadcast_in_dim3A_816, %parallel_loop3A_871] : memref<1x8192xf32, #tpu.memory_space<vmem>>[vector<16xi32>, vector<16xi32>], vector<16xf32>,
      %parallel_loop3A_873 = arith.index_cast %parallel_loop3A_867 : i32 to index
      %parallel_loop3A_874 = tpu.vector_load %arg20[%parallel_loop3A_873] {strides = array<i32>} : memref<16384xf32, #tpu.memory_space<vmem>>, vector<16xf32>,
      tpu.vector_store %arg20[%parallel_loop3A_873], %parallel_loop3A_872 {strides = array<i32>} : memref<16384xf32, #tpu.memory_space<vmem>>, vector<16xf32>,
    } {sc.loop_unroll_factor = 8 : i64, sc.parallel_access}
    %add3A_820 = arith.constant 16384 : i32
    %add3A_821 = arith.addi %mul3A_801, %add3A_820 : i32
    %dma_start3A_822 = tpu.memref_slice %arg5[%add3A_821] : memref<17170432xf32, #tpu.memory_space<hbm>> -> memref<16384xf32, #tpu.memory_space<hbm>>
    %dma_start3A_823 = tpu.memref_slice %arg5[%add3A_821] : memref<17170432xf32, #tpu.memory_space<hbm>> -> memref<16384xf32, #tpu.memory_space<hbm>>
    tpu.enqueue_dma source(%arg20 : memref<16384xf32, #tpu.memory_space<vmem>>) target(%dma_start3A_823 : memref<16384xf32, #tpu.memory_space<hbm>>) target_semaphore(%arg25 : memref<!tpu.dma_semaphore, #tpu.memory_space<semaphore_mem>>)
    %dma_wait3A_824 = arith.constant 0 : i32
    %dma_wait3A_825 = tpu.memref_slice %arg4[%add3A_786, %dma_wait3A_824] : memref<512x8192xf32, #tpu.memory_space<hbm>> -> memref<1x8192xf32, #tpu.memory_space<hbm>>
    %dma_wait3A_826 = arith.constant 0 : i32
    %dma_wait3A_827 = tpu.memref_slice %arg4[%add3A_786, %dma_wait3A_826] : memref<512x8192xf32, #tpu.memory_space<hbm>> -> memref<1x8192xf32, #tpu.memory_space<hbm>>
    tpu.wait_dma2 semaphore(%arg23 : memref<!tpu.dma_semaphore, #tpu.memory_space<semaphore_mem>>) src(%dma_wait3A_827 : memref<1x8192xf32, #tpu.memory_space<hbm>>) dst(%arg18 : memref<1x8192xf32, #tpu.memory_space<vmem>>)
    %mul3A_828 = arith.constant 8 : i32
    %mul3A_829 = arith.muli %mul3A_828, %arg1 : i32
    %add3A_830 = arith.constant 7 : i32
    %add3A_831 = arith.addi %mul3A_829, %add3A_830 : i32
    %mul3A_832 = arith.constant 131 : i32
    %mul3A_833 = arith.muli %mul3A_832, %add3A_476 : i32
    %add3A_834 = arith.constant 3 : i32
    %add3A_835 = arith.addi %mul3A_833, %add3A_834 : i32
    %add3A_836 = arith.addi %add3A_835, %add3A_831 : i32
    %mul3A_837 = arith.constant 32768 : i32
    %mul3A_838 = arith.muli %add3A_836, %mul3A_837 : i32
    %dma_wait3A_839 = tpu.memref_slice %arg5[%add3A_810] : memref<17170432xf32, #tpu.memory_space<hbm>> -> memref<16384xf32, #tpu.memory_space<hbm>>
    %dma_wait3A_840 = tpu.memref_slice %arg5[%add3A_810] : memref<17170432xf32, #tpu.memory_space<hbm>> -> memref<16384xf32, #tpu.memory_space<hbm>>
    tpu.wait_dma2 semaphore(%arg24 : memref<!tpu.dma_semaphore, #tpu.memory_space<semaphore_mem>>) src(%arg19 : memref<16384xf32, #tpu.memory_space<vmem>>) dst(%dma_wait3A_840 : memref<16384xf32, #tpu.memory_space<hbm>>)
    %broadcast_in_dim3A_841 = arith.constant 0 : i32
    %broadcast_in_dim3A_842 = vector.broadcast %broadcast_in_dim3A_841 : i32 to vector<16xi32>
    %parallel_loop3A_843 = arith.constant 0 : i32
    %parallel_loop3A_844 = arith.constant 1024 : i32
    %parallel_loop3A_845 = arith.constant 1 : i32
    scf.for %parallel_loop3A_865 = %parallel_loop3A_843 to %parallel_loop3A_844 step %parallel_loop3A_845  : i32 {
      %parallel_loop3A_866 = arith.constant 16 : i32
      %parallel_loop3A_867 = arith.muli %parallel_loop3A_866, %parallel_loop3A_865 : i32
      %parallel_loop3A_868 = arith.constant 0 : i32
      %parallel_loop3A_869 = arith.addi %parallel_loop3A_868, %parallel_loop3A_867 : i32
      %parallel_loop3A_870 = arith.index_cast %parallel_loop3A_869 : i32 to index
      %parallel_loop3A_871 = tpu.vector_load %arg16[%parallel_loop3A_870] {strides = array<i32>} : memref<32768xi32, #tpu.memory_space<vmem>>, vector<16xi32>,
      %parallel_loop3A_872 = tpu.vector_load_idx %arg18[%broadcast_in_dim3A_842, %parallel_loop3A_871] : memref<1x8192xf32, #tpu.memory_space<vmem>>[vector<16xi32>, vector<16xi32>], vector<16xf32>,
      %parallel_loop3A_873 = arith.index_cast %parallel_loop3A_867 : i32 to index
      %parallel_loop3A_874 = tpu.vector_load %arg19[%parallel_loop3A_873] {strides = array<i32>} : memref<16384xf32, #tpu.memory_space<vmem>>, vector<16xf32>,
      tpu.vector_store %arg19[%parallel_loop3A_873], %parallel_loop3A_872 {strides = array<i32>} : memref<16384xf32, #tpu.memory_space<vmem>>, vector<16xf32>,
    } {sc.loop_unroll_factor = 8 : i64, sc.parallel_access}
    %add3A_846 = arith.constant 0 : i32
    %add3A_847 = arith.addi %mul3A_838, %add3A_846 : i32
    %dma_start3A_848 = tpu.memref_slice %arg5[%add3A_847] : memref<17170432xf32, #tpu.memory_space<hbm>> -> memref<16384xf32, #tpu.memory_space<hbm>>
    %dma_start3A_849 = tpu.memref_slice %arg5[%add3A_847] : memref<17170432xf32, #tpu.memory_space<hbm>> -> memref<16384xf32, #tpu.memory_space<hbm>>
    tpu.enqueue_dma source(%arg19 : memref<16384xf32, #tpu.memory_space<vmem>>) target(%dma_start3A_849 : memref<16384xf32, #tpu.memory_space<hbm>>) target_semaphore(%arg24 : memref<!tpu.dma_semaphore, #tpu.memory_space<semaphore_mem>>)
    %dma_wait3A_850 = tpu.memref_slice %arg5[%add3A_821] : memref<17170432xf32, #tpu.memory_space<hbm>> -> memref<16384xf32, #tpu.memory_space<hbm>>
    %dma_wait3A_851 = tpu.memref_slice %arg5[%add3A_821] : memref<17170432xf32, #tpu.memory_space<hbm>> -> memref<16384xf32, #tpu.memory_space<hbm>>
    tpu.wait_dma2 semaphore(%arg25 : memref<!tpu.dma_semaphore, #tpu.memory_space<semaphore_mem>>) src(%arg20 : memref<16384xf32, #tpu.memory_space<vmem>>) dst(%dma_wait3A_851 : memref<16384xf32, #tpu.memory_space<hbm>>)
    %broadcast_in_dim3A_852 = arith.constant 0 : i32
    %broadcast_in_dim3A_853 = vector.broadcast %broadcast_in_dim3A_852 : i32 to vector<16xi32>
    %parallel_loop3A_854 = arith.constant 0 : i32
    %parallel_loop3A_855 = arith.constant 1024 : i32
    %parallel_loop3A_856 = arith.constant 1 : i32
    scf.for %parallel_loop3A_865 = %parallel_loop3A_854 to %parallel_loop3A_855 step %parallel_loop3A_856  : i32 {
      %parallel_loop3A_866 = arith.constant 16 : i32
      %parallel_loop3A_867 = arith.muli %parallel_loop3A_866, %parallel_loop3A_865 : i32
      %parallel_loop3A_868 = arith.constant 16384 : i32
      %parallel_loop3A_869 = arith.addi %parallel_loop3A_868, %parallel_loop3A_867 : i32
      %parallel_loop3A_870 = arith.index_cast %parallel_loop3A_869 : i32 to index
      %parallel_loop3A_871 = tpu.vector_load %arg16[%parallel_loop3A_870] {strides = array<i32>} : memref<32768xi32, #tpu.memory_space<vmem>>, vector<16xi32>,
      %parallel_loop3A_872 = tpu.vector_load_idx %arg18[%broadcast_in_dim3A_853, %parallel_loop3A_871] : memref<1x8192xf32, #tpu.memory_space<vmem>>[vector<16xi32>, vector<16xi32>], vector<16xf32>,
      %parallel_loop3A_873 = arith.index_cast %parallel_loop3A_867 : i32 to index
      %parallel_loop3A_874 = tpu.vector_load %arg20[%parallel_loop3A_873] {strides = array<i32>} : memref<16384xf32, #tpu.memory_space<vmem>>, vector<16xf32>,
      tpu.vector_store %arg20[%parallel_loop3A_873], %parallel_loop3A_872 {strides = array<i32>} : memref<16384xf32, #tpu.memory_space<vmem>>, vector<16xf32>,
    } {sc.loop_unroll_factor = 8 : i64, sc.parallel_access}
    %add3A_857 = arith.constant 16384 : i32
    %add3A_858 = arith.addi %mul3A_838, %add3A_857 : i32
    %dma_start3A_859 = tpu.memref_slice %arg5[%add3A_858] : memref<17170432xf32, #tpu.memory_space<hbm>> -> memref<16384xf32, #tpu.memory_space<hbm>>
    %dma_start3A_860 = tpu.memref_slice %arg5[%add3A_858] : memref<17170432xf32, #tpu.memory_space<hbm>> -> memref<16384xf32, #tpu.memory_space<hbm>>
    tpu.enqueue_dma source(%arg20 : memref<16384xf32, #tpu.memory_space<vmem>>) target(%dma_start3A_860 : memref<16384xf32, #tpu.memory_space<hbm>>) target_semaphore(%arg25 : memref<!tpu.dma_semaphore, #tpu.memory_space<semaphore_mem>>)
    %dma_wait3A_861 = tpu.memref_slice %arg5[%add3A_847] : memref<17170432xf32, #tpu.memory_space<hbm>> -> memref<16384xf32, #tpu.memory_space<hbm>>
    %dma_wait3A_862 = tpu.memref_slice %arg5[%add3A_847] : memref<17170432xf32, #tpu.memory_space<hbm>> -> memref<16384xf32, #tpu.memory_space<hbm>>
    tpu.wait_dma2 semaphore(%arg24 : memref<!tpu.dma_semaphore, #tpu.memory_space<semaphore_mem>>) src(%arg19 : memref<16384xf32, #tpu.memory_space<vmem>>) dst(%dma_wait3A_862 : memref<16384xf32, #tpu.memory_space<hbm>>)
    %dma_wait3A_863 = tpu.memref_slice %arg5[%add3A_858] : memref<17170432xf32, #tpu.memory_space<hbm>> -> memref<16384xf32, #tpu.memory_space<hbm>>
    %dma_wait3A_864 = tpu.memref_slice %arg5[%add3A_858] : memref<17170432xf32, #tpu.memory_space<hbm>> -> memref<16384xf32, #tpu.memory_space<hbm>>
    tpu.wait_dma2 semaphore(%arg25 : memref<!tpu.dma_semaphore, #tpu.memory_space<semaphore_mem>>) src(%arg20 : memref<16384xf32, #tpu.memory_space<vmem>>) dst(%dma_wait3A_864 : memref<16384xf32, #tpu.memory_space<hbm>>)
    return
  }
}

</mosaic_0001>

<sc_bundles>
// kernel: _qag_sc.3.cloned.1.call-start
scs
__scs_entry_jumppad:
0x0: {  	(pc) =	sbr.rel $0x88, $3  }
0x1: {  	(tag) =	ssettag $0x0;
	lr =	simm.s32 $0x1  }
0x2: {  	[smem:$0x3F9E] =	sst lr;
	_ =	strace $0xD0000000  }
0x3: {  	_ = 	snop  }
0x4: {  	_ = 	snop  }
0x5: {  	_ = 	snop  }
0x6: {  	_ = 	snop  }
0x7: {  	_ = 	snop  }
__scs_overlays_trampoline_lowered:
0x8: {  	[smem:$0x3FAD] =	sst s0  }
0x9: {  	[smem:$0x3FAE] =	sst s1  }
0xa: {  	[smem:$0x3FAF] =	sst s2  }
0xb: {  	[smem:$0x3FB0] =	sst s3  }
0xc: {  	[smem:$0x3FB1] =	sst s4  }
0xd: {  	[smem:$0x3FB2] =	sst s5  }
0xe: {  	[smem:$0x3FB3] =	sst s6  }
0xf: {  	[smem:$0x3FB4] =	sst s7  }
0x10: {  	[smem:$0x3FB5] =	sst s8  }
0x11: {  	[smem:$0x3FB6] =	sst s9;
	s0 =	simm.s32 @!p0 $0x0  }
0x12: {  	s1 =	sld [smem:$0x3F9C];
	s0 =	simm.s32 @p0 $0x1  }
0x13: {  	[smem:$0x3FB7] =	sst s0;
	s0 =	simm.s32 @!p1 $0x0  }
0x14: {  	s2 =	sld [smem:$0x3F9B];
	s0 =	simm.s32 @p1 $0x1  }
0x15: {  	[smem:$0x3FB8] =	sst s0;
	s0 =	simm.s32 @!p2 $0x0  }
0x16: {  	s3 =	sld [smem:$0x3FDB];
	s0 =	simm.s32 @p2 $0x1  }
0x17: {  	s4 =	simm.s32 $0x1BF5;
	[smem:$0x3FBA] =	sst s0  }
0x18: {  	s0 =	sld [smem:$0x3F9D];
	_ =	swait.ge [sflag:s4], $0x0  }
0x19: {  	s7 =	sld [smem:$0x3F9E]  }
0x1a: {  	s8 =	sadd.s32 $0xFFFFE003, lr  }
0x1b: {  	s9 =	sadd.s32 $0xFFFFFEF7, lr;
	s5 =	simm.s32 $0xFFFFFFFF;
	p2 =	slt.u32 s8, $0xFFFFF086  }
0x1c: {  	p1 =	slt.u32 s9, $0xF7A;
	s5 =	simm.s32 @!p2 $0x0  }
0x1d: {  	s5 =	simm.s32 @p1 $0x1;
	p0 =	seq.s32 s7, s2  }
0x1e: {  	s7 =	smul.u32 @!p0 $0xF7A, s2;
	p2 =	seq.s32 @!p0 s5, $0x0  }
0x1f: {  	s9 =	smul.u32 $0xF7A, s1;
	s8 =	simm.s32 @!p0 $0x1BF5;
	p2 =	por !p2, p0  }
0x20: {  	[sflag:s8] =	ssyncset.s32 @!p0 $0xFFFFF086;
	s6 =	sadd.s32 @!p0 s3, s7;
	s7 =	simm.s32 @!p0 $0x108  }
0x21: {  	s3 =	sadd.s32 s3, s9;
	s6 =	sadd.s32 @!p0 $0x88, s6;
	s7 =	simm.s32 @p2 $0x1082  }
0x22: {  	[simem:s7], [sflag:s8] =	dma.local @!p0 [hbm:s6], $0xF7A  }
0x23: {  	s9 =	sor.u32 $0xD0000000, s2;
	s6 =	simm.s32 $0x108;
	_ =	swait.ge @!p0 [sflag:s8], $0x0  }
0x24: {  	s3 =	sadd.s32 $0x88, s3;
	s6 =	simm.s32 @!p1 $0x1082;
	[sflag:s4] =	ssyncset.s32 $0xFFFFF086  }
0x25: {  	[simem:s6], [sflag:s4] =	dma.local [hbm:s3], $0xF7A  }
0x26: {  	[smem:$0x3F9E] =	sst s1;
	(tag) =	ssettag s2;
	_ =	strace s9  }
0x27: {  	s1 =	sld [smem:$0x3FAE]  }
0x28: {  	s2 =	sld [smem:$0x3FAF]  }
0x29: {  	s4 =	sld [smem:$0x3FB1]  }
0x2a: {  	p0 =	seq.s32 s5, $0x0;
	s5 =	sld [smem:$0x3FB2]  }
0x2b: {  	s6 =	sld [smem:$0x3FB3]  }
0x2c: {  	s7 =	sld [smem:$0x3FB4]  }
0x2d: {  	s3 =	simm.s32 $0x108;
	s8 =	sld [smem:$0x3FB5]  }
0x2e: {  	s3 =	simm.s32 @!p0 $0x1082;
	s9 =	sld [smem:$0x3FB6]  }
0x2f: {  	lr =	sadd.s32 s0, s3;
	s0 =	sld [smem:$0x3FAD]  }
0x30: {  	s3 =	sld [smem:$0x3FB0]  }
0x31: {  	[smem:$0x3FB9] =	sst s10  }
0x32: {  	s10 =	sld [smem:$0x3FB7];
	_ =	sdelay $0x3  }
0x33: {  	p0 =	seq.s32 s10, $0x1;
	s10 =	sld [smem:$0x3FB9];
	_ =	sdelay $0x3  }
0x34: {  	[smem:$0x3FB9] =	sst s10  }
0x35: {  	s10 =	sld [smem:$0x3FB8];
	_ =	sdelay $0x3  }
0x36: {  	p1 =	seq.s32 s10, $0x1;
	s10 =	sld [smem:$0x3FB9];
	_ =	sdelay $0x3  }
0x37: {  	[smem:$0x3FB9] =	sst s10  }
0x38: {  	s10 =	sld [smem:$0x3FBA]  }
0x39: {  	_ = 	snop;
	(pc) =	sbr.ind lr, $3  }
0x3a: {  	_ = 	snop  }
0x3b: {  	_ = 	snop  }
0x3c: {  	p2 =	seq.s32 s10, $0x1;
	s10 =	sld [smem:$0x3FB9]  }
0x3d: {  	_ =	shalt  }
0x3e: {  	_ =	shalt  }
0x3f: {  	_ =	shalt  }
0x40: {  	_ =	shalt  }
0x41: {  	_ =	shalt  }
0x42: {  	_ =	shalt  }
0x43: {  	_ =	shalt  }
0x44: {  	_ =	shalt  }
0x45: {  	_ =	shalt  }
0x46: {  	_ =	shalt  }
0x47: {  	_ =	shalt  }
0x48: {  	_ =	shalt  }
0x49: {  	_ =	shalt  }
0x4a: {  	_ =	shalt  }
0x4b: {  	_ =	shalt  }
0x4c: {  	_ =	shalt  }
0x4d: {  	_ =	shalt  }
0x4e: {  	_ =	shalt  }
0x4f: {  	_ =	shalt  }
0x50: {  	_ =	shalt  }
0x51: {  	_ =	shalt  }
0x52: {  	_ =	shalt  }
0x53: {  	_ =	shalt  }
0x54: {  	_ =	shalt  }
0x55: {  	_ =	shalt  }
0x56: {  	_ =	shalt  }
0x57: {  	_ =	shalt  }
0x58: {  	_ =	shalt  }
0x59: {  	_ =	shalt  }
0x5a: {  	_ =	shalt  }
0x5b: {  	_ =	shalt  }
0x5c: {  	_ =	shalt  }
0x5d: {  	_ =	shalt  }
0x5e: {  	_ =	shalt  }
0x5f: {  	_ =	shalt  }
0x60: {  	_ =	shalt  }
0x61: {  	_ =	shalt  }
0x62: {  	_ =	shalt  }
0x63: {  	_ =	shalt  }
0x64: {  	_ =	shalt  }
0x65: {  	_ =	shalt  }
0x66: {  	_ =	shalt  }
0x67: {  	_ =	shalt  }
0x68: {  	_ =	shalt  }
0x69: {  	_ =	shalt  }
0x6a: {  	_ =	shalt  }
0x6b: {  	_ =	shalt  }
0x6c: {  	_ =	shalt  }
0x6d: {  	_ =	shalt  }
0x6e: {  	_ =	shalt  }
0x6f: {  	_ =	shalt  }
0x70: {  	_ =	shalt  }
0x71: {  	_ =	shalt  }
0x72: {  	_ =	shalt  }
0x73: {  	_ =	shalt  }
0x74: {  	_ =	shalt  }
0x75: {  	_ =	shalt  }
0x76: {  	_ =	shalt  }
0x77: {  	_ =	shalt  }
0x78: {  	_ =	shalt  }
0x79: {  	_ =	shalt  }
0x7a: {  	_ =	shalt  }
0x7b: {  	_ =	shalt  }
0x7c: {  	_ =	shalt  }
0x7d: {  	_ =	shalt  }
0x7e: {  	_ =	shalt  }
0x7f: {  	_ =	shalt  }
0x80: {  	_ =	shalt  }
0x81: {  	_ =	shalt  }
0x82: {  	_ =	shalt  }
0x83: {  	_ =	shalt  }
0x84: {  	_ =	shalt  }
0x85: {  	_ =	shalt  }
0x86: {  	_ =	shalt  }
0x87: {  	_ =	shalt  }
.Lfunc_end0:
.L_simem_size_0:
called_computation_lowered:
.L_overlay_start_0:
0x88: {  	s2 =	sld [smem:$0x3FD9]  }
0x89: {  	s3 =	sld [smem:$0x3FFE];
	_ =	sdelay $0x1  }
0x8a: {  	s1 =	srdreg.scid  }
0x8b: {  	s0 =	sand.u32 $0x1, s1  }
0x8c: {  	s18 =	sshll.u32 s0, $0xA;
	s2 =	sadd.s32 s3, s2  }
0x8d: {  	s2 =	sadd.s32 s2, s18  }
0x8e: {  	[smem:$0x3FC5] =	sst s2  }
0x8f: {  	_ = 	snop  }
0x90: {  	s2 =	sld [smem:$0x3FC9]  }
0x91: {  	s19 =	sld [smem:$0x3FC8]  }
0x92: {  	s4 =	sld [smem:$0x3FC7]  }
0x93: {  	s5 =	sld [smem:$0x3FD0];
	(tm) =	ssettm $0x1  }
0x94: {  	s6 =	sld [smem:$0x3FFB];
	_ =	sdelay $0x3  }
0x95: {  	_ =	strace s6  }
0x96: {  	s6 =	sld [smem:$0x3FFC];
	_ =	sdelay $0x3  }
0x97: {  	_ =	strace s6  }
0x98: {  	s6 =	sld [smem:$0x3FFD];
	_ =	sdelay $0x3  }
0x99: {  	_ =	strace s6  }
0x9a: {  	_ =	strace $0x8FFFFFFF  }
0x9b: {  	s20 =	sld [smem:$0x3FDB];
	_ =	sdelay $0x1  }
0x9c: {  	s7 =	simm.s32 $_scs_section_size  }
0x9d: {  	s8 =	simm.s32 $_size__tile_overlayer_lowered;
	s9 =	simm.s32 $_tile_overlayer_lowered  }
0x9e: {  	s23 =	simm.s32 $0x1BFF;
	s22 =	sshll.u32 s9, $0x1;
	s6 =	sadd.s32 s7, s20  }
0x9f: {  	s10 =	simm.s32 $0x0;
	s21 =	sshll.u32 s8, $0x1;
	s8 =	sadd.s32 s22, s6  }
0xa0: {  	[timem:s10], [sflag:s23] =	dma.local [hbm:s8], s21  }
0xa1: {  	_ =	swait.ge [sflag:s23], s21  }
0xa2: {  	s7 =	ssub.s32 $0x0, s21;
	[sflag:s23] =	ssyncset.done $0x0  }
0xa3: {  	[sflag:s23] =	ssyncadd.s32 s7;
	_ =	sdelay $0x1  }
0xa4: {  	s24 =	simm.s32 $0x1B8B  }
0xa5: {  	_ =	swait.ge [sflag:s24], $0x1  }
0xa6: {  	[sflag:s24] =	ssyncset.done $0x0  }
0xa7: {  	s25 =	simm.s32 $0x1B8E;
	[sflag:s24] =	ssyncadd.s32 $0xFFFFFFFF  }
0xa8: {  	s26 =	simm.s32 $execute0_lowered;
	[smem:$0x3FD2] =	sst s25  }
0xa9: {  	s7 =	sshll.u32 s26, $0x1;
	_ =	strace $0x80000046;
	[dreg:$0x1] =	wrdreg $0xFFFFFFFF  }
0xaa: {  	s28 =	simm.s32 $_size_execute0_lowered;
	s6 =	sadd.s32 s6, s7;
	[dreg:$0x0] =	wrdreg $0x0  }
0xab: {  	s7 =	sshll.u32 s28, $0x1;
	[dreg:$0x2] =	wrdreg s6  }
0xac: {  	[dreg:$0x3] =	wrdreg s7  }
0xad: {  	[dreg:$0x4] =	wrdreg $0xC0  }
0xae: {  	_ =	task [dreg:s10], $0x5FFFF  }
0xaf: {  	[dreg:$0x1] =	wrdreg $0xFFFFFFFF  }
0xb0: {  	[dreg:$0x0] =	wrdreg $0x60  }
0xb1: {  	[dreg:$0x2] =	wrdreg s2  }
0xb2: {  	[dreg:$0x3] =	wrdreg s19  }
0xb3: {  	[dreg:$0x4] =	wrdreg s4  }
0xb4: {  	[dreg:$0x5] =	wrdreg s5  }
0xb5: {  	[dreg:$0x6] =	wrdreg $0x1E3000  }
0xb6: {  	[dreg:$0x7] =	wrdreg $0x9  }
0xb7: {  	_ =	task.clear_ibuf [dreg:s10], $0x8FFFF;
	_ =	strace $0x90000046  }
0xb8: {  	s29 =	simm.s32 $0x9;
	_ =	strace $0x80000048  }
0xb9: {  	_ =	swait.ge [sflag:s29], $0x1  }
0xba: {  	[sflag:s29] =	ssyncadd.s32 $0xFFFFFFFF  }
0xbb: {  	_ =	strace $0x90000048  }
0xbc: {  	_ =	sfence  }
0xbd: {  	s30 =	sld [smem:$0x0];
	_ =	sdelay $0x2  }
0xbe: {  	s31 =	sshll.u32 s1, $0xD;
	s1 =	sshrl.u32 s1, $0x2  }
0xbf: {  	s3 =	sand.u32 $0x4000, s31;
	s1 =	sadd.s32 s1, s30  }
0xc0: {  	s0 =	sor.u32 s3, s0;
	s1 =	sshll.u32 s1, $0x11  }
0xc1: {  	s0 =	sor.u32 s1, s0  }
0xc2: {  	s0 =	sadd.s32 $0x8F2B, s0  }
0xc3: {  	[sflag:s0] =	ssyncadd.remote.s32 $0x1  }
0xc4: {  	_ =	sfence.sel $0xFFFF  }
0xc5: {  	[dreg:$0x0] =	wrdreg $0xFFFFFFFF;
	(pc) =	sbr.abs _section_cstart, $3  }
0xc6: {  	[dreg:$0x1] =	wrdreg $0xFFFFFFFF  }
0xc7: {  	_ =	task.clear_ibuf [dreg:s10], $0x2FFFF;
	_ =	strace $0x9FFFFFFF  }
0xc8: {  	(tm) =	ssettm $0x7FFFFFFF  }
0xc9: {  	_ =	shalt  }
tec
execute0_lowered:
.L_overlay_start_1:
0x0: {  	(tag) =	ssettag $0x1  }
0x1: {  	s2 =	rddreg [dreg:$0x0]  }
0x2: {  	s0 =	srdreg.scid;
	s5 =	rddreg [dreg:$0x1]  }
0x3: {  	s7 =	rddreg [dreg:$0x2];
	s22 =	stileid.u32;
	s6 =	sand.u32 $0x1, s0  }
0x4: {  	s9 =	sshll.u32 s22, $0x9;
	s18 =	sshll.u32 s22, $0xD;
	s23 =	sadd.s32 $0x10, s7  }
0x5: {  	s25 =	sadd.s32 $0x20, s7;
	s26 =	sadd.s32 $0x30, s7;
	s3 =	smul.u32 $0x1800, s6  }
0x6: {  	s0 =	ssub.s32 $0x2, s6;
	s8 =	smul.u32 $0xC000, s6;
	s1 =	sshllo.u32 s6, $0x1  }
0x7: {  	s10 =	sshll.u32 s6, $0xE;
	s17 =	sshll.u32 s6, $0x12;
	s31 =	smul.u32 $0xC00, s1  }
0x8: {  	s4 =	sshrl.u32 s0, $0x1;
	s30 =	sor.u32 s9, s10;
	s12 =	smul.u32 $0x6000, s1  }
0x9: {  	s16 =	sshll.u32 s1, $0xD;
	s20 =	sor.u32 s18, s17;
	s17 =	sadd.s32 $0x50, s7  }
0xa: {  	s4 =	ssub.s32 s0, s4;
	s8 =	sshrl.u32 s8, $0x3;
	s21 =	sadd.s32 s7, s20  }
0xb: {  	s11 =	sshrl.u32 s30, $0x3;
	s24 =	sadd.s32 s20, s23;
	[dreg:$0x9] =	wrdreg s21  }
0xc: {  	s28 =	sadd.s32 s2, s3;
	s29 =	sadd.s32 s20, s25;
	[dreg:$0xa] =	wrdreg s24  }
0xd: {  	s30 =	sadd.s32 s20, s26;
	s0 =	sadd.s32 s2, s8;
	[dreg:$0xb] =	wrdreg s29  }
0xe: {  	s13 =	sadd.s32 s5, s11;
	s14 =	sadd.s32 s2, s31;
	[dreg:$0xc] =	wrdreg s30  }
0xf: {  	s15 =	sshrl.u32 s12, $0x3;
	s8 =	sor.u32 s9, s16;
	[dreg:$0x6] =	wrdreg s13  }
0x10: {  	s31 =	sadd.s32 $0x40, s7;
	[dreg:$0x7] =	wrdreg s14;
	s3 =	sadd.s32 s2, s15  }
0x11: {  	s19 =	sshrl.u32 s8, $0x3;
	s16 =	sadd.s32 s20, s31;
	s13 =	sshll.u32 s1, $0x11  }
0x12: {  	s14 =	sadd.s32 $0x60, s7;
	s2 =	sadd.s32 s5, s19;
	[dreg:$0xd] =	wrdreg s16  }
0x13: {  	s10 =	sor.u32 s18, s13;
	s18 =	sadd.s32 s20, s17;
	[dreg:$0x8] =	wrdreg s2  }
0x14: {  	s15 =	sadd.s32 $0x70, s7;
	s19 =	sadd.s32 s20, s14;
	[dreg:$0xe] =	wrdreg s18  }
0x15: {  	s8 =	sadd.s32 s20, s15;
	[dreg:$0xf] =	wrdreg s19  }
0x16: {  	[dreg:$0x10] =	wrdreg s8;
	s7 =	sadd.s32 s7, s10  }
0x17: {  	s2 =	sadd.s32 s10, s23;
	[dreg:$0x11] =	wrdreg s7  }
0x18: {  	s20 =	sadd.s32 s10, s25;
	[dreg:$0x12] =	wrdreg s2  }
0x19: {  	s21 =	sadd.s32 s10, s26;
	[dreg:$0x13] =	wrdreg s20  }
0x1a: {  	s24 =	smul.u32 $0x106, s6;
	s23 =	sadd.s32 s10, s31;
	[dreg:$0x14] =	wrdreg s21  }
0x1b: {  	s29 =	smul.u32 $0x83, s1;
	s25 =	sadd.s32 s10, s17;
	[dreg:$0x15] =	wrdreg s23  }
0x1c: {  	s1 =	smul.u32 $0x418000, s1;
	s26 =	sadd.s32 s10, s14;
	[dreg:$0x16] =	wrdreg s25  }
0x1d: {  	s5 =	sadd.s32 $0x3, s29;
	s30 =	sadd.s32 s10, s15;
	[dreg:$0x17] =	wrdreg s26  }
0x1e: {  	s31 =	smul.u32 $0x830000, s6;
	[dreg:$0x18] =	wrdreg s30;
	s7 =	sshll.u32 s22, $0x3  }
0x1f: {  	s2 =	sadd.s32 $0x3, s24;
	s20 =	sshllo.u32 s22, $0x3;
	s10 =	sor.u32 $0x1, s7  }
0x20: {  	s9 =	sadd.s32 s7, s2;
	s12 =	sor.u32 $0x2, s7;
	s14 =	sor.u32 $0x3, s7  }
0x21: {  	s21 =	sor.u32 $0x4, s7;
	s16 =	sor.u32 $0x5, s7;
	s18 =	sor.u32 $0x6, s7  }
0x22: {  	s24 =	sadd.s32 s20, s2;
	s25 =	sadd.s32 s7, s5;
	s11 =	sadd.s32 s10, s2  }
0x23: {  	s13 =	sadd.s32 s12, s2;
	s15 =	sadd.s32 s14, s2;
	s17 =	sadd.s32 s21, s2  }
0x24: {  	s19 =	sadd.s32 s16, s2;
	s23 =	sadd.s32 s18, s2;
	s26 =	sadd.s32 s10, s5  }
0x25: {  	s10 =	sadd.s32 s12, s5;
	s12 =	sadd.s32 s14, s5;
	s14 =	sadd.s32 s21, s5  }
0x26: {  	s6 =	sadd.s32 s16, s5;
	s7 =	sadd.s32 s18, s5;
	s5 =	sadd.s32 s20, s5  }
0x27: {  	s21 =	simm.s32 $0x0;
	s2 =	sshll.u32 s22, $0xB;
	s18 =	rddreg [dreg:$0x3]  }
0x28: {  	s20 =	sshll.u32 s9, $0xC;
	[smem:$0x7FF] =	sst s21;
	s8 =	sor.u32 s2, s31  }
0x29: {  	s1 =	sor.u32 s2, s1;
	s29 =	sshrl.u32 s8, $0x3;
	s8 =	sadd.s32 $0x10000, s8  }
0x2a: {  	s30 =	sshrl.u32 s1, $0x3;
	s31 =	sadd.s32 $0x8000, s1;
	s1 =	sadd.s32 $0x10000, s1  }
0x2b: {  	s22 =	sadd.s32 s18, s29;
	s8 =	sshrl.u32 s8, $0x3;
	s29 =	sadd.s32 s18, s20  }
0x2c: {  	s1 =	sshrl.u32 s1, $0x3;
	s8 =	sadd.s32 s18, s8;
	[dreg:$0x1d] =	wrdreg s29  }
0x2d: {  	s16 =	sshrl.u32 s31, $0x3;
	s1 =	sadd.s32 s18, s1;
	[dreg:$0x19] =	wrdreg s8  }
0x2e: {  	s31 =	sshll.u32 s13, $0xC;
	s8 =	sadd.s32 s18, s30;
	[dreg:$0x1c] =	wrdreg s1  }
0x2f: {  	s30 =	sshll.u32 s11, $0xC;
	[dreg:$0x1a] =	wrdreg s8;
	s8 =	sadd.s32 s18, s16  }
0x30: {  	s1 =	sadd.s32 $0x800, s18;
	s11 =	sadd.s32 s18, s30;
	[dreg:$0x1b] =	wrdreg s8  }
0x31: {  	s9 =	sshll.u32 s19, $0xC;
	s13 =	sadd.s32 s31, s1;
	[dreg:$0x1f] =	wrdreg s11  }
0x32: {  	s16 =	sshll.u32 s15, $0xC;
	s15 =	sadd.s32 s18, s9;
	[smem:$0x7DE] =	sst s13  }
0x33: {  	s8 =	sadd.s32 s20, s1;
	[smem:$0x7E3] =	sst s15  }
0x34: {  	s11 =	sadd.s32 s18, s31;
	[dreg:$0x1e] =	wrdreg s8  }
0x35: {  	s19 =	sshll.u32 s24, $0xC;
	s29 =	sadd.s32 s18, s16;
	[smem:$0x7DD] =	sst s11  }
0x36: {  	s13 =	sshll.u32 s23, $0xC;
	s23 =	sadd.s32 s18, s19;
	[smem:$0x7DF] =	sst s29  }
0x37: {  	s20 =	sshll.u32 s17, $0xC;
	s8 =	sadd.s32 s30, s1;
	[smem:$0x7E7] =	sst s23  }
0x38: {  	s30 =	sadd.s32 s18, s20;
	[smem:$0x7DC] =	sst s8  }
0x39: {  	s31 =	sadd.s32 s20, s1;
	[smem:$0x7E1] =	sst s30  }
0x3a: {  	s7 =	sshll.u32 s7, $0xC;
	s17 =	sadd.s32 s13, s1;
	[smem:$0x7E2] =	sst s31  }
0x3b: {  	s23 =	sadd.s32 s7, s1;
	[smem:$0x7E6] =	sst s17  }
0x3c: {  	s8 =	sadd.s32 s16, s1;
	[smem:$0x7F6] =	sst s23  }
0x3d: {  	s20 =	sshll.u32 s25, $0xC;
	s16 =	sadd.s32 s18, s13;
	[smem:$0x7E0] =	sst s8  }
0x3e: {  	s0 =	sadd.s32 $0x800, s0;
	s24 =	sadd.s32 s18, s20;
	[smem:$0x7E5] =	sst s16  }
0x3f: {  	s29 =	sshll.u32 s26, $0xC;
	s25 =	sadd.s32 s20, s1;
	[smem:$0x7E9] =	sst s24  }
0x40: {  	s14 =	sshll.u32 s14, $0xC;
	s31 =	sadd.s32 s18, s29;
	[smem:$0x7EA] =	sst s25  }
0x41: {  	s6 =	sshll.u32 s6, $0xC;
	s17 =	sadd.s32 s14, s1;
	[smem:$0x7EB] =	sst s31  }
0x42: {  	s5 =	sshll.u32 s5, $0xC;
	s20 =	sadd.s32 s18, s7;
	[smem:$0x7F2] =	sst s17  }
0x43: {  	s26 =	sadd.s32 $0x400, s3;
	s30 =	sshll.u32 s10, $0xC;
	[smem:$0x7F5] =	sst s20  }
0x44: {  	s13 =	sshll.u32 s12, $0xC;
	s8 =	sadd.s32 s9, s1;
	s24 =	rddreg [dreg:$0x4]  }
0x45: {  	s12 =	simm.s32 $0x80;
	s10 =	sadd.s32 s18, s30;
	[smem:$0x7E4] =	sst s8  }
0x46: {  	s23 =	simm.s32 $0x4;
	s11 =	sadd.s32 s30, s1;
	[smem:$0x7ED] =	sst s10  }
0x47: {  	s15 =	sadd.s32 s18, s13;
	s16 =	sadd.s32 s18, s14;
	[smem:$0x7EE] =	sst s11  }
0x48: {  	s25 =	sadd.s32 s18, s5;
	s30 =	smax.u32 s4, $0x1;
	[smem:$0x7EF] =	sst s15  }
0x49: {  	s31 =	sadd.s32 $0x400, s28;
	s9 =	simm.s32 $0x5;
	[smem:$0x7F1] =	sst s16  }
0x4a: {  	s14 =	simm.s32 $0x12300;
	s8 =	sadd.s32 s19, s1;
	[smem:$0x7F7] =	sst s25  }
0x4b: {  	s17 =	simm.s32 $0x16300;
	s19 =	sadd.s32 s18, s6;
	[smem:$0x7E8] =	sst s8  }
0x4c: {  	s20 =	simm.s32 $0x3;
	s6 =	sadd.s32 s6, s1;
	[smem:$0x7F3] =	sst s19  }
0x4d: {  	s2 =	sadd.s32 s2, s24;
	s8 =	sadd.s32 s29, s1;
	[smem:$0x7F4] =	sst s6  }
0x4e: {  	s10 =	simm.s32 $0x2000;
	[smem:$0x7EC] =	sst s8;
	s8 =	sadd.s32 s13, s1  }
0x4f: {  	s11 =	simm.s32 $0x4000;
	s1 =	sadd.s32 s5, s1;
	[smem:$0x7F0] =	sst s8  }
0x50: {  	s15 =	simm.s32 $0x1;
	s16 =	simm.s32 $0x14300;
	[smem:$0x7F8] =	sst s1  }
0x51: {  	s18 =	simm.s32 $0x1A300;
	_ =	strace $0x80000047;
	[smem:$0x7F9] =	sst s0  }
0x52: {  	s29 =	sadd.s32 $0x800, s3;
	s6 =	sadd.s32 $0x1000, s22;
	[smem:$0x7FA] =	sst s26  }
0x53: {  	s7 =	sadd.s32 $0x8000, s2;
	s19 =	simm.s32 $0x2;
	[smem:$0x7FB] =	sst s29  }
0x54: {  	v0 =	vimm.s32 $0x0;
	v1 =	vlaneseq.u32;
	s5 =	smov.u32 s28;
	s13 =	simm.s32 $0x400;
	[smem:$0x7FC] =	sst s30  }
0x55: {  	v2 =	vimm.s32 $0x1;
	v3 =	vimm.s32 $0x2;
	v4 =	vor.u32 $0x10, v1;
	s8 =	sadd.s32 $0x8000, s24;
	s24 =	simm.s32 $0x0;
	[smem:$0x7FD] =	sst s31  }
.LBB2_1:
0x56: {  	[tilespmem:s21], [sflag:$0x5] =	stream.linear.gather [hbm4b:s5+s21], $0x2000, $0x38;
	[tilespmem:$0x1F300] =	vst v63  }
0x57: {  	_ =	swait.ge [sflag:s9], $0x2000  }
0x58: {  	s0 =	sld [smem:$0x7FD]  }
0x59: {  	[sflag:s9] =	ssyncset.done $0x0  }
0x5a: {  	[sflag:s9] =	ssyncadd.s32 $0xFFFFE000  }
0x5b: {  	[tilespmem:s10], [sflag:$0x5] =	stream.linear.gather [hbm4b:s0+s21], $0x2000, $0x38;
	[tilespmem:$0x1F300] =	vst v63  }
0x5c: {  	_ =	swait.ge [sflag:s9], $0x2000  }
0x5d: {  	s30 =	sld [smem:$0x7F9]  }
0x5e: {  	[sflag:s9] =	ssyncset.done $0x0  }
0x5f: {  	[sflag:s9] =	ssyncadd.s32 $0xFFFFE000  }
0x60: {  	[tilespmem:s11], [sflag:$0x5] =	stream.linear.gather [hbm4b:s30+s21], $0x2000, $0x38;
	[tilespmem:$0x1F300] =	vst v63  }
0x61: {  	_ =	swait.ge [sflag:s9], $0x2000  }
0x62: {  	[sflag:s9] =	ssyncset.done $0x0  }
0x63: {  	s1 =	simm.s32 $0x8000;
	s31 =	rddreg [dreg:$0x6];
	[sflag:s9] =	ssyncadd.s32 $0xFFFFE000  }
0x64: {  	[tilespmem:s1], [sflag:$0x5] =	stream.linear.gather [hbm4b:s31+s21], $0x200, $0x38;
	[tilespmem:$0x1F300] =	vst v63  }
0x65: {  	_ =	swait.ge [sflag:s9], $0x200  }
0x66: {  	[sflag:s9] =	ssyncset.done $0x0  }
0x67: {  	s0 =	simm.s32 $0x0;
	[sflag:s9] =	ssyncadd.s32 $0xFFFFFE00  }
0x68: {  	v5 =	vld [tilespmem:s0+$0x0]  }
0x69: {  	v6 =	vld [tilespmem:s0+$0x2000]  }
0x6a: {  	v7 =	vld [tilespmem:s0+$0x4000];
	_ =	sdelay $0x2  }
0x6b: {  	s1 =	simm.s32 $0x10  }
0x6c: {  	v8 =	vmul.f32 v5, v5;
	v6 =	vmul.f32 v6, v6;
	v5 =	vld [tilespmem:s1+$0x0]  }
0x6d: {  	v9 =	vmul.f32 v7, v7;
	v7 =	vld [tilespmem:s1+$0x2000]  }
0x6e: {  	v8 =	vadd.f32 v6, v8  }
0x6f: {  	v6 =	vld [tilespmem:s1+$0x4000]  }
0x70: {  	s25 =	simm.s32 $0x80;
	v8 =	vadd.f32 v9, v8  }
.LBB2_2:
0x71: {  	s26 =	sshra.s32 s25, $0x2;
	p0 =	sne.s32 s25, $0x7FC0  }
.Ltmp0:
0x72: {  	s25 =	sadd.s32 $0x40, s25;
	v9 =	vmul.f32 v5, v5;
	v5 =	vld [tilespmem:s26+$0x0];
	v10 =	vmul.f32 v7, v7;
	[tilespmem:s0+$0x6000] =	vst v8;
	(pc) =	sbr.rel @p0 .LBB2_2-.Ltmp0, $4  }
0x73: {  	s0 =	smov.u32 s1;
	s1 =	smov.u32 s26;
	v7 =	vld [tilespmem:s26+$0x2000]  }
0x74: {  	v8 =	vadd.f32 v10, v9;
	v9 =	vmul.f32 v6, v6  }
0x75: {  	v6 =	vld [tilespmem:s1+$0x4000]  }
0x76: {  	v8 =	vadd.f32 v9, v8  }
0x77: {  	_ = 	snop  }
0x78: {  	v5 =	vmul.f32 v5, v5;
	v7 =	vmul.f32 v7, v7;
	_ =	sdelay $0x1  }
0x79: {  	v5 =	vadd.f32 v7, v5;
	v6 =	vmul.f32 v6, v6;
	_ =	sdelay $0x1  }
0x7a: {  	v5 =	vadd.f32 v6, v5  }
0x7b: {  	[tilespmem:s0+$0x6000] =	vst v8  }
0x7c: {  	s25 =	simm.s32 $0x0;
	[tilespmem:s1+$0x6000] =	vst v5  }
.LBB2_4:
0x7d: {  	s26 =	sshll.u32 s25, $0x5  }
0x7e: {  	s0 =	sshrl.u32 s26, $0x2  }
0x7f: {  	v5 =	vld [tilespmem:s0+$0x8000];
	_ =	sdelay $0x4  }
0x80: {  	v7 =	vperm.xlane v5, v0;
	v6 =	vperm.xlane v5, v2  }
0x81: {  	v5 =	vperm.xlane v5, v3  }
0x82: {  	v8 =	vmul.f32 v7, v7;
	v9 =	vmul.f32 v6, v6;
	_ =	sdelay $0x1  }
0x83: {  	v8 =	vadd.f32 v9, v8;
	v9 =	vmul.f32 v5, v5  }
0x84: {  	v10 =	vshrl.u32 v6, $0x10  }
0x85: {  	v11 =	vshrl.u32 v5, $0x10;
	v8 =	vadd.f32 v9, v8;
	v9 =	vshrl.u32 v7, $0x10  }
0x86: {  	v10 =	vand.u32 $0x1, v10;
	v11 =	vand.u32 $0x1, v11;
	v9 =	vand.u32 $0x1, v9  }
0x87: {  	v10 =	vadd.s32 v10, v6;
	v11 =	vadd.s32 v11, v5;
	v9 =	vadd.s32 v9, v7  }
0x88: {  	s28 =	simm.s32 $0x10;
	s29 =	simm.s32 $0x2010;
	s30 =	simm.s32 $0x4010;
	v10 =	vadd.s32 $0x7FFF, v10;
	v11 =	vadd.s32 $0x7FFF, v11;
	v9 =	vadd.s32 $0x7FFF, v9  }
0x89: {  	s31 =	simm.s32 $0x0;
	s1 =	simm.s32 $0x0;
	s0 =	simm.s32 $0x6010;
	v10 =	vand.u32 $0xFFFF0000, v10;
	v11 =	vand.u32 $0xFFFF0000, v11;
	v9 =	vand.u32 $0xFFFF0000, v9  }
.LBB2_5:
0x8a: {  	v12 =	vld [tilespmem:s28+$0xFFFFFFF0]  }
0x8b: {  	v13 =	vld [tilespmem:s29+$0xFFFFFFF0]  }
0x8c: {  	v14 =	vld [tilespmem:s30+$0xFFFFFFF0]  }
0x8d: {  	v17 =	vld [tilespmem:s28+$0x0]  }
0x8e: {  	v18 =	vld [tilespmem:s29+$0x0]  }
0x8f: {  	v48 =	vld [tilespmem:s30+$0x0];
	_ =	sdelay $0x3  }
0x90: {  	v15 =	vshrl.u32 v12, $0x10;
	v16 =	vshrl.u32 v13, $0x10;
	v47 =	vshrl.u32 v14, $0x10  }
0x91: {  	v49 =	vshrl.u32 v17, $0x10;
	v19 =	vshrl.u32 v18, $0x10;
	v51 =	vshrl.u32 v48, $0x10  }
0x92: {  	v15 =	vand.u32 $0x1, v15;
	v16 =	vand.u32 $0x1, v16;
	v19 =	vand.u32 $0x1, v19  }
0x93: {  	v12 =	vadd.s32 v15, v12;
	v13 =	vadd.s32 v16, v13;
	v15 =	vand.u32 $0x1, v47  }
0x94: {  	v50 =	vadd.s32 v19, v18;
	v18 =	vand.u32 $0x1, v51;
	v12 =	vadd.s32 $0x7FFF, v12  }
0x95: {  	v13 =	vadd.s32 $0x7FFF, v13;
	v14 =	vadd.s32 v15, v14;
	v15 =	vand.u32 $0x1, v49  }
0x96: {  	v16 =	vadd.s32 v18, v48;
	v12 =	vand.u32 $0xFFFF0000, v12;
	v13 =	vand.u32 $0xFFFF0000, v13  }
0x97: {  	v14 =	vadd.s32 $0x7FFF, v14;
	v15 =	vadd.s32 v15, v17;
	v17 =	vadd.s32 $0x7FFF, v50  }
0x98: {  	v16 =	vadd.s32 $0x7FFF, v16;
	v12 =	vmul.f32 v12, v9;
	v15 =	vadd.s32 $0x7FFF, v15  }
0x99: {  	v13 =	vmul.f32 v13, v10;
	v17 =	vand.u32 $0xFFFF0000, v17;
	v15 =	vand.u32 $0xFFFF0000, v15  }
0x9a: {  	v14 =	vand.u32 $0xFFFF0000, v14;
	v17 =	vmul.f32 v17, v10;
	v15 =	vmul.f32 v15, v9  }
0x9b: {  	v16 =	vand.u32 $0xFFFF0000, v16;
	v14 =	vmul.f32 v14, v11;
	v20 =	vadd.f32 v13, v12  }
0x9c: {  	v16 =	vmul.f32 v16, v11;
	v52 =	vmax.f32 v12, v13;
	v53 =	vadd.f32 v17, v15  }
0x9d: {  	v12 =	vmin.f32 v12, v13;
	v18 =	vsub.f32 v20, v52;
	v54 =	vadd.f32 v14, v20  }
0x9e: {  	v55 =	vmax.f32 v20, v14;
	v22 =	vmax.f32 v15, v17;
	v21 =	vadd.f32 v16, v53  }
0x9f: {  	v12 =	vsub.f32 v12, v18;
	v18 =	vsub.f32 v54, v55;
	v23 =	vmax.f32 v53, v16  }
0xa0: {  	v14 =	vmin.f32 v20, v14;
	v56 =	vsub.f32 v53, v22;
	v57 =	vsub.f32 v21, v23  }
0xa1: {  	v15 =	vmin.f32 v15, v17;
	v16 =	vmin.f32 v53, v16;
	v14 =	vsub.f32 v14, v18  }
0xa2: {  	v58 =	vld [tilespmem:s0+$0xFFFFFFF0];
	v15 =	vsub.f32 v15, v56;
	v16 =	vsub.f32 v16, v57  }
0xa3: {  	v59 =	vld [tilespmem:s0+$0x0];
	v12 =	vadd.f32 v14, v12  }
0xa4: {  	v15 =	vadd.f32 v16, v15  }
0xa5: {  	v12 =	vadd.f32 v12, v54  }
0xa6: {  	v60 =	vadd.f32 v15, v21  }
0xa7: {  	v61 =	vadd.f32 v58, v8;
	v12 =	vadd.f32 v12, v12  }
0xa8: {  	v14 =	vadd.f32 v59, v8;
	v13 =	vadd.f32 v60, v60  }
0xa9: {  	v12 =	vsub.f32 v61, v12  }
0xaa: {  	v13 =	vsub.f32 v14, v13  }
0xab: {  	vm0 =	vlt.f32 v12, $3.999999910e-02  }
0xac: {  	v12 =	vmpcnt.ones.xlane vm0;
	vm1 =	vlt.f32 v13, $3.999999910e-02  }
0xad: {  	v13 =	vmpcnt.ones.xlane vm1  }
0xae: {  	(v2sf) =	vpush v12, $0x0  }
0xaf: {  	(v2sf) =	vpush v13, $0x0;
	_ =	sdelay $0xd  }
0xb0: {  	v62 =	vor.u32 s1, v1;
	s3 =	spop (v2sf)  }
0xb1: {  	[tilespmem:s31+$0x8280] =	vst.msk vm0, v62;
	s3 =	sadd.s32 s31, s3;
	s31 =	spop (v2sf)  }
0xb2: {  	p0 =	sgt.u32 s1, $0x1FDF;
	s31 =	sadd.s32 s3, s31  }
0xb3: {  	p1 =	slt.s32 @!p0 s31, $0x20  }
0xb4: {  	p0 =	por p0, !p1  }
.Ltmp1:
0xb5: {  	_ = 	snop;
	(pc) =	sbr.rel @!p0 .LBB2_5-.Ltmp1, $4  }
0xb6: {  	_ = 	snop  }
0xb7: {  	s4 =	sadd.s32 $0x10, s1  }
0xb8: {  	s28 =	sadd.s32 $0x20, s28;
	s29 =	sadd.s32 $0x20, s29;
	v63 =	vor.u32 s4, v1  }
0xb9: {  	s30 =	sadd.s32 $0x20, s30;
	s0 =	sadd.s32 $0x20, s0;
	s1 =	sadd.s32 $0x20, s1;
	[tilespmem:s3+$0x8280] =	vst.msk vm1, v63  }
0xba: {  	v8 =	vld [tilespmem:$0x8280];
	_ =	sdelay $0x4  }
0xbb: {  	v9 =	vperm.xlane v8, v0  }
0xbc: {  	p0 =	sgt.s32 s31, $0x0;
	v10 =	vmov s31  }
0xbd: {  	vm0 =	vgt.s32 v10, v1;
	v9 =	vpsel !p0, $0x0, v9  }
0xbe: {  	v8 =	vsel vm0, v8, v9;
	_ =	sdelay $0x3  }
0xbf: {  	[tilespmem:s26+$0x8300] =	vst v8  }
0xc0: {  	v11 =	vld.idx.msk [tilespmem:v8+s21+$0x0], $0xffff;
	_ =	sdelay $0x4  }
0xc1: {  	v11 =	vsub.f32 v11, v7;
	_ =	sdelay $0x1  }
0xc2: {  	[tilespmem:s26+$0x8B00] =	vst v11  }
0xc3: {  	v11 =	vld.idx.msk [tilespmem:v8+s10+$0x0], $0xffff;
	_ =	sdelay $0x4  }
0xc4: {  	v11 =	vsub.f32 v11, v6;
	_ =	sdelay $0x1  }
0xc5: {  	[tilespmem:s26+$0x9300] =	vst v11  }
0xc6: {  	v8 =	vld.idx.msk [tilespmem:v8+s11+$0x0], $0xffff;
	_ =	sdelay $0x4  }
0xc7: {  	v8 =	vsub.f32 v8, v5;
	_ =	sdelay $0x1  }
0xc8: {  	[tilespmem:s26+$0x9B00] =	vst v8  }
0xc9: {  	v8 =	vld [tilespmem:$0x8290];
	_ =	sdelay $0x3  }
0xca: {  	vm15 =	vgt.s32 v10, v4  }
0xcb: {  	v8 =	vsel vm15, v8, v9;
	_ =	sdelay $0x3  }
0xcc: {  	[tilespmem:s26+$0x8310] =	vst v8  }
0xcd: {  	v9 =	vld.idx.msk [tilespmem:v8+s21+$0x0], $0xffff;
	_ =	sdelay $0x4  }
0xce: {  	v7 =	vsub.f32 v9, v7;
	_ =	sdelay $0x1  }
0xcf: {  	[tilespmem:s26+$0x8B10] =	vst v7  }
0xd0: {  	v7 =	vld.idx.msk [tilespmem:v8+s10+$0x0], $0xffff;
	_ =	sdelay $0x4  }
0xd1: {  	v6 =	vsub.f32 v7, v6;
	_ =	sdelay $0x1  }
0xd2: {  	[tilespmem:s26+$0x9310] =	vst v6  }
0xd3: {  	v6 =	vld.idx.msk [tilespmem:v8+s11+$0x0], $0xffff  }
0xd4: {  	s25 =	sadd.s32 $0x1, s25  }
0xd5: {  	p0 =	sne.s32 s25, $0x40  }
.Ltmp2:
0xd6: {  	_ = 	snop;
	(pc) =	sbr.rel @p0 .LBB2_4-.Ltmp2, $3  }
0xd7: {  	_ = 	snop  }
0xd8: {  	v5 =	vsub.f32 v6, v5;
	_ =	sdelay $0x1  }
0xd9: {  	[tilespmem:s26+$0x9B10] =	vst v5  }
0xda: {  	s0 =	simm.s32 $0x8300  }
0xdb: {  	[spmem:s2] =	stream.linear.scatter [tilespmem:s0], [sflag:$0x5], $0x800, $0x38;
	[tilespmem:$0x1F300] =	vst v63  }
0xdc: {  	_ =	swait.ge [sflag:s9], $0x800  }
0xdd: {  	[sflag:s9] =	ssyncset.done $0x0  }
0xde: {  	s25 =	simm.s32 $0x0;
	s1 =	simm.s32 $0x8B00;
	[sflag:s9] =	ssyncadd.s32 $0xFFFFF800  }
0xdf: {  	[hbm4b:s22+s25] =	stream.linear.scatter [tilespmem:s1], [sflag:$0x5], $0x800, $0x38;
	[tilespmem:$0x1F300] =	vst v63  }
0xe0: {  	_ =	swait.ge [sflag:s9], $0x800  }
0xe1: {  	[sflag:s9] =	ssyncset.done $0x0  }
0xe2: {  	s3 =	simm.s32 $0x9300;
	[sflag:s9] =	ssyncadd.s32 $0xFFFFF800  }
0xe3: {  	[hbm4b:s6+s25] =	stream.linear.scatter [tilespmem:s3], [sflag:$0x5], $0x800, $0x38;
	[tilespmem:$0x1F300] =	vst v63  }
0xe4: {  	_ =	swait.ge [sflag:s9], $0x800  }
0xe5: {  	[sflag:s9] =	ssyncset.done $0x0  }
0xe6: {  	s1 =	simm.s32 $0x9B00;
	s4 =	rddreg [dreg:$0x19];
	[sflag:s9] =	ssyncadd.s32 $0xFFFFF800  }
0xe7: {  	[hbm4b:s4+s25] =	stream.linear.scatter [tilespmem:s1], [sflag:$0x5], $0x800, $0x38;
	[tilespmem:$0x1F300] =	vst v63  }
0xe8: {  	_ =	swait.ge [sflag:s9], $0x800  }
0xe9: {  	[sflag:s9] =	ssyncset.done $0x0  }
0xea: {  	s26 =	rddreg [dreg:$0x7];
	[sflag:s9] =	ssyncadd.s32 $0xFFFFF800  }
0xeb: {  	[tilespmem:s25], [sflag:$0x5] =	stream.linear.gather [hbm4b:s26+s25], $0x2000, $0x38;
	[tilespmem:$0x1F300] =	vst v63  }
0xec: {  	_ =	swait.ge [sflag:s9], $0x2000  }
0xed: {  	s28 =	sld [smem:$0x7FA]  }
0xee: {  	[sflag:s9] =	ssyncset.done $0x0  }
0xef: {  	[sflag:s9] =	ssyncadd.s32 $0xFFFFE000  }
0xf0: {  	[tilespmem:s10], [sflag:$0x5] =	stream.linear.gather [hbm4b:s28+s25], $0x2000, $0x38;
	[tilespmem:$0x1F300] =	vst v63  }
0xf1: {  	_ =	swait.ge [sflag:s9], $0x2000  }
0xf2: {  	s29 =	sld [smem:$0x7FB]  }
0xf3: {  	[sflag:s9] =	ssyncset.done $0x0  }
0xf4: {  	[sflag:s9] =	ssyncadd.s32 $0xFFFFE000  }
0xf5: {  	[tilespmem:s11], [sflag:$0x5] =	stream.linear.gather [hbm4b:s29+s25], $0x2000, $0x38;
	[tilespmem:$0x1F300] =	vst v63  }
0xf6: {  	_ =	swait.ge [sflag:s9], $0x2000  }
0xf7: {  	[sflag:s9] =	ssyncset.done $0x0  }
0xf8: {  	s31 =	simm.s32 $0x8000;
	s30 =	rddreg [dreg:$0x8];
	[sflag:s9] =	ssyncadd.s32 $0xFFFFE000  }
0xf9: {  	[tilespmem:s31], [sflag:$0x5] =	stream.linear.gather [hbm4b:s30+s25], $0x200, $0x38;
	[tilespmem:$0x1F300] =	vst v63  }
0xfa: {  	_ =	swait.ge [sflag:s9], $0x200  }
0xfb: {  	[sflag:s9] =	ssyncset.done $0x0  }
0xfc: {  	s0 =	simm.s32 $0x0;
	[sflag:s9] =	ssyncadd.s32 $0xFFFFFE00  }
0xfd: {  	v5 =	vld [tilespmem:s0+$0x0]  }
0xfe: {  	v6 =	vld [tilespmem:s0+$0x2000]  }
0xff: {  	v7 =	vld [tilespmem:s0+$0x4000];
	_ =	sdelay $0x2  }
0x100: {  	s1 =	simm.s32 $0x10  }
0x101: {  	v8 =	vmul.f32 v5, v5;
	v6 =	vmul.f32 v6, v6;
	v5 =	vld [tilespmem:s1+$0x0]  }
0x102: {  	v9 =	vmul.f32 v7, v7;
	v7 =	vld [tilespmem:s1+$0x2000]  }
0x103: {  	v8 =	vadd.f32 v6, v8  }
0x104: {  	v6 =	vld [tilespmem:s1+$0x4000]  }
0x105: {  	s26 =	simm.s32 $0x80;
	v8 =	vadd.f32 v9, v8  }
.LBB2_8:
0x106: {  	s3 =	sshra.s32 s26, $0x2;
	p0 =	sne.s32 s26, $0x7FC0  }
.Ltmp3:
0x107: {  	s26 =	sadd.s32 $0x40, s26;
	v9 =	vmul.f32 v5, v5;
	v5 =	vld [tilespmem:s3+$0x0];
	v10 =	vmul.f32 v7, v7;
	[tilespmem:s0+$0x6000] =	vst v8;
	(pc) =	sbr.rel @p0 .LBB2_8-.Ltmp3, $4  }
0x108: {  	s0 =	smov.u32 s1;
	s1 =	smov.u32 s3;
	v7 =	vld [tilespmem:s3+$0x2000]  }
0x109: {  	v8 =	vadd.f32 v10, v9;
	v9 =	vmul.f32 v6, v6  }
0x10a: {  	v6 =	vld [tilespmem:s1+$0x4000]  }
0x10b: {  	v8 =	vadd.f32 v9, v8  }
0x10c: {  	_ = 	snop  }
0x10d: {  	v5 =	vmul.f32 v5, v5;
	v7 =	vmul.f32 v7, v7;
	_ =	sdelay $0x1  }
0x10e: {  	v5 =	vadd.f32 v7, v5;
	v6 =	vmul.f32 v6, v6;
	_ =	sdelay $0x1  }
0x10f: {  	v5 =	vadd.f32 v6, v5  }
0x110: {  	[tilespmem:s0+$0x6000] =	vst v8  }
0x111: {  	[tilespmem:s1+$0x6000] =	vst v5  }
.LBB2_10:
0x112: {  	s26 =	sshll.u32 s25, $0x5  }
0x113: {  	s0 =	sshrl.u32 s26, $0x2  }
0x114: {  	v5 =	vld [tilespmem:s0+$0x8000];
	_ =	sdelay $0x4  }
0x115: {  	v7 =	vperm.xlane v5, v0;
	v6 =	vperm.xlane v5, v2  }
0x116: {  	v5 =	vperm.xlane v5, v3  }
0x117: {  	v8 =	vmul.f32 v7, v7;
	v9 =	vmul.f32 v6, v6;
	_ =	sdelay $0x1  }
0x118: {  	v8 =	vadd.f32 v9, v8;
	v9 =	vmul.f32 v5, v5  }
0x119: {  	v10 =	vshrl.u32 v6, $0x10  }
0x11a: {  	v11 =	vshrl.u32 v5, $0x10;
	v8 =	vadd.f32 v9, v8;
	v9 =	vshrl.u32 v7, $0x10  }
0x11b: {  	v10 =	vand.u32 $0x1, v10;
	v11 =	vand.u32 $0x1, v11;
	v9 =	vand.u32 $0x1, v9  }
0x11c: {  	v10 =	vadd.s32 v10, v6;
	v11 =	vadd.s32 v11, v5;
	v9 =	vadd.s32 v9, v7  }
0x11d: {  	s28 =	simm.s32 $0x0;
	s29 =	simm.s32 $0x10;
	s30 =	simm.s32 $0x2010;
	v10 =	vadd.s32 $0x7FFF, v10;
	v11 =	vadd.s32 $0x7FFF, v11;
	v9 =	vadd.s32 $0x7FFF, v9  }
0x11e: {  	s31 =	simm.s32 $0x6010;
	s1 =	simm.s32 $0x0;
	s0 =	simm.s32 $0x4010;
	v10 =	vand.u32 $0xFFFF0000, v10;
	v11 =	vand.u32 $0xFFFF0000, v11;
	v9 =	vand.u32 $0xFFFF0000, v9  }
.LBB2_11:
0x11f: {  	v12 =	vld [tilespmem:s29+$0xFFFFFFF0]  }
0x120: {  	v13 =	vld [tilespmem:s30+$0xFFFFFFF0]  }
0x121: {  	v14 =	vld [tilespmem:s0+$0xFFFFFFF0]  }
0x122: {  	v17 =	vld [tilespmem:s29+$0x0]  }
0x123: {  	v18 =	vld [tilespmem:s30+$0x0]  }
0x124: {  	v48 =	vld [tilespmem:s0+$0x0];
	_ =	sdelay $0x3  }
0x125: {  	v15 =	vshrl.u32 v12, $0x10;
	v16 =	vshrl.u32 v13, $0x10;
	v47 =	vshrl.u32 v14, $0x10  }
0x126: {  	v49 =	vshrl.u32 v17, $0x10;
	v19 =	vshrl.u32 v18, $0x10;
	v51 =	vshrl.u32 v48, $0x10  }
0x127: {  	v15 =	vand.u32 $0x1, v15;
	v16 =	vand.u32 $0x1, v16;
	v19 =	vand.u32 $0x1, v19  }
0x128: {  	v12 =	vadd.s32 v15, v12;
	v13 =	vadd.s32 v16, v13;
	v15 =	vand.u32 $0x1, v47  }
0x129: {  	v50 =	vadd.s32 v19, v18;
	v18 =	vand.u32 $0x1, v51;
	v12 =	vadd.s32 $0x7FFF, v12  }
0x12a: {  	v13 =	vadd.s32 $0x7FFF, v13;
	v14 =	vadd.s32 v15, v14;
	v15 =	vand.u32 $0x1, v49  }
0x12b: {  	v16 =	vadd.s32 v18, v48;
	v12 =	vand.u32 $0xFFFF0000, v12;
	v13 =	vand.u32 $0xFFFF0000, v13  }
0x12c: {  	v14 =	vadd.s32 $0x7FFF, v14;
	v15 =	vadd.s32 v15, v17;
	v17 =	vadd.s32 $0x7FFF, v50  }
0x12d: {  	v16 =	vadd.s32 $0x7FFF, v16;
	v12 =	vmul.f32 v12, v9;
	v15 =	vadd.s32 $0x7FFF, v15  }
0x12e: {  	v13 =	vmul.f32 v13, v10;
	v17 =	vand.u32 $0xFFFF0000, v17;
	v15 =	vand.u32 $0xFFFF0000, v15  }
0x12f: {  	v14 =	vand.u32 $0xFFFF0000, v14;
	v17 =	vmul.f32 v17, v10;
	v15 =	vmul.f32 v15, v9  }
0x130: {  	v16 =	vand.u32 $0xFFFF0000, v16;
	v14 =	vmul.f32 v14, v11;
	v20 =	vadd.f32 v13, v12  }
0x131: {  	v16 =	vmul.f32 v16, v11;
	v52 =	vmax.f32 v12, v13;
	v53 =	vadd.f32 v17, v15  }
0x132: {  	v12 =	vmin.f32 v12, v13;
	v18 =	vsub.f32 v20, v52;
	v54 =	vadd.f32 v14, v20  }
0x133: {  	v55 =	vmax.f32 v20, v14;
	v22 =	vmax.f32 v15, v17;
	v21 =	vadd.f32 v16, v53  }
0x134: {  	v12 =	vsub.f32 v12, v18;
	v18 =	vsub.f32 v54, v55;
	v23 =	vmax.f32 v53, v16  }
0x135: {  	v14 =	vmin.f32 v20, v14;
	v56 =	vsub.f32 v53, v22;
	v57 =	vsub.f32 v21, v23  }
0x136: {  	v15 =	vmin.f32 v15, v17;
	v16 =	vmin.f32 v53, v16;
	v14 =	vsub.f32 v14, v18  }
0x137: {  	v58 =	vld [tilespmem:s31+$0xFFFFFFF0];
	v15 =	vsub.f32 v15, v56;
	v16 =	vsub.f32 v16, v57  }
0x138: {  	v59 =	vld [tilespmem:s31+$0x0];
	v12 =	vadd.f32 v14, v12  }
0x139: {  	v15 =	vadd.f32 v16, v15  }
0x13a: {  	v12 =	vadd.f32 v12, v54  }
0x13b: {  	v60 =	vadd.f32 v15, v21  }
0x13c: {  	v61 =	vadd.f32 v58, v8;
	v12 =	vadd.f32 v12, v12  }
0x13d: {  	v14 =	vadd.f32 v59, v8;
	v13 =	vadd.f32 v60, v60  }
0x13e: {  	v12 =	vsub.f32 v61, v12  }
0x13f: {  	v13 =	vsub.f32 v14, v13  }
0x140: {  	vm0 =	vlt.f32 v12, $3.999999910e-02  }
0x141: {  	v12 =	vmpcnt.ones.xlane vm0;
	vm1 =	vlt.f32 v13, $3.999999910e-02  }
0x142: {  	v13 =	vmpcnt.ones.xlane vm1  }
0x143: {  	(v2sf) =	vpush v12, $0x0  }
0x144: {  	(v2sf) =	vpush v13, $0x0;
	_ =	sdelay $0xd  }
0x145: {  	s3 =	spop (v2sf)  }
0x146: {  	v62 =	vor.u32 s1, v1;
	s3 =	sadd.s32 s28, s3;
	s4 =	spop (v2sf)  }
0x147: {  	p0 =	sgt.u32 s1, $0x1FDF;
	[tilespmem:s28+$0x8280] =	vst.msk vm0, v62;
	s28 =	sadd.s32 s3, s4  }
0x148: {  	p1 =	slt.s32 @!p0 s28, $0x20  }
0x149: {  	p0 =	por p0, !p1  }
.Ltmp4:
0x14a: {  	_ = 	snop;
	(pc) =	sbr.rel @!p0 .LBB2_11-.Ltmp4, $4  }
0x14b: {  	_ = 	snop  }
0x14c: {  	s4 =	sadd.s32 $0x10, s1  }
0x14d: {  	s29 =	sadd.s32 $0x20, s29;
	s30 =	sadd.s32 $0x20, s30;
	v63 =	vor.u32 s4, v1  }
0x14e: {  	s0 =	sadd.s32 $0x20, s0;
	s31 =	sadd.s32 $0x20, s31;
	s1 =	sadd.s32 $0x20, s1;
	[tilespmem:s3+$0x8280] =	vst.msk vm1, v63  }
0x14f: {  	v8 =	vld [tilespmem:$0x8280];
	_ =	sdelay $0x4  }
0x150: {  	v9 =	vperm.xlane v8, v0  }
0x151: {  	p0 =	sgt.s32 s28, $0x0;
	v10 =	vmov s28  }
0x152: {  	vm0 =	vgt.s32 v10, v1;
	v9 =	vpsel !p0, $0x0, v9  }
0x153: {  	v8 =	vsel vm0, v8, v9;
	_ =	sdelay $0x3  }
0x154: {  	[tilespmem:s26+$0x8300] =	vst v8  }
0x155: {  	v11 =	vld.idx.msk [tilespmem:v8+s21+$0x0], $0xffff;
	_ =	sdelay $0x4  }
0x156: {  	v11 =	vsub.f32 v11, v7;
	_ =	sdelay $0x1  }
0x157: {  	[tilespmem:s26+$0x8B00] =	vst v11  }
0x158: {  	v11 =	vld.idx.msk [tilespmem:v8+s10+$0x0], $0xffff;
	_ =	sdelay $0x4  }
0x159: {  	v11 =	vsub.f32 v11, v6;
	_ =	sdelay $0x1  }
0x15a: {  	[tilespmem:s26+$0x9300] =	vst v11  }
0x15b: {  	v8 =	vld.idx.msk [tilespmem:v8+s11+$0x0], $0xffff;
	_ =	sdelay $0x4  }
0x15c: {  	v8 =	vsub.f32 v8, v5;
	_ =	sdelay $0x1  }
0x15d: {  	[tilespmem:s26+$0x9B00] =	vst v8  }
0x15e: {  	v8 =	vld [tilespmem:$0x8290];
	_ =	sdelay $0x3  }
0x15f: {  	vm15 =	vgt.s32 v10, v4  }
0x160: {  	v8 =	vsel vm15, v8, v9;
	_ =	sdelay $0x3  }
0x161: {  	[tilespmem:s26+$0x8310] =	vst v8  }
0x162: {  	v9 =	vld.idx.msk [tilespmem:v8+s21+$0x0], $0xffff;
	_ =	sdelay $0x4  }
0x163: {  	v7 =	vsub.f32 v9, v7;
	_ =	sdelay $0x1  }
0x164: {  	[tilespmem:s26+$0x8B10] =	vst v7  }
0x165: {  	v7 =	vld.idx.msk [tilespmem:v8+s10+$0x0], $0xffff;
	_ =	sdelay $0x4  }
0x166: {  	v6 =	vsub.f32 v7, v6;
	_ =	sdelay $0x1  }
0x167: {  	[tilespmem:s26+$0x9310] =	vst v6  }
0x168: {  	v6 =	vld.idx.msk [tilespmem:v8+s11+$0x0], $0xffff  }
0x169: {  	s25 =	sadd.s32 $0x1, s25  }
0x16a: {  	p0 =	sne.s32 s25, $0x40  }
.Ltmp5:
0x16b: {  	_ = 	snop;
	(pc) =	sbr.rel @p0 .LBB2_10-.Ltmp5, $3  }
0x16c: {  	_ = 	snop  }
0x16d: {  	v5 =	vsub.f32 v6, v5;
	_ =	sdelay $0x1  }
0x16e: {  	[tilespmem:s26+$0x9B10] =	vst v5  }
0x16f: {  	s0 =	simm.s32 $0x8300  }
0x170: {  	[spmem:s7] =	stream.linear.scatter [tilespmem:s0], [sflag:$0x5], $0x800, $0x38;
	[tilespmem:$0x1F300] =	vst v63  }
0x171: {  	_ =	swait.ge [sflag:s9], $0x800  }
0x172: {  	[sflag:s9] =	ssyncset.done $0x0  }
0x173: {  	s1 =	simm.s32 $0x8B00;
	s31 =	rddreg [dreg:$0x1a];
	[sflag:s9] =	ssyncadd.s32 $0xFFFFF800  }
0x174: {  	[hbm4b:s31+s21] =	stream.linear.scatter [tilespmem:s1], [sflag:$0x5], $0x800, $0x38;
	[tilespmem:$0x1F300] =	vst v63  }
0x175: {  	_ =	swait.ge [sflag:s9], $0x800  }
0x176: {  	[sflag:s9] =	ssyncset.done $0x0  }
0x177: {  	s4 =	simm.s32 $0x9300;
	s3 =	rddreg [dreg:$0x1b];
	[sflag:s9] =	ssyncadd.s32 $0xFFFFF800  }
0x178: {  	[hbm4b:s3+s21] =	stream.linear.scatter [tilespmem:s4], [sflag:$0x5], $0x800, $0x38;
	[tilespmem:$0x1F300] =	vst v63  }
0x179: {  	_ =	swait.ge [sflag:s9], $0x800  }
0x17a: {  	[sflag:s9] =	ssyncset.done $0x0  }
0x17b: {  	s26 =	simm.s32 $0x9B00;
	s25 =	rddreg [dreg:$0x1c];
	[sflag:s9] =	ssyncadd.s32 $0xFFFFF800  }
0x17c: {  	[hbm4b:s25+s21] =	stream.linear.scatter [tilespmem:s26], [sflag:$0x5], $0x800, $0x38;
	[tilespmem:$0x1F300] =	vst v63  }
0x17d: {  	_ =	swait.ge [sflag:s9], $0x800  }
0x17e: {  	[sflag:s9] =	ssyncset.done $0x0  }
0x17f: {  	[sflag:s9] =	ssyncadd.s32 $0xFFFFF800  }
0x180: {  	[bflag:$0x0] =	sbarrier.arrive $0xFFFF  }
0x181: {  	s4 =	simm.s32 $0xA300;
	s28 =	rddreg [dreg:$0x4]  }
0x182: {  	[tilespmem:s4], [sflag:$0x5] =	stream.linear.gather [spmem:s28], $0x8000, $0x38;
	[tilespmem:$0x1F300] =	vst v63  }
0x183: {  	_ =	swait.ge [sflag:s9], $0x8000  }
0x184: {  	[sflag:s9] =	ssyncset.done $0x0  }
0x185: {  	s29 =	rddreg [dreg:$0x9];
	[sflag:s9] =	ssyncadd.s32 $0xFFFF8000  }
0x186: {  	[tilespmem:s14], [sflag:$0x1] =	stream.strided.gather [hbm4b:s29+s12], $0x2000, s13, s12, $0x38;
	[tilespmem:$0x1F300] =	vst v63  }
0x187: {  	_ =	swait.ge [sflag:s15], $0x2000  }
0x188: {  	[sflag:s15] =	ssyncset.done $0x0  }
0x189: {  	s31 =	simm.s32 $0xA340;
	s30 =	rddreg [dreg:$0xa];
	[sflag:s15] =	ssyncadd.s32 $0xFFFFE000  }
0x18a: {  	[tilespmem:s16], [sflag:$0x2] =	stream.strided.gather [hbm4b:s30+s12], $0x2000, s13, s12, $0x38;
	[tilespmem:$0x1F300] =	vst v63  }
0x18b: {  	v5 =	vld [tilespmem:s31+$0x30]  }
0x18c: {  	v6 =	vld [tilespmem:s31+$0xFFFFFFD0]  }
0x18d: {  	v7 =	vld [tilespmem:s31+$0xFFFFFFE0]  }
0x18e: {  	v8 =	vld [tilespmem:s31+$0xFFFFFFF0]  }
0x18f: {  	v9 =	vld [tilespmem:s31+$0x0]  }
0x190: {  	v11 =	vld [tilespmem:s31+$0x10]  }
0x191: {  	v12 =	vld [tilespmem:s31+$0x20]  }
0x192: {  	v13 =	vld [tilespmem:s31+$0xFFFFFFC0]  }
0x193: {  	v14 =	vld.idx.msk [tilespmem:v5+s14+$0x0], $0xffff  }
0x194: {  	v15 =	vld.idx.msk [tilespmem:v6+s14+$0x0], $0xffff  }
0x195: {  	v10 =	vld.idx.msk [tilespmem:v7+s14+$0x0], $0xffff  }
0x196: {  	v8 =	vld.idx.msk [tilespmem:v8+s14+$0x0], $0xffff  }
0x197: {  	v5 =	vld.idx.msk [tilespmem:v9+s14+$0x0], $0xffff  }
0x198: {  	s0 =	simm.s32 $0x16340;
	v6 =	vld.idx.msk [tilespmem:v11+s14+$0x0], $0xffff  }
0x199: {  	v7 =	vld.idx.msk [tilespmem:v12+s14+$0x0], $0xffff;
	[tilespmem:s0+$0x30] =	vst v14  }
0x19a: {  	s1 =	simm.s32 $0x0;
	s25 =	simm.s32 $0xA3C0;
	v9 =	vld.idx.msk [tilespmem:v13+s14+$0x0], $0xffff;
	[tilespmem:s0+$0xFFFFFFD0] =	vst v15  }
.LBB2_14:
0x19b: {  	v11 =	vld [tilespmem:s25+$0x30];
	s1 =	sadd.s32 $0x8, s1;
	[tilespmem:s0+$0xFFFFFFE0] =	vst v10  }
0x19c: {  	v10 =	vld [tilespmem:s25+$0xFFFFFFD0];
	p0 =	slt.u32 s1, $0x3F8;
	[tilespmem:s0+$0xFFFFFFF0] =	vst v8  }
0x19d: {  	v8 =	vld [tilespmem:s25+$0xFFFFFFE0];
	[tilespmem:s0+$0x0] =	vst v5  }
0x19e: {  	v5 =	vld [tilespmem:s25+$0xFFFFFFF0];
	[tilespmem:s0+$0x10] =	vst v6  }
0x19f: {  	v6 =	vld [tilespmem:s25+$0x0];
	[tilespmem:s0+$0x20] =	vst v7  }
0x1a0: {  	v7 =	vld [tilespmem:s25+$0x10];
	[tilespmem:s0+$0xFFFFFFC0] =	vst v9  }
0x1a1: {  	v9 =	vld [tilespmem:s25+$0x20]  }
0x1a2: {  	v12 =	vld [tilespmem:s25+$0xFFFFFFC0]  }
0x1a3: {  	v11 =	vld.idx.msk [tilespmem:v11+s14+$0x0], $0xffff  }
0x1a4: {  	v13 =	vld.idx.msk [tilespmem:v10+s14+$0x0], $0xffff  }
0x1a5: {  	v10 =	vld.idx.msk [tilespmem:v8+s14+$0x0], $0xffff  }
.Ltmp6:
0x1a6: {  	v8 =	vld.idx.msk [tilespmem:v5+s14+$0x0], $0xffff;
	(pc) =	sbr.rel @p0 .LBB2_14-.Ltmp6, $4  }
0x1a7: {  	v5 =	vld.idx.msk [tilespmem:v6+s14+$0x0], $0xffff  }
0x1a8: {  	s0 =	sadd.s32 $0x80, s0;
	v6 =	vld.idx.msk [tilespmem:v7+s14+$0x0], $0xffff  }
0x1a9: {  	v7 =	vld.idx.msk [tilespmem:v9+s14+$0x0], $0xffff;
	[tilespmem:s0+$0x30] =	vst v11  }
0x1aa: {  	s25 =	sadd.s32 $0x80, s25;
	v9 =	vld.idx.msk [tilespmem:v12+s14+$0x0], $0xffff;
	[tilespmem:s0+$0xFFFFFFD0] =	vst v13  }
0x1ab: {  	[tilespmem:s0+$0xFFFFFFE0] =	vst v10  }
0x1ac: {  	[tilespmem:s0+$0xFFFFFFF0] =	vst v8  }
0x1ad: {  	[tilespmem:s0+$0x0] =	vst v5  }
0x1ae: {  	[tilespmem:s0+$0x10] =	vst v6  }
0x1af: {  	[tilespmem:s0+$0x20] =	vst v7  }
0x1b0: {  	[tilespmem:s0+$0xFFFFFFC0] =	vst v9  }
0x1b1: {  	s31 =	simm.s32 $0x0;
	s0 =	simm.s32 $0x0;
	s1 =	rddreg [dreg:$0x1d]  }
0x1b2: {  	[hbm4b:s1+s31] =	stream.linear.scatter [tilespmem:s17], [sflag:$0x3], $0x4000, $0x38;
	[tilespmem:$0x1F300] =	vst v63  }
0x1b3: {  	v6 =	vld [tilespmem:s0+$0xE370]  }
0x1b4: {  	v7 =	vld [tilespmem:s0+$0xE300]  }
0x1b5: {  	v8 =	vld [tilespmem:s0+$0xE310]  }
0x1b6: {  	v9 =	vld [tilespmem:s0+$0xE320]  }
0x1b7: {  	v12 =	vld [tilespmem:s0+$0xE330]  }
0x1b8: {  	v13 =	vld [tilespmem:s0+$0xE340]  }
0x1b9: {  	v14 =	vld [tilespmem:s0+$0xE350]  }
0x1ba: {  	v5 =	vld [tilespmem:s0+$0xE360]  }
0x1bb: {  	v15 =	vld.idx.msk [tilespmem:v6+s14+$0x0], $0xffff  }
0x1bc: {  	v11 =	vld.idx.msk [tilespmem:v7+s14+$0x0], $0xffff  }
0x1bd: {  	v10 =	vld.idx.msk [tilespmem:v8+s14+$0x0], $0xffff  }
0x1be: {  	v9 =	vld.idx.msk [tilespmem:v9+s14+$0x0], $0xffff  }
0x1bf: {  	v8 =	vld.idx.msk [tilespmem:v12+s14+$0x0], $0xffff  }
0x1c0: {  	v6 =	vld.idx.msk [tilespmem:v13+s14+$0x0], $0xffff  }
0x1c1: {  	s25 =	simm.s32 $0x200;
	s1 =	simm.s32 $0x0;
	v7 =	vld.idx.msk [tilespmem:v14+s14+$0x0], $0xffff;
	[tilespmem:s0+$0x1A370] =	vst v15  }
.LBB2_16:
0x1c2: {  	s3 =	sshra.s32 s25, $0x2;
	s1 =	sadd.s32 $0x8, s1;
	[tilespmem:s0+$0x1A300] =	vst v11;
	v5 =	vld.idx.msk [tilespmem:v5+s14+$0x0], $0xffff  }
0x1c3: {  	v11 =	vld [tilespmem:s3+$0xE370];
	p0 =	slt.u32 s1, $0x3F8;
	[tilespmem:s0+$0x1A310] =	vst v10  }
0x1c4: {  	v10 =	vld [tilespmem:s3+$0xE300];
	[tilespmem:s0+$0x1A320] =	vst v9  }
0x1c5: {  	v9 =	vld [tilespmem:s3+$0xE310];
	[tilespmem:s0+$0x1A330] =	vst v8  }
0x1c6: {  	v8 =	vld [tilespmem:s3+$0xE320];
	[tilespmem:s0+$0x1A340] =	vst v6  }
0x1c7: {  	v6 =	vld [tilespmem:s3+$0xE330];
	[tilespmem:s0+$0x1A350] =	vst v7  }
0x1c8: {  	v7 =	vld [tilespmem:s3+$0xE340];
	[tilespmem:s0+$0x1A360] =	vst v5;
	s0 =	smov.u32 s3  }
0x1c9: {  	v12 =	vld [tilespmem:s0+$0xE350]  }
0x1ca: {  	v5 =	vld [tilespmem:s0+$0xE360]  }
0x1cb: {  	v13 =	vld.idx.msk [tilespmem:v11+s14+$0x0], $0xffff  }
0x1cc: {  	v11 =	vld.idx.msk [tilespmem:v10+s14+$0x0], $0xffff  }
.Ltmp7:
0x1cd: {  	v10 =	vld.idx.msk [tilespmem:v9+s14+$0x0], $0xffff;
	(pc) =	sbr.rel @p0 .LBB2_16-.Ltmp7, $4  }
0x1ce: {  	v9 =	vld.idx.msk [tilespmem:v8+s14+$0x0], $0xffff  }
0x1cf: {  	v8 =	vld.idx.msk [tilespmem:v6+s14+$0x0], $0xffff  }
0x1d0: {  	v6 =	vld.idx.msk [tilespmem:v7+s14+$0x0], $0xffff  }
0x1d1: {  	s25 =	sadd.s32 $0x200, s25;
	v7 =	vld.idx.msk [tilespmem:v12+s14+$0x0], $0xffff;
	[tilespmem:s0+$0x1A370] =	vst v13  }
0x1d2: {  	_ =	sdelay $0x2  }
0x1d3: {  	[tilespmem:s0+$0x1A300] =	vst v11  }
0x1d4: {  	v5 =	vld.idx.msk [tilespmem:v5+s14+$0x0], $0xffff;
	[tilespmem:s0+$0x1A310] =	vst v10  }
0x1d5: {  	[tilespmem:s0+$0x1A320] =	vst v9  }
0x1d6: {  	[tilespmem:s0+$0x1A330] =	vst v8  }
0x1d7: {  	[tilespmem:s0+$0x1A340] =	vst v6  }
0x1d8: {  	[tilespmem:s0+$0x1A350] =	vst v7  }
0x1d9: {  	[tilespmem:s0+$0x1A360] =	vst v5  }
0x1da: {  	s0 =	rddreg [dreg:$0x1e]  }
0x1db: {  	[hbm4b:s0+s21] =	stream.linear.scatter [tilespmem:s18], [sflag:$0x4], $0x4000, $0x38;
	[tilespmem:$0x1F300] =	vst v63  }
0x1dc: {  	_ =	swait.ge [sflag:s19], $0x2000  }
0x1dd: {  	[sflag:s19] =	ssyncset.done $0x0  }
0x1de: {  	s30 =	rddreg [dreg:$0xb];
	[sflag:s19] =	ssyncadd.s32 $0xFFFFE000  }
0x1df: {  	[tilespmem:s14], [sflag:$0x1] =	stream.strided.gather [hbm4b:s30+s12], $0x2000, s13, s12, $0x38;
	[tilespmem:$0x1F300] =	vst v63  }
0x1e0: {  	_ =	swait.ge [sflag:s20], $0x4000  }
0x1e1: {  	[sflag:s20] =	ssyncset.done $0x0  }
0x1e2: {  	s31 =	simm.s32 $0xA340;
	[sflag:s20] =	ssyncadd.s32 $0xFFFFC000  }
0x1e3: {  	v5 =	vld [tilespmem:s31+$0x30]  }
0x1e4: {  	v6 =	vld [tilespmem:s31+$0xFFFFFFD0]  }
0x1e5: {  	v7 =	vld [tilespmem:s31+$0xFFFFFFE0]  }
0x1e6: {  	v8 =	vld [tilespmem:s31+$0xFFFFFFF0]  }
0x1e7: {  	v9 =	vld [tilespmem:s31+$0x0]  }
0x1e8: {  	v11 =	vld [tilespmem:s31+$0x10]  }
0x1e9: {  	v12 =	vld [tilespmem:s31+$0x20]  }
0x1ea: {  	v13 =	vld [tilespmem:s31+$0xFFFFFFC0]  }
0x1eb: {  	v14 =	vld.idx.msk [tilespmem:v5+s16+$0x0], $0xffff  }
0x1ec: {  	v15 =	vld.idx.msk [tilespmem:v6+s16+$0x0], $0xffff  }
0x1ed: {  	v10 =	vld.idx.msk [tilespmem:v7+s16+$0x0], $0xffff  }
0x1ee: {  	v8 =	vld.idx.msk [tilespmem:v8+s16+$0x0], $0xffff  }
0x1ef: {  	v5 =	vld.idx.msk [tilespmem:v9+s16+$0x0], $0xffff  }
0x1f0: {  	s0 =	simm.s32 $0x16340;
	v6 =	vld.idx.msk [tilespmem:v11+s16+$0x0], $0xffff  }
0x1f1: {  	v7 =	vld.idx.msk [tilespmem:v12+s16+$0x0], $0xffff;
	[tilespmem:s0+$0x30] =	vst v14  }
0x1f2: {  	s1 =	simm.s32 $0x0;
	s25 =	simm.s32 $0xA3C0;
	v9 =	vld.idx.msk [tilespmem:v13+s16+$0x0], $0xffff;
	[tilespmem:s0+$0xFFFFFFD0] =	vst v15  }
.LBB2_18:
0x1f3: {  	v11 =	vld [tilespmem:s25+$0x30];
	s1 =	sadd.s32 $0x8, s1;
	[tilespmem:s0+$0xFFFFFFE0] =	vst v10  }
0x1f4: {  	v10 =	vld [tilespmem:s25+$0xFFFFFFD0];
	p0 =	slt.u32 s1, $0x3F8;
	[tilespmem:s0+$0xFFFFFFF0] =	vst v8  }
0x1f5: {  	v8 =	vld [tilespmem:s25+$0xFFFFFFE0];
	[tilespmem:s0+$0x0] =	vst v5  }
0x1f6: {  	v5 =	vld [tilespmem:s25+$0xFFFFFFF0];
	[tilespmem:s0+$0x10] =	vst v6  }
0x1f7: {  	v6 =	vld [tilespmem:s25+$0x0];
	[tilespmem:s0+$0x20] =	vst v7  }
0x1f8: {  	v7 =	vld [tilespmem:s25+$0x10];
	[tilespmem:s0+$0xFFFFFFC0] =	vst v9  }
0x1f9: {  	v9 =	vld [tilespmem:s25+$0x20]  }
0x1fa: {  	v12 =	vld [tilespmem:s25+$0xFFFFFFC0]  }
0x1fb: {  	v11 =	vld.idx.msk [tilespmem:v11+s16+$0x0], $0xffff  }
0x1fc: {  	v13 =	vld.idx.msk [tilespmem:v10+s16+$0x0], $0xffff  }
0x1fd: {  	v10 =	vld.idx.msk [tilespmem:v8+s16+$0x0], $0xffff  }
.Ltmp8:
0x1fe: {  	v8 =	vld.idx.msk [tilespmem:v5+s16+$0x0], $0xffff;
	(pc) =	sbr.rel @p0 .LBB2_18-.Ltmp8, $4  }
0x1ff: {  	v5 =	vld.idx.msk [tilespmem:v6+s16+$0x0], $0xffff  }
0x200: {  	s0 =	sadd.s32 $0x80, s0;
	v6 =	vld.idx.msk [tilespmem:v7+s16+$0x0], $0xffff  }
0x201: {  	v7 =	vld.idx.msk [tilespmem:v9+s16+$0x0], $0xffff;
	[tilespmem:s0+$0x30] =	vst v11  }
0x202: {  	s25 =	sadd.s32 $0x80, s25;
	v9 =	vld.idx.msk [tilespmem:v12+s16+$0x0], $0xffff;
	[tilespmem:s0+$0xFFFFFFD0] =	vst v13  }
0x203: {  	[tilespmem:s0+$0xFFFFFFE0] =	vst v10  }
0x204: {  	[tilespmem:s0+$0xFFFFFFF0] =	vst v8  }
0x205: {  	[tilespmem:s0+$0x0] =	vst v5  }
0x206: {  	[tilespmem:s0+$0x10] =	vst v6  }
0x207: {  	[tilespmem:s0+$0x20] =	vst v7  }
0x208: {  	[tilespmem:s0+$0xFFFFFFC0] =	vst v9  }
0x209: {  	s31 =	simm.s32 $0x0;
	s1 =	rddreg [dreg:$0x1f]  }
0x20a: {  	[hbm4b:s1+s31] =	stream.linear.scatter [tilespmem:s17], [sflag:$0x3], $0x4000, $0x38;
	[tilespmem:$0x1F300] =	vst v63  }
0x20b: {  	_ =	swait.ge [sflag:s23], $0x4000  }
0x20c: {  	[sflag:s23] =	ssyncset.done $0x0  }
0x20d: {  	s0 =	simm.s32 $0x0;
	[sflag:s23] =	ssyncadd.s32 $0xFFFFC000  }
0x20e: {  	v6 =	vld [tilespmem:s0+$0xE370]  }
0x20f: {  	v7 =	vld [tilespmem:s0+$0xE300]  }
0x210: {  	v8 =	vld [tilespmem:s0+$0xE310]  }
0x211: {  	v9 =	vld [tilespmem:s0+$0xE320]  }
0x212: {  	v12 =	vld [tilespmem:s0+$0xE330]  }
0x213: {  	v13 =	vld [tilespmem:s0+$0xE340]  }
0x214: {  	v14 =	vld [tilespmem:s0+$0xE350]  }
0x215: {  	v5 =	vld [tilespmem:s0+$0xE360]  }
0x216: {  	v15 =	vld.idx.msk [tilespmem:v6+s16+$0x0], $0xffff  }
0x217: {  	v11 =	vld.idx.msk [tilespmem:v7+s16+$0x0], $0xffff  }
0x218: {  	v10 =	vld.idx.msk [tilespmem:v8+s16+$0x0], $0xffff  }
0x219: {  	v9 =	vld.idx.msk [tilespmem:v9+s16+$0x0], $0xffff  }
0x21a: {  	v8 =	vld.idx.msk [tilespmem:v12+s16+$0x0], $0xffff  }
0x21b: {  	v6 =	vld.idx.msk [tilespmem:v13+s16+$0x0], $0xffff  }
0x21c: {  	s25 =	simm.s32 $0x200;
	s1 =	simm.s32 $0x0;
	v7 =	vld.idx.msk [tilespmem:v14+s16+$0x0], $0xffff;
	[tilespmem:s0+$0x1A370] =	vst v15  }
.LBB2_20:
0x21d: {  	s3 =	sshra.s32 s25, $0x2;
	s1 =	sadd.s32 $0x8, s1;
	[tilespmem:s0+$0x1A300] =	vst v11;
	v5 =	vld.idx.msk [tilespmem:v5+s16+$0x0], $0xffff  }
0x21e: {  	v11 =	vld [tilespmem:s3+$0xE370];
	p0 =	slt.u32 s1, $0x3F8;
	[tilespmem:s0+$0x1A310] =	vst v10  }
0x21f: {  	v10 =	vld [tilespmem:s3+$0xE300];
	[tilespmem:s0+$0x1A320] =	vst v9  }
0x220: {  	v9 =	vld [tilespmem:s3+$0xE310];
	[tilespmem:s0+$0x1A330] =	vst v8  }
0x221: {  	v8 =	vld [tilespmem:s3+$0xE320];
	[tilespmem:s0+$0x1A340] =	vst v6  }
0x222: {  	v6 =	vld [tilespmem:s3+$0xE330];
	[tilespmem:s0+$0x1A350] =	vst v7  }
0x223: {  	v7 =	vld [tilespmem:s3+$0xE340];
	[tilespmem:s0+$0x1A360] =	vst v5;
	s0 =	smov.u32 s3  }
0x224: {  	v12 =	vld [tilespmem:s0+$0xE350]  }
0x225: {  	v5 =	vld [tilespmem:s0+$0xE360]  }
0x226: {  	v13 =	vld.idx.msk [tilespmem:v11+s16+$0x0], $0xffff  }
0x227: {  	v11 =	vld.idx.msk [tilespmem:v10+s16+$0x0], $0xffff  }
.Ltmp9:
0x228: {  	v10 =	vld.idx.msk [tilespmem:v9+s16+$0x0], $0xffff;
	(pc) =	sbr.rel @p0 .LBB2_20-.Ltmp9, $4  }
0x229: {  	v9 =	vld.idx.msk [tilespmem:v8+s16+$0x0], $0xffff  }
0x22a: {  	v8 =	vld.idx.msk [tilespmem:v6+s16+$0x0], $0xffff  }
0x22b: {  	v6 =	vld.idx.msk [tilespmem:v7+s16+$0x0], $0xffff  }
0x22c: {  	s25 =	sadd.s32 $0x200, s25;
	v7 =	vld.idx.msk [tilespmem:v12+s16+$0x0], $0xffff;
	[tilespmem:s0+$0x1A370] =	vst v13  }
0x22d: {  	_ =	sdelay $0x2  }
0x22e: {  	[tilespmem:s0+$0x1A300] =	vst v11  }
0x22f: {  	v5 =	vld.idx.msk [tilespmem:v5+s16+$0x0], $0xffff;
	[tilespmem:s0+$0x1A310] =	vst v10  }
0x230: {  	[tilespmem:s0+$0x1A320] =	vst v9  }
0x231: {  	[tilespmem:s0+$0x1A330] =	vst v8  }
0x232: {  	[tilespmem:s0+$0x1A340] =	vst v6  }
0x233: {  	[tilespmem:s0+$0x1A350] =	vst v7  }
0x234: {  	[tilespmem:s0+$0x1A360] =	vst v5  }
0x235: {  	s0 =	sld [smem:$0x7DC];
	_ =	sdelay $0x2  }
0x236: {  	[hbm4b:s0+s21] =	stream.linear.scatter [tilespmem:s18], [sflag:$0x4], $0x4000, $0x38;
	[tilespmem:$0x1F300] =	vst v63  }
0x237: {  	_ =	swait.ge [sflag:s15], $0x2000  }
0x238: {  	[sflag:s15] =	ssyncset.done $0x0  }
0x239: {  	s30 =	rddreg [dreg:$0xc];
	[sflag:s15] =	ssyncadd.s32 $0xFFFFE000  }
0x23a: {  	[tilespmem:s16], [sflag:$0x2] =	stream.strided.gather [hbm4b:s30+s12], $0x2000, s13, s12, $0x38;
	[tilespmem:$0x1F300] =	vst v63  }
0x23b: {  	_ =	swait.ge [sflag:s20], $0x4000  }
0x23c: {  	[sflag:s20] =	ssyncset.done $0x0  }
0x23d: {  	s31 =	simm.s32 $0xA340;
	[sflag:s20] =	ssyncadd.s32 $0xFFFFC000  }
0x23e: {  	v5 =	vld [tilespmem:s31+$0x30]  }
0x23f: {  	v6 =	vld [tilespmem:s31+$0xFFFFFFD0]  }
0x240: {  	v7 =	vld [tilespmem:s31+$0xFFFFFFE0]  }
0x241: {  	v8 =	vld [tilespmem:s31+$0xFFFFFFF0]  }
0x242: {  	v9 =	vld [tilespmem:s31+$0x0]  }
0x243: {  	v11 =	vld [tilespmem:s31+$0x10]  }
0x244: {  	v12 =	vld [tilespmem:s31+$0x20]  }
0x245: {  	v13 =	vld [tilespmem:s31+$0xFFFFFFC0]  }
0x246: {  	v14 =	vld.idx.msk [tilespmem:v5+s14+$0x0], $0xffff  }
0x247: {  	v15 =	vld.idx.msk [tilespmem:v6+s14+$0x0], $0xffff  }
0x248: {  	v10 =	vld.idx.msk [tilespmem:v7+s14+$0x0], $0xffff  }
0x249: {  	v8 =	vld.idx.msk [tilespmem:v8+s14+$0x0], $0xffff  }
0x24a: {  	v5 =	vld.idx.msk [tilespmem:v9+s14+$0x0], $0xffff  }
0x24b: {  	s0 =	simm.s32 $0x16340;
	v6 =	vld.idx.msk [tilespmem:v11+s14+$0x0], $0xffff  }
0x24c: {  	v7 =	vld.idx.msk [tilespmem:v12+s14+$0x0], $0xffff;
	[tilespmem:s0+$0x30] =	vst v14  }
0x24d: {  	s1 =	simm.s32 $0x0;
	s25 =	simm.s32 $0xA3C0;
	v9 =	vld.idx.msk [tilespmem:v13+s14+$0x0], $0xffff;
	[tilespmem:s0+$0xFFFFFFD0] =	vst v15  }
.LBB2_22:
0x24e: {  	v11 =	vld [tilespmem:s25+$0x30];
	s1 =	sadd.s32 $0x8, s1;
	[tilespmem:s0+$0xFFFFFFE0] =	vst v10  }
0x24f: {  	v10 =	vld [tilespmem:s25+$0xFFFFFFD0];
	p0 =	slt.u32 s1, $0x3F8;
	[tilespmem:s0+$0xFFFFFFF0] =	vst v8  }
0x250: {  	v8 =	vld [tilespmem:s25+$0xFFFFFFE0];
	[tilespmem:s0+$0x0] =	vst v5  }
0x251: {  	v5 =	vld [tilespmem:s25+$0xFFFFFFF0];
	[tilespmem:s0+$0x10] =	vst v6  }
0x252: {  	v6 =	vld [tilespmem:s25+$0x0];
	[tilespmem:s0+$0x20] =	vst v7  }
0x253: {  	v7 =	vld [tilespmem:s25+$0x10];
	[tilespmem:s0+$0xFFFFFFC0] =	vst v9  }
0x254: {  	v9 =	vld [tilespmem:s25+$0x20]  }
0x255: {  	v12 =	vld [tilespmem:s25+$0xFFFFFFC0]  }
0x256: {  	v11 =	vld.idx.msk [tilespmem:v11+s14+$0x0], $0xffff  }
0x257: {  	v13 =	vld.idx.msk [tilespmem:v10+s14+$0x0], $0xffff  }
0x258: {  	v10 =	vld.idx.msk [tilespmem:v8+s14+$0x0], $0xffff  }
.Ltmp10:
0x259: {  	v8 =	vld.idx.msk [tilespmem:v5+s14+$0x0], $0xffff;
	(pc) =	sbr.rel @p0 .LBB2_22-.Ltmp10, $4  }
0x25a: {  	v5 =	vld.idx.msk [tilespmem:v6+s14+$0x0], $0xffff  }
0x25b: {  	s0 =	sadd.s32 $0x80, s0;
	v6 =	vld.idx.msk [tilespmem:v7+s14+$0x0], $0xffff  }
0x25c: {  	v7 =	vld.idx.msk [tilespmem:v9+s14+$0x0], $0xffff;
	[tilespmem:s0+$0x30] =	vst v11  }
0x25d: {  	s25 =	sadd.s32 $0x80, s25;
	v9 =	vld.idx.msk [tilespmem:v12+s14+$0x0], $0xffff;
	[tilespmem:s0+$0xFFFFFFD0] =	vst v13  }
0x25e: {  	[tilespmem:s0+$0xFFFFFFE0] =	vst v10  }
0x25f: {  	[tilespmem:s0+$0xFFFFFFF0] =	vst v8  }
0x260: {  	[tilespmem:s0+$0x0] =	vst v5  }
0x261: {  	[tilespmem:s0+$0x10] =	vst v6  }
0x262: {  	[tilespmem:s0+$0x20] =	vst v7  }
0x263: {  	[tilespmem:s0+$0xFFFFFFC0] =	vst v9  }
0x264: {  	s1 =	sld [smem:$0x7DD];
	_ =	sdelay $0x1  }
0x265: {  	s31 =	simm.s32 $0x0  }
0x266: {  	[hbm4b:s1+s31] =	stream.linear.scatter [tilespmem:s17], [sflag:$0x3], $0x4000, $0x38;
	[tilespmem:$0x1F300] =	vst v63  }
0x267: {  	_ =	swait.ge [sflag:s23], $0x4000  }
0x268: {  	[sflag:s23] =	ssyncset.done $0x0  }
0x269: {  	s0 =	simm.s32 $0x0;
	[sflag:s23] =	ssyncadd.s32 $0xFFFFC000  }
0x26a: {  	v6 =	vld [tilespmem:s0+$0xE370]  }
0x26b: {  	v7 =	vld [tilespmem:s0+$0xE300]  }
0x26c: {  	v8 =	vld [tilespmem:s0+$0xE310]  }
0x26d: {  	v9 =	vld [tilespmem:s0+$0xE320]  }
0x26e: {  	v12 =	vld [tilespmem:s0+$0xE330]  }
0x26f: {  	v13 =	vld [tilespmem:s0+$0xE340]  }
0x270: {  	v14 =	vld [tilespmem:s0+$0xE350]  }
0x271: {  	v5 =	vld [tilespmem:s0+$0xE360]  }
0x272: {  	v15 =	vld.idx.msk [tilespmem:v6+s14+$0x0], $0xffff  }
0x273: {  	v11 =	vld.idx.msk [tilespmem:v7+s14+$0x0], $0xffff  }
0x274: {  	v10 =	vld.idx.msk [tilespmem:v8+s14+$0x0], $0xffff  }
0x275: {  	v9 =	vld.idx.msk [tilespmem:v9+s14+$0x0], $0xffff  }
0x276: {  	v8 =	vld.idx.msk [tilespmem:v12+s14+$0x0], $0xffff  }
0x277: {  	v6 =	vld.idx.msk [tilespmem:v13+s14+$0x0], $0xffff  }
0x278: {  	s25 =	simm.s32 $0x200;
	s1 =	simm.s32 $0x0;
	v7 =	vld.idx.msk [tilespmem:v14+s14+$0x0], $0xffff;
	[tilespmem:s0+$0x1A370] =	vst v15  }
.LBB2_24:
0x279: {  	s3 =	sshra.s32 s25, $0x2;
	s1 =	sadd.s32 $0x8, s1;
	[tilespmem:s0+$0x1A300] =	vst v11;
	v5 =	vld.idx.msk [tilespmem:v5+s14+$0x0], $0xffff  }
0x27a: {  	v11 =	vld [tilespmem:s3+$0xE370];
	p0 =	slt.u32 s1, $0x3F8;
	[tilespmem:s0+$0x1A310] =	vst v10  }
0x27b: {  	v10 =	vld [tilespmem:s3+$0xE300];
	[tilespmem:s0+$0x1A320] =	vst v9  }
0x27c: {  	v9 =	vld [tilespmem:s3+$0xE310];
	[tilespmem:s0+$0x1A330] =	vst v8  }
0x27d: {  	v8 =	vld [tilespmem:s3+$0xE320];
	[tilespmem:s0+$0x1A340] =	vst v6  }
0x27e: {  	v6 =	vld [tilespmem:s3+$0xE330];
	[tilespmem:s0+$0x1A350] =	vst v7  }
0x27f: {  	v7 =	vld [tilespmem:s3+$0xE340];
	[tilespmem:s0+$0x1A360] =	vst v5;
	s0 =	smov.u32 s3  }
0x280: {  	v12 =	vld [tilespmem:s0+$0xE350]  }
0x281: {  	v5 =	vld [tilespmem:s0+$0xE360]  }
0x282: {  	v13 =	vld.idx.msk [tilespmem:v11+s14+$0x0], $0xffff  }
0x283: {  	v11 =	vld.idx.msk [tilespmem:v10+s14+$0x0], $0xffff  }
.Ltmp11:
0x284: {  	v10 =	vld.idx.msk [tilespmem:v9+s14+$0x0], $0xffff;
	(pc) =	sbr.rel @p0 .LBB2_24-.Ltmp11, $4  }
0x285: {  	v9 =	vld.idx.msk [tilespmem:v8+s14+$0x0], $0xffff  }
0x286: {  	v8 =	vld.idx.msk [tilespmem:v6+s14+$0x0], $0xffff  }
0x287: {  	v6 =	vld.idx.msk [tilespmem:v7+s14+$0x0], $0xffff  }
0x288: {  	s25 =	sadd.s32 $0x200, s25;
	v7 =	vld.idx.msk [tilespmem:v12+s14+$0x0], $0xffff;
	[tilespmem:s0+$0x1A370] =	vst v13  }
0x289: {  	_ =	sdelay $0x2  }
0x28a: {  	[tilespmem:s0+$0x1A300] =	vst v11  }
0x28b: {  	v5 =	vld.idx.msk [tilespmem:v5+s14+$0x0], $0xffff;
	[tilespmem:s0+$0x1A310] =	vst v10  }
0x28c: {  	[tilespmem:s0+$0x1A320] =	vst v9  }
0x28d: {  	[tilespmem:s0+$0x1A330] =	vst v8  }
0x28e: {  	[tilespmem:s0+$0x1A340] =	vst v6  }
0x28f: {  	[tilespmem:s0+$0x1A350] =	vst v7  }
0x290: {  	[tilespmem:s0+$0x1A360] =	vst v5  }
0x291: {  	s0 =	sld [smem:$0x7DE];
	_ =	sdelay $0x2  }
0x292: {  	[hbm4b:s0+s21] =	stream.linear.scatter [tilespmem:s18], [sflag:$0x4], $0x4000, $0x38;
	[tilespmem:$0x1F300] =	vst v63  }
0x293: {  	_ =	swait.ge [sflag:s19], $0x2000  }
0x294: {  	[sflag:s19] =	ssyncset.done $0x0  }
0x295: {  	s30 =	rddreg [dreg:$0xd];
	[sflag:s19] =	ssyncadd.s32 $0xFFFFE000  }
0x296: {  	[tilespmem:s14], [sflag:$0x1] =	stream.strided.gather [hbm4b:s30+s12], $0x2000, s13, s12, $0x38;
	[tilespmem:$0x1F300] =	vst v63  }
0x297: {  	_ =	swait.ge [sflag:s20], $0x4000  }
0x298: {  	[sflag:s20] =	ssyncset.done $0x0  }
0x299: {  	s31 =	simm.s32 $0xA340;
	[sflag:s20] =	ssyncadd.s32 $0xFFFFC000  }
0x29a: {  	v5 =	vld [tilespmem:s31+$0x30]  }
0x29b: {  	v6 =	vld [tilespmem:s31+$0xFFFFFFD0]  }
0x29c: {  	v7 =	vld [tilespmem:s31+$0xFFFFFFE0]  }
0x29d: {  	v8 =	vld [tilespmem:s31+$0xFFFFFFF0]  }
0x29e: {  	v9 =	vld [tilespmem:s31+$0x0]  }
0x29f: {  	v11 =	vld [tilespmem:s31+$0x10]  }
0x2a0: {  	v12 =	vld [tilespmem:s31+$0x20]  }
0x2a1: {  	v13 =	vld [tilespmem:s31+$0xFFFFFFC0]  }
0x2a2: {  	v14 =	vld.idx.msk [tilespmem:v5+s16+$0x0], $0xffff  }
0x2a3: {  	v15 =	vld.idx.msk [tilespmem:v6+s16+$0x0], $0xffff  }
0x2a4: {  	v10 =	vld.idx.msk [tilespmem:v7+s16+$0x0], $0xffff  }
0x2a5: {  	v8 =	vld.idx.msk [tilespmem:v8+s16+$0x0], $0xffff  }
0x2a6: {  	v5 =	vld.idx.msk [tilespmem:v9+s16+$0x0], $0xffff  }
0x2a7: {  	s0 =	simm.s32 $0x16340;
	v6 =	vld.idx.msk [tilespmem:v11+s16+$0x0], $0xffff  }
0x2a8: {  	v7 =	vld.idx.msk [tilespmem:v12+s16+$0x0], $0xffff;
	[tilespmem:s0+$0x30] =	vst v14  }
0x2a9: {  	s1 =	simm.s32 $0x0;
	s25 =	simm.s32 $0xA3C0;
	v9 =	vld.idx.msk [tilespmem:v13+s16+$0x0], $0xffff;
	[tilespmem:s0+$0xFFFFFFD0] =	vst v15  }
.LBB2_26:
0x2aa: {  	v11 =	vld [tilespmem:s25+$0x30];
	s1 =	sadd.s32 $0x8, s1;
	[tilespmem:s0+$0xFFFFFFE0] =	vst v10  }
0x2ab: {  	v10 =	vld [tilespmem:s25+$0xFFFFFFD0];
	p0 =	slt.u32 s1, $0x3F8;
	[tilespmem:s0+$0xFFFFFFF0] =	vst v8  }
0x2ac: {  	v8 =	vld [tilespmem:s25+$0xFFFFFFE0];
	[tilespmem:s0+$0x0] =	vst v5  }
0x2ad: {  	v5 =	vld [tilespmem:s25+$0xFFFFFFF0];
	[tilespmem:s0+$0x10] =	vst v6  }
0x2ae: {  	v6 =	vld [tilespmem:s25+$0x0];
	[tilespmem:s0+$0x20] =	vst v7  }
0x2af: {  	v7 =	vld [tilespmem:s25+$0x10];
	[tilespmem:s0+$0xFFFFFFC0] =	vst v9  }
0x2b0: {  	v9 =	vld [tilespmem:s25+$0x20]  }
0x2b1: {  	v12 =	vld [tilespmem:s25+$0xFFFFFFC0]  }
0x2b2: {  	v11 =	vld.idx.msk [tilespmem:v11+s16+$0x0], $0xffff  }
0x2b3: {  	v13 =	vld.idx.msk [tilespmem:v10+s16+$0x0], $0xffff  }
0x2b4: {  	v10 =	vld.idx.msk [tilespmem:v8+s16+$0x0], $0xffff  }
.Ltmp12:
0x2b5: {  	v8 =	vld.idx.msk [tilespmem:v5+s16+$0x0], $0xffff;
	(pc) =	sbr.rel @p0 .LBB2_26-.Ltmp12, $4  }
0x2b6: {  	v5 =	vld.idx.msk [tilespmem:v6+s16+$0x0], $0xffff  }
0x2b7: {  	s0 =	sadd.s32 $0x80, s0;
	v6 =	vld.idx.msk [tilespmem:v7+s16+$0x0], $0xffff  }
0x2b8: {  	v7 =	vld.idx.msk [tilespmem:v9+s16+$0x0], $0xffff;
	[tilespmem:s0+$0x30] =	vst v11  }
0x2b9: {  	s25 =	sadd.s32 $0x80, s25;
	v9 =	vld.idx.msk [tilespmem:v12+s16+$0x0], $0xffff;
	[tilespmem:s0+$0xFFFFFFD0] =	vst v13  }
0x2ba: {  	[tilespmem:s0+$0xFFFFFFE0] =	vst v10  }
0x2bb: {  	[tilespmem:s0+$0xFFFFFFF0] =	vst v8  }
0x2bc: {  	[tilespmem:s0+$0x0] =	vst v5  }
0x2bd: {  	[tilespmem:s0+$0x10] =	vst v6  }
0x2be: {  	[tilespmem:s0+$0x20] =	vst v7  }
0x2bf: {  	[tilespmem:s0+$0xFFFFFFC0] =	vst v9  }
0x2c0: {  	s1 =	sld [smem:$0x7DF];
	_ =	sdelay $0x1  }
0x2c1: {  	s31 =	simm.s32 $0x0  }
0x2c2: {  	[hbm4b:s1+s31] =	stream.linear.scatter [tilespmem:s17], [sflag:$0x3], $0x4000, $0x38;
	[tilespmem:$0x1F300] =	vst v63  }
0x2c3: {  	_ =	swait.ge [sflag:s23], $0x4000  }
0x2c4: {  	[sflag:s23] =	ssyncset.done $0x0  }
0x2c5: {  	s0 =	simm.s32 $0x0;
	[sflag:s23] =	ssyncadd.s32 $0xFFFFC000  }
0x2c6: {  	v6 =	vld [tilespmem:s0+$0xE370]  }
0x2c7: {  	v7 =	vld [tilespmem:s0+$0xE300]  }
0x2c8: {  	v8 =	vld [tilespmem:s0+$0xE310]  }
0x2c9: {  	v9 =	vld [tilespmem:s0+$0xE320]  }
0x2ca: {  	v12 =	vld [tilespmem:s0+$0xE330]  }
0x2cb: {  	v13 =	vld [tilespmem:s0+$0xE340]  }
0x2cc: {  	v14 =	vld [tilespmem:s0+$0xE350]  }
0x2cd: {  	v5 =	vld [tilespmem:s0+$0xE360]  }
0x2ce: {  	v15 =	vld.idx.msk [tilespmem:v6+s16+$0x0], $0xffff  }
0x2cf: {  	v11 =	vld.idx.msk [tilespmem:v7+s16+$0x0], $0xffff  }
0x2d0: {  	v10 =	vld.idx.msk [tilespmem:v8+s16+$0x0], $0xffff  }
0x2d1: {  	v9 =	vld.idx.msk [tilespmem:v9+s16+$0x0], $0xffff  }
0x2d2: {  	v8 =	vld.idx.msk [tilespmem:v12+s16+$0x0], $0xffff  }
0x2d3: {  	v6 =	vld.idx.msk [tilespmem:v13+s16+$0x0], $0xffff  }
0x2d4: {  	s25 =	simm.s32 $0x200;
	s1 =	simm.s32 $0x0;
	v7 =	vld.idx.msk [tilespmem:v14+s16+$0x0], $0xffff;
	[tilespmem:s0+$0x1A370] =	vst v15  }
.LBB2_28:
0x2d5: {  	s3 =	sshra.s32 s25, $0x2;
	s1 =	sadd.s32 $0x8, s1;
	[tilespmem:s0+$0x1A300] =	vst v11;
	v5 =	vld.idx.msk [tilespmem:v5+s16+$0x0], $0xffff  }
0x2d6: {  	v11 =	vld [tilespmem:s3+$0xE370];
	p0 =	slt.u32 s1, $0x3F8;
	[tilespmem:s0+$0x1A310] =	vst v10  }
0x2d7: {  	v10 =	vld [tilespmem:s3+$0xE300];
	[tilespmem:s0+$0x1A320] =	vst v9  }
0x2d8: {  	v9 =	vld [tilespmem:s3+$0xE310];
	[tilespmem:s0+$0x1A330] =	vst v8  }
0x2d9: {  	v8 =	vld [tilespmem:s3+$0xE320];
	[tilespmem:s0+$0x1A340] =	vst v6  }
0x2da: {  	v6 =	vld [tilespmem:s3+$0xE330];
	[tilespmem:s0+$0x1A350] =	vst v7  }
0x2db: {  	v7 =	vld [tilespmem:s3+$0xE340];
	[tilespmem:s0+$0x1A360] =	vst v5;
	s0 =	smov.u32 s3  }
0x2dc: {  	v12 =	vld [tilespmem:s0+$0xE350]  }
0x2dd: {  	v5 =	vld [tilespmem:s0+$0xE360]  }
0x2de: {  	v13 =	vld.idx.msk [tilespmem:v11+s16+$0x0], $0xffff  }
0x2df: {  	v11 =	vld.idx.msk [tilespmem:v10+s16+$0x0], $0xffff  }
.Ltmp13:
0x2e0: {  	v10 =	vld.idx.msk [tilespmem:v9+s16+$0x0], $0xffff;
	(pc) =	sbr.rel @p0 .LBB2_28-.Ltmp13, $4  }
0x2e1: {  	v9 =	vld.idx.msk [tilespmem:v8+s16+$0x0], $0xffff  }
0x2e2: {  	v8 =	vld.idx.msk [tilespmem:v6+s16+$0x0], $0xffff  }
0x2e3: {  	v6 =	vld.idx.msk [tilespmem:v7+s16+$0x0], $0xffff  }
0x2e4: {  	s25 =	sadd.s32 $0x200, s25;
	v7 =	vld.idx.msk [tilespmem:v12+s16+$0x0], $0xffff;
	[tilespmem:s0+$0x1A370] =	vst v13  }
0x2e5: {  	_ =	sdelay $0x2  }
0x2e6: {  	[tilespmem:s0+$0x1A300] =	vst v11  }
0x2e7: {  	v5 =	vld.idx.msk [tilespmem:v5+s16+$0x0], $0xffff;
	[tilespmem:s0+$0x1A310] =	vst v10  }
0x2e8: {  	[tilespmem:s0+$0x1A320] =	vst v9  }
0x2e9: {  	[tilespmem:s0+$0x1A330] =	vst v8  }
0x2ea: {  	[tilespmem:s0+$0x1A340] =	vst v6  }
0x2eb: {  	[tilespmem:s0+$0x1A350] =	vst v7  }
0x2ec: {  	[tilespmem:s0+$0x1A360] =	vst v5  }
0x2ed: {  	s0 =	sld [smem:$0x7E0];
	_ =	sdelay $0x2  }
0x2ee: {  	[hbm4b:s0+s21] =	stream.linear.scatter [tilespmem:s18], [sflag:$0x4], $0x4000, $0x38;
	[tilespmem:$0x1F300] =	vst v63  }
0x2ef: {  	_ =	swait.ge [sflag:s15], $0x2000  }
0x2f0: {  	[sflag:s15] =	ssyncset.done $0x0  }
0x2f1: {  	s30 =	rddreg [dreg:$0xe];
	[sflag:s15] =	ssyncadd.s32 $0xFFFFE000  }
0x2f2: {  	[tilespmem:s16], [sflag:$0x2] =	stream.strided.gather [hbm4b:s30+s12], $0x2000, s13, s12, $0x38;
	[tilespmem:$0x1F300] =	vst v63  }
0x2f3: {  	_ =	swait.ge [sflag:s20], $0x4000  }
0x2f4: {  	[sflag:s20] =	ssyncset.done $0x0  }
0x2f5: {  	s31 =	simm.s32 $0xA340;
	[sflag:s20] =	ssyncadd.s32 $0xFFFFC000  }
0x2f6: {  	v5 =	vld [tilespmem:s31+$0x30]  }
0x2f7: {  	v6 =	vld [tilespmem:s31+$0xFFFFFFD0]  }
0x2f8: {  	v7 =	vld [tilespmem:s31+$0xFFFFFFE0]  }
0x2f9: {  	v8 =	vld [tilespmem:s31+$0xFFFFFFF0]  }
0x2fa: {  	v9 =	vld [tilespmem:s31+$0x0]  }
0x2fb: {  	v11 =	vld [tilespmem:s31+$0x10]  }
0x2fc: {  	v12 =	vld [tilespmem:s31+$0x20]  }
0x2fd: {  	v13 =	vld [tilespmem:s31+$0xFFFFFFC0]  }
0x2fe: {  	v14 =	vld.idx.msk [tilespmem:v5+s14+$0x0], $0xffff  }
0x2ff: {  	v15 =	vld.idx.msk [tilespmem:v6+s14+$0x0], $0xffff  }
0x300: {  	v10 =	vld.idx.msk [tilespmem:v7+s14+$0x0], $0xffff  }
0x301: {  	v8 =	vld.idx.msk [tilespmem:v8+s14+$0x0], $0xffff  }
0x302: {  	v5 =	vld.idx.msk [tilespmem:v9+s14+$0x0], $0xffff  }
0x303: {  	s0 =	simm.s32 $0x16340;
	v6 =	vld.idx.msk [tilespmem:v11+s14+$0x0], $0xffff  }
0x304: {  	v7 =	vld.idx.msk [tilespmem:v12+s14+$0x0], $0xffff;
	[tilespmem:s0+$0x30] =	vst v14  }
0x305: {  	s1 =	simm.s32 $0x0;
	s25 =	simm.s32 $0xA3C0;
	v9 =	vld.idx.msk [tilespmem:v13+s14+$0x0], $0xffff;
	[tilespmem:s0+$0xFFFFFFD0] =	vst v15  }
.LBB2_30:
0x306: {  	v11 =	vld [tilespmem:s25+$0x30];
	s1 =	sadd.s32 $0x8, s1;
	[tilespmem:s0+$0xFFFFFFE0] =	vst v10  }
0x307: {  	v10 =	vld [tilespmem:s25+$0xFFFFFFD0];
	p0 =	slt.u32 s1, $0x3F8;
	[tilespmem:s0+$0xFFFFFFF0] =	vst v8  }
0x308: {  	v8 =	vld [tilespmem:s25+$0xFFFFFFE0];
	[tilespmem:s0+$0x0] =	vst v5  }
0x309: {  	v5 =	vld [tilespmem:s25+$0xFFFFFFF0];
	[tilespmem:s0+$0x10] =	vst v6  }
0x30a: {  	v6 =	vld [tilespmem:s25+$0x0];
	[tilespmem:s0+$0x20] =	vst v7  }
0x30b: {  	v7 =	vld [tilespmem:s25+$0x10];
	[tilespmem:s0+$0xFFFFFFC0] =	vst v9  }
0x30c: {  	v9 =	vld [tilespmem:s25+$0x20]  }
0x30d: {  	v12 =	vld [tilespmem:s25+$0xFFFFFFC0]  }
0x30e: {  	v11 =	vld.idx.msk [tilespmem:v11+s14+$0x0], $0xffff  }
0x30f: {  	v13 =	vld.idx.msk [tilespmem:v10+s14+$0x0], $0xffff  }
0x310: {  	v10 =	vld.idx.msk [tilespmem:v8+s14+$0x0], $0xffff  }
.Ltmp14:
0x311: {  	v8 =	vld.idx.msk [tilespmem:v5+s14+$0x0], $0xffff;
	(pc) =	sbr.rel @p0 .LBB2_30-.Ltmp14, $4  }
0x312: {  	v5 =	vld.idx.msk [tilespmem:v6+s14+$0x0], $0xffff  }
0x313: {  	s0 =	sadd.s32 $0x80, s0;
	v6 =	vld.idx.msk [tilespmem:v7+s14+$0x0], $0xffff  }
0x314: {  	v7 =	vld.idx.msk [tilespmem:v9+s14+$0x0], $0xffff;
	[tilespmem:s0+$0x30] =	vst v11  }
0x315: {  	s25 =	sadd.s32 $0x80, s25;
	v9 =	vld.idx.msk [tilespmem:v12+s14+$0x0], $0xffff;
	[tilespmem:s0+$0xFFFFFFD0] =	vst v13  }
0x316: {  	[tilespmem:s0+$0xFFFFFFE0] =	vst v10  }
0x317: {  	[tilespmem:s0+$0xFFFFFFF0] =	vst v8  }
0x318: {  	[tilespmem:s0+$0x0] =	vst v5  }
0x319: {  	[tilespmem:s0+$0x10] =	vst v6  }
0x31a: {  	[tilespmem:s0+$0x20] =	vst v7  }
0x31b: {  	[tilespmem:s0+$0xFFFFFFC0] =	vst v9  }
0x31c: {  	s1 =	sld [smem:$0x7E1];
	_ =	sdelay $0x1  }
0x31d: {  	s31 =	simm.s32 $0x0  }
0x31e: {  	[hbm4b:s1+s31] =	stream.linear.scatter [tilespmem:s17], [sflag:$0x3], $0x4000, $0x38;
	[tilespmem:$0x1F300] =	vst v63  }
0x31f: {  	_ =	swait.ge [sflag:s23], $0x4000  }
0x320: {  	[sflag:s23] =	ssyncset.done $0x0  }
0x321: {  	s0 =	simm.s32 $0x0;
	[sflag:s23] =	ssyncadd.s32 $0xFFFFC000  }
0x322: {  	v6 =	vld [tilespmem:s0+$0xE370]  }
0x323: {  	v7 =	vld [tilespmem:s0+$0xE300]  }
0x324: {  	v8 =	vld [tilespmem:s0+$0xE310]  }
0x325: {  	v9 =	vld [tilespmem:s0+$0xE320]  }
0x326: {  	v12 =	vld [tilespmem:s0+$0xE330]  }
0x327: {  	v13 =	vld [tilespmem:s0+$0xE340]  }
0x328: {  	v14 =	vld [tilespmem:s0+$0xE350]  }
0x329: {  	v5 =	vld [tilespmem:s0+$0xE360]  }
0x32a: {  	v15 =	vld.idx.msk [tilespmem:v6+s14+$0x0], $0xffff  }
0x32b: {  	v11 =	vld.idx.msk [tilespmem:v7+s14+$0x0], $0xffff  }
0x32c: {  	v10 =	vld.idx.msk [tilespmem:v8+s14+$0x0], $0xffff  }
0x32d: {  	v9 =	vld.idx.msk [tilespmem:v9+s14+$0x0], $0xffff  }
0x32e: {  	v8 =	vld.idx.msk [tilespmem:v12+s14+$0x0], $0xffff  }
0x32f: {  	v6 =	vld.idx.msk [tilespmem:v13+s14+$0x0], $0xffff  }
0x330: {  	s25 =	simm.s32 $0x200;
	s1 =	simm.s32 $0x0;
	v7 =	vld.idx.msk [tilespmem:v14+s14+$0x0], $0xffff;
	[tilespmem:s0+$0x1A370] =	vst v15  }
.LBB2_32:
0x331: {  	s3 =	sshra.s32 s25, $0x2;
	s1 =	sadd.s32 $0x8, s1;
	[tilespmem:s0+$0x1A300] =	vst v11;
	v5 =	vld.idx.msk [tilespmem:v5+s14+$0x0], $0xffff  }
0x332: {  	v11 =	vld [tilespmem:s3+$0xE370];
	p0 =	slt.u32 s1, $0x3F8;
	[tilespmem:s0+$0x1A310] =	vst v10  }
0x333: {  	v10 =	vld [tilespmem:s3+$0xE300];
	[tilespmem:s0+$0x1A320] =	vst v9  }
0x334: {  	v9 =	vld [tilespmem:s3+$0xE310];
	[tilespmem:s0+$0x1A330] =	vst v8  }
0x335: {  	v8 =	vld [tilespmem:s3+$0xE320];
	[tilespmem:s0+$0x1A340] =	vst v6  }
0x336: {  	v6 =	vld [tilespmem:s3+$0xE330];
	[tilespmem:s0+$0x1A350] =	vst v7  }
0x337: {  	v7 =	vld [tilespmem:s3+$0xE340];
	[tilespmem:s0+$0x1A360] =	vst v5;
	s0 =	smov.u32 s3  }
0x338: {  	v12 =	vld [tilespmem:s0+$0xE350]  }
0x339: {  	v5 =	vld [tilespmem:s0+$0xE360]  }
0x33a: {  	v13 =	vld.idx.msk [tilespmem:v11+s14+$0x0], $0xffff  }
0x33b: {  	v11 =	vld.idx.msk [tilespmem:v10+s14+$0x0], $0xffff  }
.Ltmp15:
0x33c: {  	v10 =	vld.idx.msk [tilespmem:v9+s14+$0x0], $0xffff;
	(pc) =	sbr.rel @p0 .LBB2_32-.Ltmp15, $4  }
0x33d: {  	v9 =	vld.idx.msk [tilespmem:v8+s14+$0x0], $0xffff  }
0x33e: {  	v8 =	vld.idx.msk [tilespmem:v6+s14+$0x0], $0xffff  }
0x33f: {  	v6 =	vld.idx.msk [tilespmem:v7+s14+$0x0], $0xffff  }
0x340: {  	s25 =	sadd.s32 $0x200, s25;
	v7 =	vld.idx.msk [tilespmem:v12+s14+$0x0], $0xffff;
	[tilespmem:s0+$0x1A370] =	vst v13  }
0x341: {  	_ =	sdelay $0x2  }
0x342: {  	[tilespmem:s0+$0x1A300] =	vst v11  }
0x343: {  	v5 =	vld.idx.msk [tilespmem:v5+s14+$0x0], $0xffff;
	[tilespmem:s0+$0x1A310] =	vst v10  }
0x344: {  	[tilespmem:s0+$0x1A320] =	vst v9  }
0x345: {  	[tilespmem:s0+$0x1A330] =	vst v8  }
0x346: {  	[tilespmem:s0+$0x1A340] =	vst v6  }
0x347: {  	[tilespmem:s0+$0x1A350] =	vst v7  }
0x348: {  	[tilespmem:s0+$0x1A360] =	vst v5  }
0x349: {  	s0 =	sld [smem:$0x7E2];
	_ =	sdelay $0x2  }
0x34a: {  	[hbm4b:s0+s21] =	stream.linear.scatter [tilespmem:s18], [sflag:$0x4], $0x4000, $0x38;
	[tilespmem:$0x1F300] =	vst v63  }
0x34b: {  	_ =	swait.ge [sflag:s19], $0x2000  }
0x34c: {  	[sflag:s19] =	ssyncset.done $0x0  }
0x34d: {  	s30 =	rddreg [dreg:$0xf];
	[sflag:s19] =	ssyncadd.s32 $0xFFFFE000  }
0x34e: {  	[tilespmem:s14], [sflag:$0x1] =	stream.strided.gather [hbm4b:s30+s12], $0x2000, s13, s12, $0x38;
	[tilespmem:$0x1F300] =	vst v63  }
0x34f: {  	_ =	swait.ge [sflag:s20], $0x4000  }
0x350: {  	[sflag:s20] =	ssyncset.done $0x0  }
0x351: {  	s31 =	simm.s32 $0xA340;
	[sflag:s20] =	ssyncadd.s32 $0xFFFFC000  }
0x352: {  	v5 =	vld [tilespmem:s31+$0x30]  }
0x353: {  	v6 =	vld [tilespmem:s31+$0xFFFFFFD0]  }
0x354: {  	v7 =	vld [tilespmem:s31+$0xFFFFFFE0]  }
0x355: {  	v8 =	vld [tilespmem:s31+$0xFFFFFFF0]  }
0x356: {  	v9 =	vld [tilespmem:s31+$0x0]  }
0x357: {  	v11 =	vld [tilespmem:s31+$0x10]  }
0x358: {  	v12 =	vld [tilespmem:s31+$0x20]  }
0x359: {  	v13 =	vld [tilespmem:s31+$0xFFFFFFC0]  }
0x35a: {  	v14 =	vld.idx.msk [tilespmem:v5+s16+$0x0], $0xffff  }
0x35b: {  	v15 =	vld.idx.msk [tilespmem:v6+s16+$0x0], $0xffff  }
0x35c: {  	v10 =	vld.idx.msk [tilespmem:v7+s16+$0x0], $0xffff  }
0x35d: {  	v8 =	vld.idx.msk [tilespmem:v8+s16+$0x0], $0xffff  }
0x35e: {  	v5 =	vld.idx.msk [tilespmem:v9+s16+$0x0], $0xffff  }
0x35f: {  	s0 =	simm.s32 $0x16340;
	v6 =	vld.idx.msk [tilespmem:v11+s16+$0x0], $0xffff  }
0x360: {  	v7 =	vld.idx.msk [tilespmem:v12+s16+$0x0], $0xffff;
	[tilespmem:s0+$0x30] =	vst v14  }
0x361: {  	s1 =	simm.s32 $0x0;
	s25 =	simm.s32 $0xA3C0;
	v9 =	vld.idx.msk [tilespmem:v13+s16+$0x0], $0xffff;
	[tilespmem:s0+$0xFFFFFFD0] =	vst v15  }
.LBB2_34:
0x362: {  	v11 =	vld [tilespmem:s25+$0x30];
	s1 =	sadd.s32 $0x8, s1;
	[tilespmem:s0+$0xFFFFFFE0] =	vst v10  }
0x363: {  	v10 =	vld [tilespmem:s25+$0xFFFFFFD0];
	p0 =	slt.u32 s1, $0x3F8;
	[tilespmem:s0+$0xFFFFFFF0] =	vst v8  }
0x364: {  	v8 =	vld [tilespmem:s25+$0xFFFFFFE0];
	[tilespmem:s0+$0x0] =	vst v5  }
0x365: {  	v5 =	vld [tilespmem:s25+$0xFFFFFFF0];
	[tilespmem:s0+$0x10] =	vst v6  }
0x366: {  	v6 =	vld [tilespmem:s25+$0x0];
	[tilespmem:s0+$0x20] =	vst v7  }
0x367: {  	v7 =	vld [tilespmem:s25+$0x10];
	[tilespmem:s0+$0xFFFFFFC0] =	vst v9  }
0x368: {  	v9 =	vld [tilespmem:s25+$0x20]  }
0x369: {  	v12 =	vld [tilespmem:s25+$0xFFFFFFC0]  }
0x36a: {  	v11 =	vld.idx.msk [tilespmem:v11+s16+$0x0], $0xffff  }
0x36b: {  	v13 =	vld.idx.msk [tilespmem:v10+s16+$0x0], $0xffff  }
0x36c: {  	v10 =	vld.idx.msk [tilespmem:v8+s16+$0x0], $0xffff  }
.Ltmp16:
0x36d: {  	v8 =	vld.idx.msk [tilespmem:v5+s16+$0x0], $0xffff;
	(pc) =	sbr.rel @p0 .LBB2_34-.Ltmp16, $4  }
0x36e: {  	v5 =	vld.idx.msk [tilespmem:v6+s16+$0x0], $0xffff  }
0x36f: {  	s0 =	sadd.s32 $0x80, s0;
	v6 =	vld.idx.msk [tilespmem:v7+s16+$0x0], $0xffff  }
0x370: {  	v7 =	vld.idx.msk [tilespmem:v9+s16+$0x0], $0xffff;
	[tilespmem:s0+$0x30] =	vst v11  }
0x371: {  	s25 =	sadd.s32 $0x80, s25;
	v9 =	vld.idx.msk [tilespmem:v12+s16+$0x0], $0xffff;
	[tilespmem:s0+$0xFFFFFFD0] =	vst v13  }
0x372: {  	[tilespmem:s0+$0xFFFFFFE0] =	vst v10  }
0x373: {  	[tilespmem:s0+$0xFFFFFFF0] =	vst v8  }
0x374: {  	[tilespmem:s0+$0x0] =	vst v5  }
0x375: {  	[tilespmem:s0+$0x10] =	vst v6  }
0x376: {  	[tilespmem:s0+$0x20] =	vst v7  }
0x377: {  	[tilespmem:s0+$0xFFFFFFC0] =	vst v9  }
0x378: {  	s1 =	sld [smem:$0x7E3];
	_ =	sdelay $0x1  }
0x379: {  	s31 =	simm.s32 $0x0  }
0x37a: {  	[hbm4b:s1+s31] =	stream.linear.scatter [tilespmem:s17], [sflag:$0x3], $0x4000, $0x38;
	[tilespmem:$0x1F300] =	vst v63  }
0x37b: {  	_ =	swait.ge [sflag:s23], $0x4000  }
0x37c: {  	[sflag:s23] =	ssyncset.done $0x0  }
0x37d: {  	s0 =	simm.s32 $0x0;
	[sflag:s23] =	ssyncadd.s32 $0xFFFFC000  }
0x37e: {  	v6 =	vld [tilespmem:s0+$0xE370]  }
0x37f: {  	v7 =	vld [tilespmem:s0+$0xE300]  }
0x380: {  	v8 =	vld [tilespmem:s0+$0xE310]  }
0x381: {  	v9 =	vld [tilespmem:s0+$0xE320]  }
0x382: {  	v12 =	vld [tilespmem:s0+$0xE330]  }
0x383: {  	v13 =	vld [tilespmem:s0+$0xE340]  }
0x384: {  	v14 =	vld [tilespmem:s0+$0xE350]  }
0x385: {  	v5 =	vld [tilespmem:s0+$0xE360]  }
0x386: {  	v15 =	vld.idx.msk [tilespmem:v6+s16+$0x0], $0xffff  }
0x387: {  	v11 =	vld.idx.msk [tilespmem:v7+s16+$0x0], $0xffff  }
0x388: {  	v10 =	vld.idx.msk [tilespmem:v8+s16+$0x0], $0xffff  }
0x389: {  	v9 =	vld.idx.msk [tilespmem:v9+s16+$0x0], $0xffff  }
0x38a: {  	v8 =	vld.idx.msk [tilespmem:v12+s16+$0x0], $0xffff  }
0x38b: {  	v6 =	vld.idx.msk [tilespmem:v13+s16+$0x0], $0xffff  }
0x38c: {  	s25 =	simm.s32 $0x200;
	s1 =	simm.s32 $0x0;
	v7 =	vld.idx.msk [tilespmem:v14+s16+$0x0], $0xffff;
	[tilespmem:s0+$0x1A370] =	vst v15  }
.LBB2_36:
0x38d: {  	s3 =	sshra.s32 s25, $0x2;
	s1 =	sadd.s32 $0x8, s1;
	[tilespmem:s0+$0x1A300] =	vst v11;
	v5 =	vld.idx.msk [tilespmem:v5+s16+$0x0], $0xffff  }
0x38e: {  	v11 =	vld [tilespmem:s3+$0xE370];
	p0 =	slt.u32 s1, $0x3F8;
	[tilespmem:s0+$0x1A310] =	vst v10  }
0x38f: {  	v10 =	vld [tilespmem:s3+$0xE300];
	[tilespmem:s0+$0x1A320] =	vst v9  }
0x390: {  	v9 =	vld [tilespmem:s3+$0xE310];
	[tilespmem:s0+$0x1A330] =	vst v8  }
0x391: {  	v8 =	vld [tilespmem:s3+$0xE320];
	[tilespmem:s0+$0x1A340] =	vst v6  }
0x392: {  	v6 =	vld [tilespmem:s3+$0xE330];
	[tilespmem:s0+$0x1A350] =	vst v7  }
0x393: {  	v7 =	vld [tilespmem:s3+$0xE340];
	[tilespmem:s0+$0x1A360] =	vst v5;
	s0 =	smov.u32 s3  }
0x394: {  	v12 =	vld [tilespmem:s0+$0xE350]  }
0x395: {  	v5 =	vld [tilespmem:s0+$0xE360]  }
0x396: {  	v13 =	vld.idx.msk [tilespmem:v11+s16+$0x0], $0xffff  }
0x397: {  	v11 =	vld.idx.msk [tilespmem:v10+s16+$0x0], $0xffff  }
.Ltmp17:
0x398: {  	v10 =	vld.idx.msk [tilespmem:v9+s16+$0x0], $0xffff;
	(pc) =	sbr.rel @p0 .LBB2_36-.Ltmp17, $4  }
0x399: {  	v9 =	vld.idx.msk [tilespmem:v8+s16+$0x0], $0xffff  }
0x39a: {  	v8 =	vld.idx.msk [tilespmem:v6+s16+$0x0], $0xffff  }
0x39b: {  	v6 =	vld.idx.msk [tilespmem:v7+s16+$0x0], $0xffff  }
0x39c: {  	s25 =	sadd.s32 $0x200, s25;
	v7 =	vld.idx.msk [tilespmem:v12+s16+$0x0], $0xffff;
	[tilespmem:s0+$0x1A370] =	vst v13  }
0x39d: {  	_ =	sdelay $0x2  }
0x39e: {  	[tilespmem:s0+$0x1A300] =	vst v11  }
0x39f: {  	v5 =	vld.idx.msk [tilespmem:v5+s16+$0x0], $0xffff;
	[tilespmem:s0+$0x1A310] =	vst v10  }
0x3a0: {  	[tilespmem:s0+$0x1A320] =	vst v9  }
0x3a1: {  	[tilespmem:s0+$0x1A330] =	vst v8  }
0x3a2: {  	[tilespmem:s0+$0x1A340] =	vst v6  }
0x3a3: {  	[tilespmem:s0+$0x1A350] =	vst v7  }
0x3a4: {  	[tilespmem:s0+$0x1A360] =	vst v5  }
0x3a5: {  	s0 =	sld [smem:$0x7E4];
	_ =	sdelay $0x2  }
0x3a6: {  	[hbm4b:s0+s21] =	stream.linear.scatter [tilespmem:s18], [sflag:$0x4], $0x4000, $0x38;
	[tilespmem:$0x1F300] =	vst v63  }
0x3a7: {  	_ =	swait.ge [sflag:s15], $0x2000  }
0x3a8: {  	[sflag:s15] =	ssyncset.done $0x0  }
0x3a9: {  	s30 =	rddreg [dreg:$0x10];
	[sflag:s15] =	ssyncadd.s32 $0xFFFFE000  }
0x3aa: {  	[tilespmem:s16], [sflag:$0x2] =	stream.strided.gather [hbm4b:s30+s12], $0x2000, s13, s12, $0x38;
	[tilespmem:$0x1F300] =	vst v63  }
0x3ab: {  	_ =	swait.ge [sflag:s20], $0x4000  }
0x3ac: {  	[sflag:s20] =	ssyncset.done $0x0  }
0x3ad: {  	s31 =	simm.s32 $0xA340;
	[sflag:s20] =	ssyncadd.s32 $0xFFFFC000  }
0x3ae: {  	v5 =	vld [tilespmem:s31+$0x30]  }
0x3af: {  	v6 =	vld [tilespmem:s31+$0xFFFFFFD0]  }
0x3b0: {  	v7 =	vld [tilespmem:s31+$0xFFFFFFE0]  }
0x3b1: {  	v8 =	vld [tilespmem:s31+$0xFFFFFFF0]  }
0x3b2: {  	v9 =	vld [tilespmem:s31+$0x0]  }
0x3b3: {  	v11 =	vld [tilespmem:s31+$0x10]  }
0x3b4: {  	v12 =	vld [tilespmem:s31+$0x20]  }
0x3b5: {  	v13 =	vld [tilespmem:s31+$0xFFFFFFC0]  }
0x3b6: {  	v14 =	vld.idx.msk [tilespmem:v5+s14+$0x0], $0xffff  }
0x3b7: {  	v15 =	vld.idx.msk [tilespmem:v6+s14+$0x0], $0xffff  }
0x3b8: {  	v10 =	vld.idx.msk [tilespmem:v7+s14+$0x0], $0xffff  }
0x3b9: {  	v8 =	vld.idx.msk [tilespmem:v8+s14+$0x0], $0xffff  }
0x3ba: {  	v5 =	vld.idx.msk [tilespmem:v9+s14+$0x0], $0xffff  }
0x3bb: {  	s0 =	simm.s32 $0x16340;
	v6 =	vld.idx.msk [tilespmem:v11+s14+$0x0], $0xffff  }
0x3bc: {  	v7 =	vld.idx.msk [tilespmem:v12+s14+$0x0], $0xffff;
	[tilespmem:s0+$0x30] =	vst v14  }
0x3bd: {  	s1 =	simm.s32 $0x0;
	s25 =	simm.s32 $0xA3C0;
	v9 =	vld.idx.msk [tilespmem:v13+s14+$0x0], $0xffff;
	[tilespmem:s0+$0xFFFFFFD0] =	vst v15  }
.LBB2_38:
0x3be: {  	v11 =	vld [tilespmem:s25+$0x30];
	s1 =	sadd.s32 $0x8, s1;
	[tilespmem:s0+$0xFFFFFFE0] =	vst v10  }
0x3bf: {  	v10 =	vld [tilespmem:s25+$0xFFFFFFD0];
	p0 =	slt.u32 s1, $0x3F8;
	[tilespmem:s0+$0xFFFFFFF0] =	vst v8  }
0x3c0: {  	v8 =	vld [tilespmem:s25+$0xFFFFFFE0];
	[tilespmem:s0+$0x0] =	vst v5  }
0x3c1: {  	v5 =	vld [tilespmem:s25+$0xFFFFFFF0];
	[tilespmem:s0+$0x10] =	vst v6  }
0x3c2: {  	v6 =	vld [tilespmem:s25+$0x0];
	[tilespmem:s0+$0x20] =	vst v7  }
0x3c3: {  	v7 =	vld [tilespmem:s25+$0x10];
	[tilespmem:s0+$0xFFFFFFC0] =	vst v9  }
0x3c4: {  	v9 =	vld [tilespmem:s25+$0x20]  }
0x3c5: {  	v12 =	vld [tilespmem:s25+$0xFFFFFFC0]  }
0x3c6: {  	v11 =	vld.idx.msk [tilespmem:v11+s14+$0x0], $0xffff  }
0x3c7: {  	v13 =	vld.idx.msk [tilespmem:v10+s14+$0x0], $0xffff  }
0x3c8: {  	v10 =	vld.idx.msk [tilespmem:v8+s14+$0x0], $0xffff  }
.Ltmp18:
0x3c9: {  	v8 =	vld.idx.msk [tilespmem:v5+s14+$0x0], $0xffff;
	(pc) =	sbr.rel @p0 .LBB2_38-.Ltmp18, $4  }
0x3ca: {  	v5 =	vld.idx.msk [tilespmem:v6+s14+$0x0], $0xffff  }
0x3cb: {  	s0 =	sadd.s32 $0x80, s0;
	v6 =	vld.idx.msk [tilespmem:v7+s14+$0x0], $0xffff  }
0x3cc: {  	v7 =	vld.idx.msk [tilespmem:v9+s14+$0x0], $0xffff;
	[tilespmem:s0+$0x30] =	vst v11  }
0x3cd: {  	s25 =	sadd.s32 $0x80, s25;
	v9 =	vld.idx.msk [tilespmem:v12+s14+$0x0], $0xffff;
	[tilespmem:s0+$0xFFFFFFD0] =	vst v13  }
0x3ce: {  	[tilespmem:s0+$0xFFFFFFE0] =	vst v10  }
0x3cf: {  	[tilespmem:s0+$0xFFFFFFF0] =	vst v8  }
0x3d0: {  	[tilespmem:s0+$0x0] =	vst v5  }
0x3d1: {  	[tilespmem:s0+$0x10] =	vst v6  }
0x3d2: {  	[tilespmem:s0+$0x20] =	vst v7  }
0x3d3: {  	[tilespmem:s0+$0xFFFFFFC0] =	vst v9  }
0x3d4: {  	s1 =	sld [smem:$0x7E5];
	_ =	sdelay $0x1  }
0x3d5: {  	s31 =	simm.s32 $0x0  }
0x3d6: {  	[hbm4b:s1+s31] =	stream.linear.scatter [tilespmem:s17], [sflag:$0x3], $0x4000, $0x38;
	[tilespmem:$0x1F300] =	vst v63  }
0x3d7: {  	_ =	swait.ge [sflag:s23], $0x4000  }
0x3d8: {  	[sflag:s23] =	ssyncset.done $0x0  }
0x3d9: {  	s0 =	simm.s32 $0x0;
	[sflag:s23] =	ssyncadd.s32 $0xFFFFC000  }
0x3da: {  	v6 =	vld [tilespmem:s0+$0xE370]  }
0x3db: {  	v7 =	vld [tilespmem:s0+$0xE300]  }
0x3dc: {  	v8 =	vld [tilespmem:s0+$0xE310]  }
0x3dd: {  	v9 =	vld [tilespmem:s0+$0xE320]  }
0x3de: {  	v12 =	vld [tilespmem:s0+$0xE330]  }
0x3df: {  	v13 =	vld [tilespmem:s0+$0xE340]  }
0x3e0: {  	v14 =	vld [tilespmem:s0+$0xE350]  }
0x3e1: {  	v5 =	vld [tilespmem:s0+$0xE360]  }
0x3e2: {  	v15 =	vld.idx.msk [tilespmem:v6+s14+$0x0], $0xffff  }
0x3e3: {  	v11 =	vld.idx.msk [tilespmem:v7+s14+$0x0], $0xffff  }
0x3e4: {  	v10 =	vld.idx.msk [tilespmem:v8+s14+$0x0], $0xffff  }
0x3e5: {  	v9 =	vld.idx.msk [tilespmem:v9+s14+$0x0], $0xffff  }
0x3e6: {  	v8 =	vld.idx.msk [tilespmem:v12+s14+$0x0], $0xffff  }
0x3e7: {  	v6 =	vld.idx.msk [tilespmem:v13+s14+$0x0], $0xffff  }
0x3e8: {  	s25 =	simm.s32 $0x200;
	s1 =	simm.s32 $0x0;
	v7 =	vld.idx.msk [tilespmem:v14+s14+$0x0], $0xffff;
	[tilespmem:s0+$0x1A370] =	vst v15  }
.LBB2_40:
0x3e9: {  	s3 =	sshra.s32 s25, $0x2;
	s1 =	sadd.s32 $0x8, s1;
	[tilespmem:s0+$0x1A300] =	vst v11;
	v5 =	vld.idx.msk [tilespmem:v5+s14+$0x0], $0xffff  }
0x3ea: {  	v11 =	vld [tilespmem:s3+$0xE370];
	p0 =	slt.u32 s1, $0x3F8;
	[tilespmem:s0+$0x1A310] =	vst v10  }
0x3eb: {  	v10 =	vld [tilespmem:s3+$0xE300];
	[tilespmem:s0+$0x1A320] =	vst v9  }
0x3ec: {  	v9 =	vld [tilespmem:s3+$0xE310];
	[tilespmem:s0+$0x1A330] =	vst v8  }
0x3ed: {  	v8 =	vld [tilespmem:s3+$0xE320];
	[tilespmem:s0+$0x1A340] =	vst v6  }
0x3ee: {  	v6 =	vld [tilespmem:s3+$0xE330];
	[tilespmem:s0+$0x1A350] =	vst v7  }
0x3ef: {  	v7 =	vld [tilespmem:s3+$0xE340];
	[tilespmem:s0+$0x1A360] =	vst v5;
	s0 =	smov.u32 s3  }
0x3f0: {  	v12 =	vld [tilespmem:s0+$0xE350]  }
0x3f1: {  	v5 =	vld [tilespmem:s0+$0xE360]  }
0x3f2: {  	v13 =	vld.idx.msk [tilespmem:v11+s14+$0x0], $0xffff  }
0x3f3: {  	v11 =	vld.idx.msk [tilespmem:v10+s14+$0x0], $0xffff  }
.Ltmp19:
0x3f4: {  	v10 =	vld.idx.msk [tilespmem:v9+s14+$0x0], $0xffff;
	(pc) =	sbr.rel @p0 .LBB2_40-.Ltmp19, $4  }
0x3f5: {  	v9 =	vld.idx.msk [tilespmem:v8+s14+$0x0], $0xffff  }
0x3f6: {  	v8 =	vld.idx.msk [tilespmem:v6+s14+$0x0], $0xffff  }
0x3f7: {  	v6 =	vld.idx.msk [tilespmem:v7+s14+$0x0], $0xffff  }
0x3f8: {  	s25 =	sadd.s32 $0x200, s25;
	v7 =	vld.idx.msk [tilespmem:v12+s14+$0x0], $0xffff;
	[tilespmem:s0+$0x1A370] =	vst v13  }
0x3f9: {  	_ =	sdelay $0x2  }
0x3fa: {  	[tilespmem:s0+$0x1A300] =	vst v11  }
0x3fb: {  	v5 =	vld.idx.msk [tilespmem:v5+s14+$0x0], $0xffff;
	[tilespmem:s0+$0x1A310] =	vst v10  }
0x3fc: {  	[tilespmem:s0+$0x1A320] =	vst v9  }
0x3fd: {  	[tilespmem:s0+$0x1A330] =	vst v8  }
0x3fe: {  	[tilespmem:s0+$0x1A340] =	vst v6  }
0x3ff: {  	[tilespmem:s0+$0x1A350] =	vst v7  }
0x400: {  	[tilespmem:s0+$0x1A360] =	vst v5  }
0x401: {  	s0 =	sld [smem:$0x7E6];
	_ =	sdelay $0x2  }
0x402: {  	[hbm4b:s0+s21] =	stream.linear.scatter [tilespmem:s18], [sflag:$0x4], $0x4000, $0x38;
	[tilespmem:$0x1F300] =	vst v63  }
0x403: {  	_ =	swait.ge [sflag:s19], $0x2000  }
0x404: {  	[sflag:s19] =	ssyncset.done $0x0  }
0x405: {  	[sflag:s19] =	ssyncadd.s32 $0xFFFFE000  }
0x406: {  	_ =	swait.ge [sflag:s20], $0x4000  }
0x407: {  	[sflag:s20] =	ssyncset.done $0x0  }
0x408: {  	s31 =	simm.s32 $0xA340;
	[sflag:s20] =	ssyncadd.s32 $0xFFFFC000  }
0x409: {  	v5 =	vld [tilespmem:s31+$0x30]  }
0x40a: {  	v6 =	vld [tilespmem:s31+$0xFFFFFFD0]  }
0x40b: {  	v7 =	vld [tilespmem:s31+$0xFFFFFFE0]  }
0x40c: {  	v8 =	vld [tilespmem:s31+$0xFFFFFFF0]  }
0x40d: {  	v9 =	vld [tilespmem:s31+$0x0]  }
0x40e: {  	v11 =	vld [tilespmem:s31+$0x10]  }
0x40f: {  	v12 =	vld [tilespmem:s31+$0x20]  }
0x410: {  	v13 =	vld [tilespmem:s31+$0xFFFFFFC0]  }
0x411: {  	v14 =	vld.idx.msk [tilespmem:v5+s16+$0x0], $0xffff  }
0x412: {  	v15 =	vld.idx.msk [tilespmem:v6+s16+$0x0], $0xffff  }
0x413: {  	v10 =	vld.idx.msk [tilespmem:v7+s16+$0x0], $0xffff  }
0x414: {  	v8 =	vld.idx.msk [tilespmem:v8+s16+$0x0], $0xffff  }
0x415: {  	v5 =	vld.idx.msk [tilespmem:v9+s16+$0x0], $0xffff  }
0x416: {  	s0 =	simm.s32 $0x16340;
	v6 =	vld.idx.msk [tilespmem:v11+s16+$0x0], $0xffff  }
0x417: {  	v7 =	vld.idx.msk [tilespmem:v12+s16+$0x0], $0xffff;
	[tilespmem:s0+$0x30] =	vst v14  }
0x418: {  	s1 =	simm.s32 $0x0;
	s25 =	simm.s32 $0xA3C0;
	v9 =	vld.idx.msk [tilespmem:v13+s16+$0x0], $0xffff;
	[tilespmem:s0+$0xFFFFFFD0] =	vst v15  }
.LBB2_42:
0x419: {  	v11 =	vld [tilespmem:s25+$0x30];
	s1 =	sadd.s32 $0x8, s1;
	[tilespmem:s0+$0xFFFFFFE0] =	vst v10  }
0x41a: {  	v10 =	vld [tilespmem:s25+$0xFFFFFFD0];
	p0 =	slt.u32 s1, $0x3F8;
	[tilespmem:s0+$0xFFFFFFF0] =	vst v8  }
0x41b: {  	v8 =	vld [tilespmem:s25+$0xFFFFFFE0];
	[tilespmem:s0+$0x0] =	vst v5  }
0x41c: {  	v5 =	vld [tilespmem:s25+$0xFFFFFFF0];
	[tilespmem:s0+$0x10] =	vst v6  }
0x41d: {  	v6 =	vld [tilespmem:s25+$0x0];
	[tilespmem:s0+$0x20] =	vst v7  }
0x41e: {  	v7 =	vld [tilespmem:s25+$0x10];
	[tilespmem:s0+$0xFFFFFFC0] =	vst v9  }
0x41f: {  	v9 =	vld [tilespmem:s25+$0x20]  }
0x420: {  	v12 =	vld [tilespmem:s25+$0xFFFFFFC0]  }
0x421: {  	v11 =	vld.idx.msk [tilespmem:v11+s16+$0x0], $0xffff  }
0x422: {  	v13 =	vld.idx.msk [tilespmem:v10+s16+$0x0], $0xffff  }
0x423: {  	v10 =	vld.idx.msk [tilespmem:v8+s16+$0x0], $0xffff  }
.Ltmp20:
0x424: {  	v8 =	vld.idx.msk [tilespmem:v5+s16+$0x0], $0xffff;
	(pc) =	sbr.rel @p0 .LBB2_42-.Ltmp20, $4  }
0x425: {  	v5 =	vld.idx.msk [tilespmem:v6+s16+$0x0], $0xffff  }
0x426: {  	s0 =	sadd.s32 $0x80, s0;
	v6 =	vld.idx.msk [tilespmem:v7+s16+$0x0], $0xffff  }
0x427: {  	v7 =	vld.idx.msk [tilespmem:v9+s16+$0x0], $0xffff;
	[tilespmem:s0+$0x30] =	vst v11  }
0x428: {  	s25 =	sadd.s32 $0x80, s25;
	v9 =	vld.idx.msk [tilespmem:v12+s16+$0x0], $0xffff;
	[tilespmem:s0+$0xFFFFFFD0] =	vst v13  }
0x429: {  	[tilespmem:s0+$0xFFFFFFE0] =	vst v10  }
0x42a: {  	[tilespmem:s0+$0xFFFFFFF0] =	vst v8  }
0x42b: {  	[tilespmem:s0+$0x0] =	vst v5  }
0x42c: {  	[tilespmem:s0+$0x10] =	vst v6  }
0x42d: {  	[tilespmem:s0+$0x20] =	vst v7  }
0x42e: {  	[tilespmem:s0+$0xFFFFFFC0] =	vst v9  }
0x42f: {  	s1 =	sld [smem:$0x7E7];
	_ =	sdelay $0x1  }
0x430: {  	s31 =	simm.s32 $0x0  }
0x431: {  	[hbm4b:s1+s31] =	stream.linear.scatter [tilespmem:s17], [sflag:$0x3], $0x4000, $0x38;
	[tilespmem:$0x1F300] =	vst v63  }
0x432: {  	_ =	swait.ge [sflag:s23], $0x4000  }
0x433: {  	[sflag:s23] =	ssyncset.done $0x0  }
0x434: {  	s0 =	simm.s32 $0x0;
	[sflag:s23] =	ssyncadd.s32 $0xFFFFC000  }
0x435: {  	v6 =	vld [tilespmem:s0+$0xE370]  }
0x436: {  	v7 =	vld [tilespmem:s0+$0xE300]  }
0x437: {  	v8 =	vld [tilespmem:s0+$0xE310]  }
0x438: {  	v9 =	vld [tilespmem:s0+$0xE320]  }
0x439: {  	v12 =	vld [tilespmem:s0+$0xE330]  }
0x43a: {  	v13 =	vld [tilespmem:s0+$0xE340]  }
0x43b: {  	v14 =	vld [tilespmem:s0+$0xE350]  }
0x43c: {  	v5 =	vld [tilespmem:s0+$0xE360]  }
0x43d: {  	v15 =	vld.idx.msk [tilespmem:v6+s16+$0x0], $0xffff  }
0x43e: {  	v11 =	vld.idx.msk [tilespmem:v7+s16+$0x0], $0xffff  }
0x43f: {  	v10 =	vld.idx.msk [tilespmem:v8+s16+$0x0], $0xffff  }
0x440: {  	v9 =	vld.idx.msk [tilespmem:v9+s16+$0x0], $0xffff  }
0x441: {  	v8 =	vld.idx.msk [tilespmem:v12+s16+$0x0], $0xffff  }
0x442: {  	v6 =	vld.idx.msk [tilespmem:v13+s16+$0x0], $0xffff  }
0x443: {  	s25 =	simm.s32 $0x200;
	s1 =	simm.s32 $0x0;
	v7 =	vld.idx.msk [tilespmem:v14+s16+$0x0], $0xffff;
	[tilespmem:s0+$0x1A370] =	vst v15  }
.LBB2_44:
0x444: {  	s3 =	sshra.s32 s25, $0x2;
	s1 =	sadd.s32 $0x8, s1;
	[tilespmem:s0+$0x1A300] =	vst v11;
	v5 =	vld.idx.msk [tilespmem:v5+s16+$0x0], $0xffff  }
0x445: {  	v11 =	vld [tilespmem:s3+$0xE370];
	p0 =	slt.u32 s1, $0x3F8;
	[tilespmem:s0+$0x1A310] =	vst v10  }
0x446: {  	v10 =	vld [tilespmem:s3+$0xE300];
	[tilespmem:s0+$0x1A320] =	vst v9  }
0x447: {  	v9 =	vld [tilespmem:s3+$0xE310];
	[tilespmem:s0+$0x1A330] =	vst v8  }
0x448: {  	v8 =	vld [tilespmem:s3+$0xE320];
	[tilespmem:s0+$0x1A340] =	vst v6  }
0x449: {  	v6 =	vld [tilespmem:s3+$0xE330];
	[tilespmem:s0+$0x1A350] =	vst v7  }
0x44a: {  	v7 =	vld [tilespmem:s3+$0xE340];
	[tilespmem:s0+$0x1A360] =	vst v5;
	s0 =	smov.u32 s3  }
0x44b: {  	v12 =	vld [tilespmem:s0+$0xE350]  }
0x44c: {  	v5 =	vld [tilespmem:s0+$0xE360]  }
0x44d: {  	v13 =	vld.idx.msk [tilespmem:v11+s16+$0x0], $0xffff  }
0x44e: {  	v11 =	vld.idx.msk [tilespmem:v10+s16+$0x0], $0xffff  }
.Ltmp21:
0x44f: {  	v10 =	vld.idx.msk [tilespmem:v9+s16+$0x0], $0xffff;
	(pc) =	sbr.rel @p0 .LBB2_44-.Ltmp21, $4  }
0x450: {  	v9 =	vld.idx.msk [tilespmem:v8+s16+$0x0], $0xffff  }
0x451: {  	v8 =	vld.idx.msk [tilespmem:v6+s16+$0x0], $0xffff  }
0x452: {  	v6 =	vld.idx.msk [tilespmem:v7+s16+$0x0], $0xffff  }
0x453: {  	s25 =	sadd.s32 $0x200, s25;
	v7 =	vld.idx.msk [tilespmem:v12+s16+$0x0], $0xffff;
	[tilespmem:s0+$0x1A370] =	vst v13  }
0x454: {  	_ =	sdelay $0x2  }
0x455: {  	[tilespmem:s0+$0x1A300] =	vst v11  }
0x456: {  	v5 =	vld.idx.msk [tilespmem:v5+s16+$0x0], $0xffff;
	[tilespmem:s0+$0x1A310] =	vst v10  }
0x457: {  	[tilespmem:s0+$0x1A320] =	vst v9  }
0x458: {  	[tilespmem:s0+$0x1A330] =	vst v8  }
0x459: {  	[tilespmem:s0+$0x1A340] =	vst v6  }
0x45a: {  	[tilespmem:s0+$0x1A350] =	vst v7  }
0x45b: {  	[tilespmem:s0+$0x1A360] =	vst v5  }
0x45c: {  	s0 =	sld [smem:$0x7E8];
	_ =	sdelay $0x2  }
0x45d: {  	[hbm4b:s0+s21] =	stream.linear.scatter [tilespmem:s18], [sflag:$0x4], $0x4000, $0x38;
	[tilespmem:$0x1F300] =	vst v63  }
0x45e: {  	_ = 	snop  }
0x45f: {  	[tilespmem:s4], [sflag:$0x5] =	stream.linear.gather [spmem:s8], $0x8000, $0x38;
	[tilespmem:$0x1F300] =	vst v63  }
0x460: {  	_ =	swait.ge [sflag:s9], $0x8000  }
0x461: {  	[sflag:s9] =	ssyncset.done $0x0  }
0x462: {  	s29 =	rddreg [dreg:$0x11];
	[sflag:s9] =	ssyncadd.s32 $0xFFFF8000  }
0x463: {  	[tilespmem:s14], [sflag:$0x1] =	stream.strided.gather [hbm4b:s29+s12], $0x2000, s13, s12, $0x38;
	[tilespmem:$0x1F300] =	vst v63  }
0x464: {  	_ =	swait.ge [sflag:s15], $0x2000  }
0x465: {  	[sflag:s15] =	ssyncset.done $0x0  }
0x466: {  	s30 =	rddreg [dreg:$0x12];
	[sflag:s15] =	ssyncadd.s32 $0xFFFFE000  }
0x467: {  	[tilespmem:s16], [sflag:$0x2] =	stream.strided.gather [hbm4b:s30+s12], $0x2000, s13, s12, $0x38;
	[tilespmem:$0x1F300] =	vst v63  }
0x468: {  	_ =	swait.ge [sflag:s20], $0x4000  }
0x469: {  	[sflag:s20] =	ssyncset.done $0x0  }
0x46a: {  	s31 =	simm.s32 $0xA340;
	[sflag:s20] =	ssyncadd.s32 $0xFFFFC000  }
0x46b: {  	v5 =	vld [tilespmem:s31+$0x30]  }
0x46c: {  	v6 =	vld [tilespmem:s31+$0xFFFFFFD0]  }
0x46d: {  	v7 =	vld [tilespmem:s31+$0xFFFFFFE0]  }
0x46e: {  	v8 =	vld [tilespmem:s31+$0xFFFFFFF0]  }
0x46f: {  	v9 =	vld [tilespmem:s31+$0x0]  }
0x470: {  	v11 =	vld [tilespmem:s31+$0x10]  }
0x471: {  	v12 =	vld [tilespmem:s31+$0x20]  }
0x472: {  	v13 =	vld [tilespmem:s31+$0xFFFFFFC0]  }
0x473: {  	v14 =	vld.idx.msk [tilespmem:v5+s14+$0x0], $0xffff  }
0x474: {  	v15 =	vld.idx.msk [tilespmem:v6+s14+$0x0], $0xffff  }
0x475: {  	v10 =	vld.idx.msk [tilespmem:v7+s14+$0x0], $0xffff  }
0x476: {  	v8 =	vld.idx.msk [tilespmem:v8+s14+$0x0], $0xffff  }
0x477: {  	v5 =	vld.idx.msk [tilespmem:v9+s14+$0x0], $0xffff  }
0x478: {  	s0 =	simm.s32 $0x16340;
	v6 =	vld.idx.msk [tilespmem:v11+s14+$0x0], $0xffff  }
0x479: {  	v7 =	vld.idx.msk [tilespmem:v12+s14+$0x0], $0xffff;
	[tilespmem:s0+$0x30] =	vst v14  }
0x47a: {  	s1 =	simm.s32 $0x0;
	s25 =	simm.s32 $0xA3C0;
	v9 =	vld.idx.msk [tilespmem:v13+s14+$0x0], $0xffff;
	[tilespmem:s0+$0xFFFFFFD0] =	vst v15  }
.LBB2_46:
0x47b: {  	v11 =	vld [tilespmem:s25+$0x30];
	s1 =	sadd.s32 $0x8, s1;
	[tilespmem:s0+$0xFFFFFFE0] =	vst v10  }
0x47c: {  	v10 =	vld [tilespmem:s25+$0xFFFFFFD0];
	p0 =	slt.u32 s1, $0x3F8;
	[tilespmem:s0+$0xFFFFFFF0] =	vst v8  }
0x47d: {  	v8 =	vld [tilespmem:s25+$0xFFFFFFE0];
	[tilespmem:s0+$0x0] =	vst v5  }
0x47e: {  	v5 =	vld [tilespmem:s25+$0xFFFFFFF0];
	[tilespmem:s0+$0x10] =	vst v6  }
0x47f: {  	v6 =	vld [tilespmem:s25+$0x0];
	[tilespmem:s0+$0x20] =	vst v7  }
0x480: {  	v7 =	vld [tilespmem:s25+$0x10];
	[tilespmem:s0+$0xFFFFFFC0] =	vst v9  }
0x481: {  	v9 =	vld [tilespmem:s25+$0x20]  }
0x482: {  	v12 =	vld [tilespmem:s25+$0xFFFFFFC0]  }
0x483: {  	v11 =	vld.idx.msk [tilespmem:v11+s14+$0x0], $0xffff  }
0x484: {  	v13 =	vld.idx.msk [tilespmem:v10+s14+$0x0], $0xffff  }
0x485: {  	v10 =	vld.idx.msk [tilespmem:v8+s14+$0x0], $0xffff  }
.Ltmp22:
0x486: {  	v8 =	vld.idx.msk [tilespmem:v5+s14+$0x0], $0xffff;
	(pc) =	sbr.rel @p0 .LBB2_46-.Ltmp22, $4  }
0x487: {  	v5 =	vld.idx.msk [tilespmem:v6+s14+$0x0], $0xffff  }
0x488: {  	s0 =	sadd.s32 $0x80, s0;
	v6 =	vld.idx.msk [tilespmem:v7+s14+$0x0], $0xffff  }
0x489: {  	v7 =	vld.idx.msk [tilespmem:v9+s14+$0x0], $0xffff;
	[tilespmem:s0+$0x30] =	vst v11  }
0x48a: {  	s25 =	sadd.s32 $0x80, s25;
	v9 =	vld.idx.msk [tilespmem:v12+s14+$0x0], $0xffff;
	[tilespmem:s0+$0xFFFFFFD0] =	vst v13  }
0x48b: {  	[tilespmem:s0+$0xFFFFFFE0] =	vst v10  }
0x48c: {  	[tilespmem:s0+$0xFFFFFFF0] =	vst v8  }
0x48d: {  	[tilespmem:s0+$0x0] =	vst v5  }
0x48e: {  	[tilespmem:s0+$0x10] =	vst v6  }
0x48f: {  	[tilespmem:s0+$0x20] =	vst v7  }
0x490: {  	[tilespmem:s0+$0xFFFFFFC0] =	vst v9  }
0x491: {  	s1 =	sld [smem:$0x7E9];
	_ =	sdelay $0x1  }
0x492: {  	s31 =	simm.s32 $0x0  }
0x493: {  	[hbm4b:s1+s31] =	stream.linear.scatter [tilespmem:s17], [sflag:$0x3], $0x4000, $0x38;
	[tilespmem:$0x1F300] =	vst v63  }
0x494: {  	_ =	swait.ge [sflag:s23], $0x4000  }
0x495: {  	[sflag:s23] =	ssyncset.done $0x0  }
0x496: {  	s0 =	simm.s32 $0x0;
	[sflag:s23] =	ssyncadd.s32 $0xFFFFC000  }
0x497: {  	v6 =	vld [tilespmem:s0+$0xE370]  }
0x498: {  	v7 =	vld [tilespmem:s0+$0xE300]  }
0x499: {  	v8 =	vld [tilespmem:s0+$0xE310]  }
0x49a: {  	v9 =	vld [tilespmem:s0+$0xE320]  }
0x49b: {  	v12 =	vld [tilespmem:s0+$0xE330]  }
0x49c: {  	v13 =	vld [tilespmem:s0+$0xE340]  }
0x49d: {  	v14 =	vld [tilespmem:s0+$0xE350]  }
0x49e: {  	v5 =	vld [tilespmem:s0+$0xE360]  }
0x49f: {  	v15 =	vld.idx.msk [tilespmem:v6+s14+$0x0], $0xffff  }
0x4a0: {  	v11 =	vld.idx.msk [tilespmem:v7+s14+$0x0], $0xffff  }
0x4a1: {  	v10 =	vld.idx.msk [tilespmem:v8+s14+$0x0], $0xffff  }
0x4a2: {  	v9 =	vld.idx.msk [tilespmem:v9+s14+$0x0], $0xffff  }
0x4a3: {  	v8 =	vld.idx.msk [tilespmem:v12+s14+$0x0], $0xffff  }
0x4a4: {  	v6 =	vld.idx.msk [tilespmem:v13+s14+$0x0], $0xffff  }
0x4a5: {  	s25 =	simm.s32 $0x200;
	s1 =	simm.s32 $0x0;
	v7 =	vld.idx.msk [tilespmem:v14+s14+$0x0], $0xffff;
	[tilespmem:s0+$0x1A370] =	vst v15  }
.LBB2_48:
0x4a6: {  	s3 =	sshra.s32 s25, $0x2;
	s1 =	sadd.s32 $0x8, s1;
	[tilespmem:s0+$0x1A300] =	vst v11;
	v5 =	vld.idx.msk [tilespmem:v5+s14+$0x0], $0xffff  }
0x4a7: {  	v11 =	vld [tilespmem:s3+$0xE370];
	p0 =	slt.u32 s1, $0x3F8;
	[tilespmem:s0+$0x1A310] =	vst v10  }
0x4a8: {  	v10 =	vld [tilespmem:s3+$0xE300];
	[tilespmem:s0+$0x1A320] =	vst v9  }
0x4a9: {  	v9 =	vld [tilespmem:s3+$0xE310];
	[tilespmem:s0+$0x1A330] =	vst v8  }
0x4aa: {  	v8 =	vld [tilespmem:s3+$0xE320];
	[tilespmem:s0+$0x1A340] =	vst v6  }
0x4ab: {  	v6 =	vld [tilespmem:s3+$0xE330];
	[tilespmem:s0+$0x1A350] =	vst v7  }
0x4ac: {  	v7 =	vld [tilespmem:s3+$0xE340];
	[tilespmem:s0+$0x1A360] =	vst v5;
	s0 =	smov.u32 s3  }
0x4ad: {  	v12 =	vld [tilespmem:s0+$0xE350]  }
0x4ae: {  	v5 =	vld [tilespmem:s0+$0xE360]  }
0x4af: {  	v13 =	vld.idx.msk [tilespmem:v11+s14+$0x0], $0xffff  }
0x4b0: {  	v11 =	vld.idx.msk [tilespmem:v10+s14+$0x0], $0xffff  }
.Ltmp23:
0x4b1: {  	v10 =	vld.idx.msk [tilespmem:v9+s14+$0x0], $0xffff;
	(pc) =	sbr.rel @p0 .LBB2_48-.Ltmp23, $4  }
0x4b2: {  	v9 =	vld.idx.msk [tilespmem:v8+s14+$0x0], $0xffff  }
0x4b3: {  	v8 =	vld.idx.msk [tilespmem:v6+s14+$0x0], $0xffff  }
0x4b4: {  	v6 =	vld.idx.msk [tilespmem:v7+s14+$0x0], $0xffff  }
0x4b5: {  	s25 =	sadd.s32 $0x200, s25;
	v7 =	vld.idx.msk [tilespmem:v12+s14+$0x0], $0xffff;
	[tilespmem:s0+$0x1A370] =	vst v13  }
0x4b6: {  	_ =	sdelay $0x2  }
0x4b7: {  	[tilespmem:s0+$0x1A300] =	vst v11  }
0x4b8: {  	v5 =	vld.idx.msk [tilespmem:v5+s14+$0x0], $0xffff;
	[tilespmem:s0+$0x1A310] =	vst v10  }
0x4b9: {  	[tilespmem:s0+$0x1A320] =	vst v9  }
0x4ba: {  	[tilespmem:s0+$0x1A330] =	vst v8  }
0x4bb: {  	[tilespmem:s0+$0x1A340] =	vst v6  }
0x4bc: {  	[tilespmem:s0+$0x1A350] =	vst v7  }
0x4bd: {  	[tilespmem:s0+$0x1A360] =	vst v5  }
0x4be: {  	s0 =	sld [smem:$0x7EA];
	_ =	sdelay $0x2  }
0x4bf: {  	[hbm4b:s0+s21] =	stream.linear.scatter [tilespmem:s18], [sflag:$0x4], $0x4000, $0x38;
	[tilespmem:$0x1F300] =	vst v63  }
0x4c0: {  	_ =	swait.ge [sflag:s19], $0x2000  }
0x4c1: {  	[sflag:s19] =	ssyncset.done $0x0  }
0x4c2: {  	s30 =	rddreg [dreg:$0x13];
	[sflag:s19] =	ssyncadd.s32 $0xFFFFE000  }
0x4c3: {  	[tilespmem:s14], [sflag:$0x1] =	stream.strided.gather [hbm4b:s30+s12], $0x2000, s13, s12, $0x38;
	[tilespmem:$0x1F300] =	vst v63  }
0x4c4: {  	_ =	swait.ge [sflag:s20], $0x4000  }
0x4c5: {  	[sflag:s20] =	ssyncset.done $0x0  }
0x4c6: {  	s31 =	simm.s32 $0xA340;
	[sflag:s20] =	ssyncadd.s32 $0xFFFFC000  }
0x4c7: {  	v5 =	vld [tilespmem:s31+$0x30]  }
0x4c8: {  	v6 =	vld [tilespmem:s31+$0xFFFFFFD0]  }
0x4c9: {  	v7 =	vld [tilespmem:s31+$0xFFFFFFE0]  }
0x4ca: {  	v8 =	vld [tilespmem:s31+$0xFFFFFFF0]  }
0x4cb: {  	v9 =	vld [tilespmem:s31+$0x0]  }
0x4cc: {  	v11 =	vld [tilespmem:s31+$0x10]  }
0x4cd: {  	v12 =	vld [tilespmem:s31+$0x20]  }
0x4ce: {  	v13 =	vld [tilespmem:s31+$0xFFFFFFC0]  }
0x4cf: {  	v14 =	vld.idx.msk [tilespmem:v5+s16+$0x0], $0xffff  }
0x4d0: {  	v15 =	vld.idx.msk [tilespmem:v6+s16+$0x0], $0xffff  }
0x4d1: {  	v10 =	vld.idx.msk [tilespmem:v7+s16+$0x0], $0xffff  }
0x4d2: {  	v8 =	vld.idx.msk [tilespmem:v8+s16+$0x0], $0xffff  }
0x4d3: {  	v5 =	vld.idx.msk [tilespmem:v9+s16+$0x0], $0xffff  }
0x4d4: {  	s0 =	simm.s32 $0x16340;
	v6 =	vld.idx.msk [tilespmem:v11+s16+$0x0], $0xffff  }
0x4d5: {  	v7 =	vld.idx.msk [tilespmem:v12+s16+$0x0], $0xffff;
	[tilespmem:s0+$0x30] =	vst v14  }
0x4d6: {  	s1 =	simm.s32 $0x0;
	s25 =	simm.s32 $0xA3C0;
	v9 =	vld.idx.msk [tilespmem:v13+s16+$0x0], $0xffff;
	[tilespmem:s0+$0xFFFFFFD0] =	vst v15  }
.LBB2_50:
0x4d7: {  	v11 =	vld [tilespmem:s25+$0x30];
	s1 =	sadd.s32 $0x8, s1;
	[tilespmem:s0+$0xFFFFFFE0] =	vst v10  }
0x4d8: {  	v10 =	vld [tilespmem:s25+$0xFFFFFFD0];
	p0 =	slt.u32 s1, $0x3F8;
	[tilespmem:s0+$0xFFFFFFF0] =	vst v8  }
0x4d9: {  	v8 =	vld [tilespmem:s25+$0xFFFFFFE0];
	[tilespmem:s0+$0x0] =	vst v5  }
0x4da: {  	v5 =	vld [tilespmem:s25+$0xFFFFFFF0];
	[tilespmem:s0+$0x10] =	vst v6  }
0x4db: {  	v6 =	vld [tilespmem:s25+$0x0];
	[tilespmem:s0+$0x20] =	vst v7  }
0x4dc: {  	v7 =	vld [tilespmem:s25+$0x10];
	[tilespmem:s0+$0xFFFFFFC0] =	vst v9  }
0x4dd: {  	v9 =	vld [tilespmem:s25+$0x20]  }
0x4de: {  	v12 =	vld [tilespmem:s25+$0xFFFFFFC0]  }
0x4df: {  	v11 =	vld.idx.msk [tilespmem:v11+s16+$0x0], $0xffff  }
0x4e0: {  	v13 =	vld.idx.msk [tilespmem:v10+s16+$0x0], $0xffff  }
0x4e1: {  	v10 =	vld.idx.msk [tilespmem:v8+s16+$0x0], $0xffff  }
.Ltmp24:
0x4e2: {  	v8 =	vld.idx.msk [tilespmem:v5+s16+$0x0], $0xffff;
	(pc) =	sbr.rel @p0 .LBB2_50-.Ltmp24, $4  }
0x4e3: {  	v5 =	vld.idx.msk [tilespmem:v6+s16+$0x0], $0xffff  }
0x4e4: {  	s0 =	sadd.s32 $0x80, s0;
	v6 =	vld.idx.msk [tilespmem:v7+s16+$0x0], $0xffff  }
0x4e5: {  	v7 =	vld.idx.msk [tilespmem:v9+s16+$0x0], $0xffff;
	[tilespmem:s0+$0x30] =	vst v11  }
0x4e6: {  	s25 =	sadd.s32 $0x80, s25;
	v9 =	vld.idx.msk [tilespmem:v12+s16+$0x0], $0xffff;
	[tilespmem:s0+$0xFFFFFFD0] =	vst v13  }
0x4e7: {  	[tilespmem:s0+$0xFFFFFFE0] =	vst v10  }
0x4e8: {  	[tilespmem:s0+$0xFFFFFFF0] =	vst v8  }
0x4e9: {  	[tilespmem:s0+$0x0] =	vst v5  }
0x4ea: {  	[tilespmem:s0+$0x10] =	vst v6  }
0x4eb: {  	[tilespmem:s0+$0x20] =	vst v7  }
0x4ec: {  	[tilespmem:s0+$0xFFFFFFC0] =	vst v9  }
0x4ed: {  	s1 =	sld [smem:$0x7EB];
	_ =	sdelay $0x1  }
0x4ee: {  	s31 =	simm.s32 $0x0  }
0x4ef: {  	[hbm4b:s1+s31] =	stream.linear.scatter [tilespmem:s17], [sflag:$0x3], $0x4000, $0x38;
	[tilespmem:$0x1F300] =	vst v63  }
0x4f0: {  	_ =	swait.ge [sflag:s23], $0x4000  }
0x4f1: {  	[sflag:s23] =	ssyncset.done $0x0  }
0x4f2: {  	s0 =	simm.s32 $0x0;
	[sflag:s23] =	ssyncadd.s32 $0xFFFFC000  }
0x4f3: {  	v6 =	vld [tilespmem:s0+$0xE370]  }
0x4f4: {  	v7 =	vld [tilespmem:s0+$0xE300]  }
0x4f5: {  	v8 =	vld [tilespmem:s0+$0xE310]  }
0x4f6: {  	v9 =	vld [tilespmem:s0+$0xE320]  }
0x4f7: {  	v12 =	vld [tilespmem:s0+$0xE330]  }
0x4f8: {  	v13 =	vld [tilespmem:s0+$0xE340]  }
0x4f9: {  	v14 =	vld [tilespmem:s0+$0xE350]  }
0x4fa: {  	v5 =	vld [tilespmem:s0+$0xE360]  }
0x4fb: {  	v15 =	vld.idx.msk [tilespmem:v6+s16+$0x0], $0xffff  }
0x4fc: {  	v11 =	vld.idx.msk [tilespmem:v7+s16+$0x0], $0xffff  }
0x4fd: {  	v10 =	vld.idx.msk [tilespmem:v8+s16+$0x0], $0xffff  }
0x4fe: {  	v9 =	vld.idx.msk [tilespmem:v9+s16+$0x0], $0xffff  }
0x4ff: {  	v8 =	vld.idx.msk [tilespmem:v12+s16+$0x0], $0xffff  }
0x500: {  	v6 =	vld.idx.msk [tilespmem:v13+s16+$0x0], $0xffff  }
0x501: {  	s25 =	simm.s32 $0x200;
	s1 =	simm.s32 $0x0;
	v7 =	vld.idx.msk [tilespmem:v14+s16+$0x0], $0xffff;
	[tilespmem:s0+$0x1A370] =	vst v15  }
.LBB2_52:
0x502: {  	s3 =	sshra.s32 s25, $0x2;
	s1 =	sadd.s32 $0x8, s1;
	[tilespmem:s0+$0x1A300] =	vst v11;
	v5 =	vld.idx.msk [tilespmem:v5+s16+$0x0], $0xffff  }
0x503: {  	v11 =	vld [tilespmem:s3+$0xE370];
	p0 =	slt.u32 s1, $0x3F8;
	[tilespmem:s0+$0x1A310] =	vst v10  }
0x504: {  	v10 =	vld [tilespmem:s3+$0xE300];
	[tilespmem:s0+$0x1A320] =	vst v9  }
0x505: {  	v9 =	vld [tilespmem:s3+$0xE310];
	[tilespmem:s0+$0x1A330] =	vst v8  }
0x506: {  	v8 =	vld [tilespmem:s3+$0xE320];
	[tilespmem:s0+$0x1A340] =	vst v6  }
0x507: {  	v6 =	vld [tilespmem:s3+$0xE330];
	[tilespmem:s0+$0x1A350] =	vst v7  }
0x508: {  	v7 =	vld [tilespmem:s3+$0xE340];
	[tilespmem:s0+$0x1A360] =	vst v5;
	s0 =	smov.u32 s3  }
0x509: {  	v12 =	vld [tilespmem:s0+$0xE350]  }
0x50a: {  	v5 =	vld [tilespmem:s0+$0xE360]  }
0x50b: {  	v13 =	vld.idx.msk [tilespmem:v11+s16+$0x0], $0xffff  }
0x50c: {  	v11 =	vld.idx.msk [tilespmem:v10+s16+$0x0], $0xffff  }
.Ltmp25:
0x50d: {  	v10 =	vld.idx.msk [tilespmem:v9+s16+$0x0], $0xffff;
	(pc) =	sbr.rel @p0 .LBB2_52-.Ltmp25, $4  }
0x50e: {  	v9 =	vld.idx.msk [tilespmem:v8+s16+$0x0], $0xffff  }
0x50f: {  	v8 =	vld.idx.msk [tilespmem:v6+s16+$0x0], $0xffff  }
0x510: {  	v6 =	vld.idx.msk [tilespmem:v7+s16+$0x0], $0xffff  }
0x511: {  	s25 =	sadd.s32 $0x200, s25;
	v7 =	vld.idx.msk [tilespmem:v12+s16+$0x0], $0xffff;
	[tilespmem:s0+$0x1A370] =	vst v13  }
0x512: {  	_ =	sdelay $0x2  }
0x513: {  	[tilespmem:s0+$0x1A300] =	vst v11  }
0x514: {  	v5 =	vld.idx.msk [tilespmem:v5+s16+$0x0], $0xffff;
	[tilespmem:s0+$0x1A310] =	vst v10  }
0x515: {  	[tilespmem:s0+$0x1A320] =	vst v9  }
0x516: {  	[tilespmem:s0+$0x1A330] =	vst v8  }
0x517: {  	[tilespmem:s0+$0x1A340] =	vst v6  }
0x518: {  	[tilespmem:s0+$0x1A350] =	vst v7  }
0x519: {  	[tilespmem:s0+$0x1A360] =	vst v5  }
0x51a: {  	s0 =	sld [smem:$0x7EC];
	_ =	sdelay $0x2  }
0x51b: {  	[hbm4b:s0+s21] =	stream.linear.scatter [tilespmem:s18], [sflag:$0x4], $0x4000, $0x38;
	[tilespmem:$0x1F300] =	vst v63  }
0x51c: {  	_ =	swait.ge [sflag:s15], $0x2000  }
0x51d: {  	[sflag:s15] =	ssyncset.done $0x0  }
0x51e: {  	s30 =	rddreg [dreg:$0x14];
	[sflag:s15] =	ssyncadd.s32 $0xFFFFE000  }
0x51f: {  	[tilespmem:s16], [sflag:$0x2] =	stream.strided.gather [hbm4b:s30+s12], $0x2000, s13, s12, $0x38;
	[tilespmem:$0x1F300] =	vst v63  }
0x520: {  	_ =	swait.ge [sflag:s20], $0x4000  }
0x521: {  	[sflag:s20] =	ssyncset.done $0x0  }
0x522: {  	s31 =	simm.s32 $0xA340;
	[sflag:s20] =	ssyncadd.s32 $0xFFFFC000  }
0x523: {  	v5 =	vld [tilespmem:s31+$0x30]  }
0x524: {  	v6 =	vld [tilespmem:s31+$0xFFFFFFD0]  }
0x525: {  	v7 =	vld [tilespmem:s31+$0xFFFFFFE0]  }
0x526: {  	v8 =	vld [tilespmem:s31+$0xFFFFFFF0]  }
0x527: {  	v9 =	vld [tilespmem:s31+$0x0]  }
0x528: {  	v11 =	vld [tilespmem:s31+$0x10]  }
0x529: {  	v12 =	vld [tilespmem:s31+$0x20]  }
0x52a: {  	v13 =	vld [tilespmem:s31+$0xFFFFFFC0]  }
0x52b: {  	v14 =	vld.idx.msk [tilespmem:v5+s14+$0x0], $0xffff  }
0x52c: {  	v15 =	vld.idx.msk [tilespmem:v6+s14+$0x0], $0xffff  }
0x52d: {  	v10 =	vld.idx.msk [tilespmem:v7+s14+$0x0], $0xffff  }
0x52e: {  	v8 =	vld.idx.msk [tilespmem:v8+s14+$0x0], $0xffff  }
0x52f: {  	v5 =	vld.idx.msk [tilespmem:v9+s14+$0x0], $0xffff  }
0x530: {  	s0 =	simm.s32 $0x16340;
	v6 =	vld.idx.msk [tilespmem:v11+s14+$0x0], $0xffff  }
0x531: {  	v7 =	vld.idx.msk [tilespmem:v12+s14+$0x0], $0xffff;
	[tilespmem:s0+$0x30] =	vst v14  }
0x532: {  	s1 =	simm.s32 $0x0;
	s25 =	simm.s32 $0xA3C0;
	v9 =	vld.idx.msk [tilespmem:v13+s14+$0x0], $0xffff;
	[tilespmem:s0+$0xFFFFFFD0] =	vst v15  }
.LBB2_54:
0x533: {  	v11 =	vld [tilespmem:s25+$0x30];
	s1 =	sadd.s32 $0x8, s1;
	[tilespmem:s0+$0xFFFFFFE0] =	vst v10  }
0x534: {  	v10 =	vld [tilespmem:s25+$0xFFFFFFD0];
	p0 =	slt.u32 s1, $0x3F8;
	[tilespmem:s0+$0xFFFFFFF0] =	vst v8  }
0x535: {  	v8 =	vld [tilespmem:s25+$0xFFFFFFE0];
	[tilespmem:s0+$0x0] =	vst v5  }
0x536: {  	v5 =	vld [tilespmem:s25+$0xFFFFFFF0];
	[tilespmem:s0+$0x10] =	vst v6  }
0x537: {  	v6 =	vld [tilespmem:s25+$0x0];
	[tilespmem:s0+$0x20] =	vst v7  }
0x538: {  	v7 =	vld [tilespmem:s25+$0x10];
	[tilespmem:s0+$0xFFFFFFC0] =	vst v9  }
0x539: {  	v9 =	vld [tilespmem:s25+$0x20]  }
0x53a: {  	v12 =	vld [tilespmem:s25+$0xFFFFFFC0]  }
0x53b: {  	v11 =	vld.idx.msk [tilespmem:v11+s14+$0x0], $0xffff  }
0x53c: {  	v13 =	vld.idx.msk [tilespmem:v10+s14+$0x0], $0xffff  }
0x53d: {  	v10 =	vld.idx.msk [tilespmem:v8+s14+$0x0], $0xffff  }
.Ltmp26:
0x53e: {  	v8 =	vld.idx.msk [tilespmem:v5+s14+$0x0], $0xffff;
	(pc) =	sbr.rel @p0 .LBB2_54-.Ltmp26, $4  }
0x53f: {  	v5 =	vld.idx.msk [tilespmem:v6+s14+$0x0], $0xffff  }
0x540: {  	s0 =	sadd.s32 $0x80, s0;
	v6 =	vld.idx.msk [tilespmem:v7+s14+$0x0], $0xffff  }
0x541: {  	v7 =	vld.idx.msk [tilespmem:v9+s14+$0x0], $0xffff;
	[tilespmem:s0+$0x30] =	vst v11  }
0x542: {  	s25 =	sadd.s32 $0x80, s25;
	v9 =	vld.idx.msk [tilespmem:v12+s14+$0x0], $0xffff;
	[tilespmem:s0+$0xFFFFFFD0] =	vst v13  }
0x543: {  	[tilespmem:s0+$0xFFFFFFE0] =	vst v10  }
0x544: {  	[tilespmem:s0+$0xFFFFFFF0] =	vst v8  }
0x545: {  	[tilespmem:s0+$0x0] =	vst v5  }
0x546: {  	[tilespmem:s0+$0x10] =	vst v6  }
0x547: {  	[tilespmem:s0+$0x20] =	vst v7  }
0x548: {  	[tilespmem:s0+$0xFFFFFFC0] =	vst v9  }
0x549: {  	s1 =	sld [smem:$0x7ED];
	_ =	sdelay $0x1  }
0x54a: {  	s31 =	simm.s32 $0x0  }
0x54b: {  	[hbm4b:s1+s31] =	stream.linear.scatter [tilespmem:s17], [sflag:$0x3], $0x4000, $0x38;
	[tilespmem:$0x1F300] =	vst v63  }
0x54c: {  	_ =	swait.ge [sflag:s23], $0x4000  }
0x54d: {  	[sflag:s23] =	ssyncset.done $0x0  }
0x54e: {  	s0 =	simm.s32 $0x0;
	[sflag:s23] =	ssyncadd.s32 $0xFFFFC000  }
0x54f: {  	v6 =	vld [tilespmem:s0+$0xE370]  }
0x550: {  	v7 =	vld [tilespmem:s0+$0xE300]  }
0x551: {  	v8 =	vld [tilespmem:s0+$0xE310]  }
0x552: {  	v9 =	vld [tilespmem:s0+$0xE320]  }
0x553: {  	v12 =	vld [tilespmem:s0+$0xE330]  }
0x554: {  	v13 =	vld [tilespmem:s0+$0xE340]  }
0x555: {  	v14 =	vld [tilespmem:s0+$0xE350]  }
0x556: {  	v5 =	vld [tilespmem:s0+$0xE360]  }
0x557: {  	v15 =	vld.idx.msk [tilespmem:v6+s14+$0x0], $0xffff  }
0x558: {  	v11 =	vld.idx.msk [tilespmem:v7+s14+$0x0], $0xffff  }
0x559: {  	v10 =	vld.idx.msk [tilespmem:v8+s14+$0x0], $0xffff  }
0x55a: {  	v9 =	vld.idx.msk [tilespmem:v9+s14+$0x0], $0xffff  }
0x55b: {  	v8 =	vld.idx.msk [tilespmem:v12+s14+$0x0], $0xffff  }
0x55c: {  	v6 =	vld.idx.msk [tilespmem:v13+s14+$0x0], $0xffff  }
0x55d: {  	s25 =	simm.s32 $0x200;
	s1 =	simm.s32 $0x0;
	v7 =	vld.idx.msk [tilespmem:v14+s14+$0x0], $0xffff;
	[tilespmem:s0+$0x1A370] =	vst v15  }
.LBB2_56:
0x55e: {  	s3 =	sshra.s32 s25, $0x2;
	s1 =	sadd.s32 $0x8, s1;
	[tilespmem:s0+$0x1A300] =	vst v11;
	v5 =	vld.idx.msk [tilespmem:v5+s14+$0x0], $0xffff  }
0x55f: {  	v11 =	vld [tilespmem:s3+$0xE370];
	p0 =	slt.u32 s1, $0x3F8;
	[tilespmem:s0+$0x1A310] =	vst v10  }
0x560: {  	v10 =	vld [tilespmem:s3+$0xE300];
	[tilespmem:s0+$0x1A320] =	vst v9  }
0x561: {  	v9 =	vld [tilespmem:s3+$0xE310];
	[tilespmem:s0+$0x1A330] =	vst v8  }
0x562: {  	v8 =	vld [tilespmem:s3+$0xE320];
	[tilespmem:s0+$0x1A340] =	vst v6  }
0x563: {  	v6 =	vld [tilespmem:s3+$0xE330];
	[tilespmem:s0+$0x1A350] =	vst v7  }
0x564: {  	v7 =	vld [tilespmem:s3+$0xE340];
	[tilespmem:s0+$0x1A360] =	vst v5;
	s0 =	smov.u32 s3  }
0x565: {  	v12 =	vld [tilespmem:s0+$0xE350]  }
0x566: {  	v5 =	vld [tilespmem:s0+$0xE360]  }
0x567: {  	v13 =	vld.idx.msk [tilespmem:v11+s14+$0x0], $0xffff  }
0x568: {  	v11 =	vld.idx.msk [tilespmem:v10+s14+$0x0], $0xffff  }
.Ltmp27:
0x569: {  	v10 =	vld.idx.msk [tilespmem:v9+s14+$0x0], $0xffff;
	(pc) =	sbr.rel @p0 .LBB2_56-.Ltmp27, $4  }
0x56a: {  	v9 =	vld.idx.msk [tilespmem:v8+s14+$0x0], $0xffff  }
0x56b: {  	v8 =	vld.idx.msk [tilespmem:v6+s14+$0x0], $0xffff  }
0x56c: {  	v6 =	vld.idx.msk [tilespmem:v7+s14+$0x0], $0xffff  }
0x56d: {  	s25 =	sadd.s32 $0x200, s25;
	v7 =	vld.idx.msk [tilespmem:v12+s14+$0x0], $0xffff;
	[tilespmem:s0+$0x1A370] =	vst v13  }
0x56e: {  	_ =	sdelay $0x2  }
0x56f: {  	[tilespmem:s0+$0x1A300] =	vst v11  }
0x570: {  	v5 =	vld.idx.msk [tilespmem:v5+s14+$0x0], $0xffff;
	[tilespmem:s0+$0x1A310] =	vst v10  }
0x571: {  	[tilespmem:s0+$0x1A320] =	vst v9  }
0x572: {  	[tilespmem:s0+$0x1A330] =	vst v8  }
0x573: {  	[tilespmem:s0+$0x1A340] =	vst v6  }
0x574: {  	[tilespmem:s0+$0x1A350] =	vst v7  }
0x575: {  	[tilespmem:s0+$0x1A360] =	vst v5  }
0x576: {  	s0 =	sld [smem:$0x7EE];
	_ =	sdelay $0x2  }
0x577: {  	[hbm4b:s0+s21] =	stream.linear.scatter [tilespmem:s18], [sflag:$0x4], $0x4000, $0x38;
	[tilespmem:$0x1F300] =	vst v63  }
0x578: {  	_ =	swait.ge [sflag:s19], $0x2000  }
0x579: {  	[sflag:s19] =	ssyncset.done $0x0  }
0x57a: {  	s30 =	rddreg [dreg:$0x15];
	[sflag:s19] =	ssyncadd.s32 $0xFFFFE000  }
0x57b: {  	[tilespmem:s14], [sflag:$0x1] =	stream.strided.gather [hbm4b:s30+s12], $0x2000, s13, s12, $0x38;
	[tilespmem:$0x1F300] =	vst v63  }
0x57c: {  	_ =	swait.ge [sflag:s20], $0x4000  }
0x57d: {  	[sflag:s20] =	ssyncset.done $0x0  }
0x57e: {  	s31 =	simm.s32 $0xA340;
	[sflag:s20] =	ssyncadd.s32 $0xFFFFC000  }
0x57f: {  	v5 =	vld [tilespmem:s31+$0x30]  }
0x580: {  	v6 =	vld [tilespmem:s31+$0xFFFFFFD0]  }
0x581: {  	v7 =	vld [tilespmem:s31+$0xFFFFFFE0]  }
0x582: {  	v8 =	vld [tilespmem:s31+$0xFFFFFFF0]  }
0x583: {  	v9 =	vld [tilespmem:s31+$0x0]  }
0x584: {  	v11 =	vld [tilespmem:s31+$0x10]  }
0x585: {  	v12 =	vld [tilespmem:s31+$0x20]  }
0x586: {  	v13 =	vld [tilespmem:s31+$0xFFFFFFC0]  }
0x587: {  	v14 =	vld.idx.msk [tilespmem:v5+s16+$0x0], $0xffff  }
0x588: {  	v15 =	vld.idx.msk [tilespmem:v6+s16+$0x0], $0xffff  }
0x589: {  	v10 =	vld.idx.msk [tilespmem:v7+s16+$0x0], $0xffff  }
0x58a: {  	v8 =	vld.idx.msk [tilespmem:v8+s16+$0x0], $0xffff  }
0x58b: {  	v5 =	vld.idx.msk [tilespmem:v9+s16+$0x0], $0xffff  }
0x58c: {  	s0 =	simm.s32 $0x16340;
	v6 =	vld.idx.msk [tilespmem:v11+s16+$0x0], $0xffff  }
0x58d: {  	v7 =	vld.idx.msk [tilespmem:v12+s16+$0x0], $0xffff;
	[tilespmem:s0+$0x30] =	vst v14  }
0x58e: {  	s1 =	simm.s32 $0x0;
	s25 =	simm.s32 $0xA3C0;
	v9 =	vld.idx.msk [tilespmem:v13+s16+$0x0], $0xffff;
	[tilespmem:s0+$0xFFFFFFD0] =	vst v15  }
.LBB2_58:
0x58f: {  	v11 =	vld [tilespmem:s25+$0x30];
	s1 =	sadd.s32 $0x8, s1;
	[tilespmem:s0+$0xFFFFFFE0] =	vst v10  }
0x590: {  	v10 =	vld [tilespmem:s25+$0xFFFFFFD0];
	p0 =	slt.u32 s1, $0x3F8;
	[tilespmem:s0+$0xFFFFFFF0] =	vst v8  }
0x591: {  	v8 =	vld [tilespmem:s25+$0xFFFFFFE0];
	[tilespmem:s0+$0x0] =	vst v5  }
0x592: {  	v5 =	vld [tilespmem:s25+$0xFFFFFFF0];
	[tilespmem:s0+$0x10] =	vst v6  }
0x593: {  	v6 =	vld [tilespmem:s25+$0x0];
	[tilespmem:s0+$0x20] =	vst v7  }
0x594: {  	v7 =	vld [tilespmem:s25+$0x10];
	[tilespmem:s0+$0xFFFFFFC0] =	vst v9  }
0x595: {  	v9 =	vld [tilespmem:s25+$0x20]  }
0x596: {  	v12 =	vld [tilespmem:s25+$0xFFFFFFC0]  }
0x597: {  	v11 =	vld.idx.msk [tilespmem:v11+s16+$0x0], $0xffff  }
0x598: {  	v13 =	vld.idx.msk [tilespmem:v10+s16+$0x0], $0xffff  }
0x599: {  	v10 =	vld.idx.msk [tilespmem:v8+s16+$0x0], $0xffff  }
.Ltmp28:
0x59a: {  	v8 =	vld.idx.msk [tilespmem:v5+s16+$0x0], $0xffff;
	(pc) =	sbr.rel @p0 .LBB2_58-.Ltmp28, $4  }
0x59b: {  	v5 =	vld.idx.msk [tilespmem:v6+s16+$0x0], $0xffff  }
0x59c: {  	s0 =	sadd.s32 $0x80, s0;
	v6 =	vld.idx.msk [tilespmem:v7+s16+$0x0], $0xffff  }
0x59d: {  	v7 =	vld.idx.msk [tilespmem:v9+s16+$0x0], $0xffff;
	[tilespmem:s0+$0x30] =	vst v11  }
0x59e: {  	s25 =	sadd.s32 $0x80, s25;
	v9 =	vld.idx.msk [tilespmem:v12+s16+$0x0], $0xffff;
	[tilespmem:s0+$0xFFFFFFD0] =	vst v13  }
0x59f: {  	[tilespmem:s0+$0xFFFFFFE0] =	vst v10  }
0x5a0: {  	[tilespmem:s0+$0xFFFFFFF0] =	vst v8  }
0x5a1: {  	[tilespmem:s0+$0x0] =	vst v5  }
0x5a2: {  	[tilespmem:s0+$0x10] =	vst v6  }
0x5a3: {  	[tilespmem:s0+$0x20] =	vst v7  }
0x5a4: {  	[tilespmem:s0+$0xFFFFFFC0] =	vst v9  }
0x5a5: {  	s1 =	sld [smem:$0x7EF];
	_ =	sdelay $0x1  }
0x5a6: {  	s31 =	simm.s32 $0x0  }
0x5a7: {  	[hbm4b:s1+s31] =	stream.linear.scatter [tilespmem:s17], [sflag:$0x3], $0x4000, $0x38;
	[tilespmem:$0x1F300] =	vst v63  }
0x5a8: {  	_ =	swait.ge [sflag:s23], $0x4000  }
0x5a9: {  	[sflag:s23] =	ssyncset.done $0x0  }
0x5aa: {  	s0 =	simm.s32 $0x0;
	[sflag:s23] =	ssyncadd.s32 $0xFFFFC000  }
0x5ab: {  	v6 =	vld [tilespmem:s0+$0xE370]  }
0x5ac: {  	v7 =	vld [tilespmem:s0+$0xE300]  }
0x5ad: {  	v8 =	vld [tilespmem:s0+$0xE310]  }
0x5ae: {  	v9 =	vld [tilespmem:s0+$0xE320]  }
0x5af: {  	v12 =	vld [tilespmem:s0+$0xE330]  }
0x5b0: {  	v13 =	vld [tilespmem:s0+$0xE340]  }
0x5b1: {  	v14 =	vld [tilespmem:s0+$0xE350]  }
0x5b2: {  	v5 =	vld [tilespmem:s0+$0xE360]  }
0x5b3: {  	v15 =	vld.idx.msk [tilespmem:v6+s16+$0x0], $0xffff  }
0x5b4: {  	v11 =	vld.idx.msk [tilespmem:v7+s16+$0x0], $0xffff  }
0x5b5: {  	v10 =	vld.idx.msk [tilespmem:v8+s16+$0x0], $0xffff  }
0x5b6: {  	v9 =	vld.idx.msk [tilespmem:v9+s16+$0x0], $0xffff  }
0x5b7: {  	v8 =	vld.idx.msk [tilespmem:v12+s16+$0x0], $0xffff  }
0x5b8: {  	v6 =	vld.idx.msk [tilespmem:v13+s16+$0x0], $0xffff  }
0x5b9: {  	s25 =	simm.s32 $0x200;
	s1 =	simm.s32 $0x0;
	v7 =	vld.idx.msk [tilespmem:v14+s16+$0x0], $0xffff;
	[tilespmem:s0+$0x1A370] =	vst v15  }
.LBB2_60:
0x5ba: {  	s3 =	sshra.s32 s25, $0x2;
	s1 =	sadd.s32 $0x8, s1;
	[tilespmem:s0+$0x1A300] =	vst v11;
	v5 =	vld.idx.msk [tilespmem:v5+s16+$0x0], $0xffff  }
0x5bb: {  	v11 =	vld [tilespmem:s3+$0xE370];
	p0 =	slt.u32 s1, $0x3F8;
	[tilespmem:s0+$0x1A310] =	vst v10  }
0x5bc: {  	v10 =	vld [tilespmem:s3+$0xE300];
	[tilespmem:s0+$0x1A320] =	vst v9  }
0x5bd: {  	v9 =	vld [tilespmem:s3+$0xE310];
	[tilespmem:s0+$0x1A330] =	vst v8  }
0x5be: {  	v8 =	vld [tilespmem:s3+$0xE320];
	[tilespmem:s0+$0x1A340] =	vst v6  }
0x5bf: {  	v6 =	vld [tilespmem:s3+$0xE330];
	[tilespmem:s0+$0x1A350] =	vst v7  }
0x5c0: {  	v7 =	vld [tilespmem:s3+$0xE340];
	[tilespmem:s0+$0x1A360] =	vst v5;
	s0 =	smov.u32 s3  }
0x5c1: {  	v12 =	vld [tilespmem:s0+$0xE350]  }
0x5c2: {  	v5 =	vld [tilespmem:s0+$0xE360]  }
0x5c3: {  	v13 =	vld.idx.msk [tilespmem:v11+s16+$0x0], $0xffff  }
0x5c4: {  	v11 =	vld.idx.msk [tilespmem:v10+s16+$0x0], $0xffff  }
.Ltmp29:
0x5c5: {  	v10 =	vld.idx.msk [tilespmem:v9+s16+$0x0], $0xffff;
	(pc) =	sbr.rel @p0 .LBB2_60-.Ltmp29, $4  }
0x5c6: {  	v9 =	vld.idx.msk [tilespmem:v8+s16+$0x0], $0xffff  }
0x5c7: {  	v8 =	vld.idx.msk [tilespmem:v6+s16+$0x0], $0xffff  }
0x5c8: {  	v6 =	vld.idx.msk [tilespmem:v7+s16+$0x0], $0xffff  }
0x5c9: {  	s25 =	sadd.s32 $0x200, s25;
	v7 =	vld.idx.msk [tilespmem:v12+s16+$0x0], $0xffff;
	[tilespmem:s0+$0x1A370] =	vst v13  }
0x5ca: {  	_ =	sdelay $0x2  }
0x5cb: {  	[tilespmem:s0+$0x1A300] =	vst v11  }
0x5cc: {  	v5 =	vld.idx.msk [tilespmem:v5+s16+$0x0], $0xffff;
	[tilespmem:s0+$0x1A310] =	vst v10  }
0x5cd: {  	[tilespmem:s0+$0x1A320] =	vst v9  }
0x5ce: {  	[tilespmem:s0+$0x1A330] =	vst v8  }
0x5cf: {  	[tilespmem:s0+$0x1A340] =	vst v6  }
0x5d0: {  	[tilespmem:s0+$0x1A350] =	vst v7  }
0x5d1: {  	[tilespmem:s0+$0x1A360] =	vst v5  }
0x5d2: {  	s0 =	sld [smem:$0x7F0];
	_ =	sdelay $0x2  }
0x5d3: {  	[hbm4b:s0+s21] =	stream.linear.scatter [tilespmem:s18], [sflag:$0x4], $0x4000, $0x38;
	[tilespmem:$0x1F300] =	vst v63  }
0x5d4: {  	_ =	swait.ge [sflag:s15], $0x2000  }
0x5d5: {  	[sflag:s15] =	ssyncset.done $0x0  }
0x5d6: {  	s30 =	rddreg [dreg:$0x16];
	[sflag:s15] =	ssyncadd.s32 $0xFFFFE000  }
0x5d7: {  	[tilespmem:s16], [sflag:$0x2] =	stream.strided.gather [hbm4b:s30+s12], $0x2000, s13, s12, $0x38;
	[tilespmem:$0x1F300] =	vst v63  }
0x5d8: {  	_ =	swait.ge [sflag:s20], $0x4000  }
0x5d9: {  	[sflag:s20] =	ssyncset.done $0x0  }
0x5da: {  	s31 =	simm.s32 $0xA340;
	[sflag:s20] =	ssyncadd.s32 $0xFFFFC000  }
0x5db: {  	v5 =	vld [tilespmem:s31+$0x30]  }
0x5dc: {  	v6 =	vld [tilespmem:s31+$0xFFFFFFD0]  }
0x5dd: {  	v7 =	vld [tilespmem:s31+$0xFFFFFFE0]  }
0x5de: {  	v8 =	vld [tilespmem:s31+$0xFFFFFFF0]  }
0x5df: {  	v9 =	vld [tilespmem:s31+$0x0]  }
0x5e0: {  	v11 =	vld [tilespmem:s31+$0x10]  }
0x5e1: {  	v12 =	vld [tilespmem:s31+$0x20]  }
0x5e2: {  	v13 =	vld [tilespmem:s31+$0xFFFFFFC0]  }
0x5e3: {  	v14 =	vld.idx.msk [tilespmem:v5+s14+$0x0], $0xffff  }
0x5e4: {  	v15 =	vld.idx.msk [tilespmem:v6+s14+$0x0], $0xffff  }
0x5e5: {  	v10 =	vld.idx.msk [tilespmem:v7+s14+$0x0], $0xffff  }
0x5e6: {  	v8 =	vld.idx.msk [tilespmem:v8+s14+$0x0], $0xffff  }
0x5e7: {  	v5 =	vld.idx.msk [tilespmem:v9+s14+$0x0], $0xffff  }
0x5e8: {  	s0 =	simm.s32 $0x16340;
	v6 =	vld.idx.msk [tilespmem:v11+s14+$0x0], $0xffff  }
0x5e9: {  	v7 =	vld.idx.msk [tilespmem:v12+s14+$0x0], $0xffff;
	[tilespmem:s0+$0x30] =	vst v14  }
0x5ea: {  	s1 =	simm.s32 $0x0;
	s25 =	simm.s32 $0xA3C0;
	v9 =	vld.idx.msk [tilespmem:v13+s14+$0x0], $0xffff;
	[tilespmem:s0+$0xFFFFFFD0] =	vst v15  }
.LBB2_62:
0x5eb: {  	v11 =	vld [tilespmem:s25+$0x30];
	s1 =	sadd.s32 $0x8, s1;
	[tilespmem:s0+$0xFFFFFFE0] =	vst v10  }
0x5ec: {  	v10 =	vld [tilespmem:s25+$0xFFFFFFD0];
	p0 =	slt.u32 s1, $0x3F8;
	[tilespmem:s0+$0xFFFFFFF0] =	vst v8  }
0x5ed: {  	v8 =	vld [tilespmem:s25+$0xFFFFFFE0];
	[tilespmem:s0+$0x0] =	vst v5  }
0x5ee: {  	v5 =	vld [tilespmem:s25+$0xFFFFFFF0];
	[tilespmem:s0+$0x10] =	vst v6  }
0x5ef: {  	v6 =	vld [tilespmem:s25+$0x0];
	[tilespmem:s0+$0x20] =	vst v7  }
0x5f0: {  	v7 =	vld [tilespmem:s25+$0x10];
	[tilespmem:s0+$0xFFFFFFC0] =	vst v9  }
0x5f1: {  	v9 =	vld [tilespmem:s25+$0x20]  }
0x5f2: {  	v12 =	vld [tilespmem:s25+$0xFFFFFFC0]  }
0x5f3: {  	v11 =	vld.idx.msk [tilespmem:v11+s14+$0x0], $0xffff  }
0x5f4: {  	v13 =	vld.idx.msk [tilespmem:v10+s14+$0x0], $0xffff  }
0x5f5: {  	v10 =	vld.idx.msk [tilespmem:v8+s14+$0x0], $0xffff  }
.Ltmp30:
0x5f6: {  	v8 =	vld.idx.msk [tilespmem:v5+s14+$0x0], $0xffff;
	(pc) =	sbr.rel @p0 .LBB2_62-.Ltmp30, $4  }
0x5f7: {  	v5 =	vld.idx.msk [tilespmem:v6+s14+$0x0], $0xffff  }
0x5f8: {  	s0 =	sadd.s32 $0x80, s0;
	v6 =	vld.idx.msk [tilespmem:v7+s14+$0x0], $0xffff  }
0x5f9: {  	v7 =	vld.idx.msk [tilespmem:v9+s14+$0x0], $0xffff;
	[tilespmem:s0+$0x30] =	vst v11  }
0x5fa: {  	s25 =	sadd.s32 $0x80, s25;
	v9 =	vld.idx.msk [tilespmem:v12+s14+$0x0], $0xffff;
	[tilespmem:s0+$0xFFFFFFD0] =	vst v13  }
0x5fb: {  	[tilespmem:s0+$0xFFFFFFE0] =	vst v10  }
0x5fc: {  	[tilespmem:s0+$0xFFFFFFF0] =	vst v8  }
0x5fd: {  	[tilespmem:s0+$0x0] =	vst v5  }
0x5fe: {  	[tilespmem:s0+$0x10] =	vst v6  }
0x5ff: {  	[tilespmem:s0+$0x20] =	vst v7  }
0x600: {  	[tilespmem:s0+$0xFFFFFFC0] =	vst v9  }
0x601: {  	s1 =	sld [smem:$0x7F1];
	_ =	sdelay $0x1  }
0x602: {  	s31 =	simm.s32 $0x0  }
0x603: {  	[hbm4b:s1+s31] =	stream.linear.scatter [tilespmem:s17], [sflag:$0x3], $0x4000, $0x38;
	[tilespmem:$0x1F300] =	vst v63  }
0x604: {  	_ =	swait.ge [sflag:s23], $0x4000  }
0x605: {  	[sflag:s23] =	ssyncset.done $0x0  }
0x606: {  	s0 =	simm.s32 $0x0;
	[sflag:s23] =	ssyncadd.s32 $0xFFFFC000  }
0x607: {  	v6 =	vld [tilespmem:s0+$0xE370]  }
0x608: {  	v7 =	vld [tilespmem:s0+$0xE300]  }
0x609: {  	v8 =	vld [tilespmem:s0+$0xE310]  }
0x60a: {  	v9 =	vld [tilespmem:s0+$0xE320]  }
0x60b: {  	v12 =	vld [tilespmem:s0+$0xE330]  }
0x60c: {  	v13 =	vld [tilespmem:s0+$0xE340]  }
0x60d: {  	v14 =	vld [tilespmem:s0+$0xE350]  }
0x60e: {  	v5 =	vld [tilespmem:s0+$0xE360]  }
0x60f: {  	v15 =	vld.idx.msk [tilespmem:v6+s14+$0x0], $0xffff  }
0x610: {  	v11 =	vld.idx.msk [tilespmem:v7+s14+$0x0], $0xffff  }
0x611: {  	v10 =	vld.idx.msk [tilespmem:v8+s14+$0x0], $0xffff  }
0x612: {  	v9 =	vld.idx.msk [tilespmem:v9+s14+$0x0], $0xffff  }
0x613: {  	v8 =	vld.idx.msk [tilespmem:v12+s14+$0x0], $0xffff  }
0x614: {  	v6 =	vld.idx.msk [tilespmem:v13+s14+$0x0], $0xffff  }
0x615: {  	s25 =	simm.s32 $0x200;
	s1 =	simm.s32 $0x0;
	v7 =	vld.idx.msk [tilespmem:v14+s14+$0x0], $0xffff;
	[tilespmem:s0+$0x1A370] =	vst v15  }
.LBB2_64:
0x616: {  	s3 =	sshra.s32 s25, $0x2;
	s1 =	sadd.s32 $0x8, s1;
	[tilespmem:s0+$0x1A300] =	vst v11;
	v5 =	vld.idx.msk [tilespmem:v5+s14+$0x0], $0xffff  }
0x617: {  	v11 =	vld [tilespmem:s3+$0xE370];
	p0 =	slt.u32 s1, $0x3F8;
	[tilespmem:s0+$0x1A310] =	vst v10  }
0x618: {  	v10 =	vld [tilespmem:s3+$0xE300];
	[tilespmem:s0+$0x1A320] =	vst v9  }
0x619: {  	v9 =	vld [tilespmem:s3+$0xE310];
	[tilespmem:s0+$0x1A330] =	vst v8  }
0x61a: {  	v8 =	vld [tilespmem:s3+$0xE320];
	[tilespmem:s0+$0x1A340] =	vst v6  }
0x61b: {  	v6 =	vld [tilespmem:s3+$0xE330];
	[tilespmem:s0+$0x1A350] =	vst v7  }
0x61c: {  	v7 =	vld [tilespmem:s3+$0xE340];
	[tilespmem:s0+$0x1A360] =	vst v5;
	s0 =	smov.u32 s3  }
0x61d: {  	v12 =	vld [tilespmem:s0+$0xE350]  }
0x61e: {  	v5 =	vld [tilespmem:s0+$0xE360]  }
0x61f: {  	v13 =	vld.idx.msk [tilespmem:v11+s14+$0x0], $0xffff  }
0x620: {  	v11 =	vld.idx.msk [tilespmem:v10+s14+$0x0], $0xffff  }
.Ltmp31:
0x621: {  	v10 =	vld.idx.msk [tilespmem:v9+s14+$0x0], $0xffff;
	(pc) =	sbr.rel @p0 .LBB2_64-.Ltmp31, $4  }
0x622: {  	v9 =	vld.idx.msk [tilespmem:v8+s14+$0x0], $0xffff  }
0x623: {  	v8 =	vld.idx.msk [tilespmem:v6+s14+$0x0], $0xffff  }
0x624: {  	v6 =	vld.idx.msk [tilespmem:v7+s14+$0x0], $0xffff  }
0x625: {  	s25 =	sadd.s32 $0x200, s25;
	v7 =	vld.idx.msk [tilespmem:v12+s14+$0x0], $0xffff;
	[tilespmem:s0+$0x1A370] =	vst v13  }
0x626: {  	_ =	sdelay $0x2  }
0x627: {  	[tilespmem:s0+$0x1A300] =	vst v11  }
0x628: {  	v5 =	vld.idx.msk [tilespmem:v5+s14+$0x0], $0xffff;
	[tilespmem:s0+$0x1A310] =	vst v10  }
0x629: {  	[tilespmem:s0+$0x1A320] =	vst v9  }
0x62a: {  	[tilespmem:s0+$0x1A330] =	vst v8  }
0x62b: {  	[tilespmem:s0+$0x1A340] =	vst v6  }
0x62c: {  	[tilespmem:s0+$0x1A350] =	vst v7  }
0x62d: {  	[tilespmem:s0+$0x1A360] =	vst v5  }
0x62e: {  	s0 =	sld [smem:$0x7F2];
	_ =	sdelay $0x2  }
0x62f: {  	[hbm4b:s0+s21] =	stream.linear.scatter [tilespmem:s18], [sflag:$0x4], $0x4000, $0x38;
	[tilespmem:$0x1F300] =	vst v63  }
0x630: {  	_ =	swait.ge [sflag:s19], $0x2000  }
0x631: {  	[sflag:s19] =	ssyncset.done $0x0  }
0x632: {  	s30 =	rddreg [dreg:$0x17];
	[sflag:s19] =	ssyncadd.s32 $0xFFFFE000  }
0x633: {  	[tilespmem:s14], [sflag:$0x1] =	stream.strided.gather [hbm4b:s30+s12], $0x2000, s13, s12, $0x38;
	[tilespmem:$0x1F300] =	vst v63  }
0x634: {  	_ =	swait.ge [sflag:s20], $0x4000  }
0x635: {  	[sflag:s20] =	ssyncset.done $0x0  }
0x636: {  	s31 =	simm.s32 $0xA340;
	[sflag:s20] =	ssyncadd.s32 $0xFFFFC000  }
0x637: {  	v5 =	vld [tilespmem:s31+$0x30]  }
0x638: {  	v6 =	vld [tilespmem:s31+$0xFFFFFFD0]  }
0x639: {  	v7 =	vld [tilespmem:s31+$0xFFFFFFE0]  }
0x63a: {  	v8 =	vld [tilespmem:s31+$0xFFFFFFF0]  }
0x63b: {  	v9 =	vld [tilespmem:s31+$0x0]  }
0x63c: {  	v11 =	vld [tilespmem:s31+$0x10]  }
0x63d: {  	v12 =	vld [tilespmem:s31+$0x20]  }
0x63e: {  	v13 =	vld [tilespmem:s31+$0xFFFFFFC0]  }
0x63f: {  	v14 =	vld.idx.msk [tilespmem:v5+s16+$0x0], $0xffff  }
0x640: {  	v15 =	vld.idx.msk [tilespmem:v6+s16+$0x0], $0xffff  }
0x641: {  	v10 =	vld.idx.msk [tilespmem:v7+s16+$0x0], $0xffff  }
0x642: {  	v8 =	vld.idx.msk [tilespmem:v8+s16+$0x0], $0xffff  }
0x643: {  	v5 =	vld.idx.msk [tilespmem:v9+s16+$0x0], $0xffff  }
0x644: {  	s0 =	simm.s32 $0x16340;
	v6 =	vld.idx.msk [tilespmem:v11+s16+$0x0], $0xffff  }
0x645: {  	v7 =	vld.idx.msk [tilespmem:v12+s16+$0x0], $0xffff;
	[tilespmem:s0+$0x30] =	vst v14  }
0x646: {  	s1 =	simm.s32 $0x0;
	s25 =	simm.s32 $0xA3C0;
	v9 =	vld.idx.msk [tilespmem:v13+s16+$0x0], $0xffff;
	[tilespmem:s0+$0xFFFFFFD0] =	vst v15  }
.LBB2_66:
0x647: {  	v11 =	vld [tilespmem:s25+$0x30];
	s1 =	sadd.s32 $0x8, s1;
	[tilespmem:s0+$0xFFFFFFE0] =	vst v10  }
0x648: {  	v10 =	vld [tilespmem:s25+$0xFFFFFFD0];
	p0 =	slt.u32 s1, $0x3F8;
	[tilespmem:s0+$0xFFFFFFF0] =	vst v8  }
0x649: {  	v8 =	vld [tilespmem:s25+$0xFFFFFFE0];
	[tilespmem:s0+$0x0] =	vst v5  }
0x64a: {  	v5 =	vld [tilespmem:s25+$0xFFFFFFF0];
	[tilespmem:s0+$0x10] =	vst v6  }
0x64b: {  	v6 =	vld [tilespmem:s25+$0x0];
	[tilespmem:s0+$0x20] =	vst v7  }
0x64c: {  	v7 =	vld [tilespmem:s25+$0x10];
	[tilespmem:s0+$0xFFFFFFC0] =	vst v9  }
0x64d: {  	v9 =	vld [tilespmem:s25+$0x20]  }
0x64e: {  	v12 =	vld [tilespmem:s25+$0xFFFFFFC0]  }
0x64f: {  	v11 =	vld.idx.msk [tilespmem:v11+s16+$0x0], $0xffff  }
0x650: {  	v13 =	vld.idx.msk [tilespmem:v10+s16+$0x0], $0xffff  }
0x651: {  	v10 =	vld.idx.msk [tilespmem:v8+s16+$0x0], $0xffff  }
.Ltmp32:
0x652: {  	v8 =	vld.idx.msk [tilespmem:v5+s16+$0x0], $0xffff;
	(pc) =	sbr.rel @p0 .LBB2_66-.Ltmp32, $4  }
0x653: {  	v5 =	vld.idx.msk [tilespmem:v6+s16+$0x0], $0xffff  }
0x654: {  	s0 =	sadd.s32 $0x80, s0;
	v6 =	vld.idx.msk [tilespmem:v7+s16+$0x0], $0xffff  }
0x655: {  	v7 =	vld.idx.msk [tilespmem:v9+s16+$0x0], $0xffff;
	[tilespmem:s0+$0x30] =	vst v11  }
0x656: {  	s25 =	sadd.s32 $0x80, s25;
	v9 =	vld.idx.msk [tilespmem:v12+s16+$0x0], $0xffff;
	[tilespmem:s0+$0xFFFFFFD0] =	vst v13  }
0x657: {  	[tilespmem:s0+$0xFFFFFFE0] =	vst v10  }
0x658: {  	[tilespmem:s0+$0xFFFFFFF0] =	vst v8  }
0x659: {  	[tilespmem:s0+$0x0] =	vst v5  }
0x65a: {  	[tilespmem:s0+$0x10] =	vst v6  }
0x65b: {  	[tilespmem:s0+$0x20] =	vst v7  }
0x65c: {  	[tilespmem:s0+$0xFFFFFFC0] =	vst v9  }
0x65d: {  	s1 =	sld [smem:$0x7F3];
	_ =	sdelay $0x1  }
0x65e: {  	s31 =	simm.s32 $0x0  }
0x65f: {  	[hbm4b:s1+s31] =	stream.linear.scatter [tilespmem:s17], [sflag:$0x3], $0x4000, $0x38;
	[tilespmem:$0x1F300] =	vst v63  }
0x660: {  	_ =	swait.ge [sflag:s23], $0x4000  }
0x661: {  	[sflag:s23] =	ssyncset.done $0x0  }
0x662: {  	s0 =	simm.s32 $0x0;
	[sflag:s23] =	ssyncadd.s32 $0xFFFFC000  }
0x663: {  	v6 =	vld [tilespmem:s0+$0xE370]  }
0x664: {  	v7 =	vld [tilespmem:s0+$0xE300]  }
0x665: {  	v8 =	vld [tilespmem:s0+$0xE310]  }
0x666: {  	v9 =	vld [tilespmem:s0+$0xE320]  }
0x667: {  	v12 =	vld [tilespmem:s0+$0xE330]  }
0x668: {  	v13 =	vld [tilespmem:s0+$0xE340]  }
0x669: {  	v14 =	vld [tilespmem:s0+$0xE350]  }
0x66a: {  	v5 =	vld [tilespmem:s0+$0xE360]  }
0x66b: {  	v15 =	vld.idx.msk [tilespmem:v6+s16+$0x0], $0xffff  }
0x66c: {  	v11 =	vld.idx.msk [tilespmem:v7+s16+$0x0], $0xffff  }
0x66d: {  	v10 =	vld.idx.msk [tilespmem:v8+s16+$0x0], $0xffff  }
0x66e: {  	v9 =	vld.idx.msk [tilespmem:v9+s16+$0x0], $0xffff  }
0x66f: {  	v8 =	vld.idx.msk [tilespmem:v12+s16+$0x0], $0xffff  }
0x670: {  	v6 =	vld.idx.msk [tilespmem:v13+s16+$0x0], $0xffff  }
0x671: {  	s25 =	simm.s32 $0x200;
	s1 =	simm.s32 $0x0;
	v7 =	vld.idx.msk [tilespmem:v14+s16+$0x0], $0xffff;
	[tilespmem:s0+$0x1A370] =	vst v15  }
.LBB2_68:
0x672: {  	s3 =	sshra.s32 s25, $0x2;
	s1 =	sadd.s32 $0x8, s1;
	[tilespmem:s0+$0x1A300] =	vst v11;
	v5 =	vld.idx.msk [tilespmem:v5+s16+$0x0], $0xffff  }
0x673: {  	v11 =	vld [tilespmem:s3+$0xE370];
	p0 =	slt.u32 s1, $0x3F8;
	[tilespmem:s0+$0x1A310] =	vst v10  }
0x674: {  	v10 =	vld [tilespmem:s3+$0xE300];
	[tilespmem:s0+$0x1A320] =	vst v9  }
0x675: {  	v9 =	vld [tilespmem:s3+$0xE310];
	[tilespmem:s0+$0x1A330] =	vst v8  }
0x676: {  	v8 =	vld [tilespmem:s3+$0xE320];
	[tilespmem:s0+$0x1A340] =	vst v6  }
0x677: {  	v6 =	vld [tilespmem:s3+$0xE330];
	[tilespmem:s0+$0x1A350] =	vst v7  }
0x678: {  	v7 =	vld [tilespmem:s3+$0xE340];
	[tilespmem:s0+$0x1A360] =	vst v5;
	s0 =	smov.u32 s3  }
0x679: {  	v12 =	vld [tilespmem:s0+$0xE350]  }
0x67a: {  	v5 =	vld [tilespmem:s0+$0xE360]  }
0x67b: {  	v13 =	vld.idx.msk [tilespmem:v11+s16+$0x0], $0xffff  }
0x67c: {  	v11 =	vld.idx.msk [tilespmem:v10+s16+$0x0], $0xffff  }
.Ltmp33:
0x67d: {  	v10 =	vld.idx.msk [tilespmem:v9+s16+$0x0], $0xffff;
	(pc) =	sbr.rel @p0 .LBB2_68-.Ltmp33, $4  }
0x67e: {  	v9 =	vld.idx.msk [tilespmem:v8+s16+$0x0], $0xffff  }
0x67f: {  	v8 =	vld.idx.msk [tilespmem:v6+s16+$0x0], $0xffff  }
0x680: {  	v6 =	vld.idx.msk [tilespmem:v7+s16+$0x0], $0xffff  }
0x681: {  	s25 =	sadd.s32 $0x200, s25;
	v7 =	vld.idx.msk [tilespmem:v12+s16+$0x0], $0xffff;
	[tilespmem:s0+$0x1A370] =	vst v13  }
0x682: {  	_ =	sdelay $0x2  }
0x683: {  	[tilespmem:s0+$0x1A300] =	vst v11  }
0x684: {  	v5 =	vld.idx.msk [tilespmem:v5+s16+$0x0], $0xffff;
	[tilespmem:s0+$0x1A310] =	vst v10  }
0x685: {  	[tilespmem:s0+$0x1A320] =	vst v9  }
0x686: {  	[tilespmem:s0+$0x1A330] =	vst v8  }
0x687: {  	[tilespmem:s0+$0x1A340] =	vst v6  }
0x688: {  	[tilespmem:s0+$0x1A350] =	vst v7  }
0x689: {  	[tilespmem:s0+$0x1A360] =	vst v5  }
0x68a: {  	s0 =	sld [smem:$0x7F4];
	_ =	sdelay $0x2  }
0x68b: {  	[hbm4b:s0+s21] =	stream.linear.scatter [tilespmem:s18], [sflag:$0x4], $0x4000, $0x38;
	[tilespmem:$0x1F300] =	vst v63  }
0x68c: {  	_ =	swait.ge [sflag:s15], $0x2000  }
0x68d: {  	[sflag:s15] =	ssyncset.done $0x0  }
0x68e: {  	s30 =	rddreg [dreg:$0x18];
	[sflag:s15] =	ssyncadd.s32 $0xFFFFE000  }
0x68f: {  	[tilespmem:s16], [sflag:$0x2] =	stream.strided.gather [hbm4b:s30+s12], $0x2000, s13, s12, $0x38;
	[tilespmem:$0x1F300] =	vst v63  }
0x690: {  	_ =	swait.ge [sflag:s20], $0x4000  }
0x691: {  	[sflag:s20] =	ssyncset.done $0x0  }
0x692: {  	s31 =	simm.s32 $0xA340;
	[sflag:s20] =	ssyncadd.s32 $0xFFFFC000  }
0x693: {  	v5 =	vld [tilespmem:s31+$0x30]  }
0x694: {  	v6 =	vld [tilespmem:s31+$0xFFFFFFD0]  }
0x695: {  	v7 =	vld [tilespmem:s31+$0xFFFFFFE0]  }
0x696: {  	v8 =	vld [tilespmem:s31+$0xFFFFFFF0]  }
0x697: {  	v9 =	vld [tilespmem:s31+$0x0]  }
0x698: {  	v11 =	vld [tilespmem:s31+$0x10]  }
0x699: {  	v12 =	vld [tilespmem:s31+$0x20]  }
0x69a: {  	v13 =	vld [tilespmem:s31+$0xFFFFFFC0]  }
0x69b: {  	v14 =	vld.idx.msk [tilespmem:v5+s14+$0x0], $0xffff  }
0x69c: {  	v15 =	vld.idx.msk [tilespmem:v6+s14+$0x0], $0xffff  }
0x69d: {  	v10 =	vld.idx.msk [tilespmem:v7+s14+$0x0], $0xffff  }
0x69e: {  	v8 =	vld.idx.msk [tilespmem:v8+s14+$0x0], $0xffff  }
0x69f: {  	v5 =	vld.idx.msk [tilespmem:v9+s14+$0x0], $0xffff  }
0x6a0: {  	s0 =	simm.s32 $0x16340;
	v6 =	vld.idx.msk [tilespmem:v11+s14+$0x0], $0xffff  }
0x6a1: {  	v7 =	vld.idx.msk [tilespmem:v12+s14+$0x0], $0xffff;
	[tilespmem:s0+$0x30] =	vst v14  }
0x6a2: {  	s1 =	simm.s32 $0x0;
	s25 =	simm.s32 $0xA3C0;
	v9 =	vld.idx.msk [tilespmem:v13+s14+$0x0], $0xffff;
	[tilespmem:s0+$0xFFFFFFD0] =	vst v15  }
.LBB2_70:
0x6a3: {  	v11 =	vld [tilespmem:s25+$0x30];
	s1 =	sadd.s32 $0x8, s1;
	[tilespmem:s0+$0xFFFFFFE0] =	vst v10  }
0x6a4: {  	v10 =	vld [tilespmem:s25+$0xFFFFFFD0];
	p0 =	slt.u32 s1, $0x3F8;
	[tilespmem:s0+$0xFFFFFFF0] =	vst v8  }
0x6a5: {  	v8 =	vld [tilespmem:s25+$0xFFFFFFE0];
	[tilespmem:s0+$0x0] =	vst v5  }
0x6a6: {  	v5 =	vld [tilespmem:s25+$0xFFFFFFF0];
	[tilespmem:s0+$0x10] =	vst v6  }
0x6a7: {  	v6 =	vld [tilespmem:s25+$0x0];
	[tilespmem:s0+$0x20] =	vst v7  }
0x6a8: {  	v7 =	vld [tilespmem:s25+$0x10];
	[tilespmem:s0+$0xFFFFFFC0] =	vst v9  }
0x6a9: {  	v9 =	vld [tilespmem:s25+$0x20]  }
0x6aa: {  	v12 =	vld [tilespmem:s25+$0xFFFFFFC0]  }
0x6ab: {  	v11 =	vld.idx.msk [tilespmem:v11+s14+$0x0], $0xffff  }
0x6ac: {  	v13 =	vld.idx.msk [tilespmem:v10+s14+$0x0], $0xffff  }
0x6ad: {  	v10 =	vld.idx.msk [tilespmem:v8+s14+$0x0], $0xffff  }
.Ltmp34:
0x6ae: {  	v8 =	vld.idx.msk [tilespmem:v5+s14+$0x0], $0xffff;
	(pc) =	sbr.rel @p0 .LBB2_70-.Ltmp34, $4  }
0x6af: {  	v5 =	vld.idx.msk [tilespmem:v6+s14+$0x0], $0xffff  }
0x6b0: {  	s0 =	sadd.s32 $0x80, s0;
	v6 =	vld.idx.msk [tilespmem:v7+s14+$0x0], $0xffff  }
0x6b1: {  	v7 =	vld.idx.msk [tilespmem:v9+s14+$0x0], $0xffff;
	[tilespmem:s0+$0x30] =	vst v11  }
0x6b2: {  	s25 =	sadd.s32 $0x80, s25;
	v9 =	vld.idx.msk [tilespmem:v12+s14+$0x0], $0xffff;
	[tilespmem:s0+$0xFFFFFFD0] =	vst v13  }
0x6b3: {  	[tilespmem:s0+$0xFFFFFFE0] =	vst v10  }
0x6b4: {  	[tilespmem:s0+$0xFFFFFFF0] =	vst v8  }
0x6b5: {  	[tilespmem:s0+$0x0] =	vst v5  }
0x6b6: {  	[tilespmem:s0+$0x10] =	vst v6  }
0x6b7: {  	[tilespmem:s0+$0x20] =	vst v7  }
0x6b8: {  	[tilespmem:s0+$0xFFFFFFC0] =	vst v9  }
0x6b9: {  	s1 =	sld [smem:$0x7F5];
	_ =	sdelay $0x1  }
0x6ba: {  	s31 =	simm.s32 $0x0  }
0x6bb: {  	[hbm4b:s1+s31] =	stream.linear.scatter [tilespmem:s17], [sflag:$0x3], $0x4000, $0x38;
	[tilespmem:$0x1F300] =	vst v63  }
0x6bc: {  	_ =	swait.ge [sflag:s23], $0x4000  }
0x6bd: {  	[sflag:s23] =	ssyncset.done $0x0  }
0x6be: {  	s0 =	simm.s32 $0x0;
	[sflag:s23] =	ssyncadd.s32 $0xFFFFC000  }
0x6bf: {  	v6 =	vld [tilespmem:s0+$0xE370]  }
0x6c0: {  	v7 =	vld [tilespmem:s0+$0xE300]  }
0x6c1: {  	v8 =	vld [tilespmem:s0+$0xE310]  }
0x6c2: {  	v9 =	vld [tilespmem:s0+$0xE320]  }
0x6c3: {  	v12 =	vld [tilespmem:s0+$0xE330]  }
0x6c4: {  	v13 =	vld [tilespmem:s0+$0xE340]  }
0x6c5: {  	v14 =	vld [tilespmem:s0+$0xE350]  }
0x6c6: {  	v5 =	vld [tilespmem:s0+$0xE360]  }
0x6c7: {  	v15 =	vld.idx.msk [tilespmem:v6+s14+$0x0], $0xffff  }
0x6c8: {  	v11 =	vld.idx.msk [tilespmem:v7+s14+$0x0], $0xffff  }
0x6c9: {  	v10 =	vld.idx.msk [tilespmem:v8+s14+$0x0], $0xffff  }
0x6ca: {  	v9 =	vld.idx.msk [tilespmem:v9+s14+$0x0], $0xffff  }
0x6cb: {  	v8 =	vld.idx.msk [tilespmem:v12+s14+$0x0], $0xffff  }
0x6cc: {  	v6 =	vld.idx.msk [tilespmem:v13+s14+$0x0], $0xffff  }
0x6cd: {  	s25 =	simm.s32 $0x200;
	s1 =	simm.s32 $0x0;
	v7 =	vld.idx.msk [tilespmem:v14+s14+$0x0], $0xffff;
	[tilespmem:s0+$0x1A370] =	vst v15  }
.LBB2_72:
0x6ce: {  	s3 =	sshra.s32 s25, $0x2;
	s1 =	sadd.s32 $0x8, s1;
	[tilespmem:s0+$0x1A300] =	vst v11;
	v5 =	vld.idx.msk [tilespmem:v5+s14+$0x0], $0xffff  }
0x6cf: {  	v11 =	vld [tilespmem:s3+$0xE370];
	p0 =	slt.u32 s1, $0x3F8;
	[tilespmem:s0+$0x1A310] =	vst v10  }
0x6d0: {  	v10 =	vld [tilespmem:s3+$0xE300];
	[tilespmem:s0+$0x1A320] =	vst v9  }
0x6d1: {  	v9 =	vld [tilespmem:s3+$0xE310];
	[tilespmem:s0+$0x1A330] =	vst v8  }
0x6d2: {  	v8 =	vld [tilespmem:s3+$0xE320];
	[tilespmem:s0+$0x1A340] =	vst v6  }
0x6d3: {  	v6 =	vld [tilespmem:s3+$0xE330];
	[tilespmem:s0+$0x1A350] =	vst v7  }
0x6d4: {  	v7 =	vld [tilespmem:s3+$0xE340];
	[tilespmem:s0+$0x1A360] =	vst v5;
	s0 =	smov.u32 s3  }
0x6d5: {  	v12 =	vld [tilespmem:s0+$0xE350]  }
0x6d6: {  	v5 =	vld [tilespmem:s0+$0xE360]  }
0x6d7: {  	v13 =	vld.idx.msk [tilespmem:v11+s14+$0x0], $0xffff  }
0x6d8: {  	v11 =	vld.idx.msk [tilespmem:v10+s14+$0x0], $0xffff  }
.Ltmp35:
0x6d9: {  	v10 =	vld.idx.msk [tilespmem:v9+s14+$0x0], $0xffff;
	(pc) =	sbr.rel @p0 .LBB2_72-.Ltmp35, $4  }
0x6da: {  	v9 =	vld.idx.msk [tilespmem:v8+s14+$0x0], $0xffff  }
0x6db: {  	v8 =	vld.idx.msk [tilespmem:v6+s14+$0x0], $0xffff  }
0x6dc: {  	v6 =	vld.idx.msk [tilespmem:v7+s14+$0x0], $0xffff  }
0x6dd: {  	s25 =	sadd.s32 $0x200, s25;
	v7 =	vld.idx.msk [tilespmem:v12+s14+$0x0], $0xffff;
	[tilespmem:s0+$0x1A370] =	vst v13  }
0x6de: {  	_ =	sdelay $0x2  }
0x6df: {  	[tilespmem:s0+$0x1A300] =	vst v11  }
0x6e0: {  	v5 =	vld.idx.msk [tilespmem:v5+s14+$0x0], $0xffff;
	[tilespmem:s0+$0x1A310] =	vst v10  }
0x6e1: {  	[tilespmem:s0+$0x1A320] =	vst v9  }
0x6e2: {  	[tilespmem:s0+$0x1A330] =	vst v8  }
0x6e3: {  	[tilespmem:s0+$0x1A340] =	vst v6  }
0x6e4: {  	[tilespmem:s0+$0x1A350] =	vst v7  }
0x6e5: {  	[tilespmem:s0+$0x1A360] =	vst v5  }
0x6e6: {  	s0 =	sld [smem:$0x7F6];
	_ =	sdelay $0x2  }
0x6e7: {  	[hbm4b:s0+s21] =	stream.linear.scatter [tilespmem:s18], [sflag:$0x4], $0x4000, $0x38;
	[tilespmem:$0x1F300] =	vst v63  }
0x6e8: {  	_ =	swait.ge [sflag:s19], $0x2000  }
0x6e9: {  	[sflag:s19] =	ssyncset.done $0x0  }
0x6ea: {  	[sflag:s19] =	ssyncadd.s32 $0xFFFFE000  }
0x6eb: {  	_ =	swait.ge [sflag:s20], $0x4000  }
0x6ec: {  	[sflag:s20] =	ssyncset.done $0x0  }
0x6ed: {  	s31 =	simm.s32 $0xA340;
	[sflag:s20] =	ssyncadd.s32 $0xFFFFC000  }
0x6ee: {  	v5 =	vld [tilespmem:s31+$0x30]  }
0x6ef: {  	v6 =	vld [tilespmem:s31+$0xFFFFFFD0]  }
0x6f0: {  	v7 =	vld [tilespmem:s31+$0xFFFFFFE0]  }
0x6f1: {  	v8 =	vld [tilespmem:s31+$0xFFFFFFF0]  }
0x6f2: {  	v9 =	vld [tilespmem:s31+$0x0]  }
0x6f3: {  	v11 =	vld [tilespmem:s31+$0x10]  }
0x6f4: {  	v12 =	vld [tilespmem:s31+$0x20]  }
0x6f5: {  	v13 =	vld [tilespmem:s31+$0xFFFFFFC0]  }
0x6f6: {  	v14 =	vld.idx.msk [tilespmem:v5+s16+$0x0], $0xffff  }
0x6f7: {  	v15 =	vld.idx.msk [tilespmem:v6+s16+$0x0], $0xffff  }
0x6f8: {  	v10 =	vld.idx.msk [tilespmem:v7+s16+$0x0], $0xffff  }
0x6f9: {  	v8 =	vld.idx.msk [tilespmem:v8+s16+$0x0], $0xffff  }
0x6fa: {  	v5 =	vld.idx.msk [tilespmem:v9+s16+$0x0], $0xffff  }
0x6fb: {  	s0 =	simm.s32 $0x16340;
	v6 =	vld.idx.msk [tilespmem:v11+s16+$0x0], $0xffff  }
0x6fc: {  	v7 =	vld.idx.msk [tilespmem:v12+s16+$0x0], $0xffff;
	[tilespmem:s0+$0x30] =	vst v14  }
0x6fd: {  	s1 =	simm.s32 $0x0;
	s25 =	simm.s32 $0xA3C0;
	v9 =	vld.idx.msk [tilespmem:v13+s16+$0x0], $0xffff;
	[tilespmem:s0+$0xFFFFFFD0] =	vst v15  }
.LBB2_74:
0x6fe: {  	v11 =	vld [tilespmem:s25+$0x30];
	s1 =	sadd.s32 $0x8, s1;
	[tilespmem:s0+$0xFFFFFFE0] =	vst v10  }
0x6ff: {  	v10 =	vld [tilespmem:s25+$0xFFFFFFD0];
	p0 =	slt.u32 s1, $0x3F8;
	[tilespmem:s0+$0xFFFFFFF0] =	vst v8  }
0x700: {  	v8 =	vld [tilespmem:s25+$0xFFFFFFE0];
	[tilespmem:s0+$0x0] =	vst v5  }
0x701: {  	v5 =	vld [tilespmem:s25+$0xFFFFFFF0];
	[tilespmem:s0+$0x10] =	vst v6  }
0x702: {  	v6 =	vld [tilespmem:s25+$0x0];
	[tilespmem:s0+$0x20] =	vst v7  }
0x703: {  	v7 =	vld [tilespmem:s25+$0x10];
	[tilespmem:s0+$0xFFFFFFC0] =	vst v9  }
0x704: {  	v9 =	vld [tilespmem:s25+$0x20]  }
0x705: {  	v12 =	vld [tilespmem:s25+$0xFFFFFFC0]  }
0x706: {  	v11 =	vld.idx.msk [tilespmem:v11+s16+$0x0], $0xffff  }
0x707: {  	v13 =	vld.idx.msk [tilespmem:v10+s16+$0x0], $0xffff  }
0x708: {  	v10 =	vld.idx.msk [tilespmem:v8+s16+$0x0], $0xffff  }
.Ltmp36:
0x709: {  	v8 =	vld.idx.msk [tilespmem:v5+s16+$0x0], $0xffff;
	(pc) =	sbr.rel @p0 .LBB2_74-.Ltmp36, $4  }
0x70a: {  	v5 =	vld.idx.msk [tilespmem:v6+s16+$0x0], $0xffff  }
0x70b: {  	s0 =	sadd.s32 $0x80, s0;
	v6 =	vld.idx.msk [tilespmem:v7+s16+$0x0], $0xffff  }
0x70c: {  	v7 =	vld.idx.msk [tilespmem:v9+s16+$0x0], $0xffff;
	[tilespmem:s0+$0x30] =	vst v11  }
0x70d: {  	s25 =	sadd.s32 $0x80, s25;
	v9 =	vld.idx.msk [tilespmem:v12+s16+$0x0], $0xffff;
	[tilespmem:s0+$0xFFFFFFD0] =	vst v13  }
0x70e: {  	[tilespmem:s0+$0xFFFFFFE0] =	vst v10  }
0x70f: {  	[tilespmem:s0+$0xFFFFFFF0] =	vst v8  }
0x710: {  	[tilespmem:s0+$0x0] =	vst v5  }
0x711: {  	[tilespmem:s0+$0x10] =	vst v6  }
0x712: {  	[tilespmem:s0+$0x20] =	vst v7  }
0x713: {  	[tilespmem:s0+$0xFFFFFFC0] =	vst v9  }
0x714: {  	s1 =	sld [smem:$0x7F7];
	_ =	sdelay $0x1  }
0x715: {  	s31 =	simm.s32 $0x0  }
0x716: {  	[hbm4b:s1+s31] =	stream.linear.scatter [tilespmem:s17], [sflag:$0x3], $0x4000, $0x38;
	[tilespmem:$0x1F300] =	vst v63  }
0x717: {  	_ =	swait.ge [sflag:s23], $0x4000  }
0x718: {  	[sflag:s23] =	ssyncset.done $0x0  }
0x719: {  	s0 =	simm.s32 $0x0;
	[sflag:s23] =	ssyncadd.s32 $0xFFFFC000  }
0x71a: {  	v6 =	vld [tilespmem:s0+$0xE370]  }
0x71b: {  	v7 =	vld [tilespmem:s0+$0xE300]  }
0x71c: {  	v8 =	vld [tilespmem:s0+$0xE310]  }
0x71d: {  	v9 =	vld [tilespmem:s0+$0xE320]  }
0x71e: {  	v12 =	vld [tilespmem:s0+$0xE330]  }
0x71f: {  	v13 =	vld [tilespmem:s0+$0xE340]  }
0x720: {  	v14 =	vld [tilespmem:s0+$0xE350]  }
0x721: {  	v5 =	vld [tilespmem:s0+$0xE360]  }
0x722: {  	v15 =	vld.idx.msk [tilespmem:v6+s16+$0x0], $0xffff  }
0x723: {  	v11 =	vld.idx.msk [tilespmem:v7+s16+$0x0], $0xffff  }
0x724: {  	v10 =	vld.idx.msk [tilespmem:v8+s16+$0x0], $0xffff  }
0x725: {  	v9 =	vld.idx.msk [tilespmem:v9+s16+$0x0], $0xffff  }
0x726: {  	v8 =	vld.idx.msk [tilespmem:v12+s16+$0x0], $0xffff  }
0x727: {  	v6 =	vld.idx.msk [tilespmem:v13+s16+$0x0], $0xffff  }
0x728: {  	s25 =	simm.s32 $0x200;
	s1 =	simm.s32 $0x0;
	v7 =	vld.idx.msk [tilespmem:v14+s16+$0x0], $0xffff;
	[tilespmem:s0+$0x1A370] =	vst v15  }
.LBB2_76:
0x729: {  	s3 =	sshra.s32 s25, $0x2;
	s1 =	sadd.s32 $0x8, s1;
	[tilespmem:s0+$0x1A300] =	vst v11;
	v5 =	vld.idx.msk [tilespmem:v5+s16+$0x0], $0xffff  }
0x72a: {  	v11 =	vld [tilespmem:s3+$0xE370];
	p0 =	slt.u32 s1, $0x3F8;
	[tilespmem:s0+$0x1A310] =	vst v10  }
0x72b: {  	v10 =	vld [tilespmem:s3+$0xE300];
	[tilespmem:s0+$0x1A320] =	vst v9  }
0x72c: {  	v9 =	vld [tilespmem:s3+$0xE310];
	[tilespmem:s0+$0x1A330] =	vst v8  }
0x72d: {  	v8 =	vld [tilespmem:s3+$0xE320];
	[tilespmem:s0+$0x1A340] =	vst v6  }
0x72e: {  	v6 =	vld [tilespmem:s3+$0xE330];
	[tilespmem:s0+$0x1A350] =	vst v7  }
0x72f: {  	v7 =	vld [tilespmem:s3+$0xE340];
	[tilespmem:s0+$0x1A360] =	vst v5;
	s0 =	smov.u32 s3  }
0x730: {  	v12 =	vld [tilespmem:s0+$0xE350]  }
0x731: {  	v5 =	vld [tilespmem:s0+$0xE360]  }
0x732: {  	v13 =	vld.idx.msk [tilespmem:v11+s16+$0x0], $0xffff  }
0x733: {  	v11 =	vld.idx.msk [tilespmem:v10+s16+$0x0], $0xffff  }
.Ltmp37:
0x734: {  	v10 =	vld.idx.msk [tilespmem:v9+s16+$0x0], $0xffff;
	(pc) =	sbr.rel @p0 .LBB2_76-.Ltmp37, $4  }
0x735: {  	v9 =	vld.idx.msk [tilespmem:v8+s16+$0x0], $0xffff  }
0x736: {  	v8 =	vld.idx.msk [tilespmem:v6+s16+$0x0], $0xffff  }
0x737: {  	v6 =	vld.idx.msk [tilespmem:v7+s16+$0x0], $0xffff  }
0x738: {  	s25 =	sadd.s32 $0x200, s25;
	v7 =	vld.idx.msk [tilespmem:v12+s16+$0x0], $0xffff;
	[tilespmem:s0+$0x1A370] =	vst v13  }
0x739: {  	_ =	sdelay $0x2  }
0x73a: {  	[tilespmem:s0+$0x1A300] =	vst v11  }
0x73b: {  	v5 =	vld.idx.msk [tilespmem:v5+s16+$0x0], $0xffff;
	[tilespmem:s0+$0x1A310] =	vst v10  }
0x73c: {  	[tilespmem:s0+$0x1A320] =	vst v9  }
0x73d: {  	[tilespmem:s0+$0x1A330] =	vst v8  }
0x73e: {  	[tilespmem:s0+$0x1A340] =	vst v6  }
0x73f: {  	[tilespmem:s0+$0x1A350] =	vst v7  }
0x740: {  	[tilespmem:s0+$0x1A360] =	vst v5  }
0x741: {  	s0 =	sld [smem:$0x7F8];
	_ =	sdelay $0x2  }
0x742: {  	[hbm4b:s0+s21] =	stream.linear.scatter [tilespmem:s18], [sflag:$0x4], $0x4000, $0x38;
	[tilespmem:$0x1F300] =	vst v63  }
0x743: {  	_ =	swait.ge [sflag:s20], $0x4000  }
0x744: {  	[sflag:s20] =	ssyncset.done $0x0  }
0x745: {  	[sflag:s20] =	ssyncadd.s32 $0xFFFFC000  }
0x746: {  	_ =	swait.ge [sflag:s23], $0x4000  }
0x747: {  	s31 =	sld [smem:$0x7FC];
	_ =	sdelay $0x1  }
0x748: {  	s24 =	sadd.s32 $0x1, s24  }
0x749: {  	p0 =	sne.s32 s24, s31  }
.Ltmp38:
0x74a: {  	_ = 	snop;
	(pc) =	sbr.rel @p0 .LBB2_1-.Ltmp38, $3  }
0x74b: {  	_ =	sdelay $0x1  }
0x74c: {  	[sflag:s23] =	ssyncset.done $0x0  }
0x74d: {  	[sflag:s23] =	ssyncadd.s32 $0xFFFFC000  }
0x74e: {  	_ =	sfence.sel $0x180000  }
0x74f: {  	[bflag:$0x0] =	sbarrier.arrive $0xFFFF  }
0x750: {  	_ =	strace $0x90000047  }
0x751: {  	s0 =	stileid.u32;
	[bflag:$0x2] =	sbarrier.arrive $0xFFFF  }
0x752: {  	p0 =	sne.s32 s0, $0x0;
	s0 =	rddreg [dreg:$0x5]  }
0x753: {  	s0 =	sadd.s32 @!p0 $0x100000, s0  }
0x754: {  	[sflag:s0] =	ssyncadd.tile.s32 @!p0 $0x1;
	_ =	shalt  }
.Lfunc_end2:
_tile_overlayer_lowered:
.L_overlay_start_2:
0x755: {  	(tag) =	ssettag $0x2  }
0x756: {  	s0 =	rddreg [dreg:$0x0];
	s2 =	stileid.u32  }
0x757: {  	s1 =	rddreg [dreg:$0x1];
	p0 =	sne.s32 s2, $0x0  }
0x758: {  	s3 =	rddreg [dreg:$0x2];
	[bflag:$0x3] =	sbarrier.arrive $0xFFFF;
	s2 =	simm.s32 @!p0 $0x1C05  }
0x759: {  	[timem:s3], [sflag:s2] =	dma.local @!p0 [hbm:s0], s1  }
0x75a: {  	s0 =	simm.s32 @!p0 $0x5  }
0x75b: {  	_ =	swait.ge @!p0 [sflag:s0], s1  }
0x75c: {  	s1 =	ssub.s32 @!p0 $0x0, s1;
	[sflag:s0] =	ssyncset.done @!p0 $0x0  }
0x75d: {  	[sflag:s0] =	ssyncadd.s32 @!p0 s1  }
0x75e: {  	[bflag:$0x3] =	sbarrier.arrive $0xFFFF  }
0x75f: {  	_ =	shalt  }

</sc_bundles>
